<compile_context>
chip_gen: v7x
topology: tpu7x:2x2x1
jax: 0.10.2.dev20260603
libtpu: 0.0.44.dev20260713+nightly
codegen_flags: <defaults>
</compile_context>

<pallas_src>
import functools

import jax
import jax.numpy as jnp
from jax import lax
from jax.experimental import pallas as pl
from jax.experimental.pallas import tpu as pltpu
from jax.experimental.pallas import tpu_sc as plsc

N_NODES = 10000
D = 128
SUPPORT = 2
N_EDGES = 320000

NSUB = 16
CHUNK = 128
CHUNKS_PER_TILE = 160
EB = 32
NBLK = CHUNKS_PER_TILE // EB
EDGES_PER_TILE = CHUNK * CHUNKS_PER_TILE
E_PAD = EDGES_PER_TILE * NSUB
ROWS_PER_REL = E_PAD // CHUNK
SLAB = 624
TAIL = N_NODES - SLAB * NSUB


def _sc_spmm(x, rows2, cols2, vals2):
    mesh = plsc.VectorSubcoreMesh(core_axis_name="c", subcore_axis_name="s")

    @functools.partial(
        pl.kernel,
        out_type=jax.ShapeDtypeStruct((SUPPORT, N_NODES, D), jnp.float32),
        mesh=mesh,
        scratch_types=[
            pltpu.VMEM((EB, CHUNK), jnp.int32),
            pltpu.VMEM((EB, CHUNK), jnp.int32),
            pltpu.VMEM((EB, CHUNK), jnp.float32),
            pltpu.VMEM((CHUNK, D), jnp.float32),
            pltpu.VMEM((CHUNK, D), jnp.float32),
            pltpu.VMEM_SHARED((N_NODES, D), jnp.float32),
            pltpu.SemaphoreType.DMA,
            pltpu.SemaphoreType.DMA,
            pltpu.SemaphoreType.DMA,
            pltpu.SemaphoreType.DMA,
            pltpu.SemaphoreType.DMA,
        ],
    )
    def sc_kernel(x_hbm, rows_hbm, cols_hbm, vals_hbm, out_hbm,
                  cols_v, rows_v, vals_v, m0, m1, acc_sh,
                  gs0, gs1, ss0, ss1, es):
        ci = lax.axis_index("c")
        sid = lax.axis_index("s")
        row0 = ci * ROWS_PER_REL + sid * CHUNKS_PER_TILE

        zero16 = jnp.zeros((16,), jnp.float32)

        def zrow(r, _):
            for q in range(D // 16):
                m0[r, pl.ds(q * 16, 16)] = zero16
            return 0

        lax.fori_loop(0, CHUNK, zrow, 0)

        slab0 = sid * SLAB
        for b in range(SLAB // CHUNK):
            pltpu.sync_copy(m0, acc_sh.at[pl.ds(slab0 + b * CHUNK, CHUNK)])
        rem = SLAB - (SLAB // CHUNK) * CHUNK
        pltpu.sync_copy(m0.at[pl.ds(0, rem)],
                        acc_sh.at[pl.ds(slab0 + (SLAB // CHUNK) * CHUNK, rem)])

        @pl.when(sid == NSUB - 1)
        def _():
            pltpu.sync_copy(m0.at[pl.ds(0, TAIL)],
                            acc_sh.at[pl.ds(NSUB * SLAB, TAIL)])

        plsc.subcore_barrier()

        def scale(buf, g):
            def row_body(b, _):
                vv = vals_v[g, pl.ds(b * 16, 16)]
                for r2 in range(16):
                    bv = vv.at[jnp.full((16,), r2, jnp.int32)].get(
                        mode="promise_in_bounds")
                    r = b * 16 + r2
                    for q in range(D // 16):
                        sl = pl.ds(q * 16, 16)
                        buf[r, sl] = buf[r, sl] * bv
                return 0

            lax.fori_loop(0, CHUNK // 16, row_body, 0)

        def gather(g, buf, sem):
            return pltpu.async_copy(x_hbm.at[cols_v.at[g]], buf, sem)

        def scatter(buf, g, sem):
            return pltpu.async_copy(buf, acc_sh.at[rows_v.at[g]], sem,
                                    add=True)

        def wait_gather(buf, sem):
            pltpu.make_async_copy(x_hbm.at[cols_v.at[0]], buf, sem).wait()

        def wait_scatter(buf, sem):
            pltpu.make_async_copy(buf, acc_sh.at[rows_v.at[0]], sem).wait()

        def blk_body(blk, _):
            base_row = row0 + blk * EB
            pltpu.sync_copy(cols_hbm.at[pl.ds(base_row, EB)], cols_v)
            pltpu.sync_copy(rows_hbm.at[pl.ds(base_row, EB)], rows_v)
            pltpu.sync_copy(vals_hbm.at[pl.ds(base_row, EB)], vals_v)

            gather(0, m0, gs0)

            def body(i, _):
                g0 = 2 * i
                g1 = 2 * i + 1

                @pl.when(i > 0)
                def _():
                    wait_scatter(m1, ss1)

                gather(g1, m1, gs1)
                wait_gather(m0, gs0)
                scale(m0, g0)
                scatter(m0, g0, ss0)
                wait_gather(m1, gs1)
                scale(m1, g1)
                wait_scatter(m0, ss0)

                @pl.when(i < EB // 2 - 1)
                def _():
                    gather(g0 + 2, m0, gs0)

                scatter(m1, g1, ss1)
                return 0

            lax.fori_loop(0, EB // 2, body, 0)
            wait_scatter(m1, ss1)
            return 0

        lax.fori_loop(0, NBLK, blk_body, 0)

        plsc.subcore_barrier()

        pltpu.sync_copy(acc_sh.at[pl.ds(slab0, SLAB)],
                        out_hbm.at[ci, pl.ds(slab0, SLAB)])

        @pl.when(sid == NSUB - 1)
        def _():
            pltpu.sync_copy(acc_sh.at[pl.ds(NSUB * SLAB, TAIL)],
                            out_hbm.at[ci, pl.ds(NSUB * SLAB, TAIL)])

    return sc_kernel(x, rows2, cols2, vals2)


def _mm_body(s_ref, w_ref, o_ref):
    a = jnp.dot(s_ref[0], w_ref[0:D, :], preferred_element_type=jnp.float32)
    b = jnp.dot(s_ref[1], w_ref[D:2 * D, :], preferred_element_type=jnp.float32)
    o_ref[...] = jnp.maximum(a + b, 0.0)


def _mm_relu(supports, W):
    BM = 2000
    grid = (N_NODES // BM,)
    return pl.pallas_call(
        _mm_body,
        grid=grid,
        in_specs=[
            pl.BlockSpec((SUPPORT, BM, D), lambda i: (0, i, 0)),
            pl.BlockSpec((SUPPORT * D, D), lambda i: (0, 0)),
        ],
        out_specs=pl.BlockSpec((BM, D), lambda i: (i, 0)),
        out_shape=jax.ShapeDtypeStruct((N_NODES, D), jnp.float32),
    )(supports, W)


def kernel(x, edge_index, edge_val, W):
    ei = edge_index.astype(jnp.int32)
    npad = E_PAD - N_EDGES
    pad_i = jnp.broadcast_to(
        jnp.arange(npad, dtype=jnp.int32) % N_NODES, (SUPPORT, npad))
    pad_f = jnp.zeros((SUPPORT, npad), jnp.float32)
    rows2 = jnp.concatenate([ei[:, 0, :], pad_i], axis=1).reshape(-1, CHUNK)
    cols2 = jnp.concatenate([ei[:, 1, :], pad_i], axis=1).reshape(-1, CHUNK)
    vals2 = jnp.concatenate([edge_val, pad_f], axis=1).reshape(-1, CHUNK)
    supports = _sc_spmm(x, rows2, cols2, vals2)
    return _mm_relu(supports, W)

# --- scband reference (transcript-rebuilt; emitter-appended) ---
"""Pipeline reference for scband-rgclayer-85650237817477 (READ-ONLY COPY).

The authoritative reference and input builder live on the scoring server;
editing this copy changes nothing except your own understanding.
"""

import jax, jax.numpy as jnp
import numpy as np

N_NODES = 10000
D_FEAT = 128
H_DIM = 128
SUPPORT = 2
N_EDGES = 320000


def setup_inputs(seed: int = 0) -> dict:
    key = jax.random.key(seed)
    k1, k2, k3, k4 = jax.random.split(key, 4)
    x = jax.random.normal(k1, (N_NODES, D_FEAT), dtype=jnp.float32)
    edge_index = jax.random.randint(k2, (SUPPORT, 2, N_EDGES), 0, N_NODES, dtype=jnp.int64)
    edge_val = jax.random.uniform(k3, (SUPPORT, N_EDGES), dtype=jnp.float32)
    # W parameter: xavier_uniform over [input_dim * support, h_dim]
    fan_in = D_FEAT * SUPPORT
    limit = float(np.sqrt(6.0 / (fan_in + H_DIM)))
    W = jax.random.uniform(k4, (fan_in, H_DIM), dtype=jnp.float32, minval=-limit, maxval=limit)
    return {"x": x, "edge_index": edge_index, "edge_val": edge_val, "W": W}


def _spmm(rows, cols, vals, x, n_rows):
    # sparse A (n_rows x n_nodes) @ dense x via gather + scatter-add
    msg = jnp.take(x, cols, axis=0) * vals[:, None]
    return jnp.zeros((n_rows, x.shape[1]), dtype=x.dtype).at[rows].add(msg)


def reference(x, edge_index, edge_val, W):
    # RGCLayer.forward with featureless=False, num_bases=0, bias=False, eval-mode dropout
    n = x.shape[0]
    supports = []
    for i in range(edge_index.shape[0]):
        rows = edge_index[i, 0]
        cols = edge_index[i, 1]
        supports.append(_spmm(rows, cols, edge_val[i], x, n))
    supports = jnp.concatenate(supports, axis=1)  # [N, support * input_dim]
    output = supports @ W  # [N, h_dim]
    return jax.nn.relu(output)

if __name__ == "__main__":
    import jax
    _d = setup_inputs()
    print(jax.jit(kernel)(*tuple(_d.values())))

</pallas_src>

<mosaic_0001>
#map = affine_map<(d0, d1) -> (0, 0)>
#map1 = affine_map<(d0, d1) -> (0, 0, 0)>
module attributes {stable_mosaic.version = 14 : i64} {
  func.func @sc_kernel(%arg0: i32, %arg1: i32, %arg2: memref<10000x128xf32, #tpu.memory_space<hbm>>, %arg3: memref<5120x128xi32, #tpu.memory_space<hbm>>, %arg4: memref<5120x128xi32, #tpu.memory_space<hbm>>, %arg5: memref<5120x128xf32, #tpu.memory_space<hbm>>, %arg6: memref<2x10000x128xf32, #tpu.memory_space<hbm>>, %arg7: memref<32x128xi32, #tpu.memory_space<vmem>>, %arg8: memref<32x128xi32, #tpu.memory_space<vmem>>, %arg9: memref<32x128xf32, #tpu.memory_space<vmem>>, %arg10: memref<128x128xf32, #tpu.memory_space<vmem>>, %arg11: memref<128x128xf32, #tpu.memory_space<vmem>>, %arg12: memref<10000x128xf32, #tpu.memory_space<vmem_shared>>, %arg13: memref<!tpu.dma_semaphore, #tpu.memory_space<semaphore_mem>>, %arg14: memref<!tpu.dma_semaphore, #tpu.memory_space<semaphore_mem>>, %arg15: memref<!tpu.dma_semaphore, #tpu.memory_space<semaphore_mem>>, %arg16: memref<!tpu.dma_semaphore, #tpu.memory_space<semaphore_mem>>, %arg17: memref<!tpu.dma_semaphore, #tpu.memory_space<semaphore_mem>>) attributes {dimension_semantics = [#tpu.dimension_semantics<core_parallel>, #tpu.dimension_semantics<subcore_parallel>], iteration_bounds = array<i64: 2, 16>, scalar_prefetch = 0 : i64, scratch_operands = 11 : i64, tpu.core_type = #tpu.core_type<sc_vector_subcore>, window_params = [{transform_indices = #map}, {transform_indices = #map}, {transform_indices = #map}, {transform_indices = #map}, {transform_indices = #map1}]} {
    %mul3A = arith.constant 2560 : i32
    %mul3A_0 = arith.muli %arg0, %mul3A : i32
    %mul3A_1 = arith.constant 160 : i32
    %mul3A_2 = arith.muli %arg1, %mul3A_1 : i32
    %add3A = arith.addi %mul3A_0, %mul3A_2 : i32
    %broadcast_in_dim3A = arith.constant 0.000000e+00 : f32
    %broadcast_in_dim3A_3 = vector.broadcast %broadcast_in_dim3A : f32 to vector<16xf32>
    %scan3A = arith.constant 0 : i32
    %scan3A_4 = arith.constant 0 : i32
    %scan3A_5 = arith.constant 128 : i32
    %scan3A_6 = arith.addi %scan3A_4, %scan3A_5 : i32
    %scan3A_7 = arith.constant 1 : i32
    %scan3A_8 = scf.for %scan3A_37 = %scan3A_4 to %scan3A_6 step %scan3A_7 iter_args(%scan3A_38 = %scan3A) -> (i32)  : i32 {
      %swap3A = arith.index_cast %scan3A_37 : i32 to index
      %swap3A_39 = arith.constant 0 : index
      %swap3A_40 = tpu.vector_load %arg10[%swap3A, %swap3A_39] {strides = array<i32>} : memref<128x128xf32, #tpu.memory_space<vmem>>, vector<1x16xf32>,
      %swap3A_41 = vector.shape_cast %swap3A_40 : vector<1x16xf32> to vector<16xf32>
      %swap3A_42 = vector.shape_cast %broadcast_in_dim3A_3 : vector<16xf32> to vector<1x16xf32>
      tpu.vector_store %arg10[%swap3A, %swap3A_39], %swap3A_42 {strides = array<i32>} : memref<128x128xf32, #tpu.memory_space<vmem>>, vector<1x16xf32>,
      %swap3A_43 = arith.index_cast %scan3A_37 : i32 to index
      %swap3A_44 = arith.constant 16 : index
      %swap3A_45 = tpu.vector_load %arg10[%swap3A_43, %swap3A_44] {strides = array<i32>} : memref<128x128xf32, #tpu.memory_space<vmem>>, vector<1x16xf32>,
      %swap3A_46 = vector.shape_cast %swap3A_45 : vector<1x16xf32> to vector<16xf32>
      %swap3A_47 = vector.shape_cast %broadcast_in_dim3A_3 : vector<16xf32> to vector<1x16xf32>
      tpu.vector_store %arg10[%swap3A_43, %swap3A_44], %swap3A_47 {strides = array<i32>} : memref<128x128xf32, #tpu.memory_space<vmem>>, vector<1x16xf32>,
      %swap3A_48 = arith.index_cast %scan3A_37 : i32 to index
      %swap3A_49 = arith.constant 32 : index
      %swap3A_50 = tpu.vector_load %arg10[%swap3A_48, %swap3A_49] {strides = array<i32>} : memref<128x128xf32, #tpu.memory_space<vmem>>, vector<1x16xf32>,
      %swap3A_51 = vector.shape_cast %swap3A_50 : vector<1x16xf32> to vector<16xf32>
      %swap3A_52 = vector.shape_cast %broadcast_in_dim3A_3 : vector<16xf32> to vector<1x16xf32>
      tpu.vector_store %arg10[%swap3A_48, %swap3A_49], %swap3A_52 {strides = array<i32>} : memref<128x128xf32, #tpu.memory_space<vmem>>, vector<1x16xf32>,
      %swap3A_53 = arith.index_cast %scan3A_37 : i32 to index
      %swap3A_54 = arith.constant 48 : index
      %swap3A_55 = tpu.vector_load %arg10[%swap3A_53, %swap3A_54] {strides = array<i32>} : memref<128x128xf32, #tpu.memory_space<vmem>>, vector<1x16xf32>,
      %swap3A_56 = vector.shape_cast %swap3A_55 : vector<1x16xf32> to vector<16xf32>
      %swap3A_57 = vector.shape_cast %broadcast_in_dim3A_3 : vector<16xf32> to vector<1x16xf32>
      tpu.vector_store %arg10[%swap3A_53, %swap3A_54], %swap3A_57 {strides = array<i32>} : memref<128x128xf32, #tpu.memory_space<vmem>>, vector<1x16xf32>,
      %swap3A_58 = arith.index_cast %scan3A_37 : i32 to index
      %swap3A_59 = arith.constant 64 : index
      %swap3A_60 = tpu.vector_load %arg10[%swap3A_58, %swap3A_59] {strides = array<i32>} : memref<128x128xf32, #tpu.memory_space<vmem>>, vector<1x16xf32>,
      %swap3A_61 = vector.shape_cast %swap3A_60 : vector<1x16xf32> to vector<16xf32>
      %swap3A_62 = vector.shape_cast %broadcast_in_dim3A_3 : vector<16xf32> to vector<1x16xf32>
      tpu.vector_store %arg10[%swap3A_58, %swap3A_59], %swap3A_62 {strides = array<i32>} : memref<128x128xf32, #tpu.memory_space<vmem>>, vector<1x16xf32>,
      %swap3A_63 = arith.index_cast %scan3A_37 : i32 to index
      %swap3A_64 = arith.constant 80 : index
      %swap3A_65 = tpu.vector_load %arg10[%swap3A_63, %swap3A_64] {strides = array<i32>} : memref<128x128xf32, #tpu.memory_space<vmem>>, vector<1x16xf32>,
      %swap3A_66 = vector.shape_cast %swap3A_65 : vector<1x16xf32> to vector<16xf32>
      %swap3A_67 = vector.shape_cast %broadcast_in_dim3A_3 : vector<16xf32> to vector<1x16xf32>
      tpu.vector_store %arg10[%swap3A_63, %swap3A_64], %swap3A_67 {strides = array<i32>} : memref<128x128xf32, #tpu.memory_space<vmem>>, vector<1x16xf32>,
      %swap3A_68 = arith.index_cast %scan3A_37 : i32 to index
      %swap3A_69 = arith.constant 96 : index
      %swap3A_70 = tpu.vector_load %arg10[%swap3A_68, %swap3A_69] {strides = array<i32>} : memref<128x128xf32, #tpu.memory_space<vmem>>, vector<1x16xf32>,
      %swap3A_71 = vector.shape_cast %swap3A_70 : vector<1x16xf32> to vector<16xf32>
      %swap3A_72 = vector.shape_cast %broadcast_in_dim3A_3 : vector<16xf32> to vector<1x16xf32>
      tpu.vector_store %arg10[%swap3A_68, %swap3A_69], %swap3A_72 {strides = array<i32>} : memref<128x128xf32, #tpu.memory_space<vmem>>, vector<1x16xf32>,
      %swap3A_73 = arith.index_cast %scan3A_37 : i32 to index
      %swap3A_74 = arith.constant 112 : index
      %swap3A_75 = tpu.vector_load %arg10[%swap3A_73, %swap3A_74] {strides = array<i32>} : memref<128x128xf32, #tpu.memory_space<vmem>>, vector<1x16xf32>,
      %swap3A_76 = vector.shape_cast %swap3A_75 : vector<1x16xf32> to vector<16xf32>
      %swap3A_77 = vector.shape_cast %broadcast_in_dim3A_3 : vector<16xf32> to vector<1x16xf32>
      tpu.vector_store %arg10[%swap3A_73, %swap3A_74], %swap3A_77 {strides = array<i32>} : memref<128x128xf32, #tpu.memory_space<vmem>>, vector<1x16xf32>,
      %scan3A_78 = arith.constant 0 : i32
      scf.yield %scan3A_78 : i32
    }
    %scan3A_9 = arith.constant 128 : i32
    %mul3A_10 = arith.constant 624 : i32
    %mul3A_11 = arith.muli %arg1, %mul3A_10 : i32
    %add3A_12 = arith.constant 0 : i32
    %add3A_13 = arith.addi %mul3A_11, %add3A_12 : i32
    "tpu.region"() ({
      %run_scoped3A = tpu.sem_alloc : memref<!tpu.dma_semaphore, #tpu.memory_space<semaphore_mem>>
      %dma_start3A = arith.constant 0 : i32
      %dma_start3A_37 = tpu.memref_slice %arg12[%add3A_13, %dma_start3A] : memref<10000x128xf32, #tpu.memory_space<vmem_shared>> -> memref<128x128xf32, #tpu.memory_space<vmem_shared>>
      %dma_start3A_38 = arith.constant 0 : i32
      %dma_start3A_39 = tpu.memref_slice %arg12[%add3A_13, %dma_start3A_38] : memref<10000x128xf32, #tpu.memory_space<vmem_shared>> -> memref<128x128xf32, #tpu.memory_space<vmem_shared>>
      tpu.enqueue_dma source(%arg10 : memref<128x128xf32, #tpu.memory_space<vmem>>) target(%dma_start3A_39 : memref<128x128xf32, #tpu.memory_space<vmem_shared>>) target_semaphore(%run_scoped3A : memref<!tpu.dma_semaphore, #tpu.memory_space<semaphore_mem>>)
      %dma_wait3A = arith.constant 0 : i32
      %dma_wait3A_40 = tpu.memref_slice %arg12[%add3A_13, %dma_wait3A] : memref<10000x128xf32, #tpu.memory_space<vmem_shared>> -> memref<128x128xf32, #tpu.memory_space<vmem_shared>>
      %dma_wait3A_41 = arith.constant 0 : i32
      %dma_wait3A_42 = tpu.memref_slice %arg12[%add3A_13, %dma_wait3A_41] : memref<10000x128xf32, #tpu.memory_space<vmem_shared>> -> memref<128x128xf32, #tpu.memory_space<vmem_shared>>
      tpu.wait_dma2 semaphore(%run_scoped3A : memref<!tpu.dma_semaphore, #tpu.memory_space<semaphore_mem>>) src(%arg10 : memref<128x128xf32, #tpu.memory_space<vmem>>) dst(%dma_wait3A_42 : memref<128x128xf32, #tpu.memory_space<vmem_shared>>)
      tpu.yield
    }) : () -> ()
    %add3A_14 = arith.constant 128 : i32
    %add3A_15 = arith.addi %mul3A_11, %add3A_14 : i32
    "tpu.region"() ({
      %run_scoped3A = tpu.sem_alloc : memref<!tpu.dma_semaphore, #tpu.memory_space<semaphore_mem>>
      %dma_start3A = arith.constant 0 : i32
      %dma_start3A_37 = tpu.memref_slice %arg12[%add3A_15, %dma_start3A] : memref<10000x128xf32, #tpu.memory_space<vmem_shared>> -> memref<128x128xf32, #tpu.memory_space<vmem_shared>>
      %dma_start3A_38 = arith.constant 0 : i32
      %dma_start3A_39 = tpu.memref_slice %arg12[%add3A_15, %dma_start3A_38] : memref<10000x128xf32, #tpu.memory_space<vmem_shared>> -> memref<128x128xf32, #tpu.memory_space<vmem_shared>>
      tpu.enqueue_dma source(%arg10 : memref<128x128xf32, #tpu.memory_space<vmem>>) target(%dma_start3A_39 : memref<128x128xf32, #tpu.memory_space<vmem_shared>>) target_semaphore(%run_scoped3A : memref<!tpu.dma_semaphore, #tpu.memory_space<semaphore_mem>>)
      %dma_wait3A = arith.constant 0 : i32
      %dma_wait3A_40 = tpu.memref_slice %arg12[%add3A_15, %dma_wait3A] : memref<10000x128xf32, #tpu.memory_space<vmem_shared>> -> memref<128x128xf32, #tpu.memory_space<vmem_shared>>
      %dma_wait3A_41 = arith.constant 0 : i32
      %dma_wait3A_42 = tpu.memref_slice %arg12[%add3A_15, %dma_wait3A_41] : memref<10000x128xf32, #tpu.memory_space<vmem_shared>> -> memref<128x128xf32, #tpu.memory_space<vmem_shared>>
      tpu.wait_dma2 semaphore(%run_scoped3A : memref<!tpu.dma_semaphore, #tpu.memory_space<semaphore_mem>>) src(%arg10 : memref<128x128xf32, #tpu.memory_space<vmem>>) dst(%dma_wait3A_42 : memref<128x128xf32, #tpu.memory_space<vmem_shared>>)
      tpu.yield
    }) : () -> ()
    %add3A_16 = arith.constant 256 : i32
    %add3A_17 = arith.addi %mul3A_11, %add3A_16 : i32
    "tpu.region"() ({
      %run_scoped3A = tpu.sem_alloc : memref<!tpu.dma_semaphore, #tpu.memory_space<semaphore_mem>>
      %dma_start3A = arith.constant 0 : i32
      %dma_start3A_37 = tpu.memref_slice %arg12[%add3A_17, %dma_start3A] : memref<10000x128xf32, #tpu.memory_space<vmem_shared>> -> memref<128x128xf32, #tpu.memory_space<vmem_shared>>
      %dma_start3A_38 = arith.constant 0 : i32
      %dma_start3A_39 = tpu.memref_slice %arg12[%add3A_17, %dma_start3A_38] : memref<10000x128xf32, #tpu.memory_space<vmem_shared>> -> memref<128x128xf32, #tpu.memory_space<vmem_shared>>
      tpu.enqueue_dma source(%arg10 : memref<128x128xf32, #tpu.memory_space<vmem>>) target(%dma_start3A_39 : memref<128x128xf32, #tpu.memory_space<vmem_shared>>) target_semaphore(%run_scoped3A : memref<!tpu.dma_semaphore, #tpu.memory_space<semaphore_mem>>)
      %dma_wait3A = arith.constant 0 : i32
      %dma_wait3A_40 = tpu.memref_slice %arg12[%add3A_17, %dma_wait3A] : memref<10000x128xf32, #tpu.memory_space<vmem_shared>> -> memref<128x128xf32, #tpu.memory_space<vmem_shared>>
      %dma_wait3A_41 = arith.constant 0 : i32
      %dma_wait3A_42 = tpu.memref_slice %arg12[%add3A_17, %dma_wait3A_41] : memref<10000x128xf32, #tpu.memory_space<vmem_shared>> -> memref<128x128xf32, #tpu.memory_space<vmem_shared>>
      tpu.wait_dma2 semaphore(%run_scoped3A : memref<!tpu.dma_semaphore, #tpu.memory_space<semaphore_mem>>) src(%arg10 : memref<128x128xf32, #tpu.memory_space<vmem>>) dst(%dma_wait3A_42 : memref<128x128xf32, #tpu.memory_space<vmem_shared>>)
      tpu.yield
    }) : () -> ()
    %add3A_18 = arith.constant 384 : i32
    %add3A_19 = arith.addi %mul3A_11, %add3A_18 : i32
    "tpu.region"() ({
      %run_scoped3A = tpu.sem_alloc : memref<!tpu.dma_semaphore, #tpu.memory_space<semaphore_mem>>
      %dma_start3A = arith.constant 0 : i32
      %dma_start3A_37 = tpu.memref_slice %arg12[%add3A_19, %dma_start3A] : memref<10000x128xf32, #tpu.memory_space<vmem_shared>> -> memref<128x128xf32, #tpu.memory_space<vmem_shared>>
      %dma_start3A_38 = arith.constant 0 : i32
      %dma_start3A_39 = tpu.memref_slice %arg12[%add3A_19, %dma_start3A_38] : memref<10000x128xf32, #tpu.memory_space<vmem_shared>> -> memref<128x128xf32, #tpu.memory_space<vmem_shared>>
      tpu.enqueue_dma source(%arg10 : memref<128x128xf32, #tpu.memory_space<vmem>>) target(%dma_start3A_39 : memref<128x128xf32, #tpu.memory_space<vmem_shared>>) target_semaphore(%run_scoped3A : memref<!tpu.dma_semaphore, #tpu.memory_space<semaphore_mem>>)
      %dma_wait3A = arith.constant 0 : i32
      %dma_wait3A_40 = tpu.memref_slice %arg12[%add3A_19, %dma_wait3A] : memref<10000x128xf32, #tpu.memory_space<vmem_shared>> -> memref<128x128xf32, #tpu.memory_space<vmem_shared>>
      %dma_wait3A_41 = arith.constant 0 : i32
      %dma_wait3A_42 = tpu.memref_slice %arg12[%add3A_19, %dma_wait3A_41] : memref<10000x128xf32, #tpu.memory_space<vmem_shared>> -> memref<128x128xf32, #tpu.memory_space<vmem_shared>>
      tpu.wait_dma2 semaphore(%run_scoped3A : memref<!tpu.dma_semaphore, #tpu.memory_space<semaphore_mem>>) src(%arg10 : memref<128x128xf32, #tpu.memory_space<vmem>>) dst(%dma_wait3A_42 : memref<128x128xf32, #tpu.memory_space<vmem_shared>>)
      tpu.yield
    }) : () -> ()
    %add3A_20 = arith.constant 512 : i32
    %add3A_21 = arith.addi %mul3A_11, %add3A_20 : i32
    "tpu.region"() ({
      %run_scoped3A = tpu.sem_alloc : memref<!tpu.dma_semaphore, #tpu.memory_space<semaphore_mem>>
      %dma_start3A = arith.constant 0 : i32
      %dma_start3A_37 = arith.constant 0 : i32
      %dma_start3A_38 = tpu.memref_slice %arg10[%dma_start3A, %dma_start3A_37] : memref<128x128xf32, #tpu.memory_space<vmem>> -> memref<112x128xf32, #tpu.memory_space<vmem>>
      %dma_start3A_39 = arith.constant 0 : i32
      %dma_start3A_40 = tpu.memref_slice %arg12[%add3A_21, %dma_start3A_39] : memref<10000x128xf32, #tpu.memory_space<vmem_shared>> -> memref<112x128xf32, #tpu.memory_space<vmem_shared>>
      %dma_start3A_41 = arith.constant 0 : i32
      %dma_start3A_42 = tpu.memref_slice %arg12[%add3A_21, %dma_start3A_41] : memref<10000x128xf32, #tpu.memory_space<vmem_shared>> -> memref<112x128xf32, #tpu.memory_space<vmem_shared>>
      %dma_start3A_43 = arith.constant 0 : i32
      %dma_start3A_44 = arith.constant 0 : i32
      %dma_start3A_45 = tpu.memref_slice %arg10[%dma_start3A_43, %dma_start3A_44] : memref<128x128xf32, #tpu.memory_space<vmem>> -> memref<112x128xf32, #tpu.memory_space<vmem>>
      tpu.enqueue_dma source(%dma_start3A_45 : memref<112x128xf32, #tpu.memory_space<vmem>>) target(%dma_start3A_42 : memref<112x128xf32, #tpu.memory_space<vmem_shared>>) target_semaphore(%run_scoped3A : memref<!tpu.dma_semaphore, #tpu.memory_space<semaphore_mem>>)
      %dma_wait3A = arith.constant 0 : i32
      %dma_wait3A_46 = arith.constant 0 : i32
      %dma_wait3A_47 = tpu.memref_slice %arg10[%dma_wait3A, %dma_wait3A_46] : memref<128x128xf32, #tpu.memory_space<vmem>> -> memref<112x128xf32, #tpu.memory_space<vmem>>
      %dma_wait3A_48 = arith.constant 0 : i32
      %dma_wait3A_49 = tpu.memref_slice %arg12[%add3A_21, %dma_wait3A_48] : memref<10000x128xf32, #tpu.memory_space<vmem_shared>> -> memref<112x128xf32, #tpu.memory_space<vmem_shared>>
      %dma_wait3A_50 = arith.constant 0 : i32
      %dma_wait3A_51 = tpu.memref_slice %arg12[%add3A_21, %dma_wait3A_50] : memref<10000x128xf32, #tpu.memory_space<vmem_shared>> -> memref<112x128xf32, #tpu.memory_space<vmem_shared>>
      %dma_wait3A_52 = arith.constant 0 : i32
      %dma_wait3A_53 = arith.constant 0 : i32
      %dma_wait3A_54 = tpu.memref_slice %arg10[%dma_wait3A_52, %dma_wait3A_53] : memref<128x128xf32, #tpu.memory_space<vmem>> -> memref<112x128xf32, #tpu.memory_space<vmem>>
      tpu.wait_dma2 semaphore(%run_scoped3A : memref<!tpu.dma_semaphore, #tpu.memory_space<semaphore_mem>>) src(%dma_wait3A_54 : memref<112x128xf32, #tpu.memory_space<vmem>>) dst(%dma_wait3A_51 : memref<112x128xf32, #tpu.memory_space<vmem_shared>>)
      tpu.yield
    }) : () -> ()
    %eq3A = arith.constant 15 : i32
    %eq3A_22 = arith.cmpi eq, %arg1, %eq3A : i32
    %convert_element_type3A = arith.extui %eq3A_22 : i1 to i32
    %cond3A = arith.constant 0 : i32
    %cond3A_23 = arith.cmpi ne, %convert_element_type3A, %cond3A : i32
    scf.if %cond3A_23 {
      "tpu.region"() ({
        %run_scoped3A = tpu.sem_alloc : memref<!tpu.dma_semaphore, #tpu.memory_space<semaphore_mem>>
        %dma_start3A = arith.constant 0 : i32
        %dma_start3A_37 = arith.constant 0 : i32
        %dma_start3A_38 = tpu.memref_slice %arg10[%dma_start3A, %dma_start3A_37] : memref<128x128xf32, #tpu.memory_space<vmem>> -> memref<16x128xf32, #tpu.memory_space<vmem>>
        %dma_start3A_39 = arith.constant 9984 : i32
        %dma_start3A_40 = arith.constant 0 : i32
        %dma_start3A_41 = tpu.memref_slice %arg12[%dma_start3A_39, %dma_start3A_40] : memref<10000x128xf32, #tpu.memory_space<vmem_shared>> -> memref<16x128xf32, #tpu.memory_space<vmem_shared>>
        %dma_start3A_42 = arith.constant 9984 : i32
        %dma_start3A_43 = arith.constant 0 : i32
        %dma_start3A_44 = tpu.memref_slice %arg12[%dma_start3A_42, %dma_start3A_43] : memref<10000x128xf32, #tpu.memory_space<vmem_shared>> -> memref<16x128xf32, #tpu.memory_space<vmem_shared>>
        %dma_start3A_45 = arith.constant 0 : i32
        %dma_start3A_46 = arith.constant 0 : i32
        %dma_start3A_47 = tpu.memref_slice %arg10[%dma_start3A_45, %dma_start3A_46] : memref<128x128xf32, #tpu.memory_space<vmem>> -> memref<16x128xf32, #tpu.memory_space<vmem>>
        tpu.enqueue_dma source(%dma_start3A_47 : memref<16x128xf32, #tpu.memory_space<vmem>>) target(%dma_start3A_44 : memref<16x128xf32, #tpu.memory_space<vmem_shared>>) target_semaphore(%run_scoped3A : memref<!tpu.dma_semaphore, #tpu.memory_space<semaphore_mem>>)
        %dma_wait3A = arith.constant 0 : i32
        %dma_wait3A_48 = arith.constant 0 : i32
        %dma_wait3A_49 = tpu.memref_slice %arg10[%dma_wait3A, %dma_wait3A_48] : memref<128x128xf32, #tpu.memory_space<vmem>> -> memref<16x128xf32, #tpu.memory_space<vmem>>
        %dma_wait3A_50 = arith.constant 9984 : i32
        %dma_wait3A_51 = arith.constant 0 : i32
        %dma_wait3A_52 = tpu.memref_slice %arg12[%dma_wait3A_50, %dma_wait3A_51] : memref<10000x128xf32, #tpu.memory_space<vmem_shared>> -> memref<16x128xf32, #tpu.memory_space<vmem_shared>>
        %dma_wait3A_53 = arith.constant 9984 : i32
        %dma_wait3A_54 = arith.constant 0 : i32
        %dma_wait3A_55 = tpu.memref_slice %arg12[%dma_wait3A_53, %dma_wait3A_54] : memref<10000x128xf32, #tpu.memory_space<vmem_shared>> -> memref<16x128xf32, #tpu.memory_space<vmem_shared>>
        %dma_wait3A_56 = arith.constant 0 : i32
        %dma_wait3A_57 = arith.constant 0 : i32
        %dma_wait3A_58 = tpu.memref_slice %arg10[%dma_wait3A_56, %dma_wait3A_57] : memref<128x128xf32, #tpu.memory_space<vmem>> -> memref<16x128xf32, #tpu.memory_space<vmem>>
        tpu.wait_dma2 semaphore(%run_scoped3A : memref<!tpu.dma_semaphore, #tpu.memory_space<semaphore_mem>>) src(%dma_wait3A_58 : memref<16x128xf32, #tpu.memory_space<vmem>>) dst(%dma_wait3A_55 : memref<16x128xf32, #tpu.memory_space<vmem_shared>>)
        tpu.yield
      }) : () -> ()
    } else {
    }
    %barrier3A = arith.constant 0 : index
    tpu.barrier barrier_id(%barrier3A)
    %scan3A_24 = arith.constant 0 : i32
    %scan3A_25 = arith.constant 0 : i32
    %scan3A_26 = arith.constant 5 : i32
    %scan3A_27 = arith.addi %scan3A_25, %scan3A_26 : i32
    %scan3A_28 = arith.constant 1 : i32
    %scan3A_29 = scf.for %scan3A_37 = %scan3A_25 to %scan3A_27 step %scan3A_28 iter_args(%scan3A_38 = %scan3A_24) -> (i32)  : i32 {
      %mul3A_39 = arith.constant 32 : i32
      %mul3A_40 = arith.muli %scan3A_37, %mul3A_39 : i32
      %add3A_41 = arith.addi %add3A, %mul3A_40 : i32
      "tpu.region"() ({
        %run_scoped3A = tpu.sem_alloc : memref<!tpu.dma_semaphore, #tpu.memory_space<semaphore_mem>>
        %dma_start3A_62 = arith.constant 0 : i32
        %dma_start3A_63 = tpu.memref_slice %arg4[%add3A_41, %dma_start3A_62] : memref<5120x128xi32, #tpu.memory_space<hbm>> -> memref<32x128xi32, #tpu.memory_space<hbm>>
        %dma_start3A_64 = arith.constant 0 : i32
        %dma_start3A_65 = tpu.memref_slice %arg4[%add3A_41, %dma_start3A_64] : memref<5120x128xi32, #tpu.memory_space<hbm>> -> memref<32x128xi32, #tpu.memory_space<hbm>>
        tpu.enqueue_dma source(%dma_start3A_65 : memref<32x128xi32, #tpu.memory_space<hbm>>) target(%arg7 : memref<32x128xi32, #tpu.memory_space<vmem>>) target_semaphore(%run_scoped3A : memref<!tpu.dma_semaphore, #tpu.memory_space<semaphore_mem>>)
        %dma_wait3A_66 = arith.constant 0 : i32
        %dma_wait3A_67 = tpu.memref_slice %arg4[%add3A_41, %dma_wait3A_66] : memref<5120x128xi32, #tpu.memory_space<hbm>> -> memref<32x128xi32, #tpu.memory_space<hbm>>
        %dma_wait3A_68 = arith.constant 0 : i32
        %dma_wait3A_69 = tpu.memref_slice %arg4[%add3A_41, %dma_wait3A_68] : memref<5120x128xi32, #tpu.memory_space<hbm>> -> memref<32x128xi32, #tpu.memory_space<hbm>>
        tpu.wait_dma2 semaphore(%run_scoped3A : memref<!tpu.dma_semaphore, #tpu.memory_space<semaphore_mem>>) src(%dma_wait3A_69 : memref<32x128xi32, #tpu.memory_space<hbm>>) dst(%arg7 : memref<32x128xi32, #tpu.memory_space<vmem>>)
        tpu.yield
      }) : () -> ()
      "tpu.region"() ({
        %run_scoped3A = tpu.sem_alloc : memref<!tpu.dma_semaphore, #tpu.memory_space<semaphore_mem>>
        %dma_start3A_62 = arith.constant 0 : i32
        %dma_start3A_63 = tpu.memref_slice %arg3[%add3A_41, %dma_start3A_62] : memref<5120x128xi32, #tpu.memory_space<hbm>> -> memref<32x128xi32, #tpu.memory_space<hbm>>
        %dma_start3A_64 = arith.constant 0 : i32
        %dma_start3A_65 = tpu.memref_slice %arg3[%add3A_41, %dma_start3A_64] : memref<5120x128xi32, #tpu.memory_space<hbm>> -> memref<32x128xi32, #tpu.memory_space<hbm>>
        tpu.enqueue_dma source(%dma_start3A_65 : memref<32x128xi32, #tpu.memory_space<hbm>>) target(%arg8 : memref<32x128xi32, #tpu.memory_space<vmem>>) target_semaphore(%run_scoped3A : memref<!tpu.dma_semaphore, #tpu.memory_space<semaphore_mem>>)
        %dma_wait3A_66 = arith.constant 0 : i32
        %dma_wait3A_67 = tpu.memref_slice %arg3[%add3A_41, %dma_wait3A_66] : memref<5120x128xi32, #tpu.memory_space<hbm>> -> memref<32x128xi32, #tpu.memory_space<hbm>>
        %dma_wait3A_68 = arith.constant 0 : i32
        %dma_wait3A_69 = tpu.memref_slice %arg3[%add3A_41, %dma_wait3A_68] : memref<5120x128xi32, #tpu.memory_space<hbm>> -> memref<32x128xi32, #tpu.memory_space<hbm>>
        tpu.wait_dma2 semaphore(%run_scoped3A : memref<!tpu.dma_semaphore, #tpu.memory_space<semaphore_mem>>) src(%dma_wait3A_69 : memref<32x128xi32, #tpu.memory_space<hbm>>) dst(%arg8 : memref<32x128xi32, #tpu.memory_space<vmem>>)
        tpu.yield
      }) : () -> ()
      "tpu.region"() ({
        %run_scoped3A = tpu.sem_alloc : memref<!tpu.dma_semaphore, #tpu.memory_space<semaphore_mem>>
        %dma_start3A_62 = arith.constant 0 : i32
        %dma_start3A_63 = tpu.memref_slice %arg5[%add3A_41, %dma_start3A_62] : memref<5120x128xf32, #tpu.memory_space<hbm>> -> memref<32x128xf32, #tpu.memory_space<hbm>>
        %dma_start3A_64 = arith.constant 0 : i32
        %dma_start3A_65 = tpu.memref_slice %arg5[%add3A_41, %dma_start3A_64] : memref<5120x128xf32, #tpu.memory_space<hbm>> -> memref<32x128xf32, #tpu.memory_space<hbm>>
        tpu.enqueue_dma source(%dma_start3A_65 : memref<32x128xf32, #tpu.memory_space<hbm>>) target(%arg9 : memref<32x128xf32, #tpu.memory_space<vmem>>) target_semaphore(%run_scoped3A : memref<!tpu.dma_semaphore, #tpu.memory_space<semaphore_mem>>)
        %dma_wait3A_66 = arith.constant 0 : i32
        %dma_wait3A_67 = tpu.memref_slice %arg5[%add3A_41, %dma_wait3A_66] : memref<5120x128xf32, #tpu.memory_space<hbm>> -> memref<32x128xf32, #tpu.memory_space<hbm>>
        %dma_wait3A_68 = arith.constant 0 : i32
        %dma_wait3A_69 = tpu.memref_slice %arg5[%add3A_41, %dma_wait3A_68] : memref<5120x128xf32, #tpu.memory_space<hbm>> -> memref<32x128xf32, #tpu.memory_space<hbm>>
        tpu.wait_dma2 semaphore(%run_scoped3A : memref<!tpu.dma_semaphore, #tpu.memory_space<semaphore_mem>>) src(%dma_wait3A_69 : memref<32x128xf32, #tpu.memory_space<hbm>>) dst(%arg9 : memref<32x128xf32, #tpu.memory_space<vmem>>)
        tpu.yield
      }) : () -> ()
      %dma_start3A = arith.constant 0 : i32
      %dma_start3A_42 = arith.constant 0 : i32
      %dma_start3A_43 = tpu.memref_slice %arg7[%dma_start3A, %dma_start3A_42] : memref<32x128xi32, #tpu.memory_space<vmem>> -> memref<1x128xi32, #tpu.memory_space<vmem>>
      %dma_start3A_44 = tpu.memref_squeeze %dma_start3A_43 : memref<1x128xi32, #tpu.memory_space<vmem>> -> memref<128xi32, #tpu.memory_space<vmem>>
      %dma_start3A_45 = arith.constant 0 : i32
      %dma_start3A_46 = arith.constant 0 : i32
      %dma_start3A_47 = tpu.memref_slice %arg2[%dma_start3A_45, %dma_start3A_46] : memref<10000x128xf32, #tpu.memory_space<hbm>> -> memref<10000x128xf32, #tpu.memory_space<hbm>>
      tpu.enqueue_indirect_dma source(%dma_start3A_47 : memref<10000x128xf32, #tpu.memory_space<hbm>>) target(%arg10 : memref<128x128xf32, #tpu.memory_space<vmem>>) offsets(%dma_start3A_44 : memref<128xi32, #tpu.memory_space<vmem>>) semaphore(%arg13 : memref<!tpu.dma_semaphore, #tpu.memory_space<semaphore_mem>>)
      %scan3A_48 = arith.constant 0 : i32
      %scan3A_49 = arith.constant 0 : i32
      %scan3A_50 = arith.constant 16 : i32
      %scan3A_51 = arith.addi %scan3A_49, %scan3A_50 : i32
      %scan3A_52 = arith.constant 1 : i32
      %scan3A_53 = scf.for %scan3A_62 = %scan3A_49 to %scan3A_51 step %scan3A_52 iter_args(%scan3A_63 = %scan3A_48) -> (i32)  : i32 {
        %mul3A_64 = arith.constant 2 : i32
        %mul3A_65 = arith.muli %mul3A_64, %scan3A_62 : i32
        %mul3A_66 = arith.constant 2 : i32
        %mul3A_67 = arith.muli %mul3A_66, %scan3A_62 : i32
        %add3A_68 = arith.constant 1 : i32
        %add3A_69 = arith.addi %mul3A_67, %add3A_68 : i32
        %gt3A = arith.constant 0 : i32
        %gt3A_70 = arith.cmpi sgt, %scan3A_62, %gt3A : i32
        %convert_element_type3A_71 = arith.extui %gt3A_70 : i1 to i32
        %cond3A_72 = arith.constant 0 : i32
        %cond3A_73 = arith.cmpi ne, %convert_element_type3A_71, %cond3A_72 : i32
        scf.if %cond3A_73 {
          %dma_wait3A_132 = arith.constant 0 : i32
          %dma_wait3A_133 = arith.constant 0 : i32
          %dma_wait3A_134 = tpu.memref_slice %arg8[%dma_wait3A_132, %dma_wait3A_133] : memref<32x128xi32, #tpu.memory_space<vmem>> -> memref<1x128xi32, #tpu.memory_space<vmem>>
          %dma_wait3A_135 = tpu.memref_squeeze %dma_wait3A_134 : memref<1x128xi32, #tpu.memory_space<vmem>> -> memref<128xi32, #tpu.memory_space<vmem>>
          %dma_wait3A_136 = arith.constant 0 : i32
          %dma_wait3A_137 = arith.constant 0 : i32
          %dma_wait3A_138 = tpu.memref_slice %arg12[%dma_wait3A_136, %dma_wait3A_137] : memref<10000x128xf32, #tpu.memory_space<vmem_shared>> -> memref<10000x128xf32, #tpu.memory_space<vmem_shared>>
          tpu.wait_indirect_dma semaphore(%arg16 : memref<!tpu.dma_semaphore, #tpu.memory_space<semaphore_mem>>) src(%arg11 : memref<128x128xf32, #tpu.memory_space<vmem>>) dst(%dma_wait3A_138 : memref<10000x128xf32, #tpu.memory_space<vmem_shared>>)
        } else {
        }
        %dma_start3A_74 = arith.constant 0 : i32
        %dma_start3A_75 = tpu.memref_slice %arg7[%add3A_69, %dma_start3A_74] : memref<32x128xi32, #tpu.memory_space<vmem>> -> memref<1x128xi32, #tpu.memory_space<vmem>>
        %dma_start3A_76 = tpu.memref_squeeze %dma_start3A_75 : memref<1x128xi32, #tpu.memory_space<vmem>> -> memref<128xi32, #tpu.memory_space<vmem>>
        %dma_start3A_77 = arith.constant 0 : i32
        %dma_start3A_78 = arith.constant 0 : i32
        %dma_start3A_79 = tpu.memref_slice %arg2[%dma_start3A_77, %dma_start3A_78] : memref<10000x128xf32, #tpu.memory_space<hbm>> -> memref<10000x128xf32, #tpu.memory_space<hbm>>
        tpu.enqueue_indirect_dma source(%dma_start3A_79 : memref<10000x128xf32, #tpu.memory_space<hbm>>) target(%arg11 : memref<128x128xf32, #tpu.memory_space<vmem>>) offsets(%dma_start3A_76 : memref<128xi32, #tpu.memory_space<vmem>>) semaphore(%arg14 : memref<!tpu.dma_semaphore, #tpu.memory_space<semaphore_mem>>)
        %dma_wait3A_80 = arith.constant 0 : i32
        %dma_wait3A_81 = arith.constant 0 : i32
        %dma_wait3A_82 = tpu.memref_slice %arg7[%dma_wait3A_80, %dma_wait3A_81] : memref<32x128xi32, #tpu.memory_space<vmem>> -> memref<1x128xi32, #tpu.memory_space<vmem>>
        %dma_wait3A_83 = tpu.memref_squeeze %dma_wait3A_82 : memref<1x128xi32, #tpu.memory_space<vmem>> -> memref<128xi32, #tpu.memory_space<vmem>>
        %dma_wait3A_84 = arith.constant 0 : i32
        %dma_wait3A_85 = arith.constant 0 : i32
        %dma_wait3A_86 = tpu.memref_slice %arg2[%dma_wait3A_84, %dma_wait3A_85] : memref<10000x128xf32, #tpu.memory_space<hbm>> -> memref<10000x128xf32, #tpu.memory_space<hbm>>
        tpu.wait_indirect_dma semaphore(%arg13 : memref<!tpu.dma_semaphore, #tpu.memory_space<semaphore_mem>>) src(%dma_wait3A_86 : memref<10000x128xf32, #tpu.memory_space<hbm>>) dst(%arg10 : memref<128x128xf32, #tpu.memory_space<vmem>>)
        %scan3A_87 = arith.constant 0 : i32
        %scan3A_88 = arith.constant 0 : i32
        %scan3A_89 = arith.constant 8 : i32
        %scan3A_90 = arith.addi %scan3A_88, %scan3A_89 : i32
        %scan3A_91 = arith.constant 1 : i32
        %scan3A_92 = scf.for %scan3A_132 = %scan3A_88 to %scan3A_90 step %scan3A_91 iter_args(%scan3A_133 = %scan3A_87) -> (i32)  : i32 {
          %mul3A_134 = arith.constant 16 : i32
          %mul3A_135 = arith.muli %scan3A_132, %mul3A_134 : i32
          %get3A = arith.index_cast %mul3A_65 : i32 to index
          %get3A_136 = arith.index_cast %mul3A_135 : i32 to index
          %get3A_137 = tpu.vector_load %arg9[%get3A, %get3A_136] {strides = array<i32>} : memref<32x128xf32, #tpu.memory_space<vmem>>, vector<1x16xf32>,
          %get3A_138 = vector.shape_cast %get3A_137 : vector<1x16xf32> to vector<16xf32>
          %broadcast_in_dim3A_139 = arith.constant 0 : i32
          %broadcast_in_dim3A_140 = vector.broadcast %broadcast_in_dim3A_139 : i32 to vector<16xi32>
          %lt3A_141 = arith.constant 0 : i32
          %lt3A_142 = vector.broadcast %lt3A_141 : i32 to vector<16xi32>
          %lt3A_143 = arith.cmpi slt, %broadcast_in_dim3A_140, %lt3A_142 : vector<16xi32>
          %add3A_144 = arith.constant 16 : i32
          %add3A_145 = vector.broadcast %add3A_144 : i32 to vector<16xi32>
          %add3A_146 = arith.addi %broadcast_in_dim3A_140, %add3A_145 : vector<16xi32>
          %select_n3A = arith.select %lt3A_143, %add3A_146, %broadcast_in_dim3A_140 : vector<16xi1>, vector<16xi32>
          %broadcast_in_dim3A_147 = vector.shape_cast %select_n3A : vector<16xi32> to vector<16x1xi32>
          %gather3A = vector.shape_cast %broadcast_in_dim3A_147 : vector<16x1xi32> to vector<16xi32>
          %gather3A_148 = tpu.dynamic_gather %get3A_138[%gather3A] in [0] : vector<16xf32>, vector<16xi32> -> vector<16xf32>
          %mul3A_149 = arith.constant 16 : i32
          %mul3A_150 = arith.muli %scan3A_132, %mul3A_149 : i32
          %add3A_151 = arith.constant 0 : i32
          %add3A_152 = arith.addi %mul3A_150, %add3A_151 : i32
          %get3A_153 = arith.index_cast %add3A_152 : i32 to index
          %get3A_154 = arith.constant 0 : index
          %get3A_155 = tpu.vector_load %arg10[%get3A_153, %get3A_154] {strides = array<i32>} : memref<128x128xf32, #tpu.memory_space<vmem>>, vector<1x16xf32>,
          %get3A_156 = vector.shape_cast %get3A_155 : vector<1x16xf32> to vector<16xf32>
          %mul3A_157 = arith.mulf %get3A_156, %gather3A_148 : vector<16xf32>
          %swap3A = arith.index_cast %add3A_152 : i32 to index
          %swap3A_158 = arith.constant 0 : index
          %swap3A_159 = tpu.vector_load %arg10[%swap3A, %swap3A_158] {strides = array<i32>} : memref<128x128xf32, #tpu.memory_space<vmem>>, vector<1x16xf32>,
          %swap3A_160 = vector.shape_cast %swap3A_159 : vector<1x16xf32> to vector<16xf32>
          %swap3A_161 = vector.shape_cast %mul3A_157 : vector<16xf32> to vector<1x16xf32>
          tpu.vector_store %arg10[%swap3A, %swap3A_158], %swap3A_161 {strides = array<i32>} : memref<128x128xf32, #tpu.memory_space<vmem>>, vector<1x16xf32>,
          %get3A_162 = arith.index_cast %add3A_152 : i32 to index
          %get3A_163 = arith.constant 16 : index
          %get3A_164 = tpu.vector_load %arg10[%get3A_162, %get3A_163] {strides = array<i32>} : memref<128x128xf32, #tpu.memory_space<vmem>>, vector<1x16xf32>,
          %get3A_165 = vector.shape_cast %get3A_164 : vector<1x16xf32> to vector<16xf32>
          %mul3A_166 = arith.mulf %get3A_165, %gather3A_148 : vector<16xf32>
          %swap3A_167 = arith.index_cast %add3A_152 : i32 to index
          %swap3A_168 = arith.constant 16 : index
          %swap3A_169 = tpu.vector_load %arg10[%swap3A_167, %swap3A_168] {strides = array<i32>} : memref<128x128xf32, #tpu.memory_space<vmem>>, vector<1x16xf32>,
          %swap3A_170 = vector.shape_cast %swap3A_169 : vector<1x16xf32> to vector<16xf32>
          %swap3A_171 = vector.shape_cast %mul3A_166 : vector<16xf32> to vector<1x16xf32>
          tpu.vector_store %arg10[%swap3A_167, %swap3A_168], %swap3A_171 {strides = array<i32>} : memref<128x128xf32, #tpu.memory_space<vmem>>, vector<1x16xf32>,
          %get3A_172 = arith.index_cast %add3A_152 : i32 to index
          %get3A_173 = arith.constant 32 : index
          %get3A_174 = tpu.vector_load %arg10[%get3A_172, %get3A_173] {strides = array<i32>} : memref<128x128xf32, #tpu.memory_space<vmem>>, vector<1x16xf32>,
          %get3A_175 = vector.shape_cast %get3A_174 : vector<1x16xf32> to vector<16xf32>
          %mul3A_176 = arith.mulf %get3A_175, %gather3A_148 : vector<16xf32>
          %swap3A_177 = arith.index_cast %add3A_152 : i32 to index
          %swap3A_178 = arith.constant 32 : index
          %swap3A_179 = tpu.vector_load %arg10[%swap3A_177, %swap3A_178] {strides = array<i32>} : memref<128x128xf32, #tpu.memory_space<vmem>>, vector<1x16xf32>,
          %swap3A_180 = vector.shape_cast %swap3A_179 : vector<1x16xf32> to vector<16xf32>
          %swap3A_181 = vector.shape_cast %mul3A_176 : vector<16xf32> to vector<1x16xf32>
          tpu.vector_store %arg10[%swap3A_177, %swap3A_178], %swap3A_181 {strides = array<i32>} : memref<128x128xf32, #tpu.memory_space<vmem>>, vector<1x16xf32>,
          %get3A_182 = arith.index_cast %add3A_152 : i32 to index
          %get3A_183 = arith.constant 48 : index
          %get3A_184 = tpu.vector_load %arg10[%get3A_182, %get3A_183] {strides = array<i32>} : memref<128x128xf32, #tpu.memory_space<vmem>>, vector<1x16xf32>,
          %get3A_185 = vector.shape_cast %get3A_184 : vector<1x16xf32> to vector<16xf32>
          %mul3A_186 = arith.mulf %get3A_185, %gather3A_148 : vector<16xf32>
          %swap3A_187 = arith.index_cast %add3A_152 : i32 to index
          %swap3A_188 = arith.constant 48 : index
          %swap3A_189 = tpu.vector_load %arg10[%swap3A_187, %swap3A_188] {strides = array<i32>} : memref<128x128xf32, #tpu.memory_space<vmem>>, vector<1x16xf32>,
          %swap3A_190 = vector.shape_cast %swap3A_189 : vector<1x16xf32> to vector<16xf32>
          %swap3A_191 = vector.shape_cast %mul3A_186 : vector<16xf32> to vector<1x16xf32>
          tpu.vector_store %arg10[%swap3A_187, %swap3A_188], %swap3A_191 {strides = array<i32>} : memref<128x128xf32, #tpu.memory_space<vmem>>, vector<1x16xf32>,
          %get3A_192 = arith.index_cast %add3A_152 : i32 to index
          %get3A_193 = arith.constant 64 : index
          %get3A_194 = tpu.vector_load %arg10[%get3A_192, %get3A_193] {strides = array<i32>} : memref<128x128xf32, #tpu.memory_space<vmem>>, vector<1x16xf32>,
          %get3A_195 = vector.shape_cast %get3A_194 : vector<1x16xf32> to vector<16xf32>
          %mul3A_196 = arith.mulf %get3A_195, %gather3A_148 : vector<16xf32>
          %swap3A_197 = arith.index_cast %add3A_152 : i32 to index
          %swap3A_198 = arith.constant 64 : index
          %swap3A_199 = tpu.vector_load %arg10[%swap3A_197, %swap3A_198] {strides = array<i32>} : memref<128x128xf32, #tpu.memory_space<vmem>>, vector<1x16xf32>,
          %swap3A_200 = vector.shape_cast %swap3A_199 : vector<1x16xf32> to vector<16xf32>
          %swap3A_201 = vector.shape_cast %mul3A_196 : vector<16xf32> to vector<1x16xf32>
          tpu.vector_store %arg10[%swap3A_197, %swap3A_198], %swap3A_201 {strides = array<i32>} : memref<128x128xf32, #tpu.memory_space<vmem>>, vector<1x16xf32>,
          %get3A_202 = arith.index_cast %add3A_152 : i32 to index
          %get3A_203 = arith.constant 80 : index
          %get3A_204 = tpu.vector_load %arg10[%get3A_202, %get3A_203] {strides = array<i32>} : memref<128x128xf32, #tpu.memory_space<vmem>>, vector<1x16xf32>,
          %get3A_205 = vector.shape_cast %get3A_204 : vector<1x16xf32> to vector<16xf32>
          %mul3A_206 = arith.mulf %get3A_205, %gather3A_148 : vector<16xf32>
          %swap3A_207 = arith.index_cast %add3A_152 : i32 to index
          %swap3A_208 = arith.constant 80 : index
          %swap3A_209 = tpu.vector_load %arg10[%swap3A_207, %swap3A_208] {strides = array<i32>} : memref<128x128xf32, #tpu.memory_space<vmem>>, vector<1x16xf32>,
          %swap3A_210 = vector.shape_cast %swap3A_209 : vector<1x16xf32> to vector<16xf32>
          %swap3A_211 = vector.shape_cast %mul3A_206 : vector<16xf32> to vector<1x16xf32>
          tpu.vector_store %arg10[%swap3A_207, %swap3A_208], %swap3A_211 {strides = array<i32>} : memref<128x128xf32, #tpu.memory_space<vmem>>, vector<1x16xf32>,
          %get3A_212 = arith.index_cast %add3A_152 : i32 to index
          %get3A_213 = arith.constant 96 : index
          %get3A_214 = tpu.vector_load %arg10[%get3A_212, %get3A_213] {strides = array<i32>} : memref<128x128xf32, #tpu.memory_space<vmem>>, vector<1x16xf32>,
          %get3A_215 = vector.shape_cast %get3A_214 : vector<1x16xf32> to vector<16xf32>
          %mul3A_216 = arith.mulf %get3A_215, %gather3A_148 : vector<16xf32>
          %swap3A_217 = arith.index_cast %add3A_152 : i32 to index
          %swap3A_218 = arith.constant 96 : index
          %swap3A_219 = tpu.vector_load %arg10[%swap3A_217, %swap3A_218] {strides = array<i32>} : memref<128x128xf32, #tpu.memory_space<vmem>>, vector<1x16xf32>,
          %swap3A_220 = vector.shape_cast %swap3A_219 : vector<1x16xf32> to vector<16xf32>
          %swap3A_221 = vector.shape_cast %mul3A_216 : vector<16xf32> to vector<1x16xf32>
          tpu.vector_store %arg10[%swap3A_217, %swap3A_218], %swap3A_221 {strides = array<i32>} : memref<128x128xf32, #tpu.memory_space<vmem>>, vector<1x16xf32>,
          %get3A_222 = arith.index_cast %add3A_152 : i32 to index
          %get3A_223 = arith.constant 112 : index
          %get3A_224 = tpu.vector_load %arg10[%get3A_222, %get3A_223] {strides = array<i32>} : memref<128x128xf32, #tpu.memory_space<vmem>>, vector<1x16xf32>,
          %get3A_225 = vector.shape_cast %get3A_224 : vector<1x16xf32> to vector<16xf32>
          %mul3A_226 = arith.mulf %get3A_225, %gather3A_148 : vector<16xf32>
          %swap3A_227 = arith.index_cast %add3A_152 : i32 to index
          %swap3A_228 = arith.constant 112 : index
          %swap3A_229 = tpu.vector_load %arg10[%swap3A_227, %swap3A_228] {strides = array<i32>} : memref<128x128xf32, #tpu.memory_space<vmem>>, vector<1x16xf32>,
          %swap3A_230 = vector.shape_cast %swap3A_229 : vector<1x16xf32> to vector<16xf32>
          %swap3A_231 = vector.shape_cast %mul3A_226 : vector<16xf32> to vector<1x16xf32>
          tpu.vector_store %arg10[%swap3A_227, %swap3A_228], %swap3A_231 {strides = array<i32>} : memref<128x128xf32, #tpu.memory_space<vmem>>, vector<1x16xf32>,
          %broadcast_in_dim3A_232 = arith.constant 1 : i32
          %broadcast_in_dim3A_233 = vector.broadcast %broadcast_in_dim3A_232 : i32 to vector<16xi32>
          %lt3A_234 = arith.constant 0 : i32
          %lt3A_235 = vector.broadcast %lt3A_234 : i32 to vector<16xi32>
          %lt3A_236 = arith.cmpi slt, %broadcast_in_dim3A_233, %lt3A_235 : vector<16xi32>
          %add3A_237 = arith.constant 16 : i32
          %add3A_238 = vector.broadcast %add3A_237 : i32 to vector<16xi32>
          %add3A_239 = arith.addi %broadcast_in_dim3A_233, %add3A_238 : vector<16xi32>
          %select_n3A_240 = arith.select %lt3A_236, %add3A_239, %broadcast_in_dim3A_233 : vector<16xi1>, vector<16xi32>
          %broadcast_in_dim3A_241 = vector.shape_cast %select_n3A_240 : vector<16xi32> to vector<16x1xi32>
          %gather3A_242 = vector.shape_cast %broadcast_in_dim3A_241 : vector<16x1xi32> to vector<16xi32>
          %gather3A_243 = tpu.dynamic_gather %get3A_138[%gather3A_242] in [0] : vector<16xf32>, vector<16xi32> -> vector<16xf32>
          %mul3A_244 = arith.constant 16 : i32
          %mul3A_245 = arith.muli %scan3A_132, %mul3A_244 : i32
          %add3A_246 = arith.constant 1 : i32
          %add3A_247 = arith.addi %mul3A_245, %add3A_246 : i32
          %get3A_248 = arith.index_cast %add3A_247 : i32 to index
          %get3A_249 = arith.constant 0 : index
          %get3A_250 = tpu.vector_load %arg10[%get3A_248, %get3A_249] {strides = array<i32>} : memref<128x128xf32, #tpu.memory_space<vmem>>, vector<1x16xf32>,
          %get3A_251 = vector.shape_cast %get3A_250 : vector<1x16xf32> to vector<16xf32>
          %mul3A_252 = arith.mulf %get3A_251, %gather3A_243 : vector<16xf32>
          %swap3A_253 = arith.index_cast %add3A_247 : i32 to index
          %swap3A_254 = arith.constant 0 : index
          %swap3A_255 = tpu.vector_load %arg10[%swap3A_253, %swap3A_254] {strides = array<i32>} : memref<128x128xf32, #tpu.memory_space<vmem>>, vector<1x16xf32>,
          %swap3A_256 = vector.shape_cast %swap3A_255 : vector<1x16xf32> to vector<16xf32>
          %swap3A_257 = vector.shape_cast %mul3A_252 : vector<16xf32> to vector<1x16xf32>
          tpu.vector_store %arg10[%swap3A_253, %swap3A_254], %swap3A_257 {strides = array<i32>} : memref<128x128xf32, #tpu.memory_space<vmem>>, vector<1x16xf32>,
          %get3A_258 = arith.index_cast %add3A_247 : i32 to index
          %get3A_259 = arith.constant 16 : index
          %get3A_260 = tpu.vector_load %arg10[%get3A_258, %get3A_259] {strides = array<i32>} : memref<128x128xf32, #tpu.memory_space<vmem>>, vector<1x16xf32>,
          %get3A_261 = vector.shape_cast %get3A_260 : vector<1x16xf32> to vector<16xf32>
          %mul3A_262 = arith.mulf %get3A_261, %gather3A_243 : vector<16xf32>
          %swap3A_263 = arith.index_cast %add3A_247 : i32 to index
          %swap3A_264 = arith.constant 16 : index
          %swap3A_265 = tpu.vector_load %arg10[%swap3A_263, %swap3A_264] {strides = array<i32>} : memref<128x128xf32, #tpu.memory_space<vmem>>, vector<1x16xf32>,
          %swap3A_266 = vector.shape_cast %swap3A_265 : vector<1x16xf32> to vector<16xf32>
          %swap3A_267 = vector.shape_cast %mul3A_262 : vector<16xf32> to vector<1x16xf32>
          tpu.vector_store %arg10[%swap3A_263, %swap3A_264], %swap3A_267 {strides = array<i32>} : memref<128x128xf32, #tpu.memory_space<vmem>>, vector<1x16xf32>,
          %get3A_268 = arith.index_cast %add3A_247 : i32 to index
          %get3A_269 = arith.constant 32 : index
          %get3A_270 = tpu.vector_load %arg10[%get3A_268, %get3A_269] {strides = array<i32>} : memref<128x128xf32, #tpu.memory_space<vmem>>, vector<1x16xf32>,
          %get3A_271 = vector.shape_cast %get3A_270 : vector<1x16xf32> to vector<16xf32>
          %mul3A_272 = arith.mulf %get3A_271, %gather3A_243 : vector<16xf32>
          %swap3A_273 = arith.index_cast %add3A_247 : i32 to index
          %swap3A_274 = arith.constant 32 : index
          %swap3A_275 = tpu.vector_load %arg10[%swap3A_273, %swap3A_274] {strides = array<i32>} : memref<128x128xf32, #tpu.memory_space<vmem>>, vector<1x16xf32>,
          %swap3A_276 = vector.shape_cast %swap3A_275 : vector<1x16xf32> to vector<16xf32>
          %swap3A_277 = vector.shape_cast %mul3A_272 : vector<16xf32> to vector<1x16xf32>
          tpu.vector_store %arg10[%swap3A_273, %swap3A_274], %swap3A_277 {strides = array<i32>} : memref<128x128xf32, #tpu.memory_space<vmem>>, vector<1x16xf32>,
          %get3A_278 = arith.index_cast %add3A_247 : i32 to index
          %get3A_279 = arith.constant 48 : index
          %get3A_280 = tpu.vector_load %arg10[%get3A_278, %get3A_279] {strides = array<i32>} : memref<128x128xf32, #tpu.memory_space<vmem>>, vector<1x16xf32>,
          %get3A_281 = vector.shape_cast %get3A_280 : vector<1x16xf32> to vector<16xf32>
          %mul3A_282 = arith.mulf %get3A_281, %gather3A_243 : vector<16xf32>
          %swap3A_283 = arith.index_cast %add3A_247 : i32 to index
          %swap3A_284 = arith.constant 48 : index
          %swap3A_285 = tpu.vector_load %arg10[%swap3A_283, %swap3A_284] {strides = array<i32>} : memref<128x128xf32, #tpu.memory_space<vmem>>, vector<1x16xf32>,
          %swap3A_286 = vector.shape_cast %swap3A_285 : vector<1x16xf32> to vector<16xf32>
          %swap3A_287 = vector.shape_cast %mul3A_282 : vector<16xf32> to vector<1x16xf32>
          tpu.vector_store %arg10[%swap3A_283, %swap3A_284], %swap3A_287 {strides = array<i32>} : memref<128x128xf32, #tpu.memory_space<vmem>>, vector<1x16xf32>,
          %get3A_288 = arith.index_cast %add3A_247 : i32 to index
          %get3A_289 = arith.constant 64 : index
          %get3A_290 = tpu.vector_load %arg10[%get3A_288, %get3A_289] {strides = array<i32>} : memref<128x128xf32, #tpu.memory_space<vmem>>, vector<1x16xf32>,
          %get3A_291 = vector.shape_cast %get3A_290 : vector<1x16xf32> to vector<16xf32>
          %mul3A_292 = arith.mulf %get3A_291, %gather3A_243 : vector<16xf32>
          %swap3A_293 = arith.index_cast %add3A_247 : i32 to index
          %swap3A_294 = arith.constant 64 : index
          %swap3A_295 = tpu.vector_load %arg10[%swap3A_293, %swap3A_294] {strides = array<i32>} : memref<128x128xf32, #tpu.memory_space<vmem>>, vector<1x16xf32>,
          %swap3A_296 = vector.shape_cast %swap3A_295 : vector<1x16xf32> to vector<16xf32>
          %swap3A_297 = vector.shape_cast %mul3A_292 : vector<16xf32> to vector<1x16xf32>
          tpu.vector_store %arg10[%swap3A_293, %swap3A_294], %swap3A_297 {strides = array<i32>} : memref<128x128xf32, #tpu.memory_space<vmem>>, vector<1x16xf32>,
          %get3A_298 = arith.index_cast %add3A_247 : i32 to index
          %get3A_299 = arith.constant 80 : index
          %get3A_300 = tpu.vector_load %arg10[%get3A_298, %get3A_299] {strides = array<i32>} : memref<128x128xf32, #tpu.memory_space<vmem>>, vector<1x16xf32>,
          %get3A_301 = vector.shape_cast %get3A_300 : vector<1x16xf32> to vector<16xf32>
          %mul3A_302 = arith.mulf %get3A_301, %gather3A_243 : vector<16xf32>
          %swap3A_303 = arith.index_cast %add3A_247 : i32 to index
          %swap3A_304 = arith.constant 80 : index
          %swap3A_305 = tpu.vector_load %arg10[%swap3A_303, %swap3A_304] {strides = array<i32>} : memref<128x128xf32, #tpu.memory_space<vmem>>, vector<1x16xf32>,
          %swap3A_306 = vector.shape_cast %swap3A_305 : vector<1x16xf32> to vector<16xf32>
          %swap3A_307 = vector.shape_cast %mul3A_302 : vector<16xf32> to vector<1x16xf32>
          tpu.vector_store %arg10[%swap3A_303, %swap3A_304], %swap3A_307 {strides = array<i32>} : memref<128x128xf32, #tpu.memory_space<vmem>>, vector<1x16xf32>,
          %get3A_308 = arith.index_cast %add3A_247 : i32 to index
          %get3A_309 = arith.constant 96 : index
          %get3A_310 = tpu.vector_load %arg10[%get3A_308, %get3A_309] {strides = array<i32>} : memref<128x128xf32, #tpu.memory_space<vmem>>, vector<1x16xf32>,
          %get3A_311 = vector.shape_cast %get3A_310 : vector<1x16xf32> to vector<16xf32>
          %mul3A_312 = arith.mulf %get3A_311, %gather3A_243 : vector<16xf32>
          %swap3A_313 = arith.index_cast %add3A_247 : i32 to index
          %swap3A_314 = arith.constant 96 : index
          %swap3A_315 = tpu.vector_load %arg10[%swap3A_313, %swap3A_314] {strides = array<i32>} : memref<128x128xf32, #tpu.memory_space<vmem>>, vector<1x16xf32>,
          %swap3A_316 = vector.shape_cast %swap3A_315 : vector<1x16xf32> to vector<16xf32>
          %swap3A_317 = vector.shape_cast %mul3A_312 : vector<16xf32> to vector<1x16xf32>
          tpu.vector_store %arg10[%swap3A_313, %swap3A_314], %swap3A_317 {strides = array<i32>} : memref<128x128xf32, #tpu.memory_space<vmem>>, vector<1x16xf32>,
          %get3A_318 = arith.index_cast %add3A_247 : i32 to index
          %get3A_319 = arith.constant 112 : index
          %get3A_320 = tpu.vector_load %arg10[%get3A_318, %get3A_319] {strides = array<i32>} : memref<128x128xf32, #tpu.memory_space<vmem>>, vector<1x16xf32>,
          %get3A_321 = vector.shape_cast %get3A_320 : vector<1x16xf32> to vector<16xf32>
          %mul3A_322 = arith.mulf %get3A_321, %gather3A_243 : vector<16xf32>
          %swap3A_323 = arith.index_cast %add3A_247 : i32 to index
          %swap3A_324 = arith.constant 112 : index
          %swap3A_325 = tpu.vector_load %arg10[%swap3A_323, %swap3A_324] {strides = array<i32>} : memref<128x128xf32, #tpu.memory_space<vmem>>, vector<1x16xf32>,
          %swap3A_326 = vector.shape_cast %swap3A_325 : vector<1x16xf32> to vector<16xf32>
          %swap3A_327 = vector.shape_cast %mul3A_322 : vector<16xf32> to vector<1x16xf32>
          tpu.vector_store %arg10[%swap3A_323, %swap3A_324], %swap3A_327 {strides = array<i32>} : memref<128x128xf32, #tpu.memory_space<vmem>>, vector<1x16xf32>,
          %broadcast_in_dim3A_328 = arith.constant 2 : i32
          %broadcast_in_dim3A_329 = vector.broadcast %broadcast_in_dim3A_328 : i32 to vector<16xi32>
          %lt3A_330 = arith.constant 0 : i32
          %lt3A_331 = vector.broadcast %lt3A_330 : i32 to vector<16xi32>
          %lt3A_332 = arith.cmpi slt, %broadcast_in_dim3A_329, %lt3A_331 : vector<16xi32>
          %add3A_333 = arith.constant 16 : i32
          %add3A_334 = vector.broadcast %add3A_333 : i32 to vector<16xi32>
          %add3A_335 = arith.addi %broadcast_in_dim3A_329, %add3A_334 : vector<16xi32>
          %select_n3A_336 = arith.select %lt3A_332, %add3A_335, %broadcast_in_dim3A_329 : vector<16xi1>, vector<16xi32>
          %broadcast_in_dim3A_337 = vector.shape_cast %select_n3A_336 : vector<16xi32> to vector<16x1xi32>
          %gather3A_338 = vector.shape_cast %broadcast_in_dim3A_337 : vector<16x1xi32> to vector<16xi32>
          %gather3A_339 = tpu.dynamic_gather %get3A_138[%gather3A_338] in [0] : vector<16xf32>, vector<16xi32> -> vector<16xf32>
          %mul3A_340 = arith.constant 16 : i32
          %mul3A_341 = arith.muli %scan3A_132, %mul3A_340 : i32
          %add3A_342 = arith.constant 2 : i32
          %add3A_343 = arith.addi %mul3A_341, %add3A_342 : i32
          %get3A_344 = arith.index_cast %add3A_343 : i32 to index
          %get3A_345 = arith.constant 0 : index
          %get3A_346 = tpu.vector_load %arg10[%get3A_344, %get3A_345] {strides = array<i32>} : memref<128x128xf32, #tpu.memory_space<vmem>>, vector<1x16xf32>,
          %get3A_347 = vector.shape_cast %get3A_346 : vector<1x16xf32> to vector<16xf32>
          %mul3A_348 = arith.mulf %get3A_347, %gather3A_339 : vector<16xf32>
          %swap3A_349 = arith.index_cast %add3A_343 : i32 to index
          %swap3A_350 = arith.constant 0 : index
          %swap3A_351 = tpu.vector_load %arg10[%swap3A_349, %swap3A_350] {strides = array<i32>} : memref<128x128xf32, #tpu.memory_space<vmem>>, vector<1x16xf32>,
          %swap3A_352 = vector.shape_cast %swap3A_351 : vector<1x16xf32> to vector<16xf32>
          %swap3A_353 = vector.shape_cast %mul3A_348 : vector<16xf32> to vector<1x16xf32>
          tpu.vector_store %arg10[%swap3A_349, %swap3A_350], %swap3A_353 {strides = array<i32>} : memref<128x128xf32, #tpu.memory_space<vmem>>, vector<1x16xf32>,
          %get3A_354 = arith.index_cast %add3A_343 : i32 to index
          %get3A_355 = arith.constant 16 : index
          %get3A_356 = tpu.vector_load %arg10[%get3A_354, %get3A_355] {strides = array<i32>} : memref<128x128xf32, #tpu.memory_space<vmem>>, vector<1x16xf32>,
          %get3A_357 = vector.shape_cast %get3A_356 : vector<1x16xf32> to vector<16xf32>
          %mul3A_358 = arith.mulf %get3A_357, %gather3A_339 : vector<16xf32>
          %swap3A_359 = arith.index_cast %add3A_343 : i32 to index
          %swap3A_360 = arith.constant 16 : index
          %swap3A_361 = tpu.vector_load %arg10[%swap3A_359, %swap3A_360] {strides = array<i32>} : memref<128x128xf32, #tpu.memory_space<vmem>>, vector<1x16xf32>,
          %swap3A_362 = vector.shape_cast %swap3A_361 : vector<1x16xf32> to vector<16xf32>
          %swap3A_363 = vector.shape_cast %mul3A_358 : vector<16xf32> to vector<1x16xf32>
          tpu.vector_store %arg10[%swap3A_359, %swap3A_360], %swap3A_363 {strides = array<i32>} : memref<128x128xf32, #tpu.memory_space<vmem>>, vector<1x16xf32>,
          %get3A_364 = arith.index_cast %add3A_343 : i32 to index
          %get3A_365 = arith.constant 32 : index
          %get3A_366 = tpu.vector_load %arg10[%get3A_364, %get3A_365] {strides = array<i32>} : memref<128x128xf32, #tpu.memory_space<vmem>>, vector<1x16xf32>,
          %get3A_367 = vector.shape_cast %get3A_366 : vector<1x16xf32> to vector<16xf32>
          %mul3A_368 = arith.mulf %get3A_367, %gather3A_339 : vector<16xf32>
          %swap3A_369 = arith.index_cast %add3A_343 : i32 to index
          %swap3A_370 = arith.constant 32 : index
          %swap3A_371 = tpu.vector_load %arg10[%swap3A_369, %swap3A_370] {strides = array<i32>} : memref<128x128xf32, #tpu.memory_space<vmem>>, vector<1x16xf32>,
          %swap3A_372 = vector.shape_cast %swap3A_371 : vector<1x16xf32> to vector<16xf32>
          %swap3A_373 = vector.shape_cast %mul3A_368 : vector<16xf32> to vector<1x16xf32>
          tpu.vector_store %arg10[%swap3A_369, %swap3A_370], %swap3A_373 {strides = array<i32>} : memref<128x128xf32, #tpu.memory_space<vmem>>, vector<1x16xf32>,
          %get3A_374 = arith.index_cast %add3A_343 : i32 to index
          %get3A_375 = arith.constant 48 : index
          %get3A_376 = tpu.vector_load %arg10[%get3A_374, %get3A_375] {strides = array<i32>} : memref<128x128xf32, #tpu.memory_space<vmem>>, vector<1x16xf32>,
          %get3A_377 = vector.shape_cast %get3A_376 : vector<1x16xf32> to vector<16xf32>
          %mul3A_378 = arith.mulf %get3A_377, %gather3A_339 : vector<16xf32>
          %swap3A_379 = arith.index_cast %add3A_343 : i32 to index
          %swap3A_380 = arith.constant 48 : index
          %swap3A_381 = tpu.vector_load %arg10[%swap3A_379, %swap3A_380] {strides = array<i32>} : memref<128x128xf32, #tpu.memory_space<vmem>>, vector<1x16xf32>,
          %swap3A_382 = vector.shape_cast %swap3A_381 : vector<1x16xf32> to vector<16xf32>
          %swap3A_383 = vector.shape_cast %mul3A_378 : vector<16xf32> to vector<1x16xf32>
          tpu.vector_store %arg10[%swap3A_379, %swap3A_380], %swap3A_383 {strides = array<i32>} : memref<128x128xf32, #tpu.memory_space<vmem>>, vector<1x16xf32>,
          %get3A_384 = arith.index_cast %add3A_343 : i32 to index
          %get3A_385 = arith.constant 64 : index
          %get3A_386 = tpu.vector_load %arg10[%get3A_384, %get3A_385] {strides = array<i32>} : memref<128x128xf32, #tpu.memory_space<vmem>>, vector<1x16xf32>,
          %get3A_387 = vector.shape_cast %get3A_386 : vector<1x16xf32> to vector<16xf32>
          %mul3A_388 = arith.mulf %get3A_387, %gather3A_339 : vector<16xf32>
          %swap3A_389 = arith.index_cast %add3A_343 : i32 to index
          %swap3A_390 = arith.constant 64 : index
          %swap3A_391 = tpu.vector_load %arg10[%swap3A_389, %swap3A_390] {strides = array<i32>} : memref<128x128xf32, #tpu.memory_space<vmem>>, vector<1x16xf32>,
          %swap3A_392 = vector.shape_cast %swap3A_391 : vector<1x16xf32> to vector<16xf32>
          %swap3A_393 = vector.shape_cast %mul3A_388 : vector<16xf32> to vector<1x16xf32>
          tpu.vector_store %arg10[%swap3A_389, %swap3A_390], %swap3A_393 {strides = array<i32>} : memref<128x128xf32, #tpu.memory_space<vmem>>, vector<1x16xf32>,
          %get3A_394 = arith.index_cast %add3A_343 : i32 to index
          %get3A_395 = arith.constant 80 : index
          %get3A_396 = tpu.vector_load %arg10[%get3A_394, %get3A_395] {strides = array<i32>} : memref<128x128xf32, #tpu.memory_space<vmem>>, vector<1x16xf32>,
          %get3A_397 = vector.shape_cast %get3A_396 : vector<1x16xf32> to vector<16xf32>
          %mul3A_398 = arith.mulf %get3A_397, %gather3A_339 : vector<16xf32>
          %swap3A_399 = arith.index_cast %add3A_343 : i32 to index
          %swap3A_400 = arith.constant 80 : index
          %swap3A_401 = tpu.vector_load %arg10[%swap3A_399, %swap3A_400] {strides = array<i32>} : memref<128x128xf32, #tpu.memory_space<vmem>>, vector<1x16xf32>,
          %swap3A_402 = vector.shape_cast %swap3A_401 : vector<1x16xf32> to vector<16xf32>
          %swap3A_403 = vector.shape_cast %mul3A_398 : vector<16xf32> to vector<1x16xf32>
          tpu.vector_store %arg10[%swap3A_399, %swap3A_400], %swap3A_403 {strides = array<i32>} : memref<128x128xf32, #tpu.memory_space<vmem>>, vector<1x16xf32>,
          %get3A_404 = arith.index_cast %add3A_343 : i32 to index
          %get3A_405 = arith.constant 96 : index
          %get3A_406 = tpu.vector_load %arg10[%get3A_404, %get3A_405] {strides = array<i32>} : memref<128x128xf32, #tpu.memory_space<vmem>>, vector<1x16xf32>,
          %get3A_407 = vector.shape_cast %get3A_406 : vector<1x16xf32> to vector<16xf32>
          %mul3A_408 = arith.mulf %get3A_407, %gather3A_339 : vector<16xf32>
          %swap3A_409 = arith.index_cast %add3A_343 : i32 to index
          %swap3A_410 = arith.constant 96 : index
          %swap3A_411 = tpu.vector_load %arg10[%swap3A_409, %swap3A_410] {strides = array<i32>} : memref<128x128xf32, #tpu.memory_space<vmem>>, vector<1x16xf32>,
          %swap3A_412 = vector.shape_cast %swap3A_411 : vector<1x16xf32> to vector<16xf32>
          %swap3A_413 = vector.shape_cast %mul3A_408 : vector<16xf32> to vector<1x16xf32>
          tpu.vector_store %arg10[%swap3A_409, %swap3A_410], %swap3A_413 {strides = array<i32>} : memref<128x128xf32, #tpu.memory_space<vmem>>, vector<1x16xf32>,
          %get3A_414 = arith.index_cast %add3A_343 : i32 to index
          %get3A_415 = arith.constant 112 : index
          %get3A_416 = tpu.vector_load %arg10[%get3A_414, %get3A_415] {strides = array<i32>} : memref<128x128xf32, #tpu.memory_space<vmem>>, vector<1x16xf32>,
          %get3A_417 = vector.shape_cast %get3A_416 : vector<1x16xf32> to vector<16xf32>
          %mul3A_418 = arith.mulf %get3A_417, %gather3A_339 : vector<16xf32>
          %swap3A_419 = arith.index_cast %add3A_343 : i32 to index
          %swap3A_420 = arith.constant 112 : index
          %swap3A_421 = tpu.vector_load %arg10[%swap3A_419, %swap3A_420] {strides = array<i32>} : memref<128x128xf32, #tpu.memory_space<vmem>>, vector<1x16xf32>,
          %swap3A_422 = vector.shape_cast %swap3A_421 : vector<1x16xf32> to vector<16xf32>
          %swap3A_423 = vector.shape_cast %mul3A_418 : vector<16xf32> to vector<1x16xf32>
          tpu.vector_store %arg10[%swap3A_419, %swap3A_420], %swap3A_423 {strides = array<i32>} : memref<128x128xf32, #tpu.memory_space<vmem>>, vector<1x16xf32>,
          %broadcast_in_dim3A_424 = arith.constant 3 : i32
          %broadcast_in_dim3A_425 = vector.broadcast %broadcast_in_dim3A_424 : i32 to vector<16xi32>
          %lt3A_426 = arith.constant 0 : i32
          %lt3A_427 = vector.broadcast %lt3A_426 : i32 to vector<16xi32>
          %lt3A_428 = arith.cmpi slt, %broadcast_in_dim3A_425, %lt3A_427 : vector<16xi32>
          %add3A_429 = arith.constant 16 : i32
          %add3A_430 = vector.broadcast %add3A_429 : i32 to vector<16xi32>
          %add3A_431 = arith.addi %broadcast_in_dim3A_425, %add3A_430 : vector<16xi32>
          %select_n3A_432 = arith.select %lt3A_428, %add3A_431, %broadcast_in_dim3A_425 : vector<16xi1>, vector<16xi32>
          %broadcast_in_dim3A_433 = vector.shape_cast %select_n3A_432 : vector<16xi32> to vector<16x1xi32>
          %gather3A_434 = vector.shape_cast %broadcast_in_dim3A_433 : vector<16x1xi32> to vector<16xi32>
          %gather3A_435 = tpu.dynamic_gather %get3A_138[%gather3A_434] in [0] : vector<16xf32>, vector<16xi32> -> vector<16xf32>
          %mul3A_436 = arith.constant 16 : i32
          %mul3A_437 = arith.muli %scan3A_132, %mul3A_436 : i32
          %add3A_438 = arith.constant 3 : i32
          %add3A_439 = arith.addi %mul3A_437, %add3A_438 : i32
          %get3A_440 = arith.index_cast %add3A_439 : i32 to index
          %get3A_441 = arith.constant 0 : index
          %get3A_442 = tpu.vector_load %arg10[%get3A_440, %get3A_441] {strides = array<i32>} : memref<128x128xf32, #tpu.memory_space<vmem>>, vector<1x16xf32>,
          %get3A_443 = vector.shape_cast %get3A_442 : vector<1x16xf32> to vector<16xf32>
          %mul3A_444 = arith.mulf %get3A_443, %gather3A_435 : vector<16xf32>
          %swap3A_445 = arith.index_cast %add3A_439 : i32 to index
          %swap3A_446 = arith.constant 0 : index
          %swap3A_447 = tpu.vector_load %arg10[%swap3A_445, %swap3A_446] {strides = array<i32>} : memref<128x128xf32, #tpu.memory_space<vmem>>, vector<1x16xf32>,
          %swap3A_448 = vector.shape_cast %swap3A_447 : vector<1x16xf32> to vector<16xf32>
          %swap3A_449 = vector.shape_cast %mul3A_444 : vector<16xf32> to vector<1x16xf32>
          tpu.vector_store %arg10[%swap3A_445, %swap3A_446], %swap3A_449 {strides = array<i32>} : memref<128x128xf32, #tpu.memory_space<vmem>>, vector<1x16xf32>,
          %get3A_450 = arith.index_cast %add3A_439 : i32 to index
          %get3A_451 = arith.constant 16 : index
          %get3A_452 = tpu.vector_load %arg10[%get3A_450, %get3A_451] {strides = array<i32>} : memref<128x128xf32, #tpu.memory_space<vmem>>, vector<1x16xf32>,
          %get3A_453 = vector.shape_cast %get3A_452 : vector<1x16xf32> to vector<16xf32>
          %mul3A_454 = arith.mulf %get3A_453, %gather3A_435 : vector<16xf32>
          %swap3A_455 = arith.index_cast %add3A_439 : i32 to index
          %swap3A_456 = arith.constant 16 : index
          %swap3A_457 = tpu.vector_load %arg10[%swap3A_455, %swap3A_456] {strides = array<i32>} : memref<128x128xf32, #tpu.memory_space<vmem>>, vector<1x16xf32>,
          %swap3A_458 = vector.shape_cast %swap3A_457 : vector<1x16xf32> to vector<16xf32>
          %swap3A_459 = vector.shape_cast %mul3A_454 : vector<16xf32> to vector<1x16xf32>
          tpu.vector_store %arg10[%swap3A_455, %swap3A_456], %swap3A_459 {strides = array<i32>} : memref<128x128xf32, #tpu.memory_space<vmem>>, vector<1x16xf32>,
          %get3A_460 = arith.index_cast %add3A_439 : i32 to index
          %get3A_461 = arith.constant 32 : index
          %get3A_462 = tpu.vector_load %arg10[%get3A_460, %get3A_461] {strides = array<i32>} : memref<128x128xf32, #tpu.memory_space<vmem>>, vector<1x16xf32>,
          %get3A_463 = vector.shape_cast %get3A_462 : vector<1x16xf32> to vector<16xf32>
          %mul3A_464 = arith.mulf %get3A_463, %gather3A_435 : vector<16xf32>
          %swap3A_465 = arith.index_cast %add3A_439 : i32 to index
          %swap3A_466 = arith.constant 32 : index
          %swap3A_467 = tpu.vector_load %arg10[%swap3A_465, %swap3A_466] {strides = array<i32>} : memref<128x128xf32, #tpu.memory_space<vmem>>, vector<1x16xf32>,
          %swap3A_468 = vector.shape_cast %swap3A_467 : vector<1x16xf32> to vector<16xf32>
          %swap3A_469 = vector.shape_cast %mul3A_464 : vector<16xf32> to vector<1x16xf32>
          tpu.vector_store %arg10[%swap3A_465, %swap3A_466], %swap3A_469 {strides = array<i32>} : memref<128x128xf32, #tpu.memory_space<vmem>>, vector<1x16xf32>,
          %get3A_470 = arith.index_cast %add3A_439 : i32 to index
          %get3A_471 = arith.constant 48 : index
          %get3A_472 = tpu.vector_load %arg10[%get3A_470, %get3A_471] {strides = array<i32>} : memref<128x128xf32, #tpu.memory_space<vmem>>, vector<1x16xf32>,
          %get3A_473 = vector.shape_cast %get3A_472 : vector<1x16xf32> to vector<16xf32>
          %mul3A_474 = arith.mulf %get3A_473, %gather3A_435 : vector<16xf32>
          %swap3A_475 = arith.index_cast %add3A_439 : i32 to index
          %swap3A_476 = arith.constant 48 : index
          %swap3A_477 = tpu.vector_load %arg10[%swap3A_475, %swap3A_476] {strides = array<i32>} : memref<128x128xf32, #tpu.memory_space<vmem>>, vector<1x16xf32>,
          %swap3A_478 = vector.shape_cast %swap3A_477 : vector<1x16xf32> to vector<16xf32>
          %swap3A_479 = vector.shape_cast %mul3A_474 : vector<16xf32> to vector<1x16xf32>
          tpu.vector_store %arg10[%swap3A_475, %swap3A_476], %swap3A_479 {strides = array<i32>} : memref<128x128xf32, #tpu.memory_space<vmem>>, vector<1x16xf32>,
          %get3A_480 = arith.index_cast %add3A_439 : i32 to index
          %get3A_481 = arith.constant 64 : index
          %get3A_482 = tpu.vector_load %arg10[%get3A_480, %get3A_481] {strides = array<i32>} : memref<128x128xf32, #tpu.memory_space<vmem>>, vector<1x16xf32>,
          %get3A_483 = vector.shape_cast %get3A_482 : vector<1x16xf32> to vector<16xf32>
          %mul3A_484 = arith.mulf %get3A_483, %gather3A_435 : vector<16xf32>
          %swap3A_485 = arith.index_cast %add3A_439 : i32 to index
          %swap3A_486 = arith.constant 64 : index
          %swap3A_487 = tpu.vector_load %arg10[%swap3A_485, %swap3A_486] {strides = array<i32>} : memref<128x128xf32, #tpu.memory_space<vmem>>, vector<1x16xf32>,
          %swap3A_488 = vector.shape_cast %swap3A_487 : vector<1x16xf32> to vector<16xf32>
          %swap3A_489 = vector.shape_cast %mul3A_484 : vector<16xf32> to vector<1x16xf32>
          tpu.vector_store %arg10[%swap3A_485, %swap3A_486], %swap3A_489 {strides = array<i32>} : memref<128x128xf32, #tpu.memory_space<vmem>>, vector<1x16xf32>,
          %get3A_490 = arith.index_cast %add3A_439 : i32 to index
          %get3A_491 = arith.constant 80 : index
          %get3A_492 = tpu.vector_load %arg10[%get3A_490, %get3A_491] {strides = array<i32>} : memref<128x128xf32, #tpu.memory_space<vmem>>, vector<1x16xf32>,
          %get3A_493 = vector.shape_cast %get3A_492 : vector<1x16xf32> to vector<16xf32>
          %mul3A_494 = arith.mulf %get3A_493, %gather3A_435 : vector<16xf32>
          %swap3A_495 = arith.index_cast %add3A_439 : i32 to index
          %swap3A_496 = arith.constant 80 : index
          %swap3A_497 = tpu.vector_load %arg10[%swap3A_495, %swap3A_496] {strides = array<i32>} : memref<128x128xf32, #tpu.memory_space<vmem>>, vector<1x16xf32>,
          %swap3A_498 = vector.shape_cast %swap3A_497 : vector<1x16xf32> to vector<16xf32>
          %swap3A_499 = vector.shape_cast %mul3A_494 : vector<16xf32> to vector<1x16xf32>
          tpu.vector_store %arg10[%swap3A_495, %swap3A_496], %swap3A_499 {strides = array<i32>} : memref<128x128xf32, #tpu.memory_space<vmem>>, vector<1x16xf32>,
          %get3A_500 = arith.index_cast %add3A_439 : i32 to index
          %get3A_501 = arith.constant 96 : index
          %get3A_502 = tpu.vector_load %arg10[%get3A_500, %get3A_501] {strides = array<i32>} : memref<128x128xf32, #tpu.memory_space<vmem>>, vector<1x16xf32>,
          %get3A_503 = vector.shape_cast %get3A_502 : vector<1x16xf32> to vector<16xf32>
          %mul3A_504 = arith.mulf %get3A_503, %gather3A_435 : vector<16xf32>
          %swap3A_505 = arith.index_cast %add3A_439 : i32 to index
          %swap3A_506 = arith.constant 96 : index
          %swap3A_507 = tpu.vector_load %arg10[%swap3A_505, %swap3A_506] {strides = array<i32>} : memref<128x128xf32, #tpu.memory_space<vmem>>, vector<1x16xf32>,
          %swap3A_508 = vector.shape_cast %swap3A_507 : vector<1x16xf32> to vector<16xf32>
          %swap3A_509 = vector.shape_cast %mul3A_504 : vector<16xf32> to vector<1x16xf32>
          tpu.vector_store %arg10[%swap3A_505, %swap3A_506], %swap3A_509 {strides = array<i32>} : memref<128x128xf32, #tpu.memory_space<vmem>>, vector<1x16xf32>,
          %get3A_510 = arith.index_cast %add3A_439 : i32 to index
          %get3A_511 = arith.constant 112 : index
          %get3A_512 = tpu.vector_load %arg10[%get3A_510, %get3A_511] {strides = array<i32>} : memref<128x128xf32, #tpu.memory_space<vmem>>, vector<1x16xf32>,
          %get3A_513 = vector.shape_cast %get3A_512 : vector<1x16xf32> to vector<16xf32>
          %mul3A_514 = arith.mulf %get3A_513, %gather3A_435 : vector<16xf32>
          %swap3A_515 = arith.index_cast %add3A_439 : i32 to index
          %swap3A_516 = arith.constant 112 : index
          %swap3A_517 = tpu.vector_load %arg10[%swap3A_515, %swap3A_516] {strides = array<i32>} : memref<128x128xf32, #tpu.memory_space<vmem>>, vector<1x16xf32>,
          %swap3A_518 = vector.shape_cast %swap3A_517 : vector<1x16xf32> to vector<16xf32>
          %swap3A_519 = vector.shape_cast %mul3A_514 : vector<16xf32> to vector<1x16xf32>
          tpu.vector_store %arg10[%swap3A_515, %swap3A_516], %swap3A_519 {strides = array<i32>} : memref<128x128xf32, #tpu.memory_space<vmem>>, vector<1x16xf32>,
          %broadcast_in_dim3A_520 = arith.constant 4 : i32
          %broadcast_in_dim3A_521 = vector.broadcast %broadcast_in_dim3A_520 : i32 to vector<16xi32>
          %lt3A_522 = arith.constant 0 : i32
          %lt3A_523 = vector.broadcast %lt3A_522 : i32 to vector<16xi32>
          %lt3A_524 = arith.cmpi slt, %broadcast_in_dim3A_521, %lt3A_523 : vector<16xi32>
          %add3A_525 = arith.constant 16 : i32
          %add3A_526 = vector.broadcast %add3A_525 : i32 to vector<16xi32>
          %add3A_527 = arith.addi %broadcast_in_dim3A_521, %add3A_526 : vector<16xi32>
          %select_n3A_528 = arith.select %lt3A_524, %add3A_527, %broadcast_in_dim3A_521 : vector<16xi1>, vector<16xi32>
          %broadcast_in_dim3A_529 = vector.shape_cast %select_n3A_528 : vector<16xi32> to vector<16x1xi32>
          %gather3A_530 = vector.shape_cast %broadcast_in_dim3A_529 : vector<16x1xi32> to vector<16xi32>
          %gather3A_531 = tpu.dynamic_gather %get3A_138[%gather3A_530] in [0] : vector<16xf32>, vector<16xi32> -> vector<16xf32>
          %mul3A_532 = arith.constant 16 : i32
          %mul3A_533 = arith.muli %scan3A_132, %mul3A_532 : i32
          %add3A_534 = arith.constant 4 : i32
          %add3A_535 = arith.addi %mul3A_533, %add3A_534 : i32
          %get3A_536 = arith.index_cast %add3A_535 : i32 to index
          %get3A_537 = arith.constant 0 : index
          %get3A_538 = tpu.vector_load %arg10[%get3A_536, %get3A_537] {strides = array<i32>} : memref<128x128xf32, #tpu.memory_space<vmem>>, vector<1x16xf32>,
          %get3A_539 = vector.shape_cast %get3A_538 : vector<1x16xf32> to vector<16xf32>
          %mul3A_540 = arith.mulf %get3A_539, %gather3A_531 : vector<16xf32>
          %swap3A_541 = arith.index_cast %add3A_535 : i32 to index
          %swap3A_542 = arith.constant 0 : index
          %swap3A_543 = tpu.vector_load %arg10[%swap3A_541, %swap3A_542] {strides = array<i32>} : memref<128x128xf32, #tpu.memory_space<vmem>>, vector<1x16xf32>,
          %swap3A_544 = vector.shape_cast %swap3A_543 : vector<1x16xf32> to vector<16xf32>
          %swap3A_545 = vector.shape_cast %mul3A_540 : vector<16xf32> to vector<1x16xf32>
          tpu.vector_store %arg10[%swap3A_541, %swap3A_542], %swap3A_545 {strides = array<i32>} : memref<128x128xf32, #tpu.memory_space<vmem>>, vector<1x16xf32>,
          %get3A_546 = arith.index_cast %add3A_535 : i32 to index
          %get3A_547 = arith.constant 16 : index
          %get3A_548 = tpu.vector_load %arg10[%get3A_546, %get3A_547] {strides = array<i32>} : memref<128x128xf32, #tpu.memory_space<vmem>>, vector<1x16xf32>,
          %get3A_549 = vector.shape_cast %get3A_548 : vector<1x16xf32> to vector<16xf32>
          %mul3A_550 = arith.mulf %get3A_549, %gather3A_531 : vector<16xf32>
          %swap3A_551 = arith.index_cast %add3A_535 : i32 to index
          %swap3A_552 = arith.constant 16 : index
          %swap3A_553 = tpu.vector_load %arg10[%swap3A_551, %swap3A_552] {strides = array<i32>} : memref<128x128xf32, #tpu.memory_space<vmem>>, vector<1x16xf32>,
          %swap3A_554 = vector.shape_cast %swap3A_553 : vector<1x16xf32> to vector<16xf32>
          %swap3A_555 = vector.shape_cast %mul3A_550 : vector<16xf32> to vector<1x16xf32>
          tpu.vector_store %arg10[%swap3A_551, %swap3A_552], %swap3A_555 {strides = array<i32>} : memref<128x128xf32, #tpu.memory_space<vmem>>, vector<1x16xf32>,
          %get3A_556 = arith.index_cast %add3A_535 : i32 to index
          %get3A_557 = arith.constant 32 : index
          %get3A_558 = tpu.vector_load %arg10[%get3A_556, %get3A_557] {strides = array<i32>} : memref<128x128xf32, #tpu.memory_space<vmem>>, vector<1x16xf32>,
          %get3A_559 = vector.shape_cast %get3A_558 : vector<1x16xf32> to vector<16xf32>
          %mul3A_560 = arith.mulf %get3A_559, %gather3A_531 : vector<16xf32>
          %swap3A_561 = arith.index_cast %add3A_535 : i32 to index
          %swap3A_562 = arith.constant 32 : index
          %swap3A_563 = tpu.vector_load %arg10[%swap3A_561, %swap3A_562] {strides = array<i32>} : memref<128x128xf32, #tpu.memory_space<vmem>>, vector<1x16xf32>,
          %swap3A_564 = vector.shape_cast %swap3A_563 : vector<1x16xf32> to vector<16xf32>
          %swap3A_565 = vector.shape_cast %mul3A_560 : vector<16xf32> to vector<1x16xf32>
          tpu.vector_store %arg10[%swap3A_561, %swap3A_562], %swap3A_565 {strides = array<i32>} : memref<128x128xf32, #tpu.memory_space<vmem>>, vector<1x16xf32>,
          %get3A_566 = arith.index_cast %add3A_535 : i32 to index
          %get3A_567 = arith.constant 48 : index
          %get3A_568 = tpu.vector_load %arg10[%get3A_566, %get3A_567] {strides = array<i32>} : memref<128x128xf32, #tpu.memory_space<vmem>>, vector<1x16xf32>,
          %get3A_569 = vector.shape_cast %get3A_568 : vector<1x16xf32> to vector<16xf32>
          %mul3A_570 = arith.mulf %get3A_569, %gather3A_531 : vector<16xf32>
          %swap3A_571 = arith.index_cast %add3A_535 : i32 to index
          %swap3A_572 = arith.constant 48 : index
          %swap3A_573 = tpu.vector_load %arg10[%swap3A_571, %swap3A_572] {strides = array<i32>} : memref<128x128xf32, #tpu.memory_space<vmem>>, vector<1x16xf32>,
          %swap3A_574 = vector.shape_cast %swap3A_573 : vector<1x16xf32> to vector<16xf32>
          %swap3A_575 = vector.shape_cast %mul3A_570 : vector<16xf32> to vector<1x16xf32>
          tpu.vector_store %arg10[%swap3A_571, %swap3A_572], %swap3A_575 {strides = array<i32>} : memref<128x128xf32, #tpu.memory_space<vmem>>, vector<1x16xf32>,
          %get3A_576 = arith.index_cast %add3A_535 : i32 to index
          %get3A_577 = arith.constant 64 : index
          %get3A_578 = tpu.vector_load %arg10[%get3A_576, %get3A_577] {strides = array<i32>} : memref<128x128xf32, #tpu.memory_space<vmem>>, vector<1x16xf32>,
          %get3A_579 = vector.shape_cast %get3A_578 : vector<1x16xf32> to vector<16xf32>
          %mul3A_580 = arith.mulf %get3A_579, %gather3A_531 : vector<16xf32>
          %swap3A_581 = arith.index_cast %add3A_535 : i32 to index
          %swap3A_582 = arith.constant 64 : index
          %swap3A_583 = tpu.vector_load %arg10[%swap3A_581, %swap3A_582] {strides = array<i32>} : memref<128x128xf32, #tpu.memory_space<vmem>>, vector<1x16xf32>,
          %swap3A_584 = vector.shape_cast %swap3A_583 : vector<1x16xf32> to vector<16xf32>
          %swap3A_585 = vector.shape_cast %mul3A_580 : vector<16xf32> to vector<1x16xf32>
          tpu.vector_store %arg10[%swap3A_581, %swap3A_582], %swap3A_585 {strides = array<i32>} : memref<128x128xf32, #tpu.memory_space<vmem>>, vector<1x16xf32>,
          %get3A_586 = arith.index_cast %add3A_535 : i32 to index
          %get3A_587 = arith.constant 80 : index
          %get3A_588 = tpu.vector_load %arg10[%get3A_586, %get3A_587] {strides = array<i32>} : memref<128x128xf32, #tpu.memory_space<vmem>>, vector<1x16xf32>,
          %get3A_589 = vector.shape_cast %get3A_588 : vector<1x16xf32> to vector<16xf32>
          %mul3A_590 = arith.mulf %get3A_589, %gather3A_531 : vector<16xf32>
          %swap3A_591 = arith.index_cast %add3A_535 : i32 to index
          %swap3A_592 = arith.constant 80 : index
          %swap3A_593 = tpu.vector_load %arg10[%swap3A_591, %swap3A_592] {strides = array<i32>} : memref<128x128xf32, #tpu.memory_space<vmem>>, vector<1x16xf32>,
          %swap3A_594 = vector.shape_cast %swap3A_593 : vector<1x16xf32> to vector<16xf32>
          %swap3A_595 = vector.shape_cast %mul3A_590 : vector<16xf32> to vector<1x16xf32>
          tpu.vector_store %arg10[%swap3A_591, %swap3A_592], %swap3A_595 {strides = array<i32>} : memref<128x128xf32, #tpu.memory_space<vmem>>, vector<1x16xf32>,
          %get3A_596 = arith.index_cast %add3A_535 : i32 to index
          %get3A_597 = arith.constant 96 : index
          %get3A_598 = tpu.vector_load %arg10[%get3A_596, %get3A_597] {strides = array<i32>} : memref<128x128xf32, #tpu.memory_space<vmem>>, vector<1x16xf32>,
          %get3A_599 = vector.shape_cast %get3A_598 : vector<1x16xf32> to vector<16xf32>
          %mul3A_600 = arith.mulf %get3A_599, %gather3A_531 : vector<16xf32>
          %swap3A_601 = arith.index_cast %add3A_535 : i32 to index
          %swap3A_602 = arith.constant 96 : index
          %swap3A_603 = tpu.vector_load %arg10[%swap3A_601, %swap3A_602] {strides = array<i32>} : memref<128x128xf32, #tpu.memory_space<vmem>>, vector<1x16xf32>,
          %swap3A_604 = vector.shape_cast %swap3A_603 : vector<1x16xf32> to vector<16xf32>
          %swap3A_605 = vector.shape_cast %mul3A_600 : vector<16xf32> to vector<1x16xf32>
          tpu.vector_store %arg10[%swap3A_601, %swap3A_602], %swap3A_605 {strides = array<i32>} : memref<128x128xf32, #tpu.memory_space<vmem>>, vector<1x16xf32>,
          %get3A_606 = arith.index_cast %add3A_535 : i32 to index
          %get3A_607 = arith.constant 112 : index
          %get3A_608 = tpu.vector_load %arg10[%get3A_606, %get3A_607] {strides = array<i32>} : memref<128x128xf32, #tpu.memory_space<vmem>>, vector<1x16xf32>,
          %get3A_609 = vector.shape_cast %get3A_608 : vector<1x16xf32> to vector<16xf32>
          %mul3A_610 = arith.mulf %get3A_609, %gather3A_531 : vector<16xf32>
          %swap3A_611 = arith.index_cast %add3A_535 : i32 to index
          %swap3A_612 = arith.constant 112 : index
          %swap3A_613 = tpu.vector_load %arg10[%swap3A_611, %swap3A_612] {strides = array<i32>} : memref<128x128xf32, #tpu.memory_space<vmem>>, vector<1x16xf32>,
          %swap3A_614 = vector.shape_cast %swap3A_613 : vector<1x16xf32> to vector<16xf32>
          %swap3A_615 = vector.shape_cast %mul3A_610 : vector<16xf32> to vector<1x16xf32>
          tpu.vector_store %arg10[%swap3A_611, %swap3A_612], %swap3A_615 {strides = array<i32>} : memref<128x128xf32, #tpu.memory_space<vmem>>, vector<1x16xf32>,
          %broadcast_in_dim3A_616 = arith.constant 5 : i32
          %broadcast_in_dim3A_617 = vector.broadcast %broadcast_in_dim3A_616 : i32 to vector<16xi32>
          %lt3A_618 = arith.constant 0 : i32
          %lt3A_619 = vector.broadcast %lt3A_618 : i32 to vector<16xi32>
          %lt3A_620 = arith.cmpi slt, %broadcast_in_dim3A_617, %lt3A_619 : vector<16xi32>
          %add3A_621 = arith.constant 16 : i32
          %add3A_622 = vector.broadcast %add3A_621 : i32 to vector<16xi32>
          %add3A_623 = arith.addi %broadcast_in_dim3A_617, %add3A_622 : vector<16xi32>
          %select_n3A_624 = arith.select %lt3A_620, %add3A_623, %broadcast_in_dim3A_617 : vector<16xi1>, vector<16xi32>
          %broadcast_in_dim3A_625 = vector.shape_cast %select_n3A_624 : vector<16xi32> to vector<16x1xi32>
          %gather3A_626 = vector.shape_cast %broadcast_in_dim3A_625 : vector<16x1xi32> to vector<16xi32>
          %gather3A_627 = tpu.dynamic_gather %get3A_138[%gather3A_626] in [0] : vector<16xf32>, vector<16xi32> -> vector<16xf32>
          %mul3A_628 = arith.constant 16 : i32
          %mul3A_629 = arith.muli %scan3A_132, %mul3A_628 : i32
          %add3A_630 = arith.constant 5 : i32
          %add3A_631 = arith.addi %mul3A_629, %add3A_630 : i32
          %get3A_632 = arith.index_cast %add3A_631 : i32 to index
          %get3A_633 = arith.constant 0 : index
          %get3A_634 = tpu.vector_load %arg10[%get3A_632, %get3A_633] {strides = array<i32>} : memref<128x128xf32, #tpu.memory_space<vmem>>, vector<1x16xf32>,
          %get3A_635 = vector.shape_cast %get3A_634 : vector<1x16xf32> to vector<16xf32>
          %mul3A_636 = arith.mulf %get3A_635, %gather3A_627 : vector<16xf32>
          %swap3A_637 = arith.index_cast %add3A_631 : i32 to index
          %swap3A_638 = arith.constant 0 : index
          %swap3A_639 = tpu.vector_load %arg10[%swap3A_637, %swap3A_638] {strides = array<i32>} : memref<128x128xf32, #tpu.memory_space<vmem>>, vector<1x16xf32>,
          %swap3A_640 = vector.shape_cast %swap3A_639 : vector<1x16xf32> to vector<16xf32>
          %swap3A_641 = vector.shape_cast %mul3A_636 : vector<16xf32> to vector<1x16xf32>
          tpu.vector_store %arg10[%swap3A_637, %swap3A_638], %swap3A_641 {strides = array<i32>} : memref<128x128xf32, #tpu.memory_space<vmem>>, vector<1x16xf32>,
          %get3A_642 = arith.index_cast %add3A_631 : i32 to index
          %get3A_643 = arith.constant 16 : index
          %get3A_644 = tpu.vector_load %arg10[%get3A_642, %get3A_643] {strides = array<i32>} : memref<128x128xf32, #tpu.memory_space<vmem>>, vector<1x16xf32>,
          %get3A_645 = vector.shape_cast %get3A_644 : vector<1x16xf32> to vector<16xf32>
          %mul3A_646 = arith.mulf %get3A_645, %gather3A_627 : vector<16xf32>
          %swap3A_647 = arith.index_cast %add3A_631 : i32 to index
          %swap3A_648 = arith.constant 16 : index
          %swap3A_649 = tpu.vector_load %arg10[%swap3A_647, %swap3A_648] {strides = array<i32>} : memref<128x128xf32, #tpu.memory_space<vmem>>, vector<1x16xf32>,
          %swap3A_650 = vector.shape_cast %swap3A_649 : vector<1x16xf32> to vector<16xf32>
          %swap3A_651 = vector.shape_cast %mul3A_646 : vector<16xf32> to vector<1x16xf32>
          tpu.vector_store %arg10[%swap3A_647, %swap3A_648], %swap3A_651 {strides = array<i32>} : memref<128x128xf32, #tpu.memory_space<vmem>>, vector<1x16xf32>,
          %get3A_652 = arith.index_cast %add3A_631 : i32 to index
          %get3A_653 = arith.constant 32 : index
          %get3A_654 = tpu.vector_load %arg10[%get3A_652, %get3A_653] {strides = array<i32>} : memref<128x128xf32, #tpu.memory_space<vmem>>, vector<1x16xf32>,
          %get3A_655 = vector.shape_cast %get3A_654 : vector<1x16xf32> to vector<16xf32>
          %mul3A_656 = arith.mulf %get3A_655, %gather3A_627 : vector<16xf32>
          %swap3A_657 = arith.index_cast %add3A_631 : i32 to index
          %swap3A_658 = arith.constant 32 : index
          %swap3A_659 = tpu.vector_load %arg10[%swap3A_657, %swap3A_658] {strides = array<i32>} : memref<128x128xf32, #tpu.memory_space<vmem>>, vector<1x16xf32>,
          %swap3A_660 = vector.shape_cast %swap3A_659 : vector<1x16xf32> to vector<16xf32>
          %swap3A_661 = vector.shape_cast %mul3A_656 : vector<16xf32> to vector<1x16xf32>
          tpu.vector_store %arg10[%swap3A_657, %swap3A_658], %swap3A_661 {strides = array<i32>} : memref<128x128xf32, #tpu.memory_space<vmem>>, vector<1x16xf32>,
          %get3A_662 = arith.index_cast %add3A_631 : i32 to index
          %get3A_663 = arith.constant 48 : index
          %get3A_664 = tpu.vector_load %arg10[%get3A_662, %get3A_663] {strides = array<i32>} : memref<128x128xf32, #tpu.memory_space<vmem>>, vector<1x16xf32>,
          %get3A_665 = vector.shape_cast %get3A_664 : vector<1x16xf32> to vector<16xf32>
          %mul3A_666 = arith.mulf %get3A_665, %gather3A_627 : vector<16xf32>
          %swap3A_667 = arith.index_cast %add3A_631 : i32 to index
          %swap3A_668 = arith.constant 48 : index
          %swap3A_669 = tpu.vector_load %arg10[%swap3A_667, %swap3A_668] {strides = array<i32>} : memref<128x128xf32, #tpu.memory_space<vmem>>, vector<1x16xf32>,
          %swap3A_670 = vector.shape_cast %swap3A_669 : vector<1x16xf32> to vector<16xf32>
          %swap3A_671 = vector.shape_cast %mul3A_666 : vector<16xf32> to vector<1x16xf32>
          tpu.vector_store %arg10[%swap3A_667, %swap3A_668], %swap3A_671 {strides = array<i32>} : memref<128x128xf32, #tpu.memory_space<vmem>>, vector<1x16xf32>,
          %get3A_672 = arith.index_cast %add3A_631 : i32 to index
          %get3A_673 = arith.constant 64 : index
          %get3A_674 = tpu.vector_load %arg10[%get3A_672, %get3A_673] {strides = array<i32>} : memref<128x128xf32, #tpu.memory_space<vmem>>, vector<1x16xf32>,
          %get3A_675 = vector.shape_cast %get3A_674 : vector<1x16xf32> to vector<16xf32>
          %mul3A_676 = arith.mulf %get3A_675, %gather3A_627 : vector<16xf32>
          %swap3A_677 = arith.index_cast %add3A_631 : i32 to index
          %swap3A_678 = arith.constant 64 : index
          %swap3A_679 = tpu.vector_load %arg10[%swap3A_677, %swap3A_678] {strides = array<i32>} : memref<128x128xf32, #tpu.memory_space<vmem>>, vector<1x16xf32>,
          %swap3A_680 = vector.shape_cast %swap3A_679 : vector<1x16xf32> to vector<16xf32>
          %swap3A_681 = vector.shape_cast %mul3A_676 : vector<16xf32> to vector<1x16xf32>
          tpu.vector_store %arg10[%swap3A_677, %swap3A_678], %swap3A_681 {strides = array<i32>} : memref<128x128xf32, #tpu.memory_space<vmem>>, vector<1x16xf32>,
          %get3A_682 = arith.index_cast %add3A_631 : i32 to index
          %get3A_683 = arith.constant 80 : index
          %get3A_684 = tpu.vector_load %arg10[%get3A_682, %get3A_683] {strides = array<i32>} : memref<128x128xf32, #tpu.memory_space<vmem>>, vector<1x16xf32>,
          %get3A_685 = vector.shape_cast %get3A_684 : vector<1x16xf32> to vector<16xf32>
          %mul3A_686 = arith.mulf %get3A_685, %gather3A_627 : vector<16xf32>
          %swap3A_687 = arith.index_cast %add3A_631 : i32 to index
          %swap3A_688 = arith.constant 80 : index
          %swap3A_689 = tpu.vector_load %arg10[%swap3A_687, %swap3A_688] {strides = array<i32>} : memref<128x128xf32, #tpu.memory_space<vmem>>, vector<1x16xf32>,
          %swap3A_690 = vector.shape_cast %swap3A_689 : vector<1x16xf32> to vector<16xf32>
          %swap3A_691 = vector.shape_cast %mul3A_686 : vector<16xf32> to vector<1x16xf32>
          tpu.vector_store %arg10[%swap3A_687, %swap3A_688], %swap3A_691 {strides = array<i32>} : memref<128x128xf32, #tpu.memory_space<vmem>>, vector<1x16xf32>,
          %get3A_692 = arith.index_cast %add3A_631 : i32 to index
          %get3A_693 = arith.constant 96 : index
          %get3A_694 = tpu.vector_load %arg10[%get3A_692, %get3A_693] {strides = array<i32>} : memref<128x128xf32, #tpu.memory_space<vmem>>, vector<1x16xf32>,
          %get3A_695 = vector.shape_cast %get3A_694 : vector<1x16xf32> to vector<16xf32>
          %mul3A_696 = arith.mulf %get3A_695, %gather3A_627 : vector<16xf32>
          %swap3A_697 = arith.index_cast %add3A_631 : i32 to index
          %swap3A_698 = arith.constant 96 : index
          %swap3A_699 = tpu.vector_load %arg10[%swap3A_697, %swap3A_698] {strides = array<i32>} : memref<128x128xf32, #tpu.memory_space<vmem>>, vector<1x16xf32>,
          %swap3A_700 = vector.shape_cast %swap3A_699 : vector<1x16xf32> to vector<16xf32>
          %swap3A_701 = vector.shape_cast %mul3A_696 : vector<16xf32> to vector<1x16xf32>
          tpu.vector_store %arg10[%swap3A_697, %swap3A_698], %swap3A_701 {strides = array<i32>} : memref<128x128xf32, #tpu.memory_space<vmem>>, vector<1x16xf32>,
          %get3A_702 = arith.index_cast %add3A_631 : i32 to index
          %get3A_703 = arith.constant 112 : index
          %get3A_704 = tpu.vector_load %arg10[%get3A_702, %get3A_703] {strides = array<i32>} : memref<128x128xf32, #tpu.memory_space<vmem>>, vector<1x16xf32>,
          %get3A_705 = vector.shape_cast %get3A_704 : vector<1x16xf32> to vector<16xf32>
          %mul3A_706 = arith.mulf %get3A_705, %gather3A_627 : vector<16xf32>
          %swap3A_707 = arith.index_cast %add3A_631 : i32 to index
          %swap3A_708 = arith.constant 112 : index
          %swap3A_709 = tpu.vector_load %arg10[%swap3A_707, %swap3A_708] {strides = array<i32>} : memref<128x128xf32, #tpu.memory_space<vmem>>, vector<1x16xf32>,
          %swap3A_710 = vector.shape_cast %swap3A_709 : vector<1x16xf32> to vector<16xf32>
          %swap3A_711 = vector.shape_cast %mul3A_706 : vector<16xf32> to vector<1x16xf32>
          tpu.vector_store %arg10[%swap3A_707, %swap3A_708], %swap3A_711 {strides = array<i32>} : memref<128x128xf32, #tpu.memory_space<vmem>>, vector<1x16xf32>,
          %broadcast_in_dim3A_712 = arith.constant 6 : i32
          %broadcast_in_dim3A_713 = vector.broadcast %broadcast_in_dim3A_712 : i32 to vector<16xi32>
          %lt3A_714 = arith.constant 0 : i32
          %lt3A_715 = vector.broadcast %lt3A_714 : i32 to vector<16xi32>
          %lt3A_716 = arith.cmpi slt, %broadcast_in_dim3A_713, %lt3A_715 : vector<16xi32>
          %add3A_717 = arith.constant 16 : i32
          %add3A_718 = vector.broadcast %add3A_717 : i32 to vector<16xi32>
          %add3A_719 = arith.addi %broadcast_in_dim3A_713, %add3A_718 : vector<16xi32>
          %select_n3A_720 = arith.select %lt3A_716, %add3A_719, %broadcast_in_dim3A_713 : vector<16xi1>, vector<16xi32>
          %broadcast_in_dim3A_721 = vector.shape_cast %select_n3A_720 : vector<16xi32> to vector<16x1xi32>
          %gather3A_722 = vector.shape_cast %broadcast_in_dim3A_721 : vector<16x1xi32> to vector<16xi32>
          %gather3A_723 = tpu.dynamic_gather %get3A_138[%gather3A_722] in [0] : vector<16xf32>, vector<16xi32> -> vector<16xf32>
          %mul3A_724 = arith.constant 16 : i32
          %mul3A_725 = arith.muli %scan3A_132, %mul3A_724 : i32
          %add3A_726 = arith.constant 6 : i32
          %add3A_727 = arith.addi %mul3A_725, %add3A_726 : i32
          %get3A_728 = arith.index_cast %add3A_727 : i32 to index
          %get3A_729 = arith.constant 0 : index
          %get3A_730 = tpu.vector_load %arg10[%get3A_728, %get3A_729] {strides = array<i32>} : memref<128x128xf32, #tpu.memory_space<vmem>>, vector<1x16xf32>,
          %get3A_731 = vector.shape_cast %get3A_730 : vector<1x16xf32> to vector<16xf32>
          %mul3A_732 = arith.mulf %get3A_731, %gather3A_723 : vector<16xf32>
          %swap3A_733 = arith.index_cast %add3A_727 : i32 to index
          %swap3A_734 = arith.constant 0 : index
          %swap3A_735 = tpu.vector_load %arg10[%swap3A_733, %swap3A_734] {strides = array<i32>} : memref<128x128xf32, #tpu.memory_space<vmem>>, vector<1x16xf32>,
          %swap3A_736 = vector.shape_cast %swap3A_735 : vector<1x16xf32> to vector<16xf32>
          %swap3A_737 = vector.shape_cast %mul3A_732 : vector<16xf32> to vector<1x16xf32>
          tpu.vector_store %arg10[%swap3A_733, %swap3A_734], %swap3A_737 {strides = array<i32>} : memref<128x128xf32, #tpu.memory_space<vmem>>, vector<1x16xf32>,
          %get3A_738 = arith.index_cast %add3A_727 : i32 to index
          %get3A_739 = arith.constant 16 : index
          %get3A_740 = tpu.vector_load %arg10[%get3A_738, %get3A_739] {strides = array<i32>} : memref<128x128xf32, #tpu.memory_space<vmem>>, vector<1x16xf32>,
          %get3A_741 = vector.shape_cast %get3A_740 : vector<1x16xf32> to vector<16xf32>
          %mul3A_742 = arith.mulf %get3A_741, %gather3A_723 : vector<16xf32>
          %swap3A_743 = arith.index_cast %add3A_727 : i32 to index
          %swap3A_744 = arith.constant 16 : index
          %swap3A_745 = tpu.vector_load %arg10[%swap3A_743, %swap3A_744] {strides = array<i32>} : memref<128x128xf32, #tpu.memory_space<vmem>>, vector<1x16xf32>,
          %swap3A_746 = vector.shape_cast %swap3A_745 : vector<1x16xf32> to vector<16xf32>
          %swap3A_747 = vector.shape_cast %mul3A_742 : vector<16xf32> to vector<1x16xf32>
          tpu.vector_store %arg10[%swap3A_743, %swap3A_744], %swap3A_747 {strides = array<i32>} : memref<128x128xf32, #tpu.memory_space<vmem>>, vector<1x16xf32>,
          %get3A_748 = arith.index_cast %add3A_727 : i32 to index
          %get3A_749 = arith.constant 32 : index
          %get3A_750 = tpu.vector_load %arg10[%get3A_748, %get3A_749] {strides = array<i32>} : memref<128x128xf32, #tpu.memory_space<vmem>>, vector<1x16xf32>,
          %get3A_751 = vector.shape_cast %get3A_750 : vector<1x16xf32> to vector<16xf32>
          %mul3A_752 = arith.mulf %get3A_751, %gather3A_723 : vector<16xf32>
          %swap3A_753 = arith.index_cast %add3A_727 : i32 to index
          %swap3A_754 = arith.constant 32 : index
          %swap3A_755 = tpu.vector_load %arg10[%swap3A_753, %swap3A_754] {strides = array<i32>} : memref<128x128xf32, #tpu.memory_space<vmem>>, vector<1x16xf32>,
          %swap3A_756 = vector.shape_cast %swap3A_755 : vector<1x16xf32> to vector<16xf32>
          %swap3A_757 = vector.shape_cast %mul3A_752 : vector<16xf32> to vector<1x16xf32>
          tpu.vector_store %arg10[%swap3A_753, %swap3A_754], %swap3A_757 {strides = array<i32>} : memref<128x128xf32, #tpu.memory_space<vmem>>, vector<1x16xf32>,
          %get3A_758 = arith.index_cast %add3A_727 : i32 to index
          %get3A_759 = arith.constant 48 : index
          %get3A_760 = tpu.vector_load %arg10[%get3A_758, %get3A_759] {strides = array<i32>} : memref<128x128xf32, #tpu.memory_space<vmem>>, vector<1x16xf32>,
          %get3A_761 = vector.shape_cast %get3A_760 : vector<1x16xf32> to vector<16xf32>
          %mul3A_762 = arith.mulf %get3A_761, %gather3A_723 : vector<16xf32>
          %swap3A_763 = arith.index_cast %add3A_727 : i32 to index
          %swap3A_764 = arith.constant 48 : index
          %swap3A_765 = tpu.vector_load %arg10[%swap3A_763, %swap3A_764] {strides = array<i32>} : memref<128x128xf32, #tpu.memory_space<vmem>>, vector<1x16xf32>,
          %swap3A_766 = vector.shape_cast %swap3A_765 : vector<1x16xf32> to vector<16xf32>
          %swap3A_767 = vector.shape_cast %mul3A_762 : vector<16xf32> to vector<1x16xf32>
          tpu.vector_store %arg10[%swap3A_763, %swap3A_764], %swap3A_767 {strides = array<i32>} : memref<128x128xf32, #tpu.memory_space<vmem>>, vector<1x16xf32>,
          %get3A_768 = arith.index_cast %add3A_727 : i32 to index
          %get3A_769 = arith.constant 64 : index
          %get3A_770 = tpu.vector_load %arg10[%get3A_768, %get3A_769] {strides = array<i32>} : memref<128x128xf32, #tpu.memory_space<vmem>>, vector<1x16xf32>,
          %get3A_771 = vector.shape_cast %get3A_770 : vector<1x16xf32> to vector<16xf32>
          %mul3A_772 = arith.mulf %get3A_771, %gather3A_723 : vector<16xf32>
          %swap3A_773 = arith.index_cast %add3A_727 : i32 to index
          %swap3A_774 = arith.constant 64 : index
          %swap3A_775 = tpu.vector_load %arg10[%swap3A_773, %swap3A_774] {strides = array<i32>} : memref<128x128xf32, #tpu.memory_space<vmem>>, vector<1x16xf32>,
          %swap3A_776 = vector.shape_cast %swap3A_775 : vector<1x16xf32> to vector<16xf32>
          %swap3A_777 = vector.shape_cast %mul3A_772 : vector<16xf32> to vector<1x16xf32>
          tpu.vector_store %arg10[%swap3A_773, %swap3A_774], %swap3A_777 {strides = array<i32>} : memref<128x128xf32, #tpu.memory_space<vmem>>, vector<1x16xf32>,
          %get3A_778 = arith.index_cast %add3A_727 : i32 to index
          %get3A_779 = arith.constant 80 : index
          %get3A_780 = tpu.vector_load %arg10[%get3A_778, %get3A_779] {strides = array<i32>} : memref<128x128xf32, #tpu.memory_space<vmem>>, vector<1x16xf32>,
          %get3A_781 = vector.shape_cast %get3A_780 : vector<1x16xf32> to vector<16xf32>
          %mul3A_782 = arith.mulf %get3A_781, %gather3A_723 : vector<16xf32>
          %swap3A_783 = arith.index_cast %add3A_727 : i32 to index
          %swap3A_784 = arith.constant 80 : index
          %swap3A_785 = tpu.vector_load %arg10[%swap3A_783, %swap3A_784] {strides = array<i32>} : memref<128x128xf32, #tpu.memory_space<vmem>>, vector<1x16xf32>,
          %swap3A_786 = vector.shape_cast %swap3A_785 : vector<1x16xf32> to vector<16xf32>
          %swap3A_787 = vector.shape_cast %mul3A_782 : vector<16xf32> to vector<1x16xf32>
          tpu.vector_store %arg10[%swap3A_783, %swap3A_784], %swap3A_787 {strides = array<i32>} : memref<128x128xf32, #tpu.memory_space<vmem>>, vector<1x16xf32>,
          %get3A_788 = arith.index_cast %add3A_727 : i32 to index
          %get3A_789 = arith.constant 96 : index
          %get3A_790 = tpu.vector_load %arg10[%get3A_788, %get3A_789] {strides = array<i32>} : memref<128x128xf32, #tpu.memory_space<vmem>>, vector<1x16xf32>,
          %get3A_791 = vector.shape_cast %get3A_790 : vector<1x16xf32> to vector<16xf32>
          %mul3A_792 = arith.mulf %get3A_791, %gather3A_723 : vector<16xf32>
          %swap3A_793 = arith.index_cast %add3A_727 : i32 to index
          %swap3A_794 = arith.constant 96 : index
          %swap3A_795 = tpu.vector_load %arg10[%swap3A_793, %swap3A_794] {strides = array<i32>} : memref<128x128xf32, #tpu.memory_space<vmem>>, vector<1x16xf32>,
          %swap3A_796 = vector.shape_cast %swap3A_795 : vector<1x16xf32> to vector<16xf32>
          %swap3A_797 = vector.shape_cast %mul3A_792 : vector<16xf32> to vector<1x16xf32>
          tpu.vector_store %arg10[%swap3A_793, %swap3A_794], %swap3A_797 {strides = array<i32>} : memref<128x128xf32, #tpu.memory_space<vmem>>, vector<1x16xf32>,
          %get3A_798 = arith.index_cast %add3A_727 : i32 to index
          %get3A_799 = arith.constant 112 : index
          %get3A_800 = tpu.vector_load %arg10[%get3A_798, %get3A_799] {strides = array<i32>} : memref<128x128xf32, #tpu.memory_space<vmem>>, vector<1x16xf32>,
          %get3A_801 = vector.shape_cast %get3A_800 : vector<1x16xf32> to vector<16xf32>
          %mul3A_802 = arith.mulf %get3A_801, %gather3A_723 : vector<16xf32>
          %swap3A_803 = arith.index_cast %add3A_727 : i32 to index
          %swap3A_804 = arith.constant 112 : index
          %swap3A_805 = tpu.vector_load %arg10[%swap3A_803, %swap3A_804] {strides = array<i32>} : memref<128x128xf32, #tpu.memory_space<vmem>>, vector<1x16xf32>,
          %swap3A_806 = vector.shape_cast %swap3A_805 : vector<1x16xf32> to vector<16xf32>
          %swap3A_807 = vector.shape_cast %mul3A_802 : vector<16xf32> to vector<1x16xf32>
          tpu.vector_store %arg10[%swap3A_803, %swap3A_804], %swap3A_807 {strides = array<i32>} : memref<128x128xf32, #tpu.memory_space<vmem>>, vector<1x16xf32>,
          %broadcast_in_dim3A_808 = arith.constant 7 : i32
          %broadcast_in_dim3A_809 = vector.broadcast %broadcast_in_dim3A_808 : i32 to vector<16xi32>
          %lt3A_810 = arith.constant 0 : i32
          %lt3A_811 = vector.broadcast %lt3A_810 : i32 to vector<16xi32>
          %lt3A_812 = arith.cmpi slt, %broadcast_in_dim3A_809, %lt3A_811 : vector<16xi32>
          %add3A_813 = arith.constant 16 : i32
          %add3A_814 = vector.broadcast %add3A_813 : i32 to vector<16xi32>
          %add3A_815 = arith.addi %broadcast_in_dim3A_809, %add3A_814 : vector<16xi32>
          %select_n3A_816 = arith.select %lt3A_812, %add3A_815, %broadcast_in_dim3A_809 : vector<16xi1>, vector<16xi32>
          %broadcast_in_dim3A_817 = vector.shape_cast %select_n3A_816 : vector<16xi32> to vector<16x1xi32>
          %gather3A_818 = vector.shape_cast %broadcast_in_dim3A_817 : vector<16x1xi32> to vector<16xi32>
          %gather3A_819 = tpu.dynamic_gather %get3A_138[%gather3A_818] in [0] : vector<16xf32>, vector<16xi32> -> vector<16xf32>
          %mul3A_820 = arith.constant 16 : i32
          %mul3A_821 = arith.muli %scan3A_132, %mul3A_820 : i32
          %add3A_822 = arith.constant 7 : i32
          %add3A_823 = arith.addi %mul3A_821, %add3A_822 : i32
          %get3A_824 = arith.index_cast %add3A_823 : i32 to index
          %get3A_825 = arith.constant 0 : index
          %get3A_826 = tpu.vector_load %arg10[%get3A_824, %get3A_825] {strides = array<i32>} : memref<128x128xf32, #tpu.memory_space<vmem>>, vector<1x16xf32>,
          %get3A_827 = vector.shape_cast %get3A_826 : vector<1x16xf32> to vector<16xf32>
          %mul3A_828 = arith.mulf %get3A_827, %gather3A_819 : vector<16xf32>
          %swap3A_829 = arith.index_cast %add3A_823 : i32 to index
          %swap3A_830 = arith.constant 0 : index
          %swap3A_831 = tpu.vector_load %arg10[%swap3A_829, %swap3A_830] {strides = array<i32>} : memref<128x128xf32, #tpu.memory_space<vmem>>, vector<1x16xf32>,
          %swap3A_832 = vector.shape_cast %swap3A_831 : vector<1x16xf32> to vector<16xf32>
          %swap3A_833 = vector.shape_cast %mul3A_828 : vector<16xf32> to vector<1x16xf32>
          tpu.vector_store %arg10[%swap3A_829, %swap3A_830], %swap3A_833 {strides = array<i32>} : memref<128x128xf32, #tpu.memory_space<vmem>>, vector<1x16xf32>,
          %get3A_834 = arith.index_cast %add3A_823 : i32 to index
          %get3A_835 = arith.constant 16 : index
          %get3A_836 = tpu.vector_load %arg10[%get3A_834, %get3A_835] {strides = array<i32>} : memref<128x128xf32, #tpu.memory_space<vmem>>, vector<1x16xf32>,
          %get3A_837 = vector.shape_cast %get3A_836 : vector<1x16xf32> to vector<16xf32>
          %mul3A_838 = arith.mulf %get3A_837, %gather3A_819 : vector<16xf32>
          %swap3A_839 = arith.index_cast %add3A_823 : i32 to index
          %swap3A_840 = arith.constant 16 : index
          %swap3A_841 = tpu.vector_load %arg10[%swap3A_839, %swap3A_840] {strides = array<i32>} : memref<128x128xf32, #tpu.memory_space<vmem>>, vector<1x16xf32>,
          %swap3A_842 = vector.shape_cast %swap3A_841 : vector<1x16xf32> to vector<16xf32>
          %swap3A_843 = vector.shape_cast %mul3A_838 : vector<16xf32> to vector<1x16xf32>
          tpu.vector_store %arg10[%swap3A_839, %swap3A_840], %swap3A_843 {strides = array<i32>} : memref<128x128xf32, #tpu.memory_space<vmem>>, vector<1x16xf32>,
          %get3A_844 = arith.index_cast %add3A_823 : i32 to index
          %get3A_845 = arith.constant 32 : index
          %get3A_846 = tpu.vector_load %arg10[%get3A_844, %get3A_845] {strides = array<i32>} : memref<128x128xf32, #tpu.memory_space<vmem>>, vector<1x16xf32>,
          %get3A_847 = vector.shape_cast %get3A_846 : vector<1x16xf32> to vector<16xf32>
          %mul3A_848 = arith.mulf %get3A_847, %gather3A_819 : vector<16xf32>
          %swap3A_849 = arith.index_cast %add3A_823 : i32 to index
          %swap3A_850 = arith.constant 32 : index
          %swap3A_851 = tpu.vector_load %arg10[%swap3A_849, %swap3A_850] {strides = array<i32>} : memref<128x128xf32, #tpu.memory_space<vmem>>, vector<1x16xf32>,
          %swap3A_852 = vector.shape_cast %swap3A_851 : vector<1x16xf32> to vector<16xf32>
          %swap3A_853 = vector.shape_cast %mul3A_848 : vector<16xf32> to vector<1x16xf32>
          tpu.vector_store %arg10[%swap3A_849, %swap3A_850], %swap3A_853 {strides = array<i32>} : memref<128x128xf32, #tpu.memory_space<vmem>>, vector<1x16xf32>,
          %get3A_854 = arith.index_cast %add3A_823 : i32 to index
          %get3A_855 = arith.constant 48 : index
          %get3A_856 = tpu.vector_load %arg10[%get3A_854, %get3A_855] {strides = array<i32>} : memref<128x128xf32, #tpu.memory_space<vmem>>, vector<1x16xf32>,
          %get3A_857 = vector.shape_cast %get3A_856 : vector<1x16xf32> to vector<16xf32>
          %mul3A_858 = arith.mulf %get3A_857, %gather3A_819 : vector<16xf32>
          %swap3A_859 = arith.index_cast %add3A_823 : i32 to index
          %swap3A_860 = arith.constant 48 : index
          %swap3A_861 = tpu.vector_load %arg10[%swap3A_859, %swap3A_860] {strides = array<i32>} : memref<128x128xf32, #tpu.memory_space<vmem>>, vector<1x16xf32>,
          %swap3A_862 = vector.shape_cast %swap3A_861 : vector<1x16xf32> to vector<16xf32>
          %swap3A_863 = vector.shape_cast %mul3A_858 : vector<16xf32> to vector<1x16xf32>
          tpu.vector_store %arg10[%swap3A_859, %swap3A_860], %swap3A_863 {strides = array<i32>} : memref<128x128xf32, #tpu.memory_space<vmem>>, vector<1x16xf32>,
          %get3A_864 = arith.index_cast %add3A_823 : i32 to index
          %get3A_865 = arith.constant 64 : index
          %get3A_866 = tpu.vector_load %arg10[%get3A_864, %get3A_865] {strides = array<i32>} : memref<128x128xf32, #tpu.memory_space<vmem>>, vector<1x16xf32>,
          %get3A_867 = vector.shape_cast %get3A_866 : vector<1x16xf32> to vector<16xf32>
          %mul3A_868 = arith.mulf %get3A_867, %gather3A_819 : vector<16xf32>
          %swap3A_869 = arith.index_cast %add3A_823 : i32 to index
          %swap3A_870 = arith.constant 64 : index
          %swap3A_871 = tpu.vector_load %arg10[%swap3A_869, %swap3A_870] {strides = array<i32>} : memref<128x128xf32, #tpu.memory_space<vmem>>, vector<1x16xf32>,
          %swap3A_872 = vector.shape_cast %swap3A_871 : vector<1x16xf32> to vector<16xf32>
          %swap3A_873 = vector.shape_cast %mul3A_868 : vector<16xf32> to vector<1x16xf32>
          tpu.vector_store %arg10[%swap3A_869, %swap3A_870], %swap3A_873 {strides = array<i32>} : memref<128x128xf32, #tpu.memory_space<vmem>>, vector<1x16xf32>,
          %get3A_874 = arith.index_cast %add3A_823 : i32 to index
          %get3A_875 = arith.constant 80 : index
          %get3A_876 = tpu.vector_load %arg10[%get3A_874, %get3A_875] {strides = array<i32>} : memref<128x128xf32, #tpu.memory_space<vmem>>, vector<1x16xf32>,
          %get3A_877 = vector.shape_cast %get3A_876 : vector<1x16xf32> to vector<16xf32>
          %mul3A_878 = arith.mulf %get3A_877, %gather3A_819 : vector<16xf32>
          %swap3A_879 = arith.index_cast %add3A_823 : i32 to index
          %swap3A_880 = arith.constant 80 : index
          %swap3A_881 = tpu.vector_load %arg10[%swap3A_879, %swap3A_880] {strides = array<i32>} : memref<128x128xf32, #tpu.memory_space<vmem>>, vector<1x16xf32>,
          %swap3A_882 = vector.shape_cast %swap3A_881 : vector<1x16xf32> to vector<16xf32>
          %swap3A_883 = vector.shape_cast %mul3A_878 : vector<16xf32> to vector<1x16xf32>
          tpu.vector_store %arg10[%swap3A_879, %swap3A_880], %swap3A_883 {strides = array<i32>} : memref<128x128xf32, #tpu.memory_space<vmem>>, vector<1x16xf32>,
          %get3A_884 = arith.index_cast %add3A_823 : i32 to index
          %get3A_885 = arith.constant 96 : index
          %get3A_886 = tpu.vector_load %arg10[%get3A_884, %get3A_885] {strides = array<i32>} : memref<128x128xf32, #tpu.memory_space<vmem>>, vector<1x16xf32>,
          %get3A_887 = vector.shape_cast %get3A_886 : vector<1x16xf32> to vector<16xf32>
          %mul3A_888 = arith.mulf %get3A_887, %gather3A_819 : vector<16xf32>
          %swap3A_889 = arith.index_cast %add3A_823 : i32 to index
          %swap3A_890 = arith.constant 96 : index
          %swap3A_891 = tpu.vector_load %arg10[%swap3A_889, %swap3A_890] {strides = array<i32>} : memref<128x128xf32, #tpu.memory_space<vmem>>, vector<1x16xf32>,
          %swap3A_892 = vector.shape_cast %swap3A_891 : vector<1x16xf32> to vector<16xf32>
          %swap3A_893 = vector.shape_cast %mul3A_888 : vector<16xf32> to vector<1x16xf32>
          tpu.vector_store %arg10[%swap3A_889, %swap3A_890], %swap3A_893 {strides = array<i32>} : memref<128x128xf32, #tpu.memory_space<vmem>>, vector<1x16xf32>,
          %get3A_894 = arith.index_cast %add3A_823 : i32 to index
          %get3A_895 = arith.constant 112 : index
          %get3A_896 = tpu.vector_load %arg10[%get3A_894, %get3A_895] {strides = array<i32>} : memref<128x128xf32, #tpu.memory_space<vmem>>, vector<1x16xf32>,
          %get3A_897 = vector.shape_cast %get3A_896 : vector<1x16xf32> to vector<16xf32>
          %mul3A_898 = arith.mulf %get3A_897, %gather3A_819 : vector<16xf32>
          %swap3A_899 = arith.index_cast %add3A_823 : i32 to index
          %swap3A_900 = arith.constant 112 : index
          %swap3A_901 = tpu.vector_load %arg10[%swap3A_899, %swap3A_900] {strides = array<i32>} : memref<128x128xf32, #tpu.memory_space<vmem>>, vector<1x16xf32>,
          %swap3A_902 = vector.shape_cast %swap3A_901 : vector<1x16xf32> to vector<16xf32>
          %swap3A_903 = vector.shape_cast %mul3A_898 : vector<16xf32> to vector<1x16xf32>
          tpu.vector_store %arg10[%swap3A_899, %swap3A_900], %swap3A_903 {strides = array<i32>} : memref<128x128xf32, #tpu.memory_space<vmem>>, vector<1x16xf32>,
          %broadcast_in_dim3A_904 = arith.constant 8 : i32
          %broadcast_in_dim3A_905 = vector.broadcast %broadcast_in_dim3A_904 : i32 to vector<16xi32>
          %lt3A_906 = arith.constant 0 : i32
          %lt3A_907 = vector.broadcast %lt3A_906 : i32 to vector<16xi32>
          %lt3A_908 = arith.cmpi slt, %broadcast_in_dim3A_905, %lt3A_907 : vector<16xi32>
          %add3A_909 = arith.constant 16 : i32
          %add3A_910 = vector.broadcast %add3A_909 : i32 to vector<16xi32>
          %add3A_911 = arith.addi %broadcast_in_dim3A_905, %add3A_910 : vector<16xi32>
          %select_n3A_912 = arith.select %lt3A_908, %add3A_911, %broadcast_in_dim3A_905 : vector<16xi1>, vector<16xi32>
          %broadcast_in_dim3A_913 = vector.shape_cast %select_n3A_912 : vector<16xi32> to vector<16x1xi32>
          %gather3A_914 = vector.shape_cast %broadcast_in_dim3A_913 : vector<16x1xi32> to vector<16xi32>
          %gather3A_915 = tpu.dynamic_gather %get3A_138[%gather3A_914] in [0] : vector<16xf32>, vector<16xi32> -> vector<16xf32>
          %mul3A_916 = arith.constant 16 : i32
          %mul3A_917 = arith.muli %scan3A_132, %mul3A_916 : i32
          %add3A_918 = arith.constant 8 : i32
          %add3A_919 = arith.addi %mul3A_917, %add3A_918 : i32
          %get3A_920 = arith.index_cast %add3A_919 : i32 to index
          %get3A_921 = arith.constant 0 : index
          %get3A_922 = tpu.vector_load %arg10[%get3A_920, %get3A_921] {strides = array<i32>} : memref<128x128xf32, #tpu.memory_space<vmem>>, vector<1x16xf32>,
          %get3A_923 = vector.shape_cast %get3A_922 : vector<1x16xf32> to vector<16xf32>
          %mul3A_924 = arith.mulf %get3A_923, %gather3A_915 : vector<16xf32>
          %swap3A_925 = arith.index_cast %add3A_919 : i32 to index
          %swap3A_926 = arith.constant 0 : index
          %swap3A_927 = tpu.vector_load %arg10[%swap3A_925, %swap3A_926] {strides = array<i32>} : memref<128x128xf32, #tpu.memory_space<vmem>>, vector<1x16xf32>,
          %swap3A_928 = vector.shape_cast %swap3A_927 : vector<1x16xf32> to vector<16xf32>
          %swap3A_929 = vector.shape_cast %mul3A_924 : vector<16xf32> to vector<1x16xf32>
          tpu.vector_store %arg10[%swap3A_925, %swap3A_926], %swap3A_929 {strides = array<i32>} : memref<128x128xf32, #tpu.memory_space<vmem>>, vector<1x16xf32>,
          %get3A_930 = arith.index_cast %add3A_919 : i32 to index
          %get3A_931 = arith.constant 16 : index
          %get3A_932 = tpu.vector_load %arg10[%get3A_930, %get3A_931] {strides = array<i32>} : memref<128x128xf32, #tpu.memory_space<vmem>>, vector<1x16xf32>,
          %get3A_933 = vector.shape_cast %get3A_932 : vector<1x16xf32> to vector<16xf32>
          %mul3A_934 = arith.mulf %get3A_933, %gather3A_915 : vector<16xf32>
          %swap3A_935 = arith.index_cast %add3A_919 : i32 to index
          %swap3A_936 = arith.constant 16 : index
          %swap3A_937 = tpu.vector_load %arg10[%swap3A_935, %swap3A_936] {strides = array<i32>} : memref<128x128xf32, #tpu.memory_space<vmem>>, vector<1x16xf32>,
          %swap3A_938 = vector.shape_cast %swap3A_937 : vector<1x16xf32> to vector<16xf32>
          %swap3A_939 = vector.shape_cast %mul3A_934 : vector<16xf32> to vector<1x16xf32>
          tpu.vector_store %arg10[%swap3A_935, %swap3A_936], %swap3A_939 {strides = array<i32>} : memref<128x128xf32, #tpu.memory_space<vmem>>, vector<1x16xf32>,
          %get3A_940 = arith.index_cast %add3A_919 : i32 to index
          %get3A_941 = arith.constant 32 : index
          %get3A_942 = tpu.vector_load %arg10[%get3A_940, %get3A_941] {strides = array<i32>} : memref<128x128xf32, #tpu.memory_space<vmem>>, vector<1x16xf32>,
          %get3A_943 = vector.shape_cast %get3A_942 : vector<1x16xf32> to vector<16xf32>
          %mul3A_944 = arith.mulf %get3A_943, %gather3A_915 : vector<16xf32>
          %swap3A_945 = arith.index_cast %add3A_919 : i32 to index
          %swap3A_946 = arith.constant 32 : index
          %swap3A_947 = tpu.vector_load %arg10[%swap3A_945, %swap3A_946] {strides = array<i32>} : memref<128x128xf32, #tpu.memory_space<vmem>>, vector<1x16xf32>,
          %swap3A_948 = vector.shape_cast %swap3A_947 : vector<1x16xf32> to vector<16xf32>
          %swap3A_949 = vector.shape_cast %mul3A_944 : vector<16xf32> to vector<1x16xf32>
          tpu.vector_store %arg10[%swap3A_945, %swap3A_946], %swap3A_949 {strides = array<i32>} : memref<128x128xf32, #tpu.memory_space<vmem>>, vector<1x16xf32>,
          %get3A_950 = arith.index_cast %add3A_919 : i32 to index
          %get3A_951 = arith.constant 48 : index
          %get3A_952 = tpu.vector_load %arg10[%get3A_950, %get3A_951] {strides = array<i32>} : memref<128x128xf32, #tpu.memory_space<vmem>>, vector<1x16xf32>,
          %get3A_953 = vector.shape_cast %get3A_952 : vector<1x16xf32> to vector<16xf32>
          %mul3A_954 = arith.mulf %get3A_953, %gather3A_915 : vector<16xf32>
          %swap3A_955 = arith.index_cast %add3A_919 : i32 to index
          %swap3A_956 = arith.constant 48 : index
          %swap3A_957 = tpu.vector_load %arg10[%swap3A_955, %swap3A_956] {strides = array<i32>} : memref<128x128xf32, #tpu.memory_space<vmem>>, vector<1x16xf32>,
          %swap3A_958 = vector.shape_cast %swap3A_957 : vector<1x16xf32> to vector<16xf32>
          %swap3A_959 = vector.shape_cast %mul3A_954 : vector<16xf32> to vector<1x16xf32>
          tpu.vector_store %arg10[%swap3A_955, %swap3A_956], %swap3A_959 {strides = array<i32>} : memref<128x128xf32, #tpu.memory_space<vmem>>, vector<1x16xf32>,
          %get3A_960 = arith.index_cast %add3A_919 : i32 to index
          %get3A_961 = arith.constant 64 : index
          %get3A_962 = tpu.vector_load %arg10[%get3A_960, %get3A_961] {strides = array<i32>} : memref<128x128xf32, #tpu.memory_space<vmem>>, vector<1x16xf32>,
          %get3A_963 = vector.shape_cast %get3A_962 : vector<1x16xf32> to vector<16xf32>
          %mul3A_964 = arith.mulf %get3A_963, %gather3A_915 : vector<16xf32>
          %swap3A_965 = arith.index_cast %add3A_919 : i32 to index
          %swap3A_966 = arith.constant 64 : index
          %swap3A_967 = tpu.vector_load %arg10[%swap3A_965, %swap3A_966] {strides = array<i32>} : memref<128x128xf32, #tpu.memory_space<vmem>>, vector<1x16xf32>,
          %swap3A_968 = vector.shape_cast %swap3A_967 : vector<1x16xf32> to vector<16xf32>
          %swap3A_969 = vector.shape_cast %mul3A_964 : vector<16xf32> to vector<1x16xf32>
          tpu.vector_store %arg10[%swap3A_965, %swap3A_966], %swap3A_969 {strides = array<i32>} : memref<128x128xf32, #tpu.memory_space<vmem>>, vector<1x16xf32>,
          %get3A_970 = arith.index_cast %add3A_919 : i32 to index
          %get3A_971 = arith.constant 80 : index
          %get3A_972 = tpu.vector_load %arg10[%get3A_970, %get3A_971] {strides = array<i32>} : memref<128x128xf32, #tpu.memory_space<vmem>>, vector<1x16xf32>,
          %get3A_973 = vector.shape_cast %get3A_972 : vector<1x16xf32> to vector<16xf32>
          %mul3A_974 = arith.mulf %get3A_973, %gather3A_915 : vector<16xf32>
          %swap3A_975 = arith.index_cast %add3A_919 : i32 to index
          %swap3A_976 = arith.constant 80 : index
          %swap3A_977 = tpu.vector_load %arg10[%swap3A_975, %swap3A_976] {strides = array<i32>} : memref<128x128xf32, #tpu.memory_space<vmem>>, vector<1x16xf32>,
          %swap3A_978 = vector.shape_cast %swap3A_977 : vector<1x16xf32> to vector<16xf32>
          %swap3A_979 = vector.shape_cast %mul3A_974 : vector<16xf32> to vector<1x16xf32>
          tpu.vector_store %arg10[%swap3A_975, %swap3A_976], %swap3A_979 {strides = array<i32>} : memref<128x128xf32, #tpu.memory_space<vmem>>, vector<1x16xf32>,
          %get3A_980 = arith.index_cast %add3A_919 : i32 to index
          %get3A_981 = arith.constant 96 : index
          %get3A_982 = tpu.vector_load %arg10[%get3A_980, %get3A_981] {strides = array<i32>} : memref<128x128xf32, #tpu.memory_space<vmem>>, vector<1x16xf32>,
          %get3A_983 = vector.shape_cast %get3A_982 : vector<1x16xf32> to vector<16xf32>
          %mul3A_984 = arith.mulf %get3A_983, %gather3A_915 : vector<16xf32>
          %swap3A_985 = arith.index_cast %add3A_919 : i32 to index
          %swap3A_986 = arith.constant 96 : index
          %swap3A_987 = tpu.vector_load %arg10[%swap3A_985, %swap3A_986] {strides = array<i32>} : memref<128x128xf32, #tpu.memory_space<vmem>>, vector<1x16xf32>,
          %swap3A_988 = vector.shape_cast %swap3A_987 : vector<1x16xf32> to vector<16xf32>
          %swap3A_989 = vector.shape_cast %mul3A_984 : vector<16xf32> to vector<1x16xf32>
          tpu.vector_store %arg10[%swap3A_985, %swap3A_986], %swap3A_989 {strides = array<i32>} : memref<128x128xf32, #tpu.memory_space<vmem>>, vector<1x16xf32>,
          %get3A_990 = arith.index_cast %add3A_919 : i32 to index
          %get3A_991 = arith.constant 112 : index
          %get3A_992 = tpu.vector_load %arg10[%get3A_990, %get3A_991] {strides = array<i32>} : memref<128x128xf32, #tpu.memory_space<vmem>>, vector<1x16xf32>,
          %get3A_993 = vector.shape_cast %get3A_992 : vector<1x16xf32> to vector<16xf32>
          %mul3A_994 = arith.mulf %get3A_993, %gather3A_915 : vector<16xf32>
          %swap3A_995 = arith.index_cast %add3A_919 : i32 to index
          %swap3A_996 = arith.constant 112 : index
          %swap3A_997 = tpu.vector_load %arg10[%swap3A_995, %swap3A_996] {strides = array<i32>} : memref<128x128xf32, #tpu.memory_space<vmem>>, vector<1x16xf32>,
          %swap3A_998 = vector.shape_cast %swap3A_997 : vector<1x16xf32> to vector<16xf32>
          %swap3A_999 = vector.shape_cast %mul3A_994 : vector<16xf32> to vector<1x16xf32>
          tpu.vector_store %arg10[%swap3A_995, %swap3A_996], %swap3A_999 {strides = array<i32>} : memref<128x128xf32, #tpu.memory_space<vmem>>, vector<1x16xf32>,
          %broadcast_in_dim3A_1000 = arith.constant 9 : i32
          %broadcast_in_dim3A_1001 = vector.broadcast %broadcast_in_dim3A_1000 : i32 to vector<16xi32>
          %lt3A_1002 = arith.constant 0 : i32
          %lt3A_1003 = vector.broadcast %lt3A_1002 : i32 to vector<16xi32>
          %lt3A_1004 = arith.cmpi slt, %broadcast_in_dim3A_1001, %lt3A_1003 : vector<16xi32>
          %add3A_1005 = arith.constant 16 : i32
          %add3A_1006 = vector.broadcast %add3A_1005 : i32 to vector<16xi32>
          %add3A_1007 = arith.addi %broadcast_in_dim3A_1001, %add3A_1006 : vector<16xi32>
          %select_n3A_1008 = arith.select %lt3A_1004, %add3A_1007, %broadcast_in_dim3A_1001 : vector<16xi1>, vector<16xi32>
          %broadcast_in_dim3A_1009 = vector.shape_cast %select_n3A_1008 : vector<16xi32> to vector<16x1xi32>
          %gather3A_1010 = vector.shape_cast %broadcast_in_dim3A_1009 : vector<16x1xi32> to vector<16xi32>
          %gather3A_1011 = tpu.dynamic_gather %get3A_138[%gather3A_1010] in [0] : vector<16xf32>, vector<16xi32> -> vector<16xf32>
          %mul3A_1012 = arith.constant 16 : i32
          %mul3A_1013 = arith.muli %scan3A_132, %mul3A_1012 : i32
          %add3A_1014 = arith.constant 9 : i32
          %add3A_1015 = arith.addi %mul3A_1013, %add3A_1014 : i32
          %get3A_1016 = arith.index_cast %add3A_1015 : i32 to index
          %get3A_1017 = arith.constant 0 : index
          %get3A_1018 = tpu.vector_load %arg10[%get3A_1016, %get3A_1017] {strides = array<i32>} : memref<128x128xf32, #tpu.memory_space<vmem>>, vector<1x16xf32>,
          %get3A_1019 = vector.shape_cast %get3A_1018 : vector<1x16xf32> to vector<16xf32>
          %mul3A_1020 = arith.mulf %get3A_1019, %gather3A_1011 : vector<16xf32>
          %swap3A_1021 = arith.index_cast %add3A_1015 : i32 to index
          %swap3A_1022 = arith.constant 0 : index
          %swap3A_1023 = tpu.vector_load %arg10[%swap3A_1021, %swap3A_1022] {strides = array<i32>} : memref<128x128xf32, #tpu.memory_space<vmem>>, vector<1x16xf32>,
          %swap3A_1024 = vector.shape_cast %swap3A_1023 : vector<1x16xf32> to vector<16xf32>
          %swap3A_1025 = vector.shape_cast %mul3A_1020 : vector<16xf32> to vector<1x16xf32>
          tpu.vector_store %arg10[%swap3A_1021, %swap3A_1022], %swap3A_1025 {strides = array<i32>} : memref<128x128xf32, #tpu.memory_space<vmem>>, vector<1x16xf32>,
          %get3A_1026 = arith.index_cast %add3A_1015 : i32 to index
          %get3A_1027 = arith.constant 16 : index
          %get3A_1028 = tpu.vector_load %arg10[%get3A_1026, %get3A_1027] {strides = array<i32>} : memref<128x128xf32, #tpu.memory_space<vmem>>, vector<1x16xf32>,
          %get3A_1029 = vector.shape_cast %get3A_1028 : vector<1x16xf32> to vector<16xf32>
          %mul3A_1030 = arith.mulf %get3A_1029, %gather3A_1011 : vector<16xf32>
          %swap3A_1031 = arith.index_cast %add3A_1015 : i32 to index
          %swap3A_1032 = arith.constant 16 : index
          %swap3A_1033 = tpu.vector_load %arg10[%swap3A_1031, %swap3A_1032] {strides = array<i32>} : memref<128x128xf32, #tpu.memory_space<vmem>>, vector<1x16xf32>,
          %swap3A_1034 = vector.shape_cast %swap3A_1033 : vector<1x16xf32> to vector<16xf32>
          %swap3A_1035 = vector.shape_cast %mul3A_1030 : vector<16xf32> to vector<1x16xf32>
          tpu.vector_store %arg10[%swap3A_1031, %swap3A_1032], %swap3A_1035 {strides = array<i32>} : memref<128x128xf32, #tpu.memory_space<vmem>>, vector<1x16xf32>,
          %get3A_1036 = arith.index_cast %add3A_1015 : i32 to index
          %get3A_1037 = arith.constant 32 : index
          %get3A_1038 = tpu.vector_load %arg10[%get3A_1036, %get3A_1037] {strides = array<i32>} : memref<128x128xf32, #tpu.memory_space<vmem>>, vector<1x16xf32>,
          %get3A_1039 = vector.shape_cast %get3A_1038 : vector<1x16xf32> to vector<16xf32>
          %mul3A_1040 = arith.mulf %get3A_1039, %gather3A_1011 : vector<16xf32>
          %swap3A_1041 = arith.index_cast %add3A_1015 : i32 to index
          %swap3A_1042 = arith.constant 32 : index
          %swap3A_1043 = tpu.vector_load %arg10[%swap3A_1041, %swap3A_1042] {strides = array<i32>} : memref<128x128xf32, #tpu.memory_space<vmem>>, vector<1x16xf32>,
          %swap3A_1044 = vector.shape_cast %swap3A_1043 : vector<1x16xf32> to vector<16xf32>
          %swap3A_1045 = vector.shape_cast %mul3A_1040 : vector<16xf32> to vector<1x16xf32>
          tpu.vector_store %arg10[%swap3A_1041, %swap3A_1042], %swap3A_1045 {strides = array<i32>} : memref<128x128xf32, #tpu.memory_space<vmem>>, vector<1x16xf32>,
          %get3A_1046 = arith.index_cast %add3A_1015 : i32 to index
          %get3A_1047 = arith.constant 48 : index
          %get3A_1048 = tpu.vector_load %arg10[%get3A_1046, %get3A_1047] {strides = array<i32>} : memref<128x128xf32, #tpu.memory_space<vmem>>, vector<1x16xf32>,
          %get3A_1049 = vector.shape_cast %get3A_1048 : vector<1x16xf32> to vector<16xf32>
          %mul3A_1050 = arith.mulf %get3A_1049, %gather3A_1011 : vector<16xf32>
          %swap3A_1051 = arith.index_cast %add3A_1015 : i32 to index
          %swap3A_1052 = arith.constant 48 : index
          %swap3A_1053 = tpu.vector_load %arg10[%swap3A_1051, %swap3A_1052] {strides = array<i32>} : memref<128x128xf32, #tpu.memory_space<vmem>>, vector<1x16xf32>,
          %swap3A_1054 = vector.shape_cast %swap3A_1053 : vector<1x16xf32> to vector<16xf32>
          %swap3A_1055 = vector.shape_cast %mul3A_1050 : vector<16xf32> to vector<1x16xf32>
          tpu.vector_store %arg10[%swap3A_1051, %swap3A_1052], %swap3A_1055 {strides = array<i32>} : memref<128x128xf32, #tpu.memory_space<vmem>>, vector<1x16xf32>,
          %get3A_1056 = arith.index_cast %add3A_1015 : i32 to index
          %get3A_1057 = arith.constant 64 : index
          %get3A_1058 = tpu.vector_load %arg10[%get3A_1056, %get3A_1057] {strides = array<i32>} : memref<128x128xf32, #tpu.memory_space<vmem>>, vector<1x16xf32>,
          %get3A_1059 = vector.shape_cast %get3A_1058 : vector<1x16xf32> to vector<16xf32>
          %mul3A_1060 = arith.mulf %get3A_1059, %gather3A_1011 : vector<16xf32>
          %swap3A_1061 = arith.index_cast %add3A_1015 : i32 to index
          %swap3A_1062 = arith.constant 64 : index
          %swap3A_1063 = tpu.vector_load %arg10[%swap3A_1061, %swap3A_1062] {strides = array<i32>} : memref<128x128xf32, #tpu.memory_space<vmem>>, vector<1x16xf32>,
          %swap3A_1064 = vector.shape_cast %swap3A_1063 : vector<1x16xf32> to vector<16xf32>
          %swap3A_1065 = vector.shape_cast %mul3A_1060 : vector<16xf32> to vector<1x16xf32>
          tpu.vector_store %arg10[%swap3A_1061, %swap3A_1062], %swap3A_1065 {strides = array<i32>} : memref<128x128xf32, #tpu.memory_space<vmem>>, vector<1x16xf32>,
          %get3A_1066 = arith.index_cast %add3A_1015 : i32 to index
          %get3A_1067 = arith.constant 80 : index
          %get3A_1068 = tpu.vector_load %arg10[%get3A_1066, %get3A_1067] {strides = array<i32>} : memref<128x128xf32, #tpu.memory_space<vmem>>, vector<1x16xf32>,
          %get3A_1069 = vector.shape_cast %get3A_1068 : vector<1x16xf32> to vector<16xf32>
          %mul3A_1070 = arith.mulf %get3A_1069, %gather3A_1011 : vector<16xf32>
          %swap3A_1071 = arith.index_cast %add3A_1015 : i32 to index
          %swap3A_1072 = arith.constant 80 : index
          %swap3A_1073 = tpu.vector_load %arg10[%swap3A_1071, %swap3A_1072] {strides = array<i32>} : memref<128x128xf32, #tpu.memory_space<vmem>>, vector<1x16xf32>,
          %swap3A_1074 = vector.shape_cast %swap3A_1073 : vector<1x16xf32> to vector<16xf32>
          %swap3A_1075 = vector.shape_cast %mul3A_1070 : vector<16xf32> to vector<1x16xf32>
          tpu.vector_store %arg10[%swap3A_1071, %swap3A_1072], %swap3A_1075 {strides = array<i32>} : memref<128x128xf32, #tpu.memory_space<vmem>>, vector<1x16xf32>,
          %get3A_1076 = arith.index_cast %add3A_1015 : i32 to index
          %get3A_1077 = arith.constant 96 : index
          %get3A_1078 = tpu.vector_load %arg10[%get3A_1076, %get3A_1077] {strides = array<i32>} : memref<128x128xf32, #tpu.memory_space<vmem>>, vector<1x16xf32>,
          %get3A_1079 = vector.shape_cast %get3A_1078 : vector<1x16xf32> to vector<16xf32>
          %mul3A_1080 = arith.mulf %get3A_1079, %gather3A_1011 : vector<16xf32>
          %swap3A_1081 = arith.index_cast %add3A_1015 : i32 to index
          %swap3A_1082 = arith.constant 96 : index
          %swap3A_1083 = tpu.vector_load %arg10[%swap3A_1081, %swap3A_1082] {strides = array<i32>} : memref<128x128xf32, #tpu.memory_space<vmem>>, vector<1x16xf32>,
          %swap3A_1084 = vector.shape_cast %swap3A_1083 : vector<1x16xf32> to vector<16xf32>
          %swap3A_1085 = vector.shape_cast %mul3A_1080 : vector<16xf32> to vector<1x16xf32>
          tpu.vector_store %arg10[%swap3A_1081, %swap3A_1082], %swap3A_1085 {strides = array<i32>} : memref<128x128xf32, #tpu.memory_space<vmem>>, vector<1x16xf32>,
          %get3A_1086 = arith.index_cast %add3A_1015 : i32 to index
          %get3A_1087 = arith.constant 112 : index
          %get3A_1088 = tpu.vector_load %arg10[%get3A_1086, %get3A_1087] {strides = array<i32>} : memref<128x128xf32, #tpu.memory_space<vmem>>, vector<1x16xf32>,
          %get3A_1089 = vector.shape_cast %get3A_1088 : vector<1x16xf32> to vector<16xf32>
          %mul3A_1090 = arith.mulf %get3A_1089, %gather3A_1011 : vector<16xf32>
          %swap3A_1091 = arith.index_cast %add3A_1015 : i32 to index
          %swap3A_1092 = arith.constant 112 : index
          %swap3A_1093 = tpu.vector_load %arg10[%swap3A_1091, %swap3A_1092] {strides = array<i32>} : memref<128x128xf32, #tpu.memory_space<vmem>>, vector<1x16xf32>,
          %swap3A_1094 = vector.shape_cast %swap3A_1093 : vector<1x16xf32> to vector<16xf32>
          %swap3A_1095 = vector.shape_cast %mul3A_1090 : vector<16xf32> to vector<1x16xf32>
          tpu.vector_store %arg10[%swap3A_1091, %swap3A_1092], %swap3A_1095 {strides = array<i32>} : memref<128x128xf32, #tpu.memory_space<vmem>>, vector<1x16xf32>,
          %broadcast_in_dim3A_1096 = arith.constant 10 : i32
          %broadcast_in_dim3A_1097 = vector.broadcast %broadcast_in_dim3A_1096 : i32 to vector<16xi32>
          %lt3A_1098 = arith.constant 0 : i32
          %lt3A_1099 = vector.broadcast %lt3A_1098 : i32 to vector<16xi32>
          %lt3A_1100 = arith.cmpi slt, %broadcast_in_dim3A_1097, %lt3A_1099 : vector<16xi32>
          %add3A_1101 = arith.constant 16 : i32
          %add3A_1102 = vector.broadcast %add3A_1101 : i32 to vector<16xi32>
          %add3A_1103 = arith.addi %broadcast_in_dim3A_1097, %add3A_1102 : vector<16xi32>
          %select_n3A_1104 = arith.select %lt3A_1100, %add3A_1103, %broadcast_in_dim3A_1097 : vector<16xi1>, vector<16xi32>
          %broadcast_in_dim3A_1105 = vector.shape_cast %select_n3A_1104 : vector<16xi32> to vector<16x1xi32>
          %gather3A_1106 = vector.shape_cast %broadcast_in_dim3A_1105 : vector<16x1xi32> to vector<16xi32>
          %gather3A_1107 = tpu.dynamic_gather %get3A_138[%gather3A_1106] in [0] : vector<16xf32>, vector<16xi32> -> vector<16xf32>
          %mul3A_1108 = arith.constant 16 : i32
          %mul3A_1109 = arith.muli %scan3A_132, %mul3A_1108 : i32
          %add3A_1110 = arith.constant 10 : i32
          %add3A_1111 = arith.addi %mul3A_1109, %add3A_1110 : i32
          %get3A_1112 = arith.index_cast %add3A_1111 : i32 to index
          %get3A_1113 = arith.constant 0 : index
          %get3A_1114 = tpu.vector_load %arg10[%get3A_1112, %get3A_1113] {strides = array<i32>} : memref<128x128xf32, #tpu.memory_space<vmem>>, vector<1x16xf32>,
          %get3A_1115 = vector.shape_cast %get3A_1114 : vector<1x16xf32> to vector<16xf32>
          %mul3A_1116 = arith.mulf %get3A_1115, %gather3A_1107 : vector<16xf32>
          %swap3A_1117 = arith.index_cast %add3A_1111 : i32 to index
          %swap3A_1118 = arith.constant 0 : index
          %swap3A_1119 = tpu.vector_load %arg10[%swap3A_1117, %swap3A_1118] {strides = array<i32>} : memref<128x128xf32, #tpu.memory_space<vmem>>, vector<1x16xf32>,
          %swap3A_1120 = vector.shape_cast %swap3A_1119 : vector<1x16xf32> to vector<16xf32>
          %swap3A_1121 = vector.shape_cast %mul3A_1116 : vector<16xf32> to vector<1x16xf32>
          tpu.vector_store %arg10[%swap3A_1117, %swap3A_1118], %swap3A_1121 {strides = array<i32>} : memref<128x128xf32, #tpu.memory_space<vmem>>, vector<1x16xf32>,
          %get3A_1122 = arith.index_cast %add3A_1111 : i32 to index
          %get3A_1123 = arith.constant 16 : index
          %get3A_1124 = tpu.vector_load %arg10[%get3A_1122, %get3A_1123] {strides = array<i32>} : memref<128x128xf32, #tpu.memory_space<vmem>>, vector<1x16xf32>,
          %get3A_1125 = vector.shape_cast %get3A_1124 : vector<1x16xf32> to vector<16xf32>
          %mul3A_1126 = arith.mulf %get3A_1125, %gather3A_1107 : vector<16xf32>
          %swap3A_1127 = arith.index_cast %add3A_1111 : i32 to index
          %swap3A_1128 = arith.constant 16 : index
          %swap3A_1129 = tpu.vector_load %arg10[%swap3A_1127, %swap3A_1128] {strides = array<i32>} : memref<128x128xf32, #tpu.memory_space<vmem>>, vector<1x16xf32>,
          %swap3A_1130 = vector.shape_cast %swap3A_1129 : vector<1x16xf32> to vector<16xf32>
          %swap3A_1131 = vector.shape_cast %mul3A_1126 : vector<16xf32> to vector<1x16xf32>
          tpu.vector_store %arg10[%swap3A_1127, %swap3A_1128], %swap3A_1131 {strides = array<i32>} : memref<128x128xf32, #tpu.memory_space<vmem>>, vector<1x16xf32>,
          %get3A_1132 = arith.index_cast %add3A_1111 : i32 to index
          %get3A_1133 = arith.constant 32 : index
          %get3A_1134 = tpu.vector_load %arg10[%get3A_1132, %get3A_1133] {strides = array<i32>} : memref<128x128xf32, #tpu.memory_space<vmem>>, vector<1x16xf32>,
          %get3A_1135 = vector.shape_cast %get3A_1134 : vector<1x16xf32> to vector<16xf32>
          %mul3A_1136 = arith.mulf %get3A_1135, %gather3A_1107 : vector<16xf32>
          %swap3A_1137 = arith.index_cast %add3A_1111 : i32 to index
          %swap3A_1138 = arith.constant 32 : index
          %swap3A_1139 = tpu.vector_load %arg10[%swap3A_1137, %swap3A_1138] {strides = array<i32>} : memref<128x128xf32, #tpu.memory_space<vmem>>, vector<1x16xf32>,
          %swap3A_1140 = vector.shape_cast %swap3A_1139 : vector<1x16xf32> to vector<16xf32>
          %swap3A_1141 = vector.shape_cast %mul3A_1136 : vector<16xf32> to vector<1x16xf32>
          tpu.vector_store %arg10[%swap3A_1137, %swap3A_1138], %swap3A_1141 {strides = array<i32>} : memref<128x128xf32, #tpu.memory_space<vmem>>, vector<1x16xf32>,
          %get3A_1142 = arith.index_cast %add3A_1111 : i32 to index
          %get3A_1143 = arith.constant 48 : index
          %get3A_1144 = tpu.vector_load %arg10[%get3A_1142, %get3A_1143] {strides = array<i32>} : memref<128x128xf32, #tpu.memory_space<vmem>>, vector<1x16xf32>,
          %get3A_1145 = vector.shape_cast %get3A_1144 : vector<1x16xf32> to vector<16xf32>
          %mul3A_1146 = arith.mulf %get3A_1145, %gather3A_1107 : vector<16xf32>
          %swap3A_1147 = arith.index_cast %add3A_1111 : i32 to index
          %swap3A_1148 = arith.constant 48 : index
          %swap3A_1149 = tpu.vector_load %arg10[%swap3A_1147, %swap3A_1148] {strides = array<i32>} : memref<128x128xf32, #tpu.memory_space<vmem>>, vector<1x16xf32>,
          %swap3A_1150 = vector.shape_cast %swap3A_1149 : vector<1x16xf32> to vector<16xf32>
          %swap3A_1151 = vector.shape_cast %mul3A_1146 : vector<16xf32> to vector<1x16xf32>
          tpu.vector_store %arg10[%swap3A_1147, %swap3A_1148], %swap3A_1151 {strides = array<i32>} : memref<128x128xf32, #tpu.memory_space<vmem>>, vector<1x16xf32>,
          %get3A_1152 = arith.index_cast %add3A_1111 : i32 to index
          %get3A_1153 = arith.constant 64 : index
          %get3A_1154 = tpu.vector_load %arg10[%get3A_1152, %get3A_1153] {strides = array<i32>} : memref<128x128xf32, #tpu.memory_space<vmem>>, vector<1x16xf32>,
          %get3A_1155 = vector.shape_cast %get3A_1154 : vector<1x16xf32> to vector<16xf32>
          %mul3A_1156 = arith.mulf %get3A_1155, %gather3A_1107 : vector<16xf32>
          %swap3A_1157 = arith.index_cast %add3A_1111 : i32 to index
          %swap3A_1158 = arith.constant 64 : index
          %swap3A_1159 = tpu.vector_load %arg10[%swap3A_1157, %swap3A_1158] {strides = array<i32>} : memref<128x128xf32, #tpu.memory_space<vmem>>, vector<1x16xf32>,
          %swap3A_1160 = vector.shape_cast %swap3A_1159 : vector<1x16xf32> to vector<16xf32>
          %swap3A_1161 = vector.shape_cast %mul3A_1156 : vector<16xf32> to vector<1x16xf32>
          tpu.vector_store %arg10[%swap3A_1157, %swap3A_1158], %swap3A_1161 {strides = array<i32>} : memref<128x128xf32, #tpu.memory_space<vmem>>, vector<1x16xf32>,
          %get3A_1162 = arith.index_cast %add3A_1111 : i32 to index
          %get3A_1163 = arith.constant 80 : index
          %get3A_1164 = tpu.vector_load %arg10[%get3A_1162, %get3A_1163] {strides = array<i32>} : memref<128x128xf32, #tpu.memory_space<vmem>>, vector<1x16xf32>,
          %get3A_1165 = vector.shape_cast %get3A_1164 : vector<1x16xf32> to vector<16xf32>
          %mul3A_1166 = arith.mulf %get3A_1165, %gather3A_1107 : vector<16xf32>
          %swap3A_1167 = arith.index_cast %add3A_1111 : i32 to index
          %swap3A_1168 = arith.constant 80 : index
          %swap3A_1169 = tpu.vector_load %arg10[%swap3A_1167, %swap3A_1168] {strides = array<i32>} : memref<128x128xf32, #tpu.memory_space<vmem>>, vector<1x16xf32>,
          %swap3A_1170 = vector.shape_cast %swap3A_1169 : vector<1x16xf32> to vector<16xf32>
          %swap3A_1171 = vector.shape_cast %mul3A_1166 : vector<16xf32> to vector<1x16xf32>
          tpu.vector_store %arg10[%swap3A_1167, %swap3A_1168], %swap3A_1171 {strides = array<i32>} : memref<128x128xf32, #tpu.memory_space<vmem>>, vector<1x16xf32>,
          %get3A_1172 = arith.index_cast %add3A_1111 : i32 to index
          %get3A_1173 = arith.constant 96 : index
          %get3A_1174 = tpu.vector_load %arg10[%get3A_1172, %get3A_1173] {strides = array<i32>} : memref<128x128xf32, #tpu.memory_space<vmem>>, vector<1x16xf32>,
          %get3A_1175 = vector.shape_cast %get3A_1174 : vector<1x16xf32> to vector<16xf32>
          %mul3A_1176 = arith.mulf %get3A_1175, %gather3A_1107 : vector<16xf32>
          %swap3A_1177 = arith.index_cast %add3A_1111 : i32 to index
          %swap3A_1178 = arith.constant 96 : index
          %swap3A_1179 = tpu.vector_load %arg10[%swap3A_1177, %swap3A_1178] {strides = array<i32>} : memref<128x128xf32, #tpu.memory_space<vmem>>, vector<1x16xf32>,
          %swap3A_1180 = vector.shape_cast %swap3A_1179 : vector<1x16xf32> to vector<16xf32>
          %swap3A_1181 = vector.shape_cast %mul3A_1176 : vector<16xf32> to vector<1x16xf32>
          tpu.vector_store %arg10[%swap3A_1177, %swap3A_1178], %swap3A_1181 {strides = array<i32>} : memref<128x128xf32, #tpu.memory_space<vmem>>, vector<1x16xf32>,
          %get3A_1182 = arith.index_cast %add3A_1111 : i32 to index
          %get3A_1183 = arith.constant 112 : index
          %get3A_1184 = tpu.vector_load %arg10[%get3A_1182, %get3A_1183] {strides = array<i32>} : memref<128x128xf32, #tpu.memory_space<vmem>>, vector<1x16xf32>,
          %get3A_1185 = vector.shape_cast %get3A_1184 : vector<1x16xf32> to vector<16xf32>
          %mul3A_1186 = arith.mulf %get3A_1185, %gather3A_1107 : vector<16xf32>
          %swap3A_1187 = arith.index_cast %add3A_1111 : i32 to index
          %swap3A_1188 = arith.constant 112 : index
          %swap3A_1189 = tpu.vector_load %arg10[%swap3A_1187, %swap3A_1188] {strides = array<i32>} : memref<128x128xf32, #tpu.memory_space<vmem>>, vector<1x16xf32>,
          %swap3A_1190 = vector.shape_cast %swap3A_1189 : vector<1x16xf32> to vector<16xf32>
          %swap3A_1191 = vector.shape_cast %mul3A_1186 : vector<16xf32> to vector<1x16xf32>
          tpu.vector_store %arg10[%swap3A_1187, %swap3A_1188], %swap3A_1191 {strides = array<i32>} : memref<128x128xf32, #tpu.memory_space<vmem>>, vector<1x16xf32>,
          %broadcast_in_dim3A_1192 = arith.constant 11 : i32
          %broadcast_in_dim3A_1193 = vector.broadcast %broadcast_in_dim3A_1192 : i32 to vector<16xi32>
          %lt3A_1194 = arith.constant 0 : i32
          %lt3A_1195 = vector.broadcast %lt3A_1194 : i32 to vector<16xi32>
          %lt3A_1196 = arith.cmpi slt, %broadcast_in_dim3A_1193, %lt3A_1195 : vector<16xi32>
          %add3A_1197 = arith.constant 16 : i32
          %add3A_1198 = vector.broadcast %add3A_1197 : i32 to vector<16xi32>
          %add3A_1199 = arith.addi %broadcast_in_dim3A_1193, %add3A_1198 : vector<16xi32>
          %select_n3A_1200 = arith.select %lt3A_1196, %add3A_1199, %broadcast_in_dim3A_1193 : vector<16xi1>, vector<16xi32>
          %broadcast_in_dim3A_1201 = vector.shape_cast %select_n3A_1200 : vector<16xi32> to vector<16x1xi32>
          %gather3A_1202 = vector.shape_cast %broadcast_in_dim3A_1201 : vector<16x1xi32> to vector<16xi32>
          %gather3A_1203 = tpu.dynamic_gather %get3A_138[%gather3A_1202] in [0] : vector<16xf32>, vector<16xi32> -> vector<16xf32>
          %mul3A_1204 = arith.constant 16 : i32
          %mul3A_1205 = arith.muli %scan3A_132, %mul3A_1204 : i32
          %add3A_1206 = arith.constant 11 : i32
          %add3A_1207 = arith.addi %mul3A_1205, %add3A_1206 : i32
          %get3A_1208 = arith.index_cast %add3A_1207 : i32 to index
          %get3A_1209 = arith.constant 0 : index
          %get3A_1210 = tpu.vector_load %arg10[%get3A_1208, %get3A_1209] {strides = array<i32>} : memref<128x128xf32, #tpu.memory_space<vmem>>, vector<1x16xf32>,
          %get3A_1211 = vector.shape_cast %get3A_1210 : vector<1x16xf32> to vector<16xf32>
          %mul3A_1212 = arith.mulf %get3A_1211, %gather3A_1203 : vector<16xf32>
          %swap3A_1213 = arith.index_cast %add3A_1207 : i32 to index
          %swap3A_1214 = arith.constant 0 : index
          %swap3A_1215 = tpu.vector_load %arg10[%swap3A_1213, %swap3A_1214] {strides = array<i32>} : memref<128x128xf32, #tpu.memory_space<vmem>>, vector<1x16xf32>,
          %swap3A_1216 = vector.shape_cast %swap3A_1215 : vector<1x16xf32> to vector<16xf32>
          %swap3A_1217 = vector.shape_cast %mul3A_1212 : vector<16xf32> to vector<1x16xf32>
          tpu.vector_store %arg10[%swap3A_1213, %swap3A_1214], %swap3A_1217 {strides = array<i32>} : memref<128x128xf32, #tpu.memory_space<vmem>>, vector<1x16xf32>,
          %get3A_1218 = arith.index_cast %add3A_1207 : i32 to index
          %get3A_1219 = arith.constant 16 : index
          %get3A_1220 = tpu.vector_load %arg10[%get3A_1218, %get3A_1219] {strides = array<i32>} : memref<128x128xf32, #tpu.memory_space<vmem>>, vector<1x16xf32>,
          %get3A_1221 = vector.shape_cast %get3A_1220 : vector<1x16xf32> to vector<16xf32>
          %mul3A_1222 = arith.mulf %get3A_1221, %gather3A_1203 : vector<16xf32>
          %swap3A_1223 = arith.index_cast %add3A_1207 : i32 to index
          %swap3A_1224 = arith.constant 16 : index
          %swap3A_1225 = tpu.vector_load %arg10[%swap3A_1223, %swap3A_1224] {strides = array<i32>} : memref<128x128xf32, #tpu.memory_space<vmem>>, vector<1x16xf32>,
          %swap3A_1226 = vector.shape_cast %swap3A_1225 : vector<1x16xf32> to vector<16xf32>
          %swap3A_1227 = vector.shape_cast %mul3A_1222 : vector<16xf32> to vector<1x16xf32>
          tpu.vector_store %arg10[%swap3A_1223, %swap3A_1224], %swap3A_1227 {strides = array<i32>} : memref<128x128xf32, #tpu.memory_space<vmem>>, vector<1x16xf32>,
          %get3A_1228 = arith.index_cast %add3A_1207 : i32 to index
          %get3A_1229 = arith.constant 32 : index
          %get3A_1230 = tpu.vector_load %arg10[%get3A_1228, %get3A_1229] {strides = array<i32>} : memref<128x128xf32, #tpu.memory_space<vmem>>, vector<1x16xf32>,
          %get3A_1231 = vector.shape_cast %get3A_1230 : vector<1x16xf32> to vector<16xf32>
          %mul3A_1232 = arith.mulf %get3A_1231, %gather3A_1203 : vector<16xf32>
          %swap3A_1233 = arith.index_cast %add3A_1207 : i32 to index
          %swap3A_1234 = arith.constant 32 : index
          %swap3A_1235 = tpu.vector_load %arg10[%swap3A_1233, %swap3A_1234] {strides = array<i32>} : memref<128x128xf32, #tpu.memory_space<vmem>>, vector<1x16xf32>,
          %swap3A_1236 = vector.shape_cast %swap3A_1235 : vector<1x16xf32> to vector<16xf32>
          %swap3A_1237 = vector.shape_cast %mul3A_1232 : vector<16xf32> to vector<1x16xf32>
          tpu.vector_store %arg10[%swap3A_1233, %swap3A_1234], %swap3A_1237 {strides = array<i32>} : memref<128x128xf32, #tpu.memory_space<vmem>>, vector<1x16xf32>,
          %get3A_1238 = arith.index_cast %add3A_1207 : i32 to index
          %get3A_1239 = arith.constant 48 : index
          %get3A_1240 = tpu.vector_load %arg10[%get3A_1238, %get3A_1239] {strides = array<i32>} : memref<128x128xf32, #tpu.memory_space<vmem>>, vector<1x16xf32>,
          %get3A_1241 = vector.shape_cast %get3A_1240 : vector<1x16xf32> to vector<16xf32>
          %mul3A_1242 = arith.mulf %get3A_1241, %gather3A_1203 : vector<16xf32>
          %swap3A_1243 = arith.index_cast %add3A_1207 : i32 to index
          %swap3A_1244 = arith.constant 48 : index
          %swap3A_1245 = tpu.vector_load %arg10[%swap3A_1243, %swap3A_1244] {strides = array<i32>} : memref<128x128xf32, #tpu.memory_space<vmem>>, vector<1x16xf32>,
          %swap3A_1246 = vector.shape_cast %swap3A_1245 : vector<1x16xf32> to vector<16xf32>
          %swap3A_1247 = vector.shape_cast %mul3A_1242 : vector<16xf32> to vector<1x16xf32>
          tpu.vector_store %arg10[%swap3A_1243, %swap3A_1244], %swap3A_1247 {strides = array<i32>} : memref<128x128xf32, #tpu.memory_space<vmem>>, vector<1x16xf32>,
          %get3A_1248 = arith.index_cast %add3A_1207 : i32 to index
          %get3A_1249 = arith.constant 64 : index
          %get3A_1250 = tpu.vector_load %arg10[%get3A_1248, %get3A_1249] {strides = array<i32>} : memref<128x128xf32, #tpu.memory_space<vmem>>, vector<1x16xf32>,
          %get3A_1251 = vector.shape_cast %get3A_1250 : vector<1x16xf32> to vector<16xf32>
          %mul3A_1252 = arith.mulf %get3A_1251, %gather3A_1203 : vector<16xf32>
          %swap3A_1253 = arith.index_cast %add3A_1207 : i32 to index
          %swap3A_1254 = arith.constant 64 : index
          %swap3A_1255 = tpu.vector_load %arg10[%swap3A_1253, %swap3A_1254] {strides = array<i32>} : memref<128x128xf32, #tpu.memory_space<vmem>>, vector<1x16xf32>,
          %swap3A_1256 = vector.shape_cast %swap3A_1255 : vector<1x16xf32> to vector<16xf32>
          %swap3A_1257 = vector.shape_cast %mul3A_1252 : vector<16xf32> to vector<1x16xf32>
          tpu.vector_store %arg10[%swap3A_1253, %swap3A_1254], %swap3A_1257 {strides = array<i32>} : memref<128x128xf32, #tpu.memory_space<vmem>>, vector<1x16xf32>,
          %get3A_1258 = arith.index_cast %add3A_1207 : i32 to index
          %get3A_1259 = arith.constant 80 : index
          %get3A_1260 = tpu.vector_load %arg10[%get3A_1258, %get3A_1259] {strides = array<i32>} : memref<128x128xf32, #tpu.memory_space<vmem>>, vector<1x16xf32>,
          %get3A_1261 = vector.shape_cast %get3A_1260 : vector<1x16xf32> to vector<16xf32>
          %mul3A_1262 = arith.mulf %get3A_1261, %gather3A_1203 : vector<16xf32>
          %swap3A_1263 = arith.index_cast %add3A_1207 : i32 to index
          %swap3A_1264 = arith.constant 80 : index
          %swap3A_1265 = tpu.vector_load %arg10[%swap3A_1263, %swap3A_1264] {strides = array<i32>} : memref<128x128xf32, #tpu.memory_space<vmem>>, vector<1x16xf32>,
          %swap3A_1266 = vector.shape_cast %swap3A_1265 : vector<1x16xf32> to vector<16xf32>
          %swap3A_1267 = vector.shape_cast %mul3A_1262 : vector<16xf32> to vector<1x16xf32>
          tpu.vector_store %arg10[%swap3A_1263, %swap3A_1264], %swap3A_1267 {strides = array<i32>} : memref<128x128xf32, #tpu.memory_space<vmem>>, vector<1x16xf32>,
          %get3A_1268 = arith.index_cast %add3A_1207 : i32 to index
          %get3A_1269 = arith.constant 96 : index
          %get3A_1270 = tpu.vector_load %arg10[%get3A_1268, %get3A_1269] {strides = array<i32>} : memref<128x128xf32, #tpu.memory_space<vmem>>, vector<1x16xf32>,
          %get3A_1271 = vector.shape_cast %get3A_1270 : vector<1x16xf32> to vector<16xf32>
          %mul3A_1272 = arith.mulf %get3A_1271, %gather3A_1203 : vector<16xf32>
          %swap3A_1273 = arith.index_cast %add3A_1207 : i32 to index
          %swap3A_1274 = arith.constant 96 : index
          %swap3A_1275 = tpu.vector_load %arg10[%swap3A_1273, %swap3A_1274] {strides = array<i32>} : memref<128x128xf32, #tpu.memory_space<vmem>>, vector<1x16xf32>,
          %swap3A_1276 = vector.shape_cast %swap3A_1275 : vector<1x16xf32> to vector<16xf32>
          %swap3A_1277 = vector.shape_cast %mul3A_1272 : vector<16xf32> to vector<1x16xf32>
          tpu.vector_store %arg10[%swap3A_1273, %swap3A_1274], %swap3A_1277 {strides = array<i32>} : memref<128x128xf32, #tpu.memory_space<vmem>>, vector<1x16xf32>,
          %get3A_1278 = arith.index_cast %add3A_1207 : i32 to index
          %get3A_1279 = arith.constant 112 : index
          %get3A_1280 = tpu.vector_load %arg10[%get3A_1278, %get3A_1279] {strides = array<i32>} : memref<128x128xf32, #tpu.memory_space<vmem>>, vector<1x16xf32>,
          %get3A_1281 = vector.shape_cast %get3A_1280 : vector<1x16xf32> to vector<16xf32>
          %mul3A_1282 = arith.mulf %get3A_1281, %gather3A_1203 : vector<16xf32>
          %swap3A_1283 = arith.index_cast %add3A_1207 : i32 to index
          %swap3A_1284 = arith.constant 112 : index
          %swap3A_1285 = tpu.vector_load %arg10[%swap3A_1283, %swap3A_1284] {strides = array<i32>} : memref<128x128xf32, #tpu.memory_space<vmem>>, vector<1x16xf32>,
          %swap3A_1286 = vector.shape_cast %swap3A_1285 : vector<1x16xf32> to vector<16xf32>
          %swap3A_1287 = vector.shape_cast %mul3A_1282 : vector<16xf32> to vector<1x16xf32>
          tpu.vector_store %arg10[%swap3A_1283, %swap3A_1284], %swap3A_1287 {strides = array<i32>} : memref<128x128xf32, #tpu.memory_space<vmem>>, vector<1x16xf32>,
          %broadcast_in_dim3A_1288 = arith.constant 12 : i32
          %broadcast_in_dim3A_1289 = vector.broadcast %broadcast_in_dim3A_1288 : i32 to vector<16xi32>
          %lt3A_1290 = arith.constant 0 : i32
          %lt3A_1291 = vector.broadcast %lt3A_1290 : i32 to vector<16xi32>
          %lt3A_1292 = arith.cmpi slt, %broadcast_in_dim3A_1289, %lt3A_1291 : vector<16xi32>
          %add3A_1293 = arith.constant 16 : i32
          %add3A_1294 = vector.broadcast %add3A_1293 : i32 to vector<16xi32>
          %add3A_1295 = arith.addi %broadcast_in_dim3A_1289, %add3A_1294 : vector<16xi32>
          %select_n3A_1296 = arith.select %lt3A_1292, %add3A_1295, %broadcast_in_dim3A_1289 : vector<16xi1>, vector<16xi32>
          %broadcast_in_dim3A_1297 = vector.shape_cast %select_n3A_1296 : vector<16xi32> to vector<16x1xi32>
          %gather3A_1298 = vector.shape_cast %broadcast_in_dim3A_1297 : vector<16x1xi32> to vector<16xi32>
          %gather3A_1299 = tpu.dynamic_gather %get3A_138[%gather3A_1298] in [0] : vector<16xf32>, vector<16xi32> -> vector<16xf32>
          %mul3A_1300 = arith.constant 16 : i32
          %mul3A_1301 = arith.muli %scan3A_132, %mul3A_1300 : i32
          %add3A_1302 = arith.constant 12 : i32
          %add3A_1303 = arith.addi %mul3A_1301, %add3A_1302 : i32
          %get3A_1304 = arith.index_cast %add3A_1303 : i32 to index
          %get3A_1305 = arith.constant 0 : index
          %get3A_1306 = tpu.vector_load %arg10[%get3A_1304, %get3A_1305] {strides = array<i32>} : memref<128x128xf32, #tpu.memory_space<vmem>>, vector<1x16xf32>,
          %get3A_1307 = vector.shape_cast %get3A_1306 : vector<1x16xf32> to vector<16xf32>
          %mul3A_1308 = arith.mulf %get3A_1307, %gather3A_1299 : vector<16xf32>
          %swap3A_1309 = arith.index_cast %add3A_1303 : i32 to index
          %swap3A_1310 = arith.constant 0 : index
          %swap3A_1311 = tpu.vector_load %arg10[%swap3A_1309, %swap3A_1310] {strides = array<i32>} : memref<128x128xf32, #tpu.memory_space<vmem>>, vector<1x16xf32>,
          %swap3A_1312 = vector.shape_cast %swap3A_1311 : vector<1x16xf32> to vector<16xf32>
          %swap3A_1313 = vector.shape_cast %mul3A_1308 : vector<16xf32> to vector<1x16xf32>
          tpu.vector_store %arg10[%swap3A_1309, %swap3A_1310], %swap3A_1313 {strides = array<i32>} : memref<128x128xf32, #tpu.memory_space<vmem>>, vector<1x16xf32>,
          %get3A_1314 = arith.index_cast %add3A_1303 : i32 to index
          %get3A_1315 = arith.constant 16 : index
          %get3A_1316 = tpu.vector_load %arg10[%get3A_1314, %get3A_1315] {strides = array<i32>} : memref<128x128xf32, #tpu.memory_space<vmem>>, vector<1x16xf32>,
          %get3A_1317 = vector.shape_cast %get3A_1316 : vector<1x16xf32> to vector<16xf32>
          %mul3A_1318 = arith.mulf %get3A_1317, %gather3A_1299 : vector<16xf32>
          %swap3A_1319 = arith.index_cast %add3A_1303 : i32 to index
          %swap3A_1320 = arith.constant 16 : index
          %swap3A_1321 = tpu.vector_load %arg10[%swap3A_1319, %swap3A_1320] {strides = array<i32>} : memref<128x128xf32, #tpu.memory_space<vmem>>, vector<1x16xf32>,
          %swap3A_1322 = vector.shape_cast %swap3A_1321 : vector<1x16xf32> to vector<16xf32>
          %swap3A_1323 = vector.shape_cast %mul3A_1318 : vector<16xf32> to vector<1x16xf32>
          tpu.vector_store %arg10[%swap3A_1319, %swap3A_1320], %swap3A_1323 {strides = array<i32>} : memref<128x128xf32, #tpu.memory_space<vmem>>, vector<1x16xf32>,
          %get3A_1324 = arith.index_cast %add3A_1303 : i32 to index
          %get3A_1325 = arith.constant 32 : index
          %get3A_1326 = tpu.vector_load %arg10[%get3A_1324, %get3A_1325] {strides = array<i32>} : memref<128x128xf32, #tpu.memory_space<vmem>>, vector<1x16xf32>,
          %get3A_1327 = vector.shape_cast %get3A_1326 : vector<1x16xf32> to vector<16xf32>
          %mul3A_1328 = arith.mulf %get3A_1327, %gather3A_1299 : vector<16xf32>
          %swap3A_1329 = arith.index_cast %add3A_1303 : i32 to index
          %swap3A_1330 = arith.constant 32 : index
          %swap3A_1331 = tpu.vector_load %arg10[%swap3A_1329, %swap3A_1330] {strides = array<i32>} : memref<128x128xf32, #tpu.memory_space<vmem>>, vector<1x16xf32>,
          %swap3A_1332 = vector.shape_cast %swap3A_1331 : vector<1x16xf32> to vector<16xf32>
          %swap3A_1333 = vector.shape_cast %mul3A_1328 : vector<16xf32> to vector<1x16xf32>
          tpu.vector_store %arg10[%swap3A_1329, %swap3A_1330], %swap3A_1333 {strides = array<i32>} : memref<128x128xf32, #tpu.memory_space<vmem>>, vector<1x16xf32>,
          %get3A_1334 = arith.index_cast %add3A_1303 : i32 to index
          %get3A_1335 = arith.constant 48 : index
          %get3A_1336 = tpu.vector_load %arg10[%get3A_1334, %get3A_1335] {strides = array<i32>} : memref<128x128xf32, #tpu.memory_space<vmem>>, vector<1x16xf32>,
          %get3A_1337 = vector.shape_cast %get3A_1336 : vector<1x16xf32> to vector<16xf32>
          %mul3A_1338 = arith.mulf %get3A_1337, %gather3A_1299 : vector<16xf32>
          %swap3A_1339 = arith.index_cast %add3A_1303 : i32 to index
          %swap3A_1340 = arith.constant 48 : index
          %swap3A_1341 = tpu.vector_load %arg10[%swap3A_1339, %swap3A_1340] {strides = array<i32>} : memref<128x128xf32, #tpu.memory_space<vmem>>, vector<1x16xf32>,
          %swap3A_1342 = vector.shape_cast %swap3A_1341 : vector<1x16xf32> to vector<16xf32>
          %swap3A_1343 = vector.shape_cast %mul3A_1338 : vector<16xf32> to vector<1x16xf32>
          tpu.vector_store %arg10[%swap3A_1339, %swap3A_1340], %swap3A_1343 {strides = array<i32>} : memref<128x128xf32, #tpu.memory_space<vmem>>, vector<1x16xf32>,
          %get3A_1344 = arith.index_cast %add3A_1303 : i32 to index
          %get3A_1345 = arith.constant 64 : index
          %get3A_1346 = tpu.vector_load %arg10[%get3A_1344, %get3A_1345] {strides = array<i32>} : memref<128x128xf32, #tpu.memory_space<vmem>>, vector<1x16xf32>,
          %get3A_1347 = vector.shape_cast %get3A_1346 : vector<1x16xf32> to vector<16xf32>
          %mul3A_1348 = arith.mulf %get3A_1347, %gather3A_1299 : vector<16xf32>
          %swap3A_1349 = arith.index_cast %add3A_1303 : i32 to index
          %swap3A_1350 = arith.constant 64 : index
          %swap3A_1351 = tpu.vector_load %arg10[%swap3A_1349, %swap3A_1350] {strides = array<i32>} : memref<128x128xf32, #tpu.memory_space<vmem>>, vector<1x16xf32>,
          %swap3A_1352 = vector.shape_cast %swap3A_1351 : vector<1x16xf32> to vector<16xf32>
          %swap3A_1353 = vector.shape_cast %mul3A_1348 : vector<16xf32> to vector<1x16xf32>
          tpu.vector_store %arg10[%swap3A_1349, %swap3A_1350], %swap3A_1353 {strides = array<i32>} : memref<128x128xf32, #tpu.memory_space<vmem>>, vector<1x16xf32>,
          %get3A_1354 = arith.index_cast %add3A_1303 : i32 to index
          %get3A_1355 = arith.constant 80 : index
          %get3A_1356 = tpu.vector_load %arg10[%get3A_1354, %get3A_1355] {strides = array<i32>} : memref<128x128xf32, #tpu.memory_space<vmem>>, vector<1x16xf32>,
          %get3A_1357 = vector.shape_cast %get3A_1356 : vector<1x16xf32> to vector<16xf32>
          %mul3A_1358 = arith.mulf %get3A_1357, %gather3A_1299 : vector<16xf32>
          %swap3A_1359 = arith.index_cast %add3A_1303 : i32 to index
          %swap3A_1360 = arith.constant 80 : index
          %swap3A_1361 = tpu.vector_load %arg10[%swap3A_1359, %swap3A_1360] {strides = array<i32>} : memref<128x128xf32, #tpu.memory_space<vmem>>, vector<1x16xf32>,
          %swap3A_1362 = vector.shape_cast %swap3A_1361 : vector<1x16xf32> to vector<16xf32>
          %swap3A_1363 = vector.shape_cast %mul3A_1358 : vector<16xf32> to vector<1x16xf32>
          tpu.vector_store %arg10[%swap3A_1359, %swap3A_1360], %swap3A_1363 {strides = array<i32>} : memref<128x128xf32, #tpu.memory_space<vmem>>, vector<1x16xf32>,
          %get3A_1364 = arith.index_cast %add3A_1303 : i32 to index
          %get3A_1365 = arith.constant 96 : index
          %get3A_1366 = tpu.vector_load %arg10[%get3A_1364, %get3A_1365] {strides = array<i32>} : memref<128x128xf32, #tpu.memory_space<vmem>>, vector<1x16xf32>,
          %get3A_1367 = vector.shape_cast %get3A_1366 : vector<1x16xf32> to vector<16xf32>
          %mul3A_1368 = arith.mulf %get3A_1367, %gather3A_1299 : vector<16xf32>
          %swap3A_1369 = arith.index_cast %add3A_1303 : i32 to index
          %swap3A_1370 = arith.constant 96 : index
          %swap3A_1371 = tpu.vector_load %arg10[%swap3A_1369, %swap3A_1370] {strides = array<i32>} : memref<128x128xf32, #tpu.memory_space<vmem>>, vector<1x16xf32>,
          %swap3A_1372 = vector.shape_cast %swap3A_1371 : vector<1x16xf32> to vector<16xf32>
          %swap3A_1373 = vector.shape_cast %mul3A_1368 : vector<16xf32> to vector<1x16xf32>
          tpu.vector_store %arg10[%swap3A_1369, %swap3A_1370], %swap3A_1373 {strides = array<i32>} : memref<128x128xf32, #tpu.memory_space<vmem>>, vector<1x16xf32>,
          %get3A_1374 = arith.index_cast %add3A_1303 : i32 to index
          %get3A_1375 = arith.constant 112 : index
          %get3A_1376 = tpu.vector_load %arg10[%get3A_1374, %get3A_1375] {strides = array<i32>} : memref<128x128xf32, #tpu.memory_space<vmem>>, vector<1x16xf32>,
          %get3A_1377 = vector.shape_cast %get3A_1376 : vector<1x16xf32> to vector<16xf32>
          %mul3A_1378 = arith.mulf %get3A_1377, %gather3A_1299 : vector<16xf32>
          %swap3A_1379 = arith.index_cast %add3A_1303 : i32 to index
          %swap3A_1380 = arith.constant 112 : index
          %swap3A_1381 = tpu.vector_load %arg10[%swap3A_1379, %swap3A_1380] {strides = array<i32>} : memref<128x128xf32, #tpu.memory_space<vmem>>, vector<1x16xf32>,
          %swap3A_1382 = vector.shape_cast %swap3A_1381 : vector<1x16xf32> to vector<16xf32>
          %swap3A_1383 = vector.shape_cast %mul3A_1378 : vector<16xf32> to vector<1x16xf32>
          tpu.vector_store %arg10[%swap3A_1379, %swap3A_1380], %swap3A_1383 {strides = array<i32>} : memref<128x128xf32, #tpu.memory_space<vmem>>, vector<1x16xf32>,
          %broadcast_in_dim3A_1384 = arith.constant 13 : i32
          %broadcast_in_dim3A_1385 = vector.broadcast %broadcast_in_dim3A_1384 : i32 to vector<16xi32>
          %lt3A_1386 = arith.constant 0 : i32
          %lt3A_1387 = vector.broadcast %lt3A_1386 : i32 to vector<16xi32>
          %lt3A_1388 = arith.cmpi slt, %broadcast_in_dim3A_1385, %lt3A_1387 : vector<16xi32>
          %add3A_1389 = arith.constant 16 : i32
          %add3A_1390 = vector.broadcast %add3A_1389 : i32 to vector<16xi32>
          %add3A_1391 = arith.addi %broadcast_in_dim3A_1385, %add3A_1390 : vector<16xi32>
          %select_n3A_1392 = arith.select %lt3A_1388, %add3A_1391, %broadcast_in_dim3A_1385 : vector<16xi1>, vector<16xi32>
          %broadcast_in_dim3A_1393 = vector.shape_cast %select_n3A_1392 : vector<16xi32> to vector<16x1xi32>
          %gather3A_1394 = vector.shape_cast %broadcast_in_dim3A_1393 : vector<16x1xi32> to vector<16xi32>
          %gather3A_1395 = tpu.dynamic_gather %get3A_138[%gather3A_1394] in [0] : vector<16xf32>, vector<16xi32> -> vector<16xf32>
          %mul3A_1396 = arith.constant 16 : i32
          %mul3A_1397 = arith.muli %scan3A_132, %mul3A_1396 : i32
          %add3A_1398 = arith.constant 13 : i32
          %add3A_1399 = arith.addi %mul3A_1397, %add3A_1398 : i32
          %get3A_1400 = arith.index_cast %add3A_1399 : i32 to index
          %get3A_1401 = arith.constant 0 : index
          %get3A_1402 = tpu.vector_load %arg10[%get3A_1400, %get3A_1401] {strides = array<i32>} : memref<128x128xf32, #tpu.memory_space<vmem>>, vector<1x16xf32>,
          %get3A_1403 = vector.shape_cast %get3A_1402 : vector<1x16xf32> to vector<16xf32>
          %mul3A_1404 = arith.mulf %get3A_1403, %gather3A_1395 : vector<16xf32>
          %swap3A_1405 = arith.index_cast %add3A_1399 : i32 to index
          %swap3A_1406 = arith.constant 0 : index
          %swap3A_1407 = tpu.vector_load %arg10[%swap3A_1405, %swap3A_1406] {strides = array<i32>} : memref<128x128xf32, #tpu.memory_space<vmem>>, vector<1x16xf32>,
          %swap3A_1408 = vector.shape_cast %swap3A_1407 : vector<1x16xf32> to vector<16xf32>
          %swap3A_1409 = vector.shape_cast %mul3A_1404 : vector<16xf32> to vector<1x16xf32>
          tpu.vector_store %arg10[%swap3A_1405, %swap3A_1406], %swap3A_1409 {strides = array<i32>} : memref<128x128xf32, #tpu.memory_space<vmem>>, vector<1x16xf32>,
          %get3A_1410 = arith.index_cast %add3A_1399 : i32 to index
          %get3A_1411 = arith.constant 16 : index
          %get3A_1412 = tpu.vector_load %arg10[%get3A_1410, %get3A_1411] {strides = array<i32>} : memref<128x128xf32, #tpu.memory_space<vmem>>, vector<1x16xf32>,
          %get3A_1413 = vector.shape_cast %get3A_1412 : vector<1x16xf32> to vector<16xf32>
          %mul3A_1414 = arith.mulf %get3A_1413, %gather3A_1395 : vector<16xf32>
          %swap3A_1415 = arith.index_cast %add3A_1399 : i32 to index
          %swap3A_1416 = arith.constant 16 : index
          %swap3A_1417 = tpu.vector_load %arg10[%swap3A_1415, %swap3A_1416] {strides = array<i32>} : memref<128x128xf32, #tpu.memory_space<vmem>>, vector<1x16xf32>,
          %swap3A_1418 = vector.shape_cast %swap3A_1417 : vector<1x16xf32> to vector<16xf32>
          %swap3A_1419 = vector.shape_cast %mul3A_1414 : vector<16xf32> to vector<1x16xf32>
          tpu.vector_store %arg10[%swap3A_1415, %swap3A_1416], %swap3A_1419 {strides = array<i32>} : memref<128x128xf32, #tpu.memory_space<vmem>>, vector<1x16xf32>,
          %get3A_1420 = arith.index_cast %add3A_1399 : i32 to index
          %get3A_1421 = arith.constant 32 : index
          %get3A_1422 = tpu.vector_load %arg10[%get3A_1420, %get3A_1421] {strides = array<i32>} : memref<128x128xf32, #tpu.memory_space<vmem>>, vector<1x16xf32>,
          %get3A_1423 = vector.shape_cast %get3A_1422 : vector<1x16xf32> to vector<16xf32>
          %mul3A_1424 = arith.mulf %get3A_1423, %gather3A_1395 : vector<16xf32>
          %swap3A_1425 = arith.index_cast %add3A_1399 : i32 to index
          %swap3A_1426 = arith.constant 32 : index
          %swap3A_1427 = tpu.vector_load %arg10[%swap3A_1425, %swap3A_1426] {strides = array<i32>} : memref<128x128xf32, #tpu.memory_space<vmem>>, vector<1x16xf32>,
          %swap3A_1428 = vector.shape_cast %swap3A_1427 : vector<1x16xf32> to vector<16xf32>
          %swap3A_1429 = vector.shape_cast %mul3A_1424 : vector<16xf32> to vector<1x16xf32>
          tpu.vector_store %arg10[%swap3A_1425, %swap3A_1426], %swap3A_1429 {strides = array<i32>} : memref<128x128xf32, #tpu.memory_space<vmem>>, vector<1x16xf32>,
          %get3A_1430 = arith.index_cast %add3A_1399 : i32 to index
          %get3A_1431 = arith.constant 48 : index
          %get3A_1432 = tpu.vector_load %arg10[%get3A_1430, %get3A_1431] {strides = array<i32>} : memref<128x128xf32, #tpu.memory_space<vmem>>, vector<1x16xf32>,
          %get3A_1433 = vector.shape_cast %get3A_1432 : vector<1x16xf32> to vector<16xf32>
          %mul3A_1434 = arith.mulf %get3A_1433, %gather3A_1395 : vector<16xf32>
          %swap3A_1435 = arith.index_cast %add3A_1399 : i32 to index
          %swap3A_1436 = arith.constant 48 : index
          %swap3A_1437 = tpu.vector_load %arg10[%swap3A_1435, %swap3A_1436] {strides = array<i32>} : memref<128x128xf32, #tpu.memory_space<vmem>>, vector<1x16xf32>,
          %swap3A_1438 = vector.shape_cast %swap3A_1437 : vector<1x16xf32> to vector<16xf32>
          %swap3A_1439 = vector.shape_cast %mul3A_1434 : vector<16xf32> to vector<1x16xf32>
          tpu.vector_store %arg10[%swap3A_1435, %swap3A_1436], %swap3A_1439 {strides = array<i32>} : memref<128x128xf32, #tpu.memory_space<vmem>>, vector<1x16xf32>,
          %get3A_1440 = arith.index_cast %add3A_1399 : i32 to index
          %get3A_1441 = arith.constant 64 : index
          %get3A_1442 = tpu.vector_load %arg10[%get3A_1440, %get3A_1441] {strides = array<i32>} : memref<128x128xf32, #tpu.memory_space<vmem>>, vector<1x16xf32>,
          %get3A_1443 = vector.shape_cast %get3A_1442 : vector<1x16xf32> to vector<16xf32>
          %mul3A_1444 = arith.mulf %get3A_1443, %gather3A_1395 : vector<16xf32>
          %swap3A_1445 = arith.index_cast %add3A_1399 : i32 to index
          %swap3A_1446 = arith.constant 64 : index
          %swap3A_1447 = tpu.vector_load %arg10[%swap3A_1445, %swap3A_1446] {strides = array<i32>} : memref<128x128xf32, #tpu.memory_space<vmem>>, vector<1x16xf32>,
          %swap3A_1448 = vector.shape_cast %swap3A_1447 : vector<1x16xf32> to vector<16xf32>
          %swap3A_1449 = vector.shape_cast %mul3A_1444 : vector<16xf32> to vector<1x16xf32>
          tpu.vector_store %arg10[%swap3A_1445, %swap3A_1446], %swap3A_1449 {strides = array<i32>} : memref<128x128xf32, #tpu.memory_space<vmem>>, vector<1x16xf32>,
          %get3A_1450 = arith.index_cast %add3A_1399 : i32 to index
          %get3A_1451 = arith.constant 80 : index
          %get3A_1452 = tpu.vector_load %arg10[%get3A_1450, %get3A_1451] {strides = array<i32>} : memref<128x128xf32, #tpu.memory_space<vmem>>, vector<1x16xf32>,
          %get3A_1453 = vector.shape_cast %get3A_1452 : vector<1x16xf32> to vector<16xf32>
          %mul3A_1454 = arith.mulf %get3A_1453, %gather3A_1395 : vector<16xf32>
          %swap3A_1455 = arith.index_cast %add3A_1399 : i32 to index
          %swap3A_1456 = arith.constant 80 : index
          %swap3A_1457 = tpu.vector_load %arg10[%swap3A_1455, %swap3A_1456] {strides = array<i32>} : memref<128x128xf32, #tpu.memory_space<vmem>>, vector<1x16xf32>,
          %swap3A_1458 = vector.shape_cast %swap3A_1457 : vector<1x16xf32> to vector<16xf32>
          %swap3A_1459 = vector.shape_cast %mul3A_1454 : vector<16xf32> to vector<1x16xf32>
          tpu.vector_store %arg10[%swap3A_1455, %swap3A_1456], %swap3A_1459 {strides = array<i32>} : memref<128x128xf32, #tpu.memory_space<vmem>>, vector<1x16xf32>,
          %get3A_1460 = arith.index_cast %add3A_1399 : i32 to index
          %get3A_1461 = arith.constant 96 : index
          %get3A_1462 = tpu.vector_load %arg10[%get3A_1460, %get3A_1461] {strides = array<i32>} : memref<128x128xf32, #tpu.memory_space<vmem>>, vector<1x16xf32>,
          %get3A_1463 = vector.shape_cast %get3A_1462 : vector<1x16xf32> to vector<16xf32>
          %mul3A_1464 = arith.mulf %get3A_1463, %gather3A_1395 : vector<16xf32>
          %swap3A_1465 = arith.index_cast %add3A_1399 : i32 to index
          %swap3A_1466 = arith.constant 96 : index
          %swap3A_1467 = tpu.vector_load %arg10[%swap3A_1465, %swap3A_1466] {strides = array<i32>} : memref<128x128xf32, #tpu.memory_space<vmem>>, vector<1x16xf32>,
          %swap3A_1468 = vector.shape_cast %swap3A_1467 : vector<1x16xf32> to vector<16xf32>
          %swap3A_1469 = vector.shape_cast %mul3A_1464 : vector<16xf32> to vector<1x16xf32>
          tpu.vector_store %arg10[%swap3A_1465, %swap3A_1466], %swap3A_1469 {strides = array<i32>} : memref<128x128xf32, #tpu.memory_space<vmem>>, vector<1x16xf32>,
          %get3A_1470 = arith.index_cast %add3A_1399 : i32 to index
          %get3A_1471 = arith.constant 112 : index
          %get3A_1472 = tpu.vector_load %arg10[%get3A_1470, %get3A_1471] {strides = array<i32>} : memref<128x128xf32, #tpu.memory_space<vmem>>, vector<1x16xf32>,
          %get3A_1473 = vector.shape_cast %get3A_1472 : vector<1x16xf32> to vector<16xf32>
          %mul3A_1474 = arith.mulf %get3A_1473, %gather3A_1395 : vector<16xf32>
          %swap3A_1475 = arith.index_cast %add3A_1399 : i32 to index
          %swap3A_1476 = arith.constant 112 : index
          %swap3A_1477 = tpu.vector_load %arg10[%swap3A_1475, %swap3A_1476] {strides = array<i32>} : memref<128x128xf32, #tpu.memory_space<vmem>>, vector<1x16xf32>,
          %swap3A_1478 = vector.shape_cast %swap3A_1477 : vector<1x16xf32> to vector<16xf32>
          %swap3A_1479 = vector.shape_cast %mul3A_1474 : vector<16xf32> to vector<1x16xf32>
          tpu.vector_store %arg10[%swap3A_1475, %swap3A_1476], %swap3A_1479 {strides = array<i32>} : memref<128x128xf32, #tpu.memory_space<vmem>>, vector<1x16xf32>,
          %broadcast_in_dim3A_1480 = arith.constant 14 : i32
          %broadcast_in_dim3A_1481 = vector.broadcast %broadcast_in_dim3A_1480 : i32 to vector<16xi32>
          %lt3A_1482 = arith.constant 0 : i32
          %lt3A_1483 = vector.broadcast %lt3A_1482 : i32 to vector<16xi32>
          %lt3A_1484 = arith.cmpi slt, %broadcast_in_dim3A_1481, %lt3A_1483 : vector<16xi32>
          %add3A_1485 = arith.constant 16 : i32
          %add3A_1486 = vector.broadcast %add3A_1485 : i32 to vector<16xi32>
          %add3A_1487 = arith.addi %broadcast_in_dim3A_1481, %add3A_1486 : vector<16xi32>
          %select_n3A_1488 = arith.select %lt3A_1484, %add3A_1487, %broadcast_in_dim3A_1481 : vector<16xi1>, vector<16xi32>
          %broadcast_in_dim3A_1489 = vector.shape_cast %select_n3A_1488 : vector<16xi32> to vector<16x1xi32>
          %gather3A_1490 = vector.shape_cast %broadcast_in_dim3A_1489 : vector<16x1xi32> to vector<16xi32>
          %gather3A_1491 = tpu.dynamic_gather %get3A_138[%gather3A_1490] in [0] : vector<16xf32>, vector<16xi32> -> vector<16xf32>
          %mul3A_1492 = arith.constant 16 : i32
          %mul3A_1493 = arith.muli %scan3A_132, %mul3A_1492 : i32
          %add3A_1494 = arith.constant 14 : i32
          %add3A_1495 = arith.addi %mul3A_1493, %add3A_1494 : i32
          %get3A_1496 = arith.index_cast %add3A_1495 : i32 to index
          %get3A_1497 = arith.constant 0 : index
          %get3A_1498 = tpu.vector_load %arg10[%get3A_1496, %get3A_1497] {strides = array<i32>} : memref<128x128xf32, #tpu.memory_space<vmem>>, vector<1x16xf32>,
          %get3A_1499 = vector.shape_cast %get3A_1498 : vector<1x16xf32> to vector<16xf32>
          %mul3A_1500 = arith.mulf %get3A_1499, %gather3A_1491 : vector<16xf32>
          %swap3A_1501 = arith.index_cast %add3A_1495 : i32 to index
          %swap3A_1502 = arith.constant 0 : index
          %swap3A_1503 = tpu.vector_load %arg10[%swap3A_1501, %swap3A_1502] {strides = array<i32>} : memref<128x128xf32, #tpu.memory_space<vmem>>, vector<1x16xf32>,
          %swap3A_1504 = vector.shape_cast %swap3A_1503 : vector<1x16xf32> to vector<16xf32>
          %swap3A_1505 = vector.shape_cast %mul3A_1500 : vector<16xf32> to vector<1x16xf32>
          tpu.vector_store %arg10[%swap3A_1501, %swap3A_1502], %swap3A_1505 {strides = array<i32>} : memref<128x128xf32, #tpu.memory_space<vmem>>, vector<1x16xf32>,
          %get3A_1506 = arith.index_cast %add3A_1495 : i32 to index
          %get3A_1507 = arith.constant 16 : index
          %get3A_1508 = tpu.vector_load %arg10[%get3A_1506, %get3A_1507] {strides = array<i32>} : memref<128x128xf32, #tpu.memory_space<vmem>>, vector<1x16xf32>,
          %get3A_1509 = vector.shape_cast %get3A_1508 : vector<1x16xf32> to vector<16xf32>
          %mul3A_1510 = arith.mulf %get3A_1509, %gather3A_1491 : vector<16xf32>
          %swap3A_1511 = arith.index_cast %add3A_1495 : i32 to index
          %swap3A_1512 = arith.constant 16 : index
          %swap3A_1513 = tpu.vector_load %arg10[%swap3A_1511, %swap3A_1512] {strides = array<i32>} : memref<128x128xf32, #tpu.memory_space<vmem>>, vector<1x16xf32>,
          %swap3A_1514 = vector.shape_cast %swap3A_1513 : vector<1x16xf32> to vector<16xf32>
          %swap3A_1515 = vector.shape_cast %mul3A_1510 : vector<16xf32> to vector<1x16xf32>
          tpu.vector_store %arg10[%swap3A_1511, %swap3A_1512], %swap3A_1515 {strides = array<i32>} : memref<128x128xf32, #tpu.memory_space<vmem>>, vector<1x16xf32>,
          %get3A_1516 = arith.index_cast %add3A_1495 : i32 to index
          %get3A_1517 = arith.constant 32 : index
          %get3A_1518 = tpu.vector_load %arg10[%get3A_1516, %get3A_1517] {strides = array<i32>} : memref<128x128xf32, #tpu.memory_space<vmem>>, vector<1x16xf32>,
          %get3A_1519 = vector.shape_cast %get3A_1518 : vector<1x16xf32> to vector<16xf32>
          %mul3A_1520 = arith.mulf %get3A_1519, %gather3A_1491 : vector<16xf32>
          %swap3A_1521 = arith.index_cast %add3A_1495 : i32 to index
          %swap3A_1522 = arith.constant 32 : index
          %swap3A_1523 = tpu.vector_load %arg10[%swap3A_1521, %swap3A_1522] {strides = array<i32>} : memref<128x128xf32, #tpu.memory_space<vmem>>, vector<1x16xf32>,
          %swap3A_1524 = vector.shape_cast %swap3A_1523 : vector<1x16xf32> to vector<16xf32>
          %swap3A_1525 = vector.shape_cast %mul3A_1520 : vector<16xf32> to vector<1x16xf32>
          tpu.vector_store %arg10[%swap3A_1521, %swap3A_1522], %swap3A_1525 {strides = array<i32>} : memref<128x128xf32, #tpu.memory_space<vmem>>, vector<1x16xf32>,
          %get3A_1526 = arith.index_cast %add3A_1495 : i32 to index
          %get3A_1527 = arith.constant 48 : index
          %get3A_1528 = tpu.vector_load %arg10[%get3A_1526, %get3A_1527] {strides = array<i32>} : memref<128x128xf32, #tpu.memory_space<vmem>>, vector<1x16xf32>,
          %get3A_1529 = vector.shape_cast %get3A_1528 : vector<1x16xf32> to vector<16xf32>
          %mul3A_1530 = arith.mulf %get3A_1529, %gather3A_1491 : vector<16xf32>
          %swap3A_1531 = arith.index_cast %add3A_1495 : i32 to index
          %swap3A_1532 = arith.constant 48 : index
          %swap3A_1533 = tpu.vector_load %arg10[%swap3A_1531, %swap3A_1532] {strides = array<i32>} : memref<128x128xf32, #tpu.memory_space<vmem>>, vector<1x16xf32>,
          %swap3A_1534 = vector.shape_cast %swap3A_1533 : vector<1x16xf32> to vector<16xf32>
          %swap3A_1535 = vector.shape_cast %mul3A_1530 : vector<16xf32> to vector<1x16xf32>
          tpu.vector_store %arg10[%swap3A_1531, %swap3A_1532], %swap3A_1535 {strides = array<i32>} : memref<128x128xf32, #tpu.memory_space<vmem>>, vector<1x16xf32>,
          %get3A_1536 = arith.index_cast %add3A_1495 : i32 to index
          %get3A_1537 = arith.constant 64 : index
          %get3A_1538 = tpu.vector_load %arg10[%get3A_1536, %get3A_1537] {strides = array<i32>} : memref<128x128xf32, #tpu.memory_space<vmem>>, vector<1x16xf32>,
          %get3A_1539 = vector.shape_cast %get3A_1538 : vector<1x16xf32> to vector<16xf32>
          %mul3A_1540 = arith.mulf %get3A_1539, %gather3A_1491 : vector<16xf32>
          %swap3A_1541 = arith.index_cast %add3A_1495 : i32 to index
          %swap3A_1542 = arith.constant 64 : index
          %swap3A_1543 = tpu.vector_load %arg10[%swap3A_1541, %swap3A_1542] {strides = array<i32>} : memref<128x128xf32, #tpu.memory_space<vmem>>, vector<1x16xf32>,
          %swap3A_1544 = vector.shape_cast %swap3A_1543 : vector<1x16xf32> to vector<16xf32>
          %swap3A_1545 = vector.shape_cast %mul3A_1540 : vector<16xf32> to vector<1x16xf32>
          tpu.vector_store %arg10[%swap3A_1541, %swap3A_1542], %swap3A_1545 {strides = array<i32>} : memref<128x128xf32, #tpu.memory_space<vmem>>, vector<1x16xf32>,
          %get3A_1546 = arith.index_cast %add3A_1495 : i32 to index
          %get3A_1547 = arith.constant 80 : index
          %get3A_1548 = tpu.vector_load %arg10[%get3A_1546, %get3A_1547] {strides = array<i32>} : memref<128x128xf32, #tpu.memory_space<vmem>>, vector<1x16xf32>,
          %get3A_1549 = vector.shape_cast %get3A_1548 : vector<1x16xf32> to vector<16xf32>
          %mul3A_1550 = arith.mulf %get3A_1549, %gather3A_1491 : vector<16xf32>
          %swap3A_1551 = arith.index_cast %add3A_1495 : i32 to index
          %swap3A_1552 = arith.constant 80 : index
          %swap3A_1553 = tpu.vector_load %arg10[%swap3A_1551, %swap3A_1552] {strides = array<i32>} : memref<128x128xf32, #tpu.memory_space<vmem>>, vector<1x16xf32>,
          %swap3A_1554 = vector.shape_cast %swap3A_1553 : vector<1x16xf32> to vector<16xf32>
          %swap3A_1555 = vector.shape_cast %mul3A_1550 : vector<16xf32> to vector<1x16xf32>
          tpu.vector_store %arg10[%swap3A_1551, %swap3A_1552], %swap3A_1555 {strides = array<i32>} : memref<128x128xf32, #tpu.memory_space<vmem>>, vector<1x16xf32>,
          %get3A_1556 = arith.index_cast %add3A_1495 : i32 to index
          %get3A_1557 = arith.constant 96 : index
          %get3A_1558 = tpu.vector_load %arg10[%get3A_1556, %get3A_1557] {strides = array<i32>} : memref<128x128xf32, #tpu.memory_space<vmem>>, vector<1x16xf32>,
          %get3A_1559 = vector.shape_cast %get3A_1558 : vector<1x16xf32> to vector<16xf32>
          %mul3A_1560 = arith.mulf %get3A_1559, %gather3A_1491 : vector<16xf32>
          %swap3A_1561 = arith.index_cast %add3A_1495 : i32 to index
          %swap3A_1562 = arith.constant 96 : index
          %swap3A_1563 = tpu.vector_load %arg10[%swap3A_1561, %swap3A_1562] {strides = array<i32>} : memref<128x128xf32, #tpu.memory_space<vmem>>, vector<1x16xf32>,
          %swap3A_1564 = vector.shape_cast %swap3A_1563 : vector<1x16xf32> to vector<16xf32>
          %swap3A_1565 = vector.shape_cast %mul3A_1560 : vector<16xf32> to vector<1x16xf32>
          tpu.vector_store %arg10[%swap3A_1561, %swap3A_1562], %swap3A_1565 {strides = array<i32>} : memref<128x128xf32, #tpu.memory_space<vmem>>, vector<1x16xf32>,
          %get3A_1566 = arith.index_cast %add3A_1495 : i32 to index
          %get3A_1567 = arith.constant 112 : index
          %get3A_1568 = tpu.vector_load %arg10[%get3A_1566, %get3A_1567] {strides = array<i32>} : memref<128x128xf32, #tpu.memory_space<vmem>>, vector<1x16xf32>,
          %get3A_1569 = vector.shape_cast %get3A_1568 : vector<1x16xf32> to vector<16xf32>
          %mul3A_1570 = arith.mulf %get3A_1569, %gather3A_1491 : vector<16xf32>
          %swap3A_1571 = arith.index_cast %add3A_1495 : i32 to index
          %swap3A_1572 = arith.constant 112 : index
          %swap3A_1573 = tpu.vector_load %arg10[%swap3A_1571, %swap3A_1572] {strides = array<i32>} : memref<128x128xf32, #tpu.memory_space<vmem>>, vector<1x16xf32>,
          %swap3A_1574 = vector.shape_cast %swap3A_1573 : vector<1x16xf32> to vector<16xf32>
          %swap3A_1575 = vector.shape_cast %mul3A_1570 : vector<16xf32> to vector<1x16xf32>
          tpu.vector_store %arg10[%swap3A_1571, %swap3A_1572], %swap3A_1575 {strides = array<i32>} : memref<128x128xf32, #tpu.memory_space<vmem>>, vector<1x16xf32>,
          %broadcast_in_dim3A_1576 = arith.constant 15 : i32
          %broadcast_in_dim3A_1577 = vector.broadcast %broadcast_in_dim3A_1576 : i32 to vector<16xi32>
          %lt3A_1578 = arith.constant 0 : i32
          %lt3A_1579 = vector.broadcast %lt3A_1578 : i32 to vector<16xi32>
          %lt3A_1580 = arith.cmpi slt, %broadcast_in_dim3A_1577, %lt3A_1579 : vector<16xi32>
          %add3A_1581 = arith.constant 16 : i32
          %add3A_1582 = vector.broadcast %add3A_1581 : i32 to vector<16xi32>
          %add3A_1583 = arith.addi %broadcast_in_dim3A_1577, %add3A_1582 : vector<16xi32>
          %select_n3A_1584 = arith.select %lt3A_1580, %add3A_1583, %broadcast_in_dim3A_1577 : vector<16xi1>, vector<16xi32>
          %broadcast_in_dim3A_1585 = vector.shape_cast %select_n3A_1584 : vector<16xi32> to vector<16x1xi32>
          %gather3A_1586 = vector.shape_cast %broadcast_in_dim3A_1585 : vector<16x1xi32> to vector<16xi32>
          %gather3A_1587 = tpu.dynamic_gather %get3A_138[%gather3A_1586] in [0] : vector<16xf32>, vector<16xi32> -> vector<16xf32>
          %mul3A_1588 = arith.constant 16 : i32
          %mul3A_1589 = arith.muli %scan3A_132, %mul3A_1588 : i32
          %add3A_1590 = arith.constant 15 : i32
          %add3A_1591 = arith.addi %mul3A_1589, %add3A_1590 : i32
          %get3A_1592 = arith.index_cast %add3A_1591 : i32 to index
          %get3A_1593 = arith.constant 0 : index
          %get3A_1594 = tpu.vector_load %arg10[%get3A_1592, %get3A_1593] {strides = array<i32>} : memref<128x128xf32, #tpu.memory_space<vmem>>, vector<1x16xf32>,
          %get3A_1595 = vector.shape_cast %get3A_1594 : vector<1x16xf32> to vector<16xf32>
          %mul3A_1596 = arith.mulf %get3A_1595, %gather3A_1587 : vector<16xf32>
          %swap3A_1597 = arith.index_cast %add3A_1591 : i32 to index
          %swap3A_1598 = arith.constant 0 : index
          %swap3A_1599 = tpu.vector_load %arg10[%swap3A_1597, %swap3A_1598] {strides = array<i32>} : memref<128x128xf32, #tpu.memory_space<vmem>>, vector<1x16xf32>,
          %swap3A_1600 = vector.shape_cast %swap3A_1599 : vector<1x16xf32> to vector<16xf32>
          %swap3A_1601 = vector.shape_cast %mul3A_1596 : vector<16xf32> to vector<1x16xf32>
          tpu.vector_store %arg10[%swap3A_1597, %swap3A_1598], %swap3A_1601 {strides = array<i32>} : memref<128x128xf32, #tpu.memory_space<vmem>>, vector<1x16xf32>,
          %get3A_1602 = arith.index_cast %add3A_1591 : i32 to index
          %get3A_1603 = arith.constant 16 : index
          %get3A_1604 = tpu.vector_load %arg10[%get3A_1602, %get3A_1603] {strides = array<i32>} : memref<128x128xf32, #tpu.memory_space<vmem>>, vector<1x16xf32>,
          %get3A_1605 = vector.shape_cast %get3A_1604 : vector<1x16xf32> to vector<16xf32>
          %mul3A_1606 = arith.mulf %get3A_1605, %gather3A_1587 : vector<16xf32>
          %swap3A_1607 = arith.index_cast %add3A_1591 : i32 to index
          %swap3A_1608 = arith.constant 16 : index
          %swap3A_1609 = tpu.vector_load %arg10[%swap3A_1607, %swap3A_1608] {strides = array<i32>} : memref<128x128xf32, #tpu.memory_space<vmem>>, vector<1x16xf32>,
          %swap3A_1610 = vector.shape_cast %swap3A_1609 : vector<1x16xf32> to vector<16xf32>
          %swap3A_1611 = vector.shape_cast %mul3A_1606 : vector<16xf32> to vector<1x16xf32>
          tpu.vector_store %arg10[%swap3A_1607, %swap3A_1608], %swap3A_1611 {strides = array<i32>} : memref<128x128xf32, #tpu.memory_space<vmem>>, vector<1x16xf32>,
          %get3A_1612 = arith.index_cast %add3A_1591 : i32 to index
          %get3A_1613 = arith.constant 32 : index
          %get3A_1614 = tpu.vector_load %arg10[%get3A_1612, %get3A_1613] {strides = array<i32>} : memref<128x128xf32, #tpu.memory_space<vmem>>, vector<1x16xf32>,
          %get3A_1615 = vector.shape_cast %get3A_1614 : vector<1x16xf32> to vector<16xf32>
          %mul3A_1616 = arith.mulf %get3A_1615, %gather3A_1587 : vector<16xf32>
          %swap3A_1617 = arith.index_cast %add3A_1591 : i32 to index
          %swap3A_1618 = arith.constant 32 : index
          %swap3A_1619 = tpu.vector_load %arg10[%swap3A_1617, %swap3A_1618] {strides = array<i32>} : memref<128x128xf32, #tpu.memory_space<vmem>>, vector<1x16xf32>,
          %swap3A_1620 = vector.shape_cast %swap3A_1619 : vector<1x16xf32> to vector<16xf32>
          %swap3A_1621 = vector.shape_cast %mul3A_1616 : vector<16xf32> to vector<1x16xf32>
          tpu.vector_store %arg10[%swap3A_1617, %swap3A_1618], %swap3A_1621 {strides = array<i32>} : memref<128x128xf32, #tpu.memory_space<vmem>>, vector<1x16xf32>,
          %get3A_1622 = arith.index_cast %add3A_1591 : i32 to index
          %get3A_1623 = arith.constant 48 : index
          %get3A_1624 = tpu.vector_load %arg10[%get3A_1622, %get3A_1623] {strides = array<i32>} : memref<128x128xf32, #tpu.memory_space<vmem>>, vector<1x16xf32>,
          %get3A_1625 = vector.shape_cast %get3A_1624 : vector<1x16xf32> to vector<16xf32>
          %mul3A_1626 = arith.mulf %get3A_1625, %gather3A_1587 : vector<16xf32>
          %swap3A_1627 = arith.index_cast %add3A_1591 : i32 to index
          %swap3A_1628 = arith.constant 48 : index
          %swap3A_1629 = tpu.vector_load %arg10[%swap3A_1627, %swap3A_1628] {strides = array<i32>} : memref<128x128xf32, #tpu.memory_space<vmem>>, vector<1x16xf32>,
          %swap3A_1630 = vector.shape_cast %swap3A_1629 : vector<1x16xf32> to vector<16xf32>
          %swap3A_1631 = vector.shape_cast %mul3A_1626 : vector<16xf32> to vector<1x16xf32>
          tpu.vector_store %arg10[%swap3A_1627, %swap3A_1628], %swap3A_1631 {strides = array<i32>} : memref<128x128xf32, #tpu.memory_space<vmem>>, vector<1x16xf32>,
          %get3A_1632 = arith.index_cast %add3A_1591 : i32 to index
          %get3A_1633 = arith.constant 64 : index
          %get3A_1634 = tpu.vector_load %arg10[%get3A_1632, %get3A_1633] {strides = array<i32>} : memref<128x128xf32, #tpu.memory_space<vmem>>, vector<1x16xf32>,
          %get3A_1635 = vector.shape_cast %get3A_1634 : vector<1x16xf32> to vector<16xf32>
          %mul3A_1636 = arith.mulf %get3A_1635, %gather3A_1587 : vector<16xf32>
          %swap3A_1637 = arith.index_cast %add3A_1591 : i32 to index
          %swap3A_1638 = arith.constant 64 : index
          %swap3A_1639 = tpu.vector_load %arg10[%swap3A_1637, %swap3A_1638] {strides = array<i32>} : memref<128x128xf32, #tpu.memory_space<vmem>>, vector<1x16xf32>,
          %swap3A_1640 = vector.shape_cast %swap3A_1639 : vector<1x16xf32> to vector<16xf32>
          %swap3A_1641 = vector.shape_cast %mul3A_1636 : vector<16xf32> to vector<1x16xf32>
          tpu.vector_store %arg10[%swap3A_1637, %swap3A_1638], %swap3A_1641 {strides = array<i32>} : memref<128x128xf32, #tpu.memory_space<vmem>>, vector<1x16xf32>,
          %get3A_1642 = arith.index_cast %add3A_1591 : i32 to index
          %get3A_1643 = arith.constant 80 : index
          %get3A_1644 = tpu.vector_load %arg10[%get3A_1642, %get3A_1643] {strides = array<i32>} : memref<128x128xf32, #tpu.memory_space<vmem>>, vector<1x16xf32>,
          %get3A_1645 = vector.shape_cast %get3A_1644 : vector<1x16xf32> to vector<16xf32>
          %mul3A_1646 = arith.mulf %get3A_1645, %gather3A_1587 : vector<16xf32>
          %swap3A_1647 = arith.index_cast %add3A_1591 : i32 to index
          %swap3A_1648 = arith.constant 80 : index
          %swap3A_1649 = tpu.vector_load %arg10[%swap3A_1647, %swap3A_1648] {strides = array<i32>} : memref<128x128xf32, #tpu.memory_space<vmem>>, vector<1x16xf32>,
          %swap3A_1650 = vector.shape_cast %swap3A_1649 : vector<1x16xf32> to vector<16xf32>
          %swap3A_1651 = vector.shape_cast %mul3A_1646 : vector<16xf32> to vector<1x16xf32>
          tpu.vector_store %arg10[%swap3A_1647, %swap3A_1648], %swap3A_1651 {strides = array<i32>} : memref<128x128xf32, #tpu.memory_space<vmem>>, vector<1x16xf32>,
          %get3A_1652 = arith.index_cast %add3A_1591 : i32 to index
          %get3A_1653 = arith.constant 96 : index
          %get3A_1654 = tpu.vector_load %arg10[%get3A_1652, %get3A_1653] {strides = array<i32>} : memref<128x128xf32, #tpu.memory_space<vmem>>, vector<1x16xf32>,
          %get3A_1655 = vector.shape_cast %get3A_1654 : vector<1x16xf32> to vector<16xf32>
          %mul3A_1656 = arith.mulf %get3A_1655, %gather3A_1587 : vector<16xf32>
          %swap3A_1657 = arith.index_cast %add3A_1591 : i32 to index
          %swap3A_1658 = arith.constant 96 : index
          %swap3A_1659 = tpu.vector_load %arg10[%swap3A_1657, %swap3A_1658] {strides = array<i32>} : memref<128x128xf32, #tpu.memory_space<vmem>>, vector<1x16xf32>,
          %swap3A_1660 = vector.shape_cast %swap3A_1659 : vector<1x16xf32> to vector<16xf32>
          %swap3A_1661 = vector.shape_cast %mul3A_1656 : vector<16xf32> to vector<1x16xf32>
          tpu.vector_store %arg10[%swap3A_1657, %swap3A_1658], %swap3A_1661 {strides = array<i32>} : memref<128x128xf32, #tpu.memory_space<vmem>>, vector<1x16xf32>,
          %get3A_1662 = arith.index_cast %add3A_1591 : i32 to index
          %get3A_1663 = arith.constant 112 : index
          %get3A_1664 = tpu.vector_load %arg10[%get3A_1662, %get3A_1663] {strides = array<i32>} : memref<128x128xf32, #tpu.memory_space<vmem>>, vector<1x16xf32>,
          %get3A_1665 = vector.shape_cast %get3A_1664 : vector<1x16xf32> to vector<16xf32>
          %mul3A_1666 = arith.mulf %get3A_1665, %gather3A_1587 : vector<16xf32>
          %swap3A_1667 = arith.index_cast %add3A_1591 : i32 to index
          %swap3A_1668 = arith.constant 112 : index
          %swap3A_1669 = tpu.vector_load %arg10[%swap3A_1667, %swap3A_1668] {strides = array<i32>} : memref<128x128xf32, #tpu.memory_space<vmem>>, vector<1x16xf32>,
          %swap3A_1670 = vector.shape_cast %swap3A_1669 : vector<1x16xf32> to vector<16xf32>
          %swap3A_1671 = vector.shape_cast %mul3A_1666 : vector<16xf32> to vector<1x16xf32>
          tpu.vector_store %arg10[%swap3A_1667, %swap3A_1668], %swap3A_1671 {strides = array<i32>} : memref<128x128xf32, #tpu.memory_space<vmem>>, vector<1x16xf32>,
          %scan3A_1672 = arith.constant 0 : i32
          scf.yield %scan3A_1672 : i32
        }
        %scan3A_93 = arith.constant 8 : i32
        %dma_start3A_94 = arith.constant 0 : i32
        %dma_start3A_95 = tpu.memref_slice %arg8[%mul3A_65, %dma_start3A_94] : memref<32x128xi32, #tpu.memory_space<vmem>> -> memref<1x128xi32, #tpu.memory_space<vmem>>
        %dma_start3A_96 = tpu.memref_squeeze %dma_start3A_95 : memref<1x128xi32, #tpu.memory_space<vmem>> -> memref<128xi32, #tpu.memory_space<vmem>>
        %dma_start3A_97 = arith.constant 0 : i32
        %dma_start3A_98 = arith.constant 0 : i32
        %dma_start3A_99 = tpu.memref_slice %arg12[%dma_start3A_97, %dma_start3A_98] : memref<10000x128xf32, #tpu.memory_space<vmem_shared>> -> memref<10000x128xf32, #tpu.memory_space<vmem_shared>>
        tpu.enqueue_indirect_dma source(%arg10 : memref<128x128xf32, #tpu.memory_space<vmem>>) target(%dma_start3A_99 : memref<10000x128xf32, #tpu.memory_space<vmem_shared>>) offsets(%dma_start3A_96 : memref<128xi32, #tpu.memory_space<vmem>>) semaphore(%arg15 : memref<!tpu.dma_semaphore, #tpu.memory_space<semaphore_mem>>) {add = true}
        %dma_wait3A_100 = arith.constant 0 : i32
        %dma_wait3A_101 = arith.constant 0 : i32
        %dma_wait3A_102 = tpu.memref_slice %arg7[%dma_wait3A_100, %dma_wait3A_101] : memref<32x128xi32, #tpu.memory_space<vmem>> -> memref<1x128xi32, #tpu.memory_space<vmem>>
        %dma_wait3A_103 = tpu.memref_squeeze %dma_wait3A_102 : memref<1x128xi32, #tpu.memory_space<vmem>> -> memref<128xi32, #tpu.memory_space<vmem>>
        %dma_wait3A_104 = arith.constant 0 : i32
        %dma_wait3A_105 = arith.constant 0 : i32
        %dma_wait3A_106 = tpu.memref_slice %arg2[%dma_wait3A_104, %dma_wait3A_105] : memref<10000x128xf32, #tpu.memory_space<hbm>> -> memref<10000x128xf32, #tpu.memory_space<hbm>>
        tpu.wait_indirect_dma semaphore(%arg14 : memref<!tpu.dma_semaphore, #tpu.memory_space<semaphore_mem>>) src(%dma_wait3A_106 : memref<10000x128xf32, #tpu.memory_space<hbm>>) dst(%arg11 : memref<128x128xf32, #tpu.memory_space<vmem>>)
        %scan3A_107 = arith.constant 0 : i32
        %scan3A_108 = arith.constant 0 : i32
        %scan3A_109 = arith.constant 8 : i32
        %scan3A_110 = arith.addi %scan3A_108, %scan3A_109 : i32
        %scan3A_111 = arith.constant 1 : i32
        %scan3A_112 = scf.for %scan3A_132 = %scan3A_108 to %scan3A_110 step %scan3A_111 iter_args(%scan3A_133 = %scan3A_107) -> (i32)  : i32 {
          %mul3A_134 = arith.constant 16 : i32
          %mul3A_135 = arith.muli %scan3A_132, %mul3A_134 : i32
          %get3A = arith.index_cast %add3A_69 : i32 to index
          %get3A_136 = arith.index_cast %mul3A_135 : i32 to index
          %get3A_137 = tpu.vector_load %arg9[%get3A, %get3A_136] {strides = array<i32>} : memref<32x128xf32, #tpu.memory_space<vmem>>, vector<1x16xf32>,
          %get3A_138 = vector.shape_cast %get3A_137 : vector<1x16xf32> to vector<16xf32>
          %broadcast_in_dim3A_139 = arith.constant 0 : i32
          %broadcast_in_dim3A_140 = vector.broadcast %broadcast_in_dim3A_139 : i32 to vector<16xi32>
          %lt3A_141 = arith.constant 0 : i32
          %lt3A_142 = vector.broadcast %lt3A_141 : i32 to vector<16xi32>
          %lt3A_143 = arith.cmpi slt, %broadcast_in_dim3A_140, %lt3A_142 : vector<16xi32>
          %add3A_144 = arith.constant 16 : i32
          %add3A_145 = vector.broadcast %add3A_144 : i32 to vector<16xi32>
          %add3A_146 = arith.addi %broadcast_in_dim3A_140, %add3A_145 : vector<16xi32>
          %select_n3A = arith.select %lt3A_143, %add3A_146, %broadcast_in_dim3A_140 : vector<16xi1>, vector<16xi32>
          %broadcast_in_dim3A_147 = vector.shape_cast %select_n3A : vector<16xi32> to vector<16x1xi32>
          %gather3A = vector.shape_cast %broadcast_in_dim3A_147 : vector<16x1xi32> to vector<16xi32>
          %gather3A_148 = tpu.dynamic_gather %get3A_138[%gather3A] in [0] : vector<16xf32>, vector<16xi32> -> vector<16xf32>
          %mul3A_149 = arith.constant 16 : i32
          %mul3A_150 = arith.muli %scan3A_132, %mul3A_149 : i32
          %add3A_151 = arith.constant 0 : i32
          %add3A_152 = arith.addi %mul3A_150, %add3A_151 : i32
          %get3A_153 = arith.index_cast %add3A_152 : i32 to index
          %get3A_154 = arith.constant 0 : index
          %get3A_155 = tpu.vector_load %arg11[%get3A_153, %get3A_154] {strides = array<i32>} : memref<128x128xf32, #tpu.memory_space<vmem>>, vector<1x16xf32>,
          %get3A_156 = vector.shape_cast %get3A_155 : vector<1x16xf32> to vector<16xf32>
          %mul3A_157 = arith.mulf %get3A_156, %gather3A_148 : vector<16xf32>
          %swap3A = arith.index_cast %add3A_152 : i32 to index
          %swap3A_158 = arith.constant 0 : index
          %swap3A_159 = tpu.vector_load %arg11[%swap3A, %swap3A_158] {strides = array<i32>} : memref<128x128xf32, #tpu.memory_space<vmem>>, vector<1x16xf32>,
          %swap3A_160 = vector.shape_cast %swap3A_159 : vector<1x16xf32> to vector<16xf32>
          %swap3A_161 = vector.shape_cast %mul3A_157 : vector<16xf32> to vector<1x16xf32>
          tpu.vector_store %arg11[%swap3A, %swap3A_158], %swap3A_161 {strides = array<i32>} : memref<128x128xf32, #tpu.memory_space<vmem>>, vector<1x16xf32>,
          %get3A_162 = arith.index_cast %add3A_152 : i32 to index
          %get3A_163 = arith.constant 16 : index
          %get3A_164 = tpu.vector_load %arg11[%get3A_162, %get3A_163] {strides = array<i32>} : memref<128x128xf32, #tpu.memory_space<vmem>>, vector<1x16xf32>,
          %get3A_165 = vector.shape_cast %get3A_164 : vector<1x16xf32> to vector<16xf32>
          %mul3A_166 = arith.mulf %get3A_165, %gather3A_148 : vector<16xf32>
          %swap3A_167 = arith.index_cast %add3A_152 : i32 to index
          %swap3A_168 = arith.constant 16 : index
          %swap3A_169 = tpu.vector_load %arg11[%swap3A_167, %swap3A_168] {strides = array<i32>} : memref<128x128xf32, #tpu.memory_space<vmem>>, vector<1x16xf32>,
          %swap3A_170 = vector.shape_cast %swap3A_169 : vector<1x16xf32> to vector<16xf32>
          %swap3A_171 = vector.shape_cast %mul3A_166 : vector<16xf32> to vector<1x16xf32>
          tpu.vector_store %arg11[%swap3A_167, %swap3A_168], %swap3A_171 {strides = array<i32>} : memref<128x128xf32, #tpu.memory_space<vmem>>, vector<1x16xf32>,
          %get3A_172 = arith.index_cast %add3A_152 : i32 to index
          %get3A_173 = arith.constant 32 : index
          %get3A_174 = tpu.vector_load %arg11[%get3A_172, %get3A_173] {strides = array<i32>} : memref<128x128xf32, #tpu.memory_space<vmem>>, vector<1x16xf32>,
          %get3A_175 = vector.shape_cast %get3A_174 : vector<1x16xf32> to vector<16xf32>
          %mul3A_176 = arith.mulf %get3A_175, %gather3A_148 : vector<16xf32>
          %swap3A_177 = arith.index_cast %add3A_152 : i32 to index
          %swap3A_178 = arith.constant 32 : index
          %swap3A_179 = tpu.vector_load %arg11[%swap3A_177, %swap3A_178] {strides = array<i32>} : memref<128x128xf32, #tpu.memory_space<vmem>>, vector<1x16xf32>,
          %swap3A_180 = vector.shape_cast %swap3A_179 : vector<1x16xf32> to vector<16xf32>
          %swap3A_181 = vector.shape_cast %mul3A_176 : vector<16xf32> to vector<1x16xf32>
          tpu.vector_store %arg11[%swap3A_177, %swap3A_178], %swap3A_181 {strides = array<i32>} : memref<128x128xf32, #tpu.memory_space<vmem>>, vector<1x16xf32>,
          %get3A_182 = arith.index_cast %add3A_152 : i32 to index
          %get3A_183 = arith.constant 48 : index
          %get3A_184 = tpu.vector_load %arg11[%get3A_182, %get3A_183] {strides = array<i32>} : memref<128x128xf32, #tpu.memory_space<vmem>>, vector<1x16xf32>,
          %get3A_185 = vector.shape_cast %get3A_184 : vector<1x16xf32> to vector<16xf32>
          %mul3A_186 = arith.mulf %get3A_185, %gather3A_148 : vector<16xf32>
          %swap3A_187 = arith.index_cast %add3A_152 : i32 to index
          %swap3A_188 = arith.constant 48 : index
          %swap3A_189 = tpu.vector_load %arg11[%swap3A_187, %swap3A_188] {strides = array<i32>} : memref<128x128xf32, #tpu.memory_space<vmem>>, vector<1x16xf32>,
          %swap3A_190 = vector.shape_cast %swap3A_189 : vector<1x16xf32> to vector<16xf32>
          %swap3A_191 = vector.shape_cast %mul3A_186 : vector<16xf32> to vector<1x16xf32>
          tpu.vector_store %arg11[%swap3A_187, %swap3A_188], %swap3A_191 {strides = array<i32>} : memref<128x128xf32, #tpu.memory_space<vmem>>, vector<1x16xf32>,
          %get3A_192 = arith.index_cast %add3A_152 : i32 to index
          %get3A_193 = arith.constant 64 : index
          %get3A_194 = tpu.vector_load %arg11[%get3A_192, %get3A_193] {strides = array<i32>} : memref<128x128xf32, #tpu.memory_space<vmem>>, vector<1x16xf32>,
          %get3A_195 = vector.shape_cast %get3A_194 : vector<1x16xf32> to vector<16xf32>
          %mul3A_196 = arith.mulf %get3A_195, %gather3A_148 : vector<16xf32>
          %swap3A_197 = arith.index_cast %add3A_152 : i32 to index
          %swap3A_198 = arith.constant 64 : index
          %swap3A_199 = tpu.vector_load %arg11[%swap3A_197, %swap3A_198] {strides = array<i32>} : memref<128x128xf32, #tpu.memory_space<vmem>>, vector<1x16xf32>,
          %swap3A_200 = vector.shape_cast %swap3A_199 : vector<1x16xf32> to vector<16xf32>
          %swap3A_201 = vector.shape_cast %mul3A_196 : vector<16xf32> to vector<1x16xf32>
          tpu.vector_store %arg11[%swap3A_197, %swap3A_198], %swap3A_201 {strides = array<i32>} : memref<128x128xf32, #tpu.memory_space<vmem>>, vector<1x16xf32>,
          %get3A_202 = arith.index_cast %add3A_152 : i32 to index
          %get3A_203 = arith.constant 80 : index
          %get3A_204 = tpu.vector_load %arg11[%get3A_202, %get3A_203] {strides = array<i32>} : memref<128x128xf32, #tpu.memory_space<vmem>>, vector<1x16xf32>,
          %get3A_205 = vector.shape_cast %get3A_204 : vector<1x16xf32> to vector<16xf32>
          %mul3A_206 = arith.mulf %get3A_205, %gather3A_148 : vector<16xf32>
          %swap3A_207 = arith.index_cast %add3A_152 : i32 to index
          %swap3A_208 = arith.constant 80 : index
          %swap3A_209 = tpu.vector_load %arg11[%swap3A_207, %swap3A_208] {strides = array<i32>} : memref<128x128xf32, #tpu.memory_space<vmem>>, vector<1x16xf32>,
          %swap3A_210 = vector.shape_cast %swap3A_209 : vector<1x16xf32> to vector<16xf32>
          %swap3A_211 = vector.shape_cast %mul3A_206 : vector<16xf32> to vector<1x16xf32>
          tpu.vector_store %arg11[%swap3A_207, %swap3A_208], %swap3A_211 {strides = array<i32>} : memref<128x128xf32, #tpu.memory_space<vmem>>, vector<1x16xf32>,
          %get3A_212 = arith.index_cast %add3A_152 : i32 to index
          %get3A_213 = arith.constant 96 : index
          %get3A_214 = tpu.vector_load %arg11[%get3A_212, %get3A_213] {strides = array<i32>} : memref<128x128xf32, #tpu.memory_space<vmem>>, vector<1x16xf32>,
          %get3A_215 = vector.shape_cast %get3A_214 : vector<1x16xf32> to vector<16xf32>
          %mul3A_216 = arith.mulf %get3A_215, %gather3A_148 : vector<16xf32>
          %swap3A_217 = arith.index_cast %add3A_152 : i32 to index
          %swap3A_218 = arith.constant 96 : index
          %swap3A_219 = tpu.vector_load %arg11[%swap3A_217, %swap3A_218] {strides = array<i32>} : memref<128x128xf32, #tpu.memory_space<vmem>>, vector<1x16xf32>,
          %swap3A_220 = vector.shape_cast %swap3A_219 : vector<1x16xf32> to vector<16xf32>
          %swap3A_221 = vector.shape_cast %mul3A_216 : vector<16xf32> to vector<1x16xf32>
          tpu.vector_store %arg11[%swap3A_217, %swap3A_218], %swap3A_221 {strides = array<i32>} : memref<128x128xf32, #tpu.memory_space<vmem>>, vector<1x16xf32>,
          %get3A_222 = arith.index_cast %add3A_152 : i32 to index
          %get3A_223 = arith.constant 112 : index
          %get3A_224 = tpu.vector_load %arg11[%get3A_222, %get3A_223] {strides = array<i32>} : memref<128x128xf32, #tpu.memory_space<vmem>>, vector<1x16xf32>,
          %get3A_225 = vector.shape_cast %get3A_224 : vector<1x16xf32> to vector<16xf32>
          %mul3A_226 = arith.mulf %get3A_225, %gather3A_148 : vector<16xf32>
          %swap3A_227 = arith.index_cast %add3A_152 : i32 to index
          %swap3A_228 = arith.constant 112 : index
          %swap3A_229 = tpu.vector_load %arg11[%swap3A_227, %swap3A_228] {strides = array<i32>} : memref<128x128xf32, #tpu.memory_space<vmem>>, vector<1x16xf32>,
          %swap3A_230 = vector.shape_cast %swap3A_229 : vector<1x16xf32> to vector<16xf32>
          %swap3A_231 = vector.shape_cast %mul3A_226 : vector<16xf32> to vector<1x16xf32>
          tpu.vector_store %arg11[%swap3A_227, %swap3A_228], %swap3A_231 {strides = array<i32>} : memref<128x128xf32, #tpu.memory_space<vmem>>, vector<1x16xf32>,
          %broadcast_in_dim3A_232 = arith.constant 1 : i32
          %broadcast_in_dim3A_233 = vector.broadcast %broadcast_in_dim3A_232 : i32 to vector<16xi32>
          %lt3A_234 = arith.constant 0 : i32
          %lt3A_235 = vector.broadcast %lt3A_234 : i32 to vector<16xi32>
          %lt3A_236 = arith.cmpi slt, %broadcast_in_dim3A_233, %lt3A_235 : vector<16xi32>
          %add3A_237 = arith.constant 16 : i32
          %add3A_238 = vector.broadcast %add3A_237 : i32 to vector<16xi32>
          %add3A_239 = arith.addi %broadcast_in_dim3A_233, %add3A_238 : vector<16xi32>
          %select_n3A_240 = arith.select %lt3A_236, %add3A_239, %broadcast_in_dim3A_233 : vector<16xi1>, vector<16xi32>
          %broadcast_in_dim3A_241 = vector.shape_cast %select_n3A_240 : vector<16xi32> to vector<16x1xi32>
          %gather3A_242 = vector.shape_cast %broadcast_in_dim3A_241 : vector<16x1xi32> to vector<16xi32>
          %gather3A_243 = tpu.dynamic_gather %get3A_138[%gather3A_242] in [0] : vector<16xf32>, vector<16xi32> -> vector<16xf32>
          %mul3A_244 = arith.constant 16 : i32
          %mul3A_245 = arith.muli %scan3A_132, %mul3A_244 : i32
          %add3A_246 = arith.constant 1 : i32
          %add3A_247 = arith.addi %mul3A_245, %add3A_246 : i32
          %get3A_248 = arith.index_cast %add3A_247 : i32 to index
          %get3A_249 = arith.constant 0 : index
          %get3A_250 = tpu.vector_load %arg11[%get3A_248, %get3A_249] {strides = array<i32>} : memref<128x128xf32, #tpu.memory_space<vmem>>, vector<1x16xf32>,
          %get3A_251 = vector.shape_cast %get3A_250 : vector<1x16xf32> to vector<16xf32>
          %mul3A_252 = arith.mulf %get3A_251, %gather3A_243 : vector<16xf32>
          %swap3A_253 = arith.index_cast %add3A_247 : i32 to index
          %swap3A_254 = arith.constant 0 : index
          %swap3A_255 = tpu.vector_load %arg11[%swap3A_253, %swap3A_254] {strides = array<i32>} : memref<128x128xf32, #tpu.memory_space<vmem>>, vector<1x16xf32>,
          %swap3A_256 = vector.shape_cast %swap3A_255 : vector<1x16xf32> to vector<16xf32>
          %swap3A_257 = vector.shape_cast %mul3A_252 : vector<16xf32> to vector<1x16xf32>
          tpu.vector_store %arg11[%swap3A_253, %swap3A_254], %swap3A_257 {strides = array<i32>} : memref<128x128xf32, #tpu.memory_space<vmem>>, vector<1x16xf32>,
          %get3A_258 = arith.index_cast %add3A_247 : i32 to index
          %get3A_259 = arith.constant 16 : index
          %get3A_260 = tpu.vector_load %arg11[%get3A_258, %get3A_259] {strides = array<i32>} : memref<128x128xf32, #tpu.memory_space<vmem>>, vector<1x16xf32>,
          %get3A_261 = vector.shape_cast %get3A_260 : vector<1x16xf32> to vector<16xf32>
          %mul3A_262 = arith.mulf %get3A_261, %gather3A_243 : vector<16xf32>
          %swap3A_263 = arith.index_cast %add3A_247 : i32 to index
          %swap3A_264 = arith.constant 16 : index
          %swap3A_265 = tpu.vector_load %arg11[%swap3A_263, %swap3A_264] {strides = array<i32>} : memref<128x128xf32, #tpu.memory_space<vmem>>, vector<1x16xf32>,
          %swap3A_266 = vector.shape_cast %swap3A_265 : vector<1x16xf32> to vector<16xf32>
          %swap3A_267 = vector.shape_cast %mul3A_262 : vector<16xf32> to vector<1x16xf32>
          tpu.vector_store %arg11[%swap3A_263, %swap3A_264], %swap3A_267 {strides = array<i32>} : memref<128x128xf32, #tpu.memory_space<vmem>>, vector<1x16xf32>,
          %get3A_268 = arith.index_cast %add3A_247 : i32 to index
          %get3A_269 = arith.constant 32 : index
          %get3A_270 = tpu.vector_load %arg11[%get3A_268, %get3A_269] {strides = array<i32>} : memref<128x128xf32, #tpu.memory_space<vmem>>, vector<1x16xf32>,
          %get3A_271 = vector.shape_cast %get3A_270 : vector<1x16xf32> to vector<16xf32>
          %mul3A_272 = arith.mulf %get3A_271, %gather3A_243 : vector<16xf32>
          %swap3A_273 = arith.index_cast %add3A_247 : i32 to index
          %swap3A_274 = arith.constant 32 : index
          %swap3A_275 = tpu.vector_load %arg11[%swap3A_273, %swap3A_274] {strides = array<i32>} : memref<128x128xf32, #tpu.memory_space<vmem>>, vector<1x16xf32>,
          %swap3A_276 = vector.shape_cast %swap3A_275 : vector<1x16xf32> to vector<16xf32>
          %swap3A_277 = vector.shape_cast %mul3A_272 : vector<16xf32> to vector<1x16xf32>
          tpu.vector_store %arg11[%swap3A_273, %swap3A_274], %swap3A_277 {strides = array<i32>} : memref<128x128xf32, #tpu.memory_space<vmem>>, vector<1x16xf32>,
          %get3A_278 = arith.index_cast %add3A_247 : i32 to index
          %get3A_279 = arith.constant 48 : index
          %get3A_280 = tpu.vector_load %arg11[%get3A_278, %get3A_279] {strides = array<i32>} : memref<128x128xf32, #tpu.memory_space<vmem>>, vector<1x16xf32>,
          %get3A_281 = vector.shape_cast %get3A_280 : vector<1x16xf32> to vector<16xf32>
          %mul3A_282 = arith.mulf %get3A_281, %gather3A_243 : vector<16xf32>
          %swap3A_283 = arith.index_cast %add3A_247 : i32 to index
          %swap3A_284 = arith.constant 48 : index
          %swap3A_285 = tpu.vector_load %arg11[%swap3A_283, %swap3A_284] {strides = array<i32>} : memref<128x128xf32, #tpu.memory_space<vmem>>, vector<1x16xf32>,
          %swap3A_286 = vector.shape_cast %swap3A_285 : vector<1x16xf32> to vector<16xf32>
          %swap3A_287 = vector.shape_cast %mul3A_282 : vector<16xf32> to vector<1x16xf32>
          tpu.vector_store %arg11[%swap3A_283, %swap3A_284], %swap3A_287 {strides = array<i32>} : memref<128x128xf32, #tpu.memory_space<vmem>>, vector<1x16xf32>,
          %get3A_288 = arith.index_cast %add3A_247 : i32 to index
          %get3A_289 = arith.constant 64 : index
          %get3A_290 = tpu.vector_load %arg11[%get3A_288, %get3A_289] {strides = array<i32>} : memref<128x128xf32, #tpu.memory_space<vmem>>, vector<1x16xf32>,
          %get3A_291 = vector.shape_cast %get3A_290 : vector<1x16xf32> to vector<16xf32>
          %mul3A_292 = arith.mulf %get3A_291, %gather3A_243 : vector<16xf32>
          %swap3A_293 = arith.index_cast %add3A_247 : i32 to index
          %swap3A_294 = arith.constant 64 : index
          %swap3A_295 = tpu.vector_load %arg11[%swap3A_293, %swap3A_294] {strides = array<i32>} : memref<128x128xf32, #tpu.memory_space<vmem>>, vector<1x16xf32>,
          %swap3A_296 = vector.shape_cast %swap3A_295 : vector<1x16xf32> to vector<16xf32>
          %swap3A_297 = vector.shape_cast %mul3A_292 : vector<16xf32> to vector<1x16xf32>
          tpu.vector_store %arg11[%swap3A_293, %swap3A_294], %swap3A_297 {strides = array<i32>} : memref<128x128xf32, #tpu.memory_space<vmem>>, vector<1x16xf32>,
          %get3A_298 = arith.index_cast %add3A_247 : i32 to index
          %get3A_299 = arith.constant 80 : index
          %get3A_300 = tpu.vector_load %arg11[%get3A_298, %get3A_299] {strides = array<i32>} : memref<128x128xf32, #tpu.memory_space<vmem>>, vector<1x16xf32>,
          %get3A_301 = vector.shape_cast %get3A_300 : vector<1x16xf32> to vector<16xf32>
          %mul3A_302 = arith.mulf %get3A_301, %gather3A_243 : vector<16xf32>
          %swap3A_303 = arith.index_cast %add3A_247 : i32 to index
          %swap3A_304 = arith.constant 80 : index
          %swap3A_305 = tpu.vector_load %arg11[%swap3A_303, %swap3A_304] {strides = array<i32>} : memref<128x128xf32, #tpu.memory_space<vmem>>, vector<1x16xf32>,
          %swap3A_306 = vector.shape_cast %swap3A_305 : vector<1x16xf32> to vector<16xf32>
          %swap3A_307 = vector.shape_cast %mul3A_302 : vector<16xf32> to vector<1x16xf32>
          tpu.vector_store %arg11[%swap3A_303, %swap3A_304], %swap3A_307 {strides = array<i32>} : memref<128x128xf32, #tpu.memory_space<vmem>>, vector<1x16xf32>,
          %get3A_308 = arith.index_cast %add3A_247 : i32 to index
          %get3A_309 = arith.constant 96 : index
          %get3A_310 = tpu.vector_load %arg11[%get3A_308, %get3A_309] {strides = array<i32>} : memref<128x128xf32, #tpu.memory_space<vmem>>, vector<1x16xf32>,
          %get3A_311 = vector.shape_cast %get3A_310 : vector<1x16xf32> to vector<16xf32>
          %mul3A_312 = arith.mulf %get3A_311, %gather3A_243 : vector<16xf32>
          %swap3A_313 = arith.index_cast %add3A_247 : i32 to index
          %swap3A_314 = arith.constant 96 : index
          %swap3A_315 = tpu.vector_load %arg11[%swap3A_313, %swap3A_314] {strides = array<i32>} : memref<128x128xf32, #tpu.memory_space<vmem>>, vector<1x16xf32>,
          %swap3A_316 = vector.shape_cast %swap3A_315 : vector<1x16xf32> to vector<16xf32>
          %swap3A_317 = vector.shape_cast %mul3A_312 : vector<16xf32> to vector<1x16xf32>
          tpu.vector_store %arg11[%swap3A_313, %swap3A_314], %swap3A_317 {strides = array<i32>} : memref<128x128xf32, #tpu.memory_space<vmem>>, vector<1x16xf32>,
          %get3A_318 = arith.index_cast %add3A_247 : i32 to index
          %get3A_319 = arith.constant 112 : index
          %get3A_320 = tpu.vector_load %arg11[%get3A_318, %get3A_319] {strides = array<i32>} : memref<128x128xf32, #tpu.memory_space<vmem>>, vector<1x16xf32>,
          %get3A_321 = vector.shape_cast %get3A_320 : vector<1x16xf32> to vector<16xf32>
          %mul3A_322 = arith.mulf %get3A_321, %gather3A_243 : vector<16xf32>
          %swap3A_323 = arith.index_cast %add3A_247 : i32 to index
          %swap3A_324 = arith.constant 112 : index
          %swap3A_325 = tpu.vector_load %arg11[%swap3A_323, %swap3A_324] {strides = array<i32>} : memref<128x128xf32, #tpu.memory_space<vmem>>, vector<1x16xf32>,
          %swap3A_326 = vector.shape_cast %swap3A_325 : vector<1x16xf32> to vector<16xf32>
          %swap3A_327 = vector.shape_cast %mul3A_322 : vector<16xf32> to vector<1x16xf32>
          tpu.vector_store %arg11[%swap3A_323, %swap3A_324], %swap3A_327 {strides = array<i32>} : memref<128x128xf32, #tpu.memory_space<vmem>>, vector<1x16xf32>,
          %broadcast_in_dim3A_328 = arith.constant 2 : i32
          %broadcast_in_dim3A_329 = vector.broadcast %broadcast_in_dim3A_328 : i32 to vector<16xi32>
          %lt3A_330 = arith.constant 0 : i32
          %lt3A_331 = vector.broadcast %lt3A_330 : i32 to vector<16xi32>
          %lt3A_332 = arith.cmpi slt, %broadcast_in_dim3A_329, %lt3A_331 : vector<16xi32>
          %add3A_333 = arith.constant 16 : i32
          %add3A_334 = vector.broadcast %add3A_333 : i32 to vector<16xi32>
          %add3A_335 = arith.addi %broadcast_in_dim3A_329, %add3A_334 : vector<16xi32>
          %select_n3A_336 = arith.select %lt3A_332, %add3A_335, %broadcast_in_dim3A_329 : vector<16xi1>, vector<16xi32>
          %broadcast_in_dim3A_337 = vector.shape_cast %select_n3A_336 : vector<16xi32> to vector<16x1xi32>
          %gather3A_338 = vector.shape_cast %broadcast_in_dim3A_337 : vector<16x1xi32> to vector<16xi32>
          %gather3A_339 = tpu.dynamic_gather %get3A_138[%gather3A_338] in [0] : vector<16xf32>, vector<16xi32> -> vector<16xf32>
          %mul3A_340 = arith.constant 16 : i32
          %mul3A_341 = arith.muli %scan3A_132, %mul3A_340 : i32
          %add3A_342 = arith.constant 2 : i32
          %add3A_343 = arith.addi %mul3A_341, %add3A_342 : i32
          %get3A_344 = arith.index_cast %add3A_343 : i32 to index
          %get3A_345 = arith.constant 0 : index
          %get3A_346 = tpu.vector_load %arg11[%get3A_344, %get3A_345] {strides = array<i32>} : memref<128x128xf32, #tpu.memory_space<vmem>>, vector<1x16xf32>,
          %get3A_347 = vector.shape_cast %get3A_346 : vector<1x16xf32> to vector<16xf32>
          %mul3A_348 = arith.mulf %get3A_347, %gather3A_339 : vector<16xf32>
          %swap3A_349 = arith.index_cast %add3A_343 : i32 to index
          %swap3A_350 = arith.constant 0 : index
          %swap3A_351 = tpu.vector_load %arg11[%swap3A_349, %swap3A_350] {strides = array<i32>} : memref<128x128xf32, #tpu.memory_space<vmem>>, vector<1x16xf32>,
          %swap3A_352 = vector.shape_cast %swap3A_351 : vector<1x16xf32> to vector<16xf32>
          %swap3A_353 = vector.shape_cast %mul3A_348 : vector<16xf32> to vector<1x16xf32>
          tpu.vector_store %arg11[%swap3A_349, %swap3A_350], %swap3A_353 {strides = array<i32>} : memref<128x128xf32, #tpu.memory_space<vmem>>, vector<1x16xf32>,
          %get3A_354 = arith.index_cast %add3A_343 : i32 to index
          %get3A_355 = arith.constant 16 : index
          %get3A_356 = tpu.vector_load %arg11[%get3A_354, %get3A_355] {strides = array<i32>} : memref<128x128xf32, #tpu.memory_space<vmem>>, vector<1x16xf32>,
          %get3A_357 = vector.shape_cast %get3A_356 : vector<1x16xf32> to vector<16xf32>
          %mul3A_358 = arith.mulf %get3A_357, %gather3A_339 : vector<16xf32>
          %swap3A_359 = arith.index_cast %add3A_343 : i32 to index
          %swap3A_360 = arith.constant 16 : index
          %swap3A_361 = tpu.vector_load %arg11[%swap3A_359, %swap3A_360] {strides = array<i32>} : memref<128x128xf32, #tpu.memory_space<vmem>>, vector<1x16xf32>,
          %swap3A_362 = vector.shape_cast %swap3A_361 : vector<1x16xf32> to vector<16xf32>
          %swap3A_363 = vector.shape_cast %mul3A_358 : vector<16xf32> to vector<1x16xf32>
          tpu.vector_store %arg11[%swap3A_359, %swap3A_360], %swap3A_363 {strides = array<i32>} : memref<128x128xf32, #tpu.memory_space<vmem>>, vector<1x16xf32>,
          %get3A_364 = arith.index_cast %add3A_343 : i32 to index
          %get3A_365 = arith.constant 32 : index
          %get3A_366 = tpu.vector_load %arg11[%get3A_364, %get3A_365] {strides = array<i32>} : memref<128x128xf32, #tpu.memory_space<vmem>>, vector<1x16xf32>,
          %get3A_367 = vector.shape_cast %get3A_366 : vector<1x16xf32> to vector<16xf32>
          %mul3A_368 = arith.mulf %get3A_367, %gather3A_339 : vector<16xf32>
          %swap3A_369 = arith.index_cast %add3A_343 : i32 to index
          %swap3A_370 = arith.constant 32 : index
          %swap3A_371 = tpu.vector_load %arg11[%swap3A_369, %swap3A_370] {strides = array<i32>} : memref<128x128xf32, #tpu.memory_space<vmem>>, vector<1x16xf32>,
          %swap3A_372 = vector.shape_cast %swap3A_371 : vector<1x16xf32> to vector<16xf32>
          %swap3A_373 = vector.shape_cast %mul3A_368 : vector<16xf32> to vector<1x16xf32>
          tpu.vector_store %arg11[%swap3A_369, %swap3A_370], %swap3A_373 {strides = array<i32>} : memref<128x128xf32, #tpu.memory_space<vmem>>, vector<1x16xf32>,
          %get3A_374 = arith.index_cast %add3A_343 : i32 to index
          %get3A_375 = arith.constant 48 : index
          %get3A_376 = tpu.vector_load %arg11[%get3A_374, %get3A_375] {strides = array<i32>} : memref<128x128xf32, #tpu.memory_space<vmem>>, vector<1x16xf32>,
          %get3A_377 = vector.shape_cast %get3A_376 : vector<1x16xf32> to vector<16xf32>
          %mul3A_378 = arith.mulf %get3A_377, %gather3A_339 : vector<16xf32>
          %swap3A_379 = arith.index_cast %add3A_343 : i32 to index
          %swap3A_380 = arith.constant 48 : index
          %swap3A_381 = tpu.vector_load %arg11[%swap3A_379, %swap3A_380] {strides = array<i32>} : memref<128x128xf32, #tpu.memory_space<vmem>>, vector<1x16xf32>,
          %swap3A_382 = vector.shape_cast %swap3A_381 : vector<1x16xf32> to vector<16xf32>
          %swap3A_383 = vector.shape_cast %mul3A_378 : vector<16xf32> to vector<1x16xf32>
          tpu.vector_store %arg11[%swap3A_379, %swap3A_380], %swap3A_383 {strides = array<i32>} : memref<128x128xf32, #tpu.memory_space<vmem>>, vector<1x16xf32>,
          %get3A_384 = arith.index_cast %add3A_343 : i32 to index
          %get3A_385 = arith.constant 64 : index
          %get3A_386 = tpu.vector_load %arg11[%get3A_384, %get3A_385] {strides = array<i32>} : memref<128x128xf32, #tpu.memory_space<vmem>>, vector<1x16xf32>,
          %get3A_387 = vector.shape_cast %get3A_386 : vector<1x16xf32> to vector<16xf32>
          %mul3A_388 = arith.mulf %get3A_387, %gather3A_339 : vector<16xf32>
          %swap3A_389 = arith.index_cast %add3A_343 : i32 to index
          %swap3A_390 = arith.constant 64 : index
          %swap3A_391 = tpu.vector_load %arg11[%swap3A_389, %swap3A_390] {strides = array<i32>} : memref<128x128xf32, #tpu.memory_space<vmem>>, vector<1x16xf32>,
          %swap3A_392 = vector.shape_cast %swap3A_391 : vector<1x16xf32> to vector<16xf32>
          %swap3A_393 = vector.shape_cast %mul3A_388 : vector<16xf32> to vector<1x16xf32>
          tpu.vector_store %arg11[%swap3A_389, %swap3A_390], %swap3A_393 {strides = array<i32>} : memref<128x128xf32, #tpu.memory_space<vmem>>, vector<1x16xf32>,
          %get3A_394 = arith.index_cast %add3A_343 : i32 to index
          %get3A_395 = arith.constant 80 : index
          %get3A_396 = tpu.vector_load %arg11[%get3A_394, %get3A_395] {strides = array<i32>} : memref<128x128xf32, #tpu.memory_space<vmem>>, vector<1x16xf32>,
          %get3A_397 = vector.shape_cast %get3A_396 : vector<1x16xf32> to vector<16xf32>
          %mul3A_398 = arith.mulf %get3A_397, %gather3A_339 : vector<16xf32>
          %swap3A_399 = arith.index_cast %add3A_343 : i32 to index
          %swap3A_400 = arith.constant 80 : index
          %swap3A_401 = tpu.vector_load %arg11[%swap3A_399, %swap3A_400] {strides = array<i32>} : memref<128x128xf32, #tpu.memory_space<vmem>>, vector<1x16xf32>,
          %swap3A_402 = vector.shape_cast %swap3A_401 : vector<1x16xf32> to vector<16xf32>
          %swap3A_403 = vector.shape_cast %mul3A_398 : vector<16xf32> to vector<1x16xf32>
          tpu.vector_store %arg11[%swap3A_399, %swap3A_400], %swap3A_403 {strides = array<i32>} : memref<128x128xf32, #tpu.memory_space<vmem>>, vector<1x16xf32>,
          %get3A_404 = arith.index_cast %add3A_343 : i32 to index
          %get3A_405 = arith.constant 96 : index
          %get3A_406 = tpu.vector_load %arg11[%get3A_404, %get3A_405] {strides = array<i32>} : memref<128x128xf32, #tpu.memory_space<vmem>>, vector<1x16xf32>,
          %get3A_407 = vector.shape_cast %get3A_406 : vector<1x16xf32> to vector<16xf32>
          %mul3A_408 = arith.mulf %get3A_407, %gather3A_339 : vector<16xf32>
          %swap3A_409 = arith.index_cast %add3A_343 : i32 to index
          %swap3A_410 = arith.constant 96 : index
          %swap3A_411 = tpu.vector_load %arg11[%swap3A_409, %swap3A_410] {strides = array<i32>} : memref<128x128xf32, #tpu.memory_space<vmem>>, vector<1x16xf32>,
          %swap3A_412 = vector.shape_cast %swap3A_411 : vector<1x16xf32> to vector<16xf32>
          %swap3A_413 = vector.shape_cast %mul3A_408 : vector<16xf32> to vector<1x16xf32>
          tpu.vector_store %arg11[%swap3A_409, %swap3A_410], %swap3A_413 {strides = array<i32>} : memref<128x128xf32, #tpu.memory_space<vmem>>, vector<1x16xf32>,
          %get3A_414 = arith.index_cast %add3A_343 : i32 to index
          %get3A_415 = arith.constant 112 : index
          %get3A_416 = tpu.vector_load %arg11[%get3A_414, %get3A_415] {strides = array<i32>} : memref<128x128xf32, #tpu.memory_space<vmem>>, vector<1x16xf32>,
          %get3A_417 = vector.shape_cast %get3A_416 : vector<1x16xf32> to vector<16xf32>
          %mul3A_418 = arith.mulf %get3A_417, %gather3A_339 : vector<16xf32>
          %swap3A_419 = arith.index_cast %add3A_343 : i32 to index
          %swap3A_420 = arith.constant 112 : index
          %swap3A_421 = tpu.vector_load %arg11[%swap3A_419, %swap3A_420] {strides = array<i32>} : memref<128x128xf32, #tpu.memory_space<vmem>>, vector<1x16xf32>,
          %swap3A_422 = vector.shape_cast %swap3A_421 : vector<1x16xf32> to vector<16xf32>
          %swap3A_423 = vector.shape_cast %mul3A_418 : vector<16xf32> to vector<1x16xf32>
          tpu.vector_store %arg11[%swap3A_419, %swap3A_420], %swap3A_423 {strides = array<i32>} : memref<128x128xf32, #tpu.memory_space<vmem>>, vector<1x16xf32>,
          %broadcast_in_dim3A_424 = arith.constant 3 : i32
          %broadcast_in_dim3A_425 = vector.broadcast %broadcast_in_dim3A_424 : i32 to vector<16xi32>
          %lt3A_426 = arith.constant 0 : i32
          %lt3A_427 = vector.broadcast %lt3A_426 : i32 to vector<16xi32>
          %lt3A_428 = arith.cmpi slt, %broadcast_in_dim3A_425, %lt3A_427 : vector<16xi32>
          %add3A_429 = arith.constant 16 : i32
          %add3A_430 = vector.broadcast %add3A_429 : i32 to vector<16xi32>
          %add3A_431 = arith.addi %broadcast_in_dim3A_425, %add3A_430 : vector<16xi32>
          %select_n3A_432 = arith.select %lt3A_428, %add3A_431, %broadcast_in_dim3A_425 : vector<16xi1>, vector<16xi32>
          %broadcast_in_dim3A_433 = vector.shape_cast %select_n3A_432 : vector<16xi32> to vector<16x1xi32>
          %gather3A_434 = vector.shape_cast %broadcast_in_dim3A_433 : vector<16x1xi32> to vector<16xi32>
          %gather3A_435 = tpu.dynamic_gather %get3A_138[%gather3A_434] in [0] : vector<16xf32>, vector<16xi32> -> vector<16xf32>
          %mul3A_436 = arith.constant 16 : i32
          %mul3A_437 = arith.muli %scan3A_132, %mul3A_436 : i32
          %add3A_438 = arith.constant 3 : i32
          %add3A_439 = arith.addi %mul3A_437, %add3A_438 : i32
          %get3A_440 = arith.index_cast %add3A_439 : i32 to index
          %get3A_441 = arith.constant 0 : index
          %get3A_442 = tpu.vector_load %arg11[%get3A_440, %get3A_441] {strides = array<i32>} : memref<128x128xf32, #tpu.memory_space<vmem>>, vector<1x16xf32>,
          %get3A_443 = vector.shape_cast %get3A_442 : vector<1x16xf32> to vector<16xf32>
          %mul3A_444 = arith.mulf %get3A_443, %gather3A_435 : vector<16xf32>
          %swap3A_445 = arith.index_cast %add3A_439 : i32 to index
          %swap3A_446 = arith.constant 0 : index
          %swap3A_447 = tpu.vector_load %arg11[%swap3A_445, %swap3A_446] {strides = array<i32>} : memref<128x128xf32, #tpu.memory_space<vmem>>, vector<1x16xf32>,
          %swap3A_448 = vector.shape_cast %swap3A_447 : vector<1x16xf32> to vector<16xf32>
          %swap3A_449 = vector.shape_cast %mul3A_444 : vector<16xf32> to vector<1x16xf32>
          tpu.vector_store %arg11[%swap3A_445, %swap3A_446], %swap3A_449 {strides = array<i32>} : memref<128x128xf32, #tpu.memory_space<vmem>>, vector<1x16xf32>,
          %get3A_450 = arith.index_cast %add3A_439 : i32 to index
          %get3A_451 = arith.constant 16 : index
          %get3A_452 = tpu.vector_load %arg11[%get3A_450, %get3A_451] {strides = array<i32>} : memref<128x128xf32, #tpu.memory_space<vmem>>, vector<1x16xf32>,
          %get3A_453 = vector.shape_cast %get3A_452 : vector<1x16xf32> to vector<16xf32>
          %mul3A_454 = arith.mulf %get3A_453, %gather3A_435 : vector<16xf32>
          %swap3A_455 = arith.index_cast %add3A_439 : i32 to index
          %swap3A_456 = arith.constant 16 : index
          %swap3A_457 = tpu.vector_load %arg11[%swap3A_455, %swap3A_456] {strides = array<i32>} : memref<128x128xf32, #tpu.memory_space<vmem>>, vector<1x16xf32>,
          %swap3A_458 = vector.shape_cast %swap3A_457 : vector<1x16xf32> to vector<16xf32>
          %swap3A_459 = vector.shape_cast %mul3A_454 : vector<16xf32> to vector<1x16xf32>
          tpu.vector_store %arg11[%swap3A_455, %swap3A_456], %swap3A_459 {strides = array<i32>} : memref<128x128xf32, #tpu.memory_space<vmem>>, vector<1x16xf32>,
          %get3A_460 = arith.index_cast %add3A_439 : i32 to index
          %get3A_461 = arith.constant 32 : index
          %get3A_462 = tpu.vector_load %arg11[%get3A_460, %get3A_461] {strides = array<i32>} : memref<128x128xf32, #tpu.memory_space<vmem>>, vector<1x16xf32>,
          %get3A_463 = vector.shape_cast %get3A_462 : vector<1x16xf32> to vector<16xf32>
          %mul3A_464 = arith.mulf %get3A_463, %gather3A_435 : vector<16xf32>
          %swap3A_465 = arith.index_cast %add3A_439 : i32 to index
          %swap3A_466 = arith.constant 32 : index
          %swap3A_467 = tpu.vector_load %arg11[%swap3A_465, %swap3A_466] {strides = array<i32>} : memref<128x128xf32, #tpu.memory_space<vmem>>, vector<1x16xf32>,
          %swap3A_468 = vector.shape_cast %swap3A_467 : vector<1x16xf32> to vector<16xf32>
          %swap3A_469 = vector.shape_cast %mul3A_464 : vector<16xf32> to vector<1x16xf32>
          tpu.vector_store %arg11[%swap3A_465, %swap3A_466], %swap3A_469 {strides = array<i32>} : memref<128x128xf32, #tpu.memory_space<vmem>>, vector<1x16xf32>,
          %get3A_470 = arith.index_cast %add3A_439 : i32 to index
          %get3A_471 = arith.constant 48 : index
          %get3A_472 = tpu.vector_load %arg11[%get3A_470, %get3A_471] {strides = array<i32>} : memref<128x128xf32, #tpu.memory_space<vmem>>, vector<1x16xf32>,
          %get3A_473 = vector.shape_cast %get3A_472 : vector<1x16xf32> to vector<16xf32>
          %mul3A_474 = arith.mulf %get3A_473, %gather3A_435 : vector<16xf32>
          %swap3A_475 = arith.index_cast %add3A_439 : i32 to index
          %swap3A_476 = arith.constant 48 : index
          %swap3A_477 = tpu.vector_load %arg11[%swap3A_475, %swap3A_476] {strides = array<i32>} : memref<128x128xf32, #tpu.memory_space<vmem>>, vector<1x16xf32>,
          %swap3A_478 = vector.shape_cast %swap3A_477 : vector<1x16xf32> to vector<16xf32>
          %swap3A_479 = vector.shape_cast %mul3A_474 : vector<16xf32> to vector<1x16xf32>
          tpu.vector_store %arg11[%swap3A_475, %swap3A_476], %swap3A_479 {strides = array<i32>} : memref<128x128xf32, #tpu.memory_space<vmem>>, vector<1x16xf32>,
          %get3A_480 = arith.index_cast %add3A_439 : i32 to index
          %get3A_481 = arith.constant 64 : index
          %get3A_482 = tpu.vector_load %arg11[%get3A_480, %get3A_481] {strides = array<i32>} : memref<128x128xf32, #tpu.memory_space<vmem>>, vector<1x16xf32>,
          %get3A_483 = vector.shape_cast %get3A_482 : vector<1x16xf32> to vector<16xf32>
          %mul3A_484 = arith.mulf %get3A_483, %gather3A_435 : vector<16xf32>
          %swap3A_485 = arith.index_cast %add3A_439 : i32 to index
          %swap3A_486 = arith.constant 64 : index
          %swap3A_487 = tpu.vector_load %arg11[%swap3A_485, %swap3A_486] {strides = array<i32>} : memref<128x128xf32, #tpu.memory_space<vmem>>, vector<1x16xf32>,
          %swap3A_488 = vector.shape_cast %swap3A_487 : vector<1x16xf32> to vector<16xf32>
          %swap3A_489 = vector.shape_cast %mul3A_484 : vector<16xf32> to vector<1x16xf32>
          tpu.vector_store %arg11[%swap3A_485, %swap3A_486], %swap3A_489 {strides = array<i32>} : memref<128x128xf32, #tpu.memory_space<vmem>>, vector<1x16xf32>,
          %get3A_490 = arith.index_cast %add3A_439 : i32 to index
          %get3A_491 = arith.constant 80 : index
          %get3A_492 = tpu.vector_load %arg11[%get3A_490, %get3A_491] {strides = array<i32>} : memref<128x128xf32, #tpu.memory_space<vmem>>, vector<1x16xf32>,
          %get3A_493 = vector.shape_cast %get3A_492 : vector<1x16xf32> to vector<16xf32>
          %mul3A_494 = arith.mulf %get3A_493, %gather3A_435 : vector<16xf32>
          %swap3A_495 = arith.index_cast %add3A_439 : i32 to index
          %swap3A_496 = arith.constant 80 : index
          %swap3A_497 = tpu.vector_load %arg11[%swap3A_495, %swap3A_496] {strides = array<i32>} : memref<128x128xf32, #tpu.memory_space<vmem>>, vector<1x16xf32>,
          %swap3A_498 = vector.shape_cast %swap3A_497 : vector<1x16xf32> to vector<16xf32>
          %swap3A_499 = vector.shape_cast %mul3A_494 : vector<16xf32> to vector<1x16xf32>
          tpu.vector_store %arg11[%swap3A_495, %swap3A_496], %swap3A_499 {strides = array<i32>} : memref<128x128xf32, #tpu.memory_space<vmem>>, vector<1x16xf32>,
          %get3A_500 = arith.index_cast %add3A_439 : i32 to index
          %get3A_501 = arith.constant 96 : index
          %get3A_502 = tpu.vector_load %arg11[%get3A_500, %get3A_501] {strides = array<i32>} : memref<128x128xf32, #tpu.memory_space<vmem>>, vector<1x16xf32>,
          %get3A_503 = vector.shape_cast %get3A_502 : vector<1x16xf32> to vector<16xf32>
          %mul3A_504 = arith.mulf %get3A_503, %gather3A_435 : vector<16xf32>
          %swap3A_505 = arith.index_cast %add3A_439 : i32 to index
          %swap3A_506 = arith.constant 96 : index
          %swap3A_507 = tpu.vector_load %arg11[%swap3A_505, %swap3A_506] {strides = array<i32>} : memref<128x128xf32, #tpu.memory_space<vmem>>, vector<1x16xf32>,
          %swap3A_508 = vector.shape_cast %swap3A_507 : vector<1x16xf32> to vector<16xf32>
          %swap3A_509 = vector.shape_cast %mul3A_504 : vector<16xf32> to vector<1x16xf32>
          tpu.vector_store %arg11[%swap3A_505, %swap3A_506], %swap3A_509 {strides = array<i32>} : memref<128x128xf32, #tpu.memory_space<vmem>>, vector<1x16xf32>,
          %get3A_510 = arith.index_cast %add3A_439 : i32 to index
          %get3A_511 = arith.constant 112 : index
          %get3A_512 = tpu.vector_load %arg11[%get3A_510, %get3A_511] {strides = array<i32>} : memref<128x128xf32, #tpu.memory_space<vmem>>, vector<1x16xf32>,
          %get3A_513 = vector.shape_cast %get3A_512 : vector<1x16xf32> to vector<16xf32>
          %mul3A_514 = arith.mulf %get3A_513, %gather3A_435 : vector<16xf32>
          %swap3A_515 = arith.index_cast %add3A_439 : i32 to index
          %swap3A_516 = arith.constant 112 : index
          %swap3A_517 = tpu.vector_load %arg11[%swap3A_515, %swap3A_516] {strides = array<i32>} : memref<128x128xf32, #tpu.memory_space<vmem>>, vector<1x16xf32>,
          %swap3A_518 = vector.shape_cast %swap3A_517 : vector<1x16xf32> to vector<16xf32>
          %swap3A_519 = vector.shape_cast %mul3A_514 : vector<16xf32> to vector<1x16xf32>
          tpu.vector_store %arg11[%swap3A_515, %swap3A_516], %swap3A_519 {strides = array<i32>} : memref<128x128xf32, #tpu.memory_space<vmem>>, vector<1x16xf32>,
          %broadcast_in_dim3A_520 = arith.constant 4 : i32
          %broadcast_in_dim3A_521 = vector.broadcast %broadcast_in_dim3A_520 : i32 to vector<16xi32>
          %lt3A_522 = arith.constant 0 : i32
          %lt3A_523 = vector.broadcast %lt3A_522 : i32 to vector<16xi32>
          %lt3A_524 = arith.cmpi slt, %broadcast_in_dim3A_521, %lt3A_523 : vector<16xi32>
          %add3A_525 = arith.constant 16 : i32
          %add3A_526 = vector.broadcast %add3A_525 : i32 to vector<16xi32>
          %add3A_527 = arith.addi %broadcast_in_dim3A_521, %add3A_526 : vector<16xi32>
          %select_n3A_528 = arith.select %lt3A_524, %add3A_527, %broadcast_in_dim3A_521 : vector<16xi1>, vector<16xi32>
          %broadcast_in_dim3A_529 = vector.shape_cast %select_n3A_528 : vector<16xi32> to vector<16x1xi32>
          %gather3A_530 = vector.shape_cast %broadcast_in_dim3A_529 : vector<16x1xi32> to vector<16xi32>
          %gather3A_531 = tpu.dynamic_gather %get3A_138[%gather3A_530] in [0] : vector<16xf32>, vector<16xi32> -> vector<16xf32>
          %mul3A_532 = arith.constant 16 : i32
          %mul3A_533 = arith.muli %scan3A_132, %mul3A_532 : i32
          %add3A_534 = arith.constant 4 : i32
          %add3A_535 = arith.addi %mul3A_533, %add3A_534 : i32
          %get3A_536 = arith.index_cast %add3A_535 : i32 to index
          %get3A_537 = arith.constant 0 : index
          %get3A_538 = tpu.vector_load %arg11[%get3A_536, %get3A_537] {strides = array<i32>} : memref<128x128xf32, #tpu.memory_space<vmem>>, vector<1x16xf32>,
          %get3A_539 = vector.shape_cast %get3A_538 : vector<1x16xf32> to vector<16xf32>
          %mul3A_540 = arith.mulf %get3A_539, %gather3A_531 : vector<16xf32>
          %swap3A_541 = arith.index_cast %add3A_535 : i32 to index
          %swap3A_542 = arith.constant 0 : index
          %swap3A_543 = tpu.vector_load %arg11[%swap3A_541, %swap3A_542] {strides = array<i32>} : memref<128x128xf32, #tpu.memory_space<vmem>>, vector<1x16xf32>,
          %swap3A_544 = vector.shape_cast %swap3A_543 : vector<1x16xf32> to vector<16xf32>
          %swap3A_545 = vector.shape_cast %mul3A_540 : vector<16xf32> to vector<1x16xf32>
          tpu.vector_store %arg11[%swap3A_541, %swap3A_542], %swap3A_545 {strides = array<i32>} : memref<128x128xf32, #tpu.memory_space<vmem>>, vector<1x16xf32>,
          %get3A_546 = arith.index_cast %add3A_535 : i32 to index
          %get3A_547 = arith.constant 16 : index
          %get3A_548 = tpu.vector_load %arg11[%get3A_546, %get3A_547] {strides = array<i32>} : memref<128x128xf32, #tpu.memory_space<vmem>>, vector<1x16xf32>,
          %get3A_549 = vector.shape_cast %get3A_548 : vector<1x16xf32> to vector<16xf32>
          %mul3A_550 = arith.mulf %get3A_549, %gather3A_531 : vector<16xf32>
          %swap3A_551 = arith.index_cast %add3A_535 : i32 to index
          %swap3A_552 = arith.constant 16 : index
          %swap3A_553 = tpu.vector_load %arg11[%swap3A_551, %swap3A_552] {strides = array<i32>} : memref<128x128xf32, #tpu.memory_space<vmem>>, vector<1x16xf32>,
          %swap3A_554 = vector.shape_cast %swap3A_553 : vector<1x16xf32> to vector<16xf32>
          %swap3A_555 = vector.shape_cast %mul3A_550 : vector<16xf32> to vector<1x16xf32>
          tpu.vector_store %arg11[%swap3A_551, %swap3A_552], %swap3A_555 {strides = array<i32>} : memref<128x128xf32, #tpu.memory_space<vmem>>, vector<1x16xf32>,
          %get3A_556 = arith.index_cast %add3A_535 : i32 to index
          %get3A_557 = arith.constant 32 : index
          %get3A_558 = tpu.vector_load %arg11[%get3A_556, %get3A_557] {strides = array<i32>} : memref<128x128xf32, #tpu.memory_space<vmem>>, vector<1x16xf32>,
          %get3A_559 = vector.shape_cast %get3A_558 : vector<1x16xf32> to vector<16xf32>
          %mul3A_560 = arith.mulf %get3A_559, %gather3A_531 : vector<16xf32>
          %swap3A_561 = arith.index_cast %add3A_535 : i32 to index
          %swap3A_562 = arith.constant 32 : index
          %swap3A_563 = tpu.vector_load %arg11[%swap3A_561, %swap3A_562] {strides = array<i32>} : memref<128x128xf32, #tpu.memory_space<vmem>>, vector<1x16xf32>,
          %swap3A_564 = vector.shape_cast %swap3A_563 : vector<1x16xf32> to vector<16xf32>
          %swap3A_565 = vector.shape_cast %mul3A_560 : vector<16xf32> to vector<1x16xf32>
          tpu.vector_store %arg11[%swap3A_561, %swap3A_562], %swap3A_565 {strides = array<i32>} : memref<128x128xf32, #tpu.memory_space<vmem>>, vector<1x16xf32>,
          %get3A_566 = arith.index_cast %add3A_535 : i32 to index
          %get3A_567 = arith.constant 48 : index
          %get3A_568 = tpu.vector_load %arg11[%get3A_566, %get3A_567] {strides = array<i32>} : memref<128x128xf32, #tpu.memory_space<vmem>>, vector<1x16xf32>,
          %get3A_569 = vector.shape_cast %get3A_568 : vector<1x16xf32> to vector<16xf32>
          %mul3A_570 = arith.mulf %get3A_569, %gather3A_531 : vector<16xf32>
          %swap3A_571 = arith.index_cast %add3A_535 : i32 to index
          %swap3A_572 = arith.constant 48 : index
          %swap3A_573 = tpu.vector_load %arg11[%swap3A_571, %swap3A_572] {strides = array<i32>} : memref<128x128xf32, #tpu.memory_space<vmem>>, vector<1x16xf32>,
          %swap3A_574 = vector.shape_cast %swap3A_573 : vector<1x16xf32> to vector<16xf32>
          %swap3A_575 = vector.shape_cast %mul3A_570 : vector<16xf32> to vector<1x16xf32>
          tpu.vector_store %arg11[%swap3A_571, %swap3A_572], %swap3A_575 {strides = array<i32>} : memref<128x128xf32, #tpu.memory_space<vmem>>, vector<1x16xf32>,
          %get3A_576 = arith.index_cast %add3A_535 : i32 to index
          %get3A_577 = arith.constant 64 : index
          %get3A_578 = tpu.vector_load %arg11[%get3A_576, %get3A_577] {strides = array<i32>} : memref<128x128xf32, #tpu.memory_space<vmem>>, vector<1x16xf32>,
          %get3A_579 = vector.shape_cast %get3A_578 : vector<1x16xf32> to vector<16xf32>
          %mul3A_580 = arith.mulf %get3A_579, %gather3A_531 : vector<16xf32>
          %swap3A_581 = arith.index_cast %add3A_535 : i32 to index
          %swap3A_582 = arith.constant 64 : index
          %swap3A_583 = tpu.vector_load %arg11[%swap3A_581, %swap3A_582] {strides = array<i32>} : memref<128x128xf32, #tpu.memory_space<vmem>>, vector<1x16xf32>,
          %swap3A_584 = vector.shape_cast %swap3A_583 : vector<1x16xf32> to vector<16xf32>
          %swap3A_585 = vector.shape_cast %mul3A_580 : vector<16xf32> to vector<1x16xf32>
          tpu.vector_store %arg11[%swap3A_581, %swap3A_582], %swap3A_585 {strides = array<i32>} : memref<128x128xf32, #tpu.memory_space<vmem>>, vector<1x16xf32>,
          %get3A_586 = arith.index_cast %add3A_535 : i32 to index
          %get3A_587 = arith.constant 80 : index
          %get3A_588 = tpu.vector_load %arg11[%get3A_586, %get3A_587] {strides = array<i32>} : memref<128x128xf32, #tpu.memory_space<vmem>>, vector<1x16xf32>,
          %get3A_589 = vector.shape_cast %get3A_588 : vector<1x16xf32> to vector<16xf32>
          %mul3A_590 = arith.mulf %get3A_589, %gather3A_531 : vector<16xf32>
          %swap3A_591 = arith.index_cast %add3A_535 : i32 to index
          %swap3A_592 = arith.constant 80 : index
          %swap3A_593 = tpu.vector_load %arg11[%swap3A_591, %swap3A_592] {strides = array<i32>} : memref<128x128xf32, #tpu.memory_space<vmem>>, vector<1x16xf32>,
          %swap3A_594 = vector.shape_cast %swap3A_593 : vector<1x16xf32> to vector<16xf32>
          %swap3A_595 = vector.shape_cast %mul3A_590 : vector<16xf32> to vector<1x16xf32>
          tpu.vector_store %arg11[%swap3A_591, %swap3A_592], %swap3A_595 {strides = array<i32>} : memref<128x128xf32, #tpu.memory_space<vmem>>, vector<1x16xf32>,
          %get3A_596 = arith.index_cast %add3A_535 : i32 to index
          %get3A_597 = arith.constant 96 : index
          %get3A_598 = tpu.vector_load %arg11[%get3A_596, %get3A_597] {strides = array<i32>} : memref<128x128xf32, #tpu.memory_space<vmem>>, vector<1x16xf32>,
          %get3A_599 = vector.shape_cast %get3A_598 : vector<1x16xf32> to vector<16xf32>
          %mul3A_600 = arith.mulf %get3A_599, %gather3A_531 : vector<16xf32>
          %swap3A_601 = arith.index_cast %add3A_535 : i32 to index
          %swap3A_602 = arith.constant 96 : index
          %swap3A_603 = tpu.vector_load %arg11[%swap3A_601, %swap3A_602] {strides = array<i32>} : memref<128x128xf32, #tpu.memory_space<vmem>>, vector<1x16xf32>,
          %swap3A_604 = vector.shape_cast %swap3A_603 : vector<1x16xf32> to vector<16xf32>
          %swap3A_605 = vector.shape_cast %mul3A_600 : vector<16xf32> to vector<1x16xf32>
          tpu.vector_store %arg11[%swap3A_601, %swap3A_602], %swap3A_605 {strides = array<i32>} : memref<128x128xf32, #tpu.memory_space<vmem>>, vector<1x16xf32>,
          %get3A_606 = arith.index_cast %add3A_535 : i32 to index
          %get3A_607 = arith.constant 112 : index
          %get3A_608 = tpu.vector_load %arg11[%get3A_606, %get3A_607] {strides = array<i32>} : memref<128x128xf32, #tpu.memory_space<vmem>>, vector<1x16xf32>,
          %get3A_609 = vector.shape_cast %get3A_608 : vector<1x16xf32> to vector<16xf32>
          %mul3A_610 = arith.mulf %get3A_609, %gather3A_531 : vector<16xf32>
          %swap3A_611 = arith.index_cast %add3A_535 : i32 to index
          %swap3A_612 = arith.constant 112 : index
          %swap3A_613 = tpu.vector_load %arg11[%swap3A_611, %swap3A_612] {strides = array<i32>} : memref<128x128xf32, #tpu.memory_space<vmem>>, vector<1x16xf32>,
          %swap3A_614 = vector.shape_cast %swap3A_613 : vector<1x16xf32> to vector<16xf32>
          %swap3A_615 = vector.shape_cast %mul3A_610 : vector<16xf32> to vector<1x16xf32>
          tpu.vector_store %arg11[%swap3A_611, %swap3A_612], %swap3A_615 {strides = array<i32>} : memref<128x128xf32, #tpu.memory_space<vmem>>, vector<1x16xf32>,
          %broadcast_in_dim3A_616 = arith.constant 5 : i32
          %broadcast_in_dim3A_617 = vector.broadcast %broadcast_in_dim3A_616 : i32 to vector<16xi32>
          %lt3A_618 = arith.constant 0 : i32
          %lt3A_619 = vector.broadcast %lt3A_618 : i32 to vector<16xi32>
          %lt3A_620 = arith.cmpi slt, %broadcast_in_dim3A_617, %lt3A_619 : vector<16xi32>
          %add3A_621 = arith.constant 16 : i32
          %add3A_622 = vector.broadcast %add3A_621 : i32 to vector<16xi32>
          %add3A_623 = arith.addi %broadcast_in_dim3A_617, %add3A_622 : vector<16xi32>
          %select_n3A_624 = arith.select %lt3A_620, %add3A_623, %broadcast_in_dim3A_617 : vector<16xi1>, vector<16xi32>
          %broadcast_in_dim3A_625 = vector.shape_cast %select_n3A_624 : vector<16xi32> to vector<16x1xi32>
          %gather3A_626 = vector.shape_cast %broadcast_in_dim3A_625 : vector<16x1xi32> to vector<16xi32>
          %gather3A_627 = tpu.dynamic_gather %get3A_138[%gather3A_626] in [0] : vector<16xf32>, vector<16xi32> -> vector<16xf32>
          %mul3A_628 = arith.constant 16 : i32
          %mul3A_629 = arith.muli %scan3A_132, %mul3A_628 : i32
          %add3A_630 = arith.constant 5 : i32
          %add3A_631 = arith.addi %mul3A_629, %add3A_630 : i32
          %get3A_632 = arith.index_cast %add3A_631 : i32 to index
          %get3A_633 = arith.constant 0 : index
          %get3A_634 = tpu.vector_load %arg11[%get3A_632, %get3A_633] {strides = array<i32>} : memref<128x128xf32, #tpu.memory_space<vmem>>, vector<1x16xf32>,
          %get3A_635 = vector.shape_cast %get3A_634 : vector<1x16xf32> to vector<16xf32>
          %mul3A_636 = arith.mulf %get3A_635, %gather3A_627 : vector<16xf32>
          %swap3A_637 = arith.index_cast %add3A_631 : i32 to index
          %swap3A_638 = arith.constant 0 : index
          %swap3A_639 = tpu.vector_load %arg11[%swap3A_637, %swap3A_638] {strides = array<i32>} : memref<128x128xf32, #tpu.memory_space<vmem>>, vector<1x16xf32>,
          %swap3A_640 = vector.shape_cast %swap3A_639 : vector<1x16xf32> to vector<16xf32>
          %swap3A_641 = vector.shape_cast %mul3A_636 : vector<16xf32> to vector<1x16xf32>
          tpu.vector_store %arg11[%swap3A_637, %swap3A_638], %swap3A_641 {strides = array<i32>} : memref<128x128xf32, #tpu.memory_space<vmem>>, vector<1x16xf32>,
          %get3A_642 = arith.index_cast %add3A_631 : i32 to index
          %get3A_643 = arith.constant 16 : index
          %get3A_644 = tpu.vector_load %arg11[%get3A_642, %get3A_643] {strides = array<i32>} : memref<128x128xf32, #tpu.memory_space<vmem>>, vector<1x16xf32>,
          %get3A_645 = vector.shape_cast %get3A_644 : vector<1x16xf32> to vector<16xf32>
          %mul3A_646 = arith.mulf %get3A_645, %gather3A_627 : vector<16xf32>
          %swap3A_647 = arith.index_cast %add3A_631 : i32 to index
          %swap3A_648 = arith.constant 16 : index
          %swap3A_649 = tpu.vector_load %arg11[%swap3A_647, %swap3A_648] {strides = array<i32>} : memref<128x128xf32, #tpu.memory_space<vmem>>, vector<1x16xf32>,
          %swap3A_650 = vector.shape_cast %swap3A_649 : vector<1x16xf32> to vector<16xf32>
          %swap3A_651 = vector.shape_cast %mul3A_646 : vector<16xf32> to vector<1x16xf32>
          tpu.vector_store %arg11[%swap3A_647, %swap3A_648], %swap3A_651 {strides = array<i32>} : memref<128x128xf32, #tpu.memory_space<vmem>>, vector<1x16xf32>,
          %get3A_652 = arith.index_cast %add3A_631 : i32 to index
          %get3A_653 = arith.constant 32 : index
          %get3A_654 = tpu.vector_load %arg11[%get3A_652, %get3A_653] {strides = array<i32>} : memref<128x128xf32, #tpu.memory_space<vmem>>, vector<1x16xf32>,
          %get3A_655 = vector.shape_cast %get3A_654 : vector<1x16xf32> to vector<16xf32>
          %mul3A_656 = arith.mulf %get3A_655, %gather3A_627 : vector<16xf32>
          %swap3A_657 = arith.index_cast %add3A_631 : i32 to index
          %swap3A_658 = arith.constant 32 : index
          %swap3A_659 = tpu.vector_load %arg11[%swap3A_657, %swap3A_658] {strides = array<i32>} : memref<128x128xf32, #tpu.memory_space<vmem>>, vector<1x16xf32>,
          %swap3A_660 = vector.shape_cast %swap3A_659 : vector<1x16xf32> to vector<16xf32>
          %swap3A_661 = vector.shape_cast %mul3A_656 : vector<16xf32> to vector<1x16xf32>
          tpu.vector_store %arg11[%swap3A_657, %swap3A_658], %swap3A_661 {strides = array<i32>} : memref<128x128xf32, #tpu.memory_space<vmem>>, vector<1x16xf32>,
          %get3A_662 = arith.index_cast %add3A_631 : i32 to index
          %get3A_663 = arith.constant 48 : index
          %get3A_664 = tpu.vector_load %arg11[%get3A_662, %get3A_663] {strides = array<i32>} : memref<128x128xf32, #tpu.memory_space<vmem>>, vector<1x16xf32>,
          %get3A_665 = vector.shape_cast %get3A_664 : vector<1x16xf32> to vector<16xf32>
          %mul3A_666 = arith.mulf %get3A_665, %gather3A_627 : vector<16xf32>
          %swap3A_667 = arith.index_cast %add3A_631 : i32 to index
          %swap3A_668 = arith.constant 48 : index
          %swap3A_669 = tpu.vector_load %arg11[%swap3A_667, %swap3A_668] {strides = array<i32>} : memref<128x128xf32, #tpu.memory_space<vmem>>, vector<1x16xf32>,
          %swap3A_670 = vector.shape_cast %swap3A_669 : vector<1x16xf32> to vector<16xf32>
          %swap3A_671 = vector.shape_cast %mul3A_666 : vector<16xf32> to vector<1x16xf32>
          tpu.vector_store %arg11[%swap3A_667, %swap3A_668], %swap3A_671 {strides = array<i32>} : memref<128x128xf32, #tpu.memory_space<vmem>>, vector<1x16xf32>,
          %get3A_672 = arith.index_cast %add3A_631 : i32 to index
          %get3A_673 = arith.constant 64 : index
          %get3A_674 = tpu.vector_load %arg11[%get3A_672, %get3A_673] {strides = array<i32>} : memref<128x128xf32, #tpu.memory_space<vmem>>, vector<1x16xf32>,
          %get3A_675 = vector.shape_cast %get3A_674 : vector<1x16xf32> to vector<16xf32>
          %mul3A_676 = arith.mulf %get3A_675, %gather3A_627 : vector<16xf32>
          %swap3A_677 = arith.index_cast %add3A_631 : i32 to index
          %swap3A_678 = arith.constant 64 : index
          %swap3A_679 = tpu.vector_load %arg11[%swap3A_677, %swap3A_678] {strides = array<i32>} : memref<128x128xf32, #tpu.memory_space<vmem>>, vector<1x16xf32>,
          %swap3A_680 = vector.shape_cast %swap3A_679 : vector<1x16xf32> to vector<16xf32>
          %swap3A_681 = vector.shape_cast %mul3A_676 : vector<16xf32> to vector<1x16xf32>
          tpu.vector_store %arg11[%swap3A_677, %swap3A_678], %swap3A_681 {strides = array<i32>} : memref<128x128xf32, #tpu.memory_space<vmem>>, vector<1x16xf32>,
          %get3A_682 = arith.index_cast %add3A_631 : i32 to index
          %get3A_683 = arith.constant 80 : index
          %get3A_684 = tpu.vector_load %arg11[%get3A_682, %get3A_683] {strides = array<i32>} : memref<128x128xf32, #tpu.memory_space<vmem>>, vector<1x16xf32>,
          %get3A_685 = vector.shape_cast %get3A_684 : vector<1x16xf32> to vector<16xf32>
          %mul3A_686 = arith.mulf %get3A_685, %gather3A_627 : vector<16xf32>
          %swap3A_687 = arith.index_cast %add3A_631 : i32 to index
          %swap3A_688 = arith.constant 80 : index
          %swap3A_689 = tpu.vector_load %arg11[%swap3A_687, %swap3A_688] {strides = array<i32>} : memref<128x128xf32, #tpu.memory_space<vmem>>, vector<1x16xf32>,
          %swap3A_690 = vector.shape_cast %swap3A_689 : vector<1x16xf32> to vector<16xf32>
          %swap3A_691 = vector.shape_cast %mul3A_686 : vector<16xf32> to vector<1x16xf32>
          tpu.vector_store %arg11[%swap3A_687, %swap3A_688], %swap3A_691 {strides = array<i32>} : memref<128x128xf32, #tpu.memory_space<vmem>>, vector<1x16xf32>,
          %get3A_692 = arith.index_cast %add3A_631 : i32 to index
          %get3A_693 = arith.constant 96 : index
          %get3A_694 = tpu.vector_load %arg11[%get3A_692, %get3A_693] {strides = array<i32>} : memref<128x128xf32, #tpu.memory_space<vmem>>, vector<1x16xf32>,
          %get3A_695 = vector.shape_cast %get3A_694 : vector<1x16xf32> to vector<16xf32>
          %mul3A_696 = arith.mulf %get3A_695, %gather3A_627 : vector<16xf32>
          %swap3A_697 = arith.index_cast %add3A_631 : i32 to index
          %swap3A_698 = arith.constant 96 : index
          %swap3A_699 = tpu.vector_load %arg11[%swap3A_697, %swap3A_698] {strides = array<i32>} : memref<128x128xf32, #tpu.memory_space<vmem>>, vector<1x16xf32>,
          %swap3A_700 = vector.shape_cast %swap3A_699 : vector<1x16xf32> to vector<16xf32>
          %swap3A_701 = vector.shape_cast %mul3A_696 : vector<16xf32> to vector<1x16xf32>
          tpu.vector_store %arg11[%swap3A_697, %swap3A_698], %swap3A_701 {strides = array<i32>} : memref<128x128xf32, #tpu.memory_space<vmem>>, vector<1x16xf32>,
          %get3A_702 = arith.index_cast %add3A_631 : i32 to index
          %get3A_703 = arith.constant 112 : index
          %get3A_704 = tpu.vector_load %arg11[%get3A_702, %get3A_703] {strides = array<i32>} : memref<128x128xf32, #tpu.memory_space<vmem>>, vector<1x16xf32>,
          %get3A_705 = vector.shape_cast %get3A_704 : vector<1x16xf32> to vector<16xf32>
          %mul3A_706 = arith.mulf %get3A_705, %gather3A_627 : vector<16xf32>
          %swap3A_707 = arith.index_cast %add3A_631 : i32 to index
          %swap3A_708 = arith.constant 112 : index
          %swap3A_709 = tpu.vector_load %arg11[%swap3A_707, %swap3A_708] {strides = array<i32>} : memref<128x128xf32, #tpu.memory_space<vmem>>, vector<1x16xf32>,
          %swap3A_710 = vector.shape_cast %swap3A_709 : vector<1x16xf32> to vector<16xf32>
          %swap3A_711 = vector.shape_cast %mul3A_706 : vector<16xf32> to vector<1x16xf32>
          tpu.vector_store %arg11[%swap3A_707, %swap3A_708], %swap3A_711 {strides = array<i32>} : memref<128x128xf32, #tpu.memory_space<vmem>>, vector<1x16xf32>,
          %broadcast_in_dim3A_712 = arith.constant 6 : i32
          %broadcast_in_dim3A_713 = vector.broadcast %broadcast_in_dim3A_712 : i32 to vector<16xi32>
          %lt3A_714 = arith.constant 0 : i32
          %lt3A_715 = vector.broadcast %lt3A_714 : i32 to vector<16xi32>
          %lt3A_716 = arith.cmpi slt, %broadcast_in_dim3A_713, %lt3A_715 : vector<16xi32>
          %add3A_717 = arith.constant 16 : i32
          %add3A_718 = vector.broadcast %add3A_717 : i32 to vector<16xi32>
          %add3A_719 = arith.addi %broadcast_in_dim3A_713, %add3A_718 : vector<16xi32>
          %select_n3A_720 = arith.select %lt3A_716, %add3A_719, %broadcast_in_dim3A_713 : vector<16xi1>, vector<16xi32>
          %broadcast_in_dim3A_721 = vector.shape_cast %select_n3A_720 : vector<16xi32> to vector<16x1xi32>
          %gather3A_722 = vector.shape_cast %broadcast_in_dim3A_721 : vector<16x1xi32> to vector<16xi32>
          %gather3A_723 = tpu.dynamic_gather %get3A_138[%gather3A_722] in [0] : vector<16xf32>, vector<16xi32> -> vector<16xf32>
          %mul3A_724 = arith.constant 16 : i32
          %mul3A_725 = arith.muli %scan3A_132, %mul3A_724 : i32
          %add3A_726 = arith.constant 6 : i32
          %add3A_727 = arith.addi %mul3A_725, %add3A_726 : i32
          %get3A_728 = arith.index_cast %add3A_727 : i32 to index
          %get3A_729 = arith.constant 0 : index
          %get3A_730 = tpu.vector_load %arg11[%get3A_728, %get3A_729] {strides = array<i32>} : memref<128x128xf32, #tpu.memory_space<vmem>>, vector<1x16xf32>,
          %get3A_731 = vector.shape_cast %get3A_730 : vector<1x16xf32> to vector<16xf32>
          %mul3A_732 = arith.mulf %get3A_731, %gather3A_723 : vector<16xf32>
          %swap3A_733 = arith.index_cast %add3A_727 : i32 to index
          %swap3A_734 = arith.constant 0 : index
          %swap3A_735 = tpu.vector_load %arg11[%swap3A_733, %swap3A_734] {strides = array<i32>} : memref<128x128xf32, #tpu.memory_space<vmem>>, vector<1x16xf32>,
          %swap3A_736 = vector.shape_cast %swap3A_735 : vector<1x16xf32> to vector<16xf32>
          %swap3A_737 = vector.shape_cast %mul3A_732 : vector<16xf32> to vector<1x16xf32>
          tpu.vector_store %arg11[%swap3A_733, %swap3A_734], %swap3A_737 {strides = array<i32>} : memref<128x128xf32, #tpu.memory_space<vmem>>, vector<1x16xf32>,
          %get3A_738 = arith.index_cast %add3A_727 : i32 to index
          %get3A_739 = arith.constant 16 : index
          %get3A_740 = tpu.vector_load %arg11[%get3A_738, %get3A_739] {strides = array<i32>} : memref<128x128xf32, #tpu.memory_space<vmem>>, vector<1x16xf32>,
          %get3A_741 = vector.shape_cast %get3A_740 : vector<1x16xf32> to vector<16xf32>
          %mul3A_742 = arith.mulf %get3A_741, %gather3A_723 : vector<16xf32>
          %swap3A_743 = arith.index_cast %add3A_727 : i32 to index
          %swap3A_744 = arith.constant 16 : index
          %swap3A_745 = tpu.vector_load %arg11[%swap3A_743, %swap3A_744] {strides = array<i32>} : memref<128x128xf32, #tpu.memory_space<vmem>>, vector<1x16xf32>,
          %swap3A_746 = vector.shape_cast %swap3A_745 : vector<1x16xf32> to vector<16xf32>
          %swap3A_747 = vector.shape_cast %mul3A_742 : vector<16xf32> to vector<1x16xf32>
          tpu.vector_store %arg11[%swap3A_743, %swap3A_744], %swap3A_747 {strides = array<i32>} : memref<128x128xf32, #tpu.memory_space<vmem>>, vector<1x16xf32>,
          %get3A_748 = arith.index_cast %add3A_727 : i32 to index
          %get3A_749 = arith.constant 32 : index
          %get3A_750 = tpu.vector_load %arg11[%get3A_748, %get3A_749] {strides = array<i32>} : memref<128x128xf32, #tpu.memory_space<vmem>>, vector<1x16xf32>,
          %get3A_751 = vector.shape_cast %get3A_750 : vector<1x16xf32> to vector<16xf32>
          %mul3A_752 = arith.mulf %get3A_751, %gather3A_723 : vector<16xf32>
          %swap3A_753 = arith.index_cast %add3A_727 : i32 to index
          %swap3A_754 = arith.constant 32 : index
          %swap3A_755 = tpu.vector_load %arg11[%swap3A_753, %swap3A_754] {strides = array<i32>} : memref<128x128xf32, #tpu.memory_space<vmem>>, vector<1x16xf32>,
          %swap3A_756 = vector.shape_cast %swap3A_755 : vector<1x16xf32> to vector<16xf32>
          %swap3A_757 = vector.shape_cast %mul3A_752 : vector<16xf32> to vector<1x16xf32>
          tpu.vector_store %arg11[%swap3A_753, %swap3A_754], %swap3A_757 {strides = array<i32>} : memref<128x128xf32, #tpu.memory_space<vmem>>, vector<1x16xf32>,
          %get3A_758 = arith.index_cast %add3A_727 : i32 to index
          %get3A_759 = arith.constant 48 : index
          %get3A_760 = tpu.vector_load %arg11[%get3A_758, %get3A_759] {strides = array<i32>} : memref<128x128xf32, #tpu.memory_space<vmem>>, vector<1x16xf32>,
          %get3A_761 = vector.shape_cast %get3A_760 : vector<1x16xf32> to vector<16xf32>
          %mul3A_762 = arith.mulf %get3A_761, %gather3A_723 : vector<16xf32>
          %swap3A_763 = arith.index_cast %add3A_727 : i32 to index
          %swap3A_764 = arith.constant 48 : index
          %swap3A_765 = tpu.vector_load %arg11[%swap3A_763, %swap3A_764] {strides = array<i32>} : memref<128x128xf32, #tpu.memory_space<vmem>>, vector<1x16xf32>,
          %swap3A_766 = vector.shape_cast %swap3A_765 : vector<1x16xf32> to vector<16xf32>
          %swap3A_767 = vector.shape_cast %mul3A_762 : vector<16xf32> to vector<1x16xf32>
          tpu.vector_store %arg11[%swap3A_763, %swap3A_764], %swap3A_767 {strides = array<i32>} : memref<128x128xf32, #tpu.memory_space<vmem>>, vector<1x16xf32>,
          %get3A_768 = arith.index_cast %add3A_727 : i32 to index
          %get3A_769 = arith.constant 64 : index
          %get3A_770 = tpu.vector_load %arg11[%get3A_768, %get3A_769] {strides = array<i32>} : memref<128x128xf32, #tpu.memory_space<vmem>>, vector<1x16xf32>,
          %get3A_771 = vector.shape_cast %get3A_770 : vector<1x16xf32> to vector<16xf32>
          %mul3A_772 = arith.mulf %get3A_771, %gather3A_723 : vector<16xf32>
          %swap3A_773 = arith.index_cast %add3A_727 : i32 to index
          %swap3A_774 = arith.constant 64 : index
          %swap3A_775 = tpu.vector_load %arg11[%swap3A_773, %swap3A_774] {strides = array<i32>} : memref<128x128xf32, #tpu.memory_space<vmem>>, vector<1x16xf32>,
          %swap3A_776 = vector.shape_cast %swap3A_775 : vector<1x16xf32> to vector<16xf32>
          %swap3A_777 = vector.shape_cast %mul3A_772 : vector<16xf32> to vector<1x16xf32>
          tpu.vector_store %arg11[%swap3A_773, %swap3A_774], %swap3A_777 {strides = array<i32>} : memref<128x128xf32, #tpu.memory_space<vmem>>, vector<1x16xf32>,
          %get3A_778 = arith.index_cast %add3A_727 : i32 to index
          %get3A_779 = arith.constant 80 : index
          %get3A_780 = tpu.vector_load %arg11[%get3A_778, %get3A_779] {strides = array<i32>} : memref<128x128xf32, #tpu.memory_space<vmem>>, vector<1x16xf32>,
          %get3A_781 = vector.shape_cast %get3A_780 : vector<1x16xf32> to vector<16xf32>
          %mul3A_782 = arith.mulf %get3A_781, %gather3A_723 : vector<16xf32>
          %swap3A_783 = arith.index_cast %add3A_727 : i32 to index
          %swap3A_784 = arith.constant 80 : index
          %swap3A_785 = tpu.vector_load %arg11[%swap3A_783, %swap3A_784] {strides = array<i32>} : memref<128x128xf32, #tpu.memory_space<vmem>>, vector<1x16xf32>,
          %swap3A_786 = vector.shape_cast %swap3A_785 : vector<1x16xf32> to vector<16xf32>
          %swap3A_787 = vector.shape_cast %mul3A_782 : vector<16xf32> to vector<1x16xf32>
          tpu.vector_store %arg11[%swap3A_783, %swap3A_784], %swap3A_787 {strides = array<i32>} : memref<128x128xf32, #tpu.memory_space<vmem>>, vector<1x16xf32>,
          %get3A_788 = arith.index_cast %add3A_727 : i32 to index
          %get3A_789 = arith.constant 96 : index
          %get3A_790 = tpu.vector_load %arg11[%get3A_788, %get3A_789] {strides = array<i32>} : memref<128x128xf32, #tpu.memory_space<vmem>>, vector<1x16xf32>,
          %get3A_791 = vector.shape_cast %get3A_790 : vector<1x16xf32> to vector<16xf32>
          %mul3A_792 = arith.mulf %get3A_791, %gather3A_723 : vector<16xf32>
          %swap3A_793 = arith.index_cast %add3A_727 : i32 to index
          %swap3A_794 = arith.constant 96 : index
          %swap3A_795 = tpu.vector_load %arg11[%swap3A_793, %swap3A_794] {strides = array<i32>} : memref<128x128xf32, #tpu.memory_space<vmem>>, vector<1x16xf32>,
          %swap3A_796 = vector.shape_cast %swap3A_795 : vector<1x16xf32> to vector<16xf32>
          %swap3A_797 = vector.shape_cast %mul3A_792 : vector<16xf32> to vector<1x16xf32>
          tpu.vector_store %arg11[%swap3A_793, %swap3A_794], %swap3A_797 {strides = array<i32>} : memref<128x128xf32, #tpu.memory_space<vmem>>, vector<1x16xf32>,
          %get3A_798 = arith.index_cast %add3A_727 : i32 to index
          %get3A_799 = arith.constant 112 : index
          %get3A_800 = tpu.vector_load %arg11[%get3A_798, %get3A_799] {strides = array<i32>} : memref<128x128xf32, #tpu.memory_space<vmem>>, vector<1x16xf32>,
          %get3A_801 = vector.shape_cast %get3A_800 : vector<1x16xf32> to vector<16xf32>
          %mul3A_802 = arith.mulf %get3A_801, %gather3A_723 : vector<16xf32>
          %swap3A_803 = arith.index_cast %add3A_727 : i32 to index
          %swap3A_804 = arith.constant 112 : index
          %swap3A_805 = tpu.vector_load %arg11[%swap3A_803, %swap3A_804] {strides = array<i32>} : memref<128x128xf32, #tpu.memory_space<vmem>>, vector<1x16xf32>,
          %swap3A_806 = vector.shape_cast %swap3A_805 : vector<1x16xf32> to vector<16xf32>
          %swap3A_807 = vector.shape_cast %mul3A_802 : vector<16xf32> to vector<1x16xf32>
          tpu.vector_store %arg11[%swap3A_803, %swap3A_804], %swap3A_807 {strides = array<i32>} : memref<128x128xf32, #tpu.memory_space<vmem>>, vector<1x16xf32>,
          %broadcast_in_dim3A_808 = arith.constant 7 : i32
          %broadcast_in_dim3A_809 = vector.broadcast %broadcast_in_dim3A_808 : i32 to vector<16xi32>
          %lt3A_810 = arith.constant 0 : i32
          %lt3A_811 = vector.broadcast %lt3A_810 : i32 to vector<16xi32>
          %lt3A_812 = arith.cmpi slt, %broadcast_in_dim3A_809, %lt3A_811 : vector<16xi32>
          %add3A_813 = arith.constant 16 : i32
          %add3A_814 = vector.broadcast %add3A_813 : i32 to vector<16xi32>
          %add3A_815 = arith.addi %broadcast_in_dim3A_809, %add3A_814 : vector<16xi32>
          %select_n3A_816 = arith.select %lt3A_812, %add3A_815, %broadcast_in_dim3A_809 : vector<16xi1>, vector<16xi32>
          %broadcast_in_dim3A_817 = vector.shape_cast %select_n3A_816 : vector<16xi32> to vector<16x1xi32>
          %gather3A_818 = vector.shape_cast %broadcast_in_dim3A_817 : vector<16x1xi32> to vector<16xi32>
          %gather3A_819 = tpu.dynamic_gather %get3A_138[%gather3A_818] in [0] : vector<16xf32>, vector<16xi32> -> vector<16xf32>
          %mul3A_820 = arith.constant 16 : i32
          %mul3A_821 = arith.muli %scan3A_132, %mul3A_820 : i32
          %add3A_822 = arith.constant 7 : i32
          %add3A_823 = arith.addi %mul3A_821, %add3A_822 : i32
          %get3A_824 = arith.index_cast %add3A_823 : i32 to index
          %get3A_825 = arith.constant 0 : index
          %get3A_826 = tpu.vector_load %arg11[%get3A_824, %get3A_825] {strides = array<i32>} : memref<128x128xf32, #tpu.memory_space<vmem>>, vector<1x16xf32>,
          %get3A_827 = vector.shape_cast %get3A_826 : vector<1x16xf32> to vector<16xf32>
          %mul3A_828 = arith.mulf %get3A_827, %gather3A_819 : vector<16xf32>
          %swap3A_829 = arith.index_cast %add3A_823 : i32 to index
          %swap3A_830 = arith.constant 0 : index
          %swap3A_831 = tpu.vector_load %arg11[%swap3A_829, %swap3A_830] {strides = array<i32>} : memref<128x128xf32, #tpu.memory_space<vmem>>, vector<1x16xf32>,
          %swap3A_832 = vector.shape_cast %swap3A_831 : vector<1x16xf32> to vector<16xf32>
          %swap3A_833 = vector.shape_cast %mul3A_828 : vector<16xf32> to vector<1x16xf32>
          tpu.vector_store %arg11[%swap3A_829, %swap3A_830], %swap3A_833 {strides = array<i32>} : memref<128x128xf32, #tpu.memory_space<vmem>>, vector<1x16xf32>,
          %get3A_834 = arith.index_cast %add3A_823 : i32 to index
          %get3A_835 = arith.constant 16 : index
          %get3A_836 = tpu.vector_load %arg11[%get3A_834, %get3A_835] {strides = array<i32>} : memref<128x128xf32, #tpu.memory_space<vmem>>, vector<1x16xf32>,
          %get3A_837 = vector.shape_cast %get3A_836 : vector<1x16xf32> to vector<16xf32>
          %mul3A_838 = arith.mulf %get3A_837, %gather3A_819 : vector<16xf32>
          %swap3A_839 = arith.index_cast %add3A_823 : i32 to index
          %swap3A_840 = arith.constant 16 : index
          %swap3A_841 = tpu.vector_load %arg11[%swap3A_839, %swap3A_840] {strides = array<i32>} : memref<128x128xf32, #tpu.memory_space<vmem>>, vector<1x16xf32>,
          %swap3A_842 = vector.shape_cast %swap3A_841 : vector<1x16xf32> to vector<16xf32>
          %swap3A_843 = vector.shape_cast %mul3A_838 : vector<16xf32> to vector<1x16xf32>
          tpu.vector_store %arg11[%swap3A_839, %swap3A_840], %swap3A_843 {strides = array<i32>} : memref<128x128xf32, #tpu.memory_space<vmem>>, vector<1x16xf32>,
          %get3A_844 = arith.index_cast %add3A_823 : i32 to index
          %get3A_845 = arith.constant 32 : index
          %get3A_846 = tpu.vector_load %arg11[%get3A_844, %get3A_845] {strides = array<i32>} : memref<128x128xf32, #tpu.memory_space<vmem>>, vector<1x16xf32>,
          %get3A_847 = vector.shape_cast %get3A_846 : vector<1x16xf32> to vector<16xf32>
          %mul3A_848 = arith.mulf %get3A_847, %gather3A_819 : vector<16xf32>
          %swap3A_849 = arith.index_cast %add3A_823 : i32 to index
          %swap3A_850 = arith.constant 32 : index
          %swap3A_851 = tpu.vector_load %arg11[%swap3A_849, %swap3A_850] {strides = array<i32>} : memref<128x128xf32, #tpu.memory_space<vmem>>, vector<1x16xf32>,
          %swap3A_852 = vector.shape_cast %swap3A_851 : vector<1x16xf32> to vector<16xf32>
          %swap3A_853 = vector.shape_cast %mul3A_848 : vector<16xf32> to vector<1x16xf32>
          tpu.vector_store %arg11[%swap3A_849, %swap3A_850], %swap3A_853 {strides = array<i32>} : memref<128x128xf32, #tpu.memory_space<vmem>>, vector<1x16xf32>,
          %get3A_854 = arith.index_cast %add3A_823 : i32 to index
          %get3A_855 = arith.constant 48 : index
          %get3A_856 = tpu.vector_load %arg11[%get3A_854, %get3A_855] {strides = array<i32>} : memref<128x128xf32, #tpu.memory_space<vmem>>, vector<1x16xf32>,
          %get3A_857 = vector.shape_cast %get3A_856 : vector<1x16xf32> to vector<16xf32>
          %mul3A_858 = arith.mulf %get3A_857, %gather3A_819 : vector<16xf32>
          %swap3A_859 = arith.index_cast %add3A_823 : i32 to index
          %swap3A_860 = arith.constant 48 : index
          %swap3A_861 = tpu.vector_load %arg11[%swap3A_859, %swap3A_860] {strides = array<i32>} : memref<128x128xf32, #tpu.memory_space<vmem>>, vector<1x16xf32>,
          %swap3A_862 = vector.shape_cast %swap3A_861 : vector<1x16xf32> to vector<16xf32>
          %swap3A_863 = vector.shape_cast %mul3A_858 : vector<16xf32> to vector<1x16xf32>
          tpu.vector_store %arg11[%swap3A_859, %swap3A_860], %swap3A_863 {strides = array<i32>} : memref<128x128xf32, #tpu.memory_space<vmem>>, vector<1x16xf32>,
          %get3A_864 = arith.index_cast %add3A_823 : i32 to index
          %get3A_865 = arith.constant 64 : index
          %get3A_866 = tpu.vector_load %arg11[%get3A_864, %get3A_865] {strides = array<i32>} : memref<128x128xf32, #tpu.memory_space<vmem>>, vector<1x16xf32>,
          %get3A_867 = vector.shape_cast %get3A_866 : vector<1x16xf32> to vector<16xf32>
          %mul3A_868 = arith.mulf %get3A_867, %gather3A_819 : vector<16xf32>
          %swap3A_869 = arith.index_cast %add3A_823 : i32 to index
          %swap3A_870 = arith.constant 64 : index
          %swap3A_871 = tpu.vector_load %arg11[%swap3A_869, %swap3A_870] {strides = array<i32>} : memref<128x128xf32, #tpu.memory_space<vmem>>, vector<1x16xf32>,
          %swap3A_872 = vector.shape_cast %swap3A_871 : vector<1x16xf32> to vector<16xf32>
          %swap3A_873 = vector.shape_cast %mul3A_868 : vector<16xf32> to vector<1x16xf32>
          tpu.vector_store %arg11[%swap3A_869, %swap3A_870], %swap3A_873 {strides = array<i32>} : memref<128x128xf32, #tpu.memory_space<vmem>>, vector<1x16xf32>,
          %get3A_874 = arith.index_cast %add3A_823 : i32 to index
          %get3A_875 = arith.constant 80 : index
          %get3A_876 = tpu.vector_load %arg11[%get3A_874, %get3A_875] {strides = array<i32>} : memref<128x128xf32, #tpu.memory_space<vmem>>, vector<1x16xf32>,
          %get3A_877 = vector.shape_cast %get3A_876 : vector<1x16xf32> to vector<16xf32>
          %mul3A_878 = arith.mulf %get3A_877, %gather3A_819 : vector<16xf32>
          %swap3A_879 = arith.index_cast %add3A_823 : i32 to index
          %swap3A_880 = arith.constant 80 : index
          %swap3A_881 = tpu.vector_load %arg11[%swap3A_879, %swap3A_880] {strides = array<i32>} : memref<128x128xf32, #tpu.memory_space<vmem>>, vector<1x16xf32>,
          %swap3A_882 = vector.shape_cast %swap3A_881 : vector<1x16xf32> to vector<16xf32>
          %swap3A_883 = vector.shape_cast %mul3A_878 : vector<16xf32> to vector<1x16xf32>
          tpu.vector_store %arg11[%swap3A_879, %swap3A_880], %swap3A_883 {strides = array<i32>} : memref<128x128xf32, #tpu.memory_space<vmem>>, vector<1x16xf32>,
          %get3A_884 = arith.index_cast %add3A_823 : i32 to index
          %get3A_885 = arith.constant 96 : index
          %get3A_886 = tpu.vector_load %arg11[%get3A_884, %get3A_885] {strides = array<i32>} : memref<128x128xf32, #tpu.memory_space<vmem>>, vector<1x16xf32>,
          %get3A_887 = vector.shape_cast %get3A_886 : vector<1x16xf32> to vector<16xf32>
          %mul3A_888 = arith.mulf %get3A_887, %gather3A_819 : vector<16xf32>
          %swap3A_889 = arith.index_cast %add3A_823 : i32 to index
          %swap3A_890 = arith.constant 96 : index
          %swap3A_891 = tpu.vector_load %arg11[%swap3A_889, %swap3A_890] {strides = array<i32>} : memref<128x128xf32, #tpu.memory_space<vmem>>, vector<1x16xf32>,
          %swap3A_892 = vector.shape_cast %swap3A_891 : vector<1x16xf32> to vector<16xf32>
          %swap3A_893 = vector.shape_cast %mul3A_888 : vector<16xf32> to vector<1x16xf32>
          tpu.vector_store %arg11[%swap3A_889, %swap3A_890], %swap3A_893 {strides = array<i32>} : memref<128x128xf32, #tpu.memory_space<vmem>>, vector<1x16xf32>,
          %get3A_894 = arith.index_cast %add3A_823 : i32 to index
          %get3A_895 = arith.constant 112 : index
          %get3A_896 = tpu.vector_load %arg11[%get3A_894, %get3A_895] {strides = array<i32>} : memref<128x128xf32, #tpu.memory_space<vmem>>, vector<1x16xf32>,
          %get3A_897 = vector.shape_cast %get3A_896 : vector<1x16xf32> to vector<16xf32>
          %mul3A_898 = arith.mulf %get3A_897, %gather3A_819 : vector<16xf32>
          %swap3A_899 = arith.index_cast %add3A_823 : i32 to index
          %swap3A_900 = arith.constant 112 : index
          %swap3A_901 = tpu.vector_load %arg11[%swap3A_899, %swap3A_900] {strides = array<i32>} : memref<128x128xf32, #tpu.memory_space<vmem>>, vector<1x16xf32>,
          %swap3A_902 = vector.shape_cast %swap3A_901 : vector<1x16xf32> to vector<16xf32>
          %swap3A_903 = vector.shape_cast %mul3A_898 : vector<16xf32> to vector<1x16xf32>
          tpu.vector_store %arg11[%swap3A_899, %swap3A_900], %swap3A_903 {strides = array<i32>} : memref<128x128xf32, #tpu.memory_space<vmem>>, vector<1x16xf32>,
          %broadcast_in_dim3A_904 = arith.constant 8 : i32
          %broadcast_in_dim3A_905 = vector.broadcast %broadcast_in_dim3A_904 : i32 to vector<16xi32>
          %lt3A_906 = arith.constant 0 : i32
          %lt3A_907 = vector.broadcast %lt3A_906 : i32 to vector<16xi32>
          %lt3A_908 = arith.cmpi slt, %broadcast_in_dim3A_905, %lt3A_907 : vector<16xi32>
          %add3A_909 = arith.constant 16 : i32
          %add3A_910 = vector.broadcast %add3A_909 : i32 to vector<16xi32>
          %add3A_911 = arith.addi %broadcast_in_dim3A_905, %add3A_910 : vector<16xi32>
          %select_n3A_912 = arith.select %lt3A_908, %add3A_911, %broadcast_in_dim3A_905 : vector<16xi1>, vector<16xi32>
          %broadcast_in_dim3A_913 = vector.shape_cast %select_n3A_912 : vector<16xi32> to vector<16x1xi32>
          %gather3A_914 = vector.shape_cast %broadcast_in_dim3A_913 : vector<16x1xi32> to vector<16xi32>
          %gather3A_915 = tpu.dynamic_gather %get3A_138[%gather3A_914] in [0] : vector<16xf32>, vector<16xi32> -> vector<16xf32>
          %mul3A_916 = arith.constant 16 : i32
          %mul3A_917 = arith.muli %scan3A_132, %mul3A_916 : i32
          %add3A_918 = arith.constant 8 : i32
          %add3A_919 = arith.addi %mul3A_917, %add3A_918 : i32
          %get3A_920 = arith.index_cast %add3A_919 : i32 to index
          %get3A_921 = arith.constant 0 : index
          %get3A_922 = tpu.vector_load %arg11[%get3A_920, %get3A_921] {strides = array<i32>} : memref<128x128xf32, #tpu.memory_space<vmem>>, vector<1x16xf32>,
          %get3A_923 = vector.shape_cast %get3A_922 : vector<1x16xf32> to vector<16xf32>
          %mul3A_924 = arith.mulf %get3A_923, %gather3A_915 : vector<16xf32>
          %swap3A_925 = arith.index_cast %add3A_919 : i32 to index
          %swap3A_926 = arith.constant 0 : index
          %swap3A_927 = tpu.vector_load %arg11[%swap3A_925, %swap3A_926] {strides = array<i32>} : memref<128x128xf32, #tpu.memory_space<vmem>>, vector<1x16xf32>,
          %swap3A_928 = vector.shape_cast %swap3A_927 : vector<1x16xf32> to vector<16xf32>
          %swap3A_929 = vector.shape_cast %mul3A_924 : vector<16xf32> to vector<1x16xf32>
          tpu.vector_store %arg11[%swap3A_925, %swap3A_926], %swap3A_929 {strides = array<i32>} : memref<128x128xf32, #tpu.memory_space<vmem>>, vector<1x16xf32>,
          %get3A_930 = arith.index_cast %add3A_919 : i32 to index
          %get3A_931 = arith.constant 16 : index
          %get3A_932 = tpu.vector_load %arg11[%get3A_930, %get3A_931] {strides = array<i32>} : memref<128x128xf32, #tpu.memory_space<vmem>>, vector<1x16xf32>,
          %get3A_933 = vector.shape_cast %get3A_932 : vector<1x16xf32> to vector<16xf32>
          %mul3A_934 = arith.mulf %get3A_933, %gather3A_915 : vector<16xf32>
          %swap3A_935 = arith.index_cast %add3A_919 : i32 to index
          %swap3A_936 = arith.constant 16 : index
          %swap3A_937 = tpu.vector_load %arg11[%swap3A_935, %swap3A_936] {strides = array<i32>} : memref<128x128xf32, #tpu.memory_space<vmem>>, vector<1x16xf32>,
          %swap3A_938 = vector.shape_cast %swap3A_937 : vector<1x16xf32> to vector<16xf32>
          %swap3A_939 = vector.shape_cast %mul3A_934 : vector<16xf32> to vector<1x16xf32>
          tpu.vector_store %arg11[%swap3A_935, %swap3A_936], %swap3A_939 {strides = array<i32>} : memref<128x128xf32, #tpu.memory_space<vmem>>, vector<1x16xf32>,
          %get3A_940 = arith.index_cast %add3A_919 : i32 to index
          %get3A_941 = arith.constant 32 : index
          %get3A_942 = tpu.vector_load %arg11[%get3A_940, %get3A_941] {strides = array<i32>} : memref<128x128xf32, #tpu.memory_space<vmem>>, vector<1x16xf32>,
          %get3A_943 = vector.shape_cast %get3A_942 : vector<1x16xf32> to vector<16xf32>
          %mul3A_944 = arith.mulf %get3A_943, %gather3A_915 : vector<16xf32>
          %swap3A_945 = arith.index_cast %add3A_919 : i32 to index
          %swap3A_946 = arith.constant 32 : index
          %swap3A_947 = tpu.vector_load %arg11[%swap3A_945, %swap3A_946] {strides = array<i32>} : memref<128x128xf32, #tpu.memory_space<vmem>>, vector<1x16xf32>,
          %swap3A_948 = vector.shape_cast %swap3A_947 : vector<1x16xf32> to vector<16xf32>
          %swap3A_949 = vector.shape_cast %mul3A_944 : vector<16xf32> to vector<1x16xf32>
          tpu.vector_store %arg11[%swap3A_945, %swap3A_946], %swap3A_949 {strides = array<i32>} : memref<128x128xf32, #tpu.memory_space<vmem>>, vector<1x16xf32>,
          %get3A_950 = arith.index_cast %add3A_919 : i32 to index
          %get3A_951 = arith.constant 48 : index
          %get3A_952 = tpu.vector_load %arg11[%get3A_950, %get3A_951] {strides = array<i32>} : memref<128x128xf32, #tpu.memory_space<vmem>>, vector<1x16xf32>,
          %get3A_953 = vector.shape_cast %get3A_952 : vector<1x16xf32> to vector<16xf32>
          %mul3A_954 = arith.mulf %get3A_953, %gather3A_915 : vector<16xf32>
          %swap3A_955 = arith.index_cast %add3A_919 : i32 to index
          %swap3A_956 = arith.constant 48 : index
          %swap3A_957 = tpu.vector_load %arg11[%swap3A_955, %swap3A_956] {strides = array<i32>} : memref<128x128xf32, #tpu.memory_space<vmem>>, vector<1x16xf32>,
          %swap3A_958 = vector.shape_cast %swap3A_957 : vector<1x16xf32> to vector<16xf32>
          %swap3A_959 = vector.shape_cast %mul3A_954 : vector<16xf32> to vector<1x16xf32>
          tpu.vector_store %arg11[%swap3A_955, %swap3A_956], %swap3A_959 {strides = array<i32>} : memref<128x128xf32, #tpu.memory_space<vmem>>, vector<1x16xf32>,
          %get3A_960 = arith.index_cast %add3A_919 : i32 to index
          %get3A_961 = arith.constant 64 : index
          %get3A_962 = tpu.vector_load %arg11[%get3A_960, %get3A_961] {strides = array<i32>} : memref<128x128xf32, #tpu.memory_space<vmem>>, vector<1x16xf32>,
          %get3A_963 = vector.shape_cast %get3A_962 : vector<1x16xf32> to vector<16xf32>
          %mul3A_964 = arith.mulf %get3A_963, %gather3A_915 : vector<16xf32>
          %swap3A_965 = arith.index_cast %add3A_919 : i32 to index
          %swap3A_966 = arith.constant 64 : index
          %swap3A_967 = tpu.vector_load %arg11[%swap3A_965, %swap3A_966] {strides = array<i32>} : memref<128x128xf32, #tpu.memory_space<vmem>>, vector<1x16xf32>,
          %swap3A_968 = vector.shape_cast %swap3A_967 : vector<1x16xf32> to vector<16xf32>
          %swap3A_969 = vector.shape_cast %mul3A_964 : vector<16xf32> to vector<1x16xf32>
          tpu.vector_store %arg11[%swap3A_965, %swap3A_966], %swap3A_969 {strides = array<i32>} : memref<128x128xf32, #tpu.memory_space<vmem>>, vector<1x16xf32>,
          %get3A_970 = arith.index_cast %add3A_919 : i32 to index
          %get3A_971 = arith.constant 80 : index
          %get3A_972 = tpu.vector_load %arg11[%get3A_970, %get3A_971] {strides = array<i32>} : memref<128x128xf32, #tpu.memory_space<vmem>>, vector<1x16xf32>,
          %get3A_973 = vector.shape_cast %get3A_972 : vector<1x16xf32> to vector<16xf32>
          %mul3A_974 = arith.mulf %get3A_973, %gather3A_915 : vector<16xf32>
          %swap3A_975 = arith.index_cast %add3A_919 : i32 to index
          %swap3A_976 = arith.constant 80 : index
          %swap3A_977 = tpu.vector_load %arg11[%swap3A_975, %swap3A_976] {strides = array<i32>} : memref<128x128xf32, #tpu.memory_space<vmem>>, vector<1x16xf32>,
          %swap3A_978 = vector.shape_cast %swap3A_977 : vector<1x16xf32> to vector<16xf32>
          %swap3A_979 = vector.shape_cast %mul3A_974 : vector<16xf32> to vector<1x16xf32>
          tpu.vector_store %arg11[%swap3A_975, %swap3A_976], %swap3A_979 {strides = array<i32>} : memref<128x128xf32, #tpu.memory_space<vmem>>, vector<1x16xf32>,
          %get3A_980 = arith.index_cast %add3A_919 : i32 to index
          %get3A_981 = arith.constant 96 : index
          %get3A_982 = tpu.vector_load %arg11[%get3A_980, %get3A_981] {strides = array<i32>} : memref<128x128xf32, #tpu.memory_space<vmem>>, vector<1x16xf32>,
          %get3A_983 = vector.shape_cast %get3A_982 : vector<1x16xf32> to vector<16xf32>
          %mul3A_984 = arith.mulf %get3A_983, %gather3A_915 : vector<16xf32>
          %swap3A_985 = arith.index_cast %add3A_919 : i32 to index
          %swap3A_986 = arith.constant 96 : index
          %swap3A_987 = tpu.vector_load %arg11[%swap3A_985, %swap3A_986] {strides = array<i32>} : memref<128x128xf32, #tpu.memory_space<vmem>>, vector<1x16xf32>,
          %swap3A_988 = vector.shape_cast %swap3A_987 : vector<1x16xf32> to vector<16xf32>
          %swap3A_989 = vector.shape_cast %mul3A_984 : vector<16xf32> to vector<1x16xf32>
          tpu.vector_store %arg11[%swap3A_985, %swap3A_986], %swap3A_989 {strides = array<i32>} : memref<128x128xf32, #tpu.memory_space<vmem>>, vector<1x16xf32>,
          %get3A_990 = arith.index_cast %add3A_919 : i32 to index
          %get3A_991 = arith.constant 112 : index
          %get3A_992 = tpu.vector_load %arg11[%get3A_990, %get3A_991] {strides = array<i32>} : memref<128x128xf32, #tpu.memory_space<vmem>>, vector<1x16xf32>,
          %get3A_993 = vector.shape_cast %get3A_992 : vector<1x16xf32> to vector<16xf32>
          %mul3A_994 = arith.mulf %get3A_993, %gather3A_915 : vector<16xf32>
          %swap3A_995 = arith.index_cast %add3A_919 : i32 to index
          %swap3A_996 = arith.constant 112 : index
          %swap3A_997 = tpu.vector_load %arg11[%swap3A_995, %swap3A_996] {strides = array<i32>} : memref<128x128xf32, #tpu.memory_space<vmem>>, vector<1x16xf32>,
          %swap3A_998 = vector.shape_cast %swap3A_997 : vector<1x16xf32> to vector<16xf32>
          %swap3A_999 = vector.shape_cast %mul3A_994 : vector<16xf32> to vector<1x16xf32>
          tpu.vector_store %arg11[%swap3A_995, %swap3A_996], %swap3A_999 {strides = array<i32>} : memref<128x128xf32, #tpu.memory_space<vmem>>, vector<1x16xf32>,
          %broadcast_in_dim3A_1000 = arith.constant 9 : i32
          %broadcast_in_dim3A_1001 = vector.broadcast %broadcast_in_dim3A_1000 : i32 to vector<16xi32>
          %lt3A_1002 = arith.constant 0 : i32
          %lt3A_1003 = vector.broadcast %lt3A_1002 : i32 to vector<16xi32>
          %lt3A_1004 = arith.cmpi slt, %broadcast_in_dim3A_1001, %lt3A_1003 : vector<16xi32>
          %add3A_1005 = arith.constant 16 : i32
          %add3A_1006 = vector.broadcast %add3A_1005 : i32 to vector<16xi32>
          %add3A_1007 = arith.addi %broadcast_in_dim3A_1001, %add3A_1006 : vector<16xi32>
          %select_n3A_1008 = arith.select %lt3A_1004, %add3A_1007, %broadcast_in_dim3A_1001 : vector<16xi1>, vector<16xi32>
          %broadcast_in_dim3A_1009 = vector.shape_cast %select_n3A_1008 : vector<16xi32> to vector<16x1xi32>
          %gather3A_1010 = vector.shape_cast %broadcast_in_dim3A_1009 : vector<16x1xi32> to vector<16xi32>
          %gather3A_1011 = tpu.dynamic_gather %get3A_138[%gather3A_1010] in [0] : vector<16xf32>, vector<16xi32> -> vector<16xf32>
          %mul3A_1012 = arith.constant 16 : i32
          %mul3A_1013 = arith.muli %scan3A_132, %mul3A_1012 : i32
          %add3A_1014 = arith.constant 9 : i32
          %add3A_1015 = arith.addi %mul3A_1013, %add3A_1014 : i32
          %get3A_1016 = arith.index_cast %add3A_1015 : i32 to index
          %get3A_1017 = arith.constant 0 : index
          %get3A_1018 = tpu.vector_load %arg11[%get3A_1016, %get3A_1017] {strides = array<i32>} : memref<128x128xf32, #tpu.memory_space<vmem>>, vector<1x16xf32>,
          %get3A_1019 = vector.shape_cast %get3A_1018 : vector<1x16xf32> to vector<16xf32>
          %mul3A_1020 = arith.mulf %get3A_1019, %gather3A_1011 : vector<16xf32>
          %swap3A_1021 = arith.index_cast %add3A_1015 : i32 to index
          %swap3A_1022 = arith.constant 0 : index
          %swap3A_1023 = tpu.vector_load %arg11[%swap3A_1021, %swap3A_1022] {strides = array<i32>} : memref<128x128xf32, #tpu.memory_space<vmem>>, vector<1x16xf32>,
          %swap3A_1024 = vector.shape_cast %swap3A_1023 : vector<1x16xf32> to vector<16xf32>
          %swap3A_1025 = vector.shape_cast %mul3A_1020 : vector<16xf32> to vector<1x16xf32>
          tpu.vector_store %arg11[%swap3A_1021, %swap3A_1022], %swap3A_1025 {strides = array<i32>} : memref<128x128xf32, #tpu.memory_space<vmem>>, vector<1x16xf32>,
          %get3A_1026 = arith.index_cast %add3A_1015 : i32 to index
          %get3A_1027 = arith.constant 16 : index
          %get3A_1028 = tpu.vector_load %arg11[%get3A_1026, %get3A_1027] {strides = array<i32>} : memref<128x128xf32, #tpu.memory_space<vmem>>, vector<1x16xf32>,
          %get3A_1029 = vector.shape_cast %get3A_1028 : vector<1x16xf32> to vector<16xf32>
          %mul3A_1030 = arith.mulf %get3A_1029, %gather3A_1011 : vector<16xf32>
          %swap3A_1031 = arith.index_cast %add3A_1015 : i32 to index
          %swap3A_1032 = arith.constant 16 : index
          %swap3A_1033 = tpu.vector_load %arg11[%swap3A_1031, %swap3A_1032] {strides = array<i32>} : memref<128x128xf32, #tpu.memory_space<vmem>>, vector<1x16xf32>,
          %swap3A_1034 = vector.shape_cast %swap3A_1033 : vector<1x16xf32> to vector<16xf32>
          %swap3A_1035 = vector.shape_cast %mul3A_1030 : vector<16xf32> to vector<1x16xf32>
          tpu.vector_store %arg11[%swap3A_1031, %swap3A_1032], %swap3A_1035 {strides = array<i32>} : memref<128x128xf32, #tpu.memory_space<vmem>>, vector<1x16xf32>,
          %get3A_1036 = arith.index_cast %add3A_1015 : i32 to index
          %get3A_1037 = arith.constant 32 : index
          %get3A_1038 = tpu.vector_load %arg11[%get3A_1036, %get3A_1037] {strides = array<i32>} : memref<128x128xf32, #tpu.memory_space<vmem>>, vector<1x16xf32>,
          %get3A_1039 = vector.shape_cast %get3A_1038 : vector<1x16xf32> to vector<16xf32>
          %mul3A_1040 = arith.mulf %get3A_1039, %gather3A_1011 : vector<16xf32>
          %swap3A_1041 = arith.index_cast %add3A_1015 : i32 to index
          %swap3A_1042 = arith.constant 32 : index
          %swap3A_1043 = tpu.vector_load %arg11[%swap3A_1041, %swap3A_1042] {strides = array<i32>} : memref<128x128xf32, #tpu.memory_space<vmem>>, vector<1x16xf32>,
          %swap3A_1044 = vector.shape_cast %swap3A_1043 : vector<1x16xf32> to vector<16xf32>
          %swap3A_1045 = vector.shape_cast %mul3A_1040 : vector<16xf32> to vector<1x16xf32>
          tpu.vector_store %arg11[%swap3A_1041, %swap3A_1042], %swap3A_1045 {strides = array<i32>} : memref<128x128xf32, #tpu.memory_space<vmem>>, vector<1x16xf32>,
          %get3A_1046 = arith.index_cast %add3A_1015 : i32 to index
          %get3A_1047 = arith.constant 48 : index
          %get3A_1048 = tpu.vector_load %arg11[%get3A_1046, %get3A_1047] {strides = array<i32>} : memref<128x128xf32, #tpu.memory_space<vmem>>, vector<1x16xf32>,
          %get3A_1049 = vector.shape_cast %get3A_1048 : vector<1x16xf32> to vector<16xf32>
          %mul3A_1050 = arith.mulf %get3A_1049, %gather3A_1011 : vector<16xf32>
          %swap3A_1051 = arith.index_cast %add3A_1015 : i32 to index
          %swap3A_1052 = arith.constant 48 : index
          %swap3A_1053 = tpu.vector_load %arg11[%swap3A_1051, %swap3A_1052] {strides = array<i32>} : memref<128x128xf32, #tpu.memory_space<vmem>>, vector<1x16xf32>,
          %swap3A_1054 = vector.shape_cast %swap3A_1053 : vector<1x16xf32> to vector<16xf32>
          %swap3A_1055 = vector.shape_cast %mul3A_1050 : vector<16xf32> to vector<1x16xf32>
          tpu.vector_store %arg11[%swap3A_1051, %swap3A_1052], %swap3A_1055 {strides = array<i32>} : memref<128x128xf32, #tpu.memory_space<vmem>>, vector<1x16xf32>,
          %get3A_1056 = arith.index_cast %add3A_1015 : i32 to index
          %get3A_1057 = arith.constant 64 : index
          %get3A_1058 = tpu.vector_load %arg11[%get3A_1056, %get3A_1057] {strides = array<i32>} : memref<128x128xf32, #tpu.memory_space<vmem>>, vector<1x16xf32>,
          %get3A_1059 = vector.shape_cast %get3A_1058 : vector<1x16xf32> to vector<16xf32>
          %mul3A_1060 = arith.mulf %get3A_1059, %gather3A_1011 : vector<16xf32>
          %swap3A_1061 = arith.index_cast %add3A_1015 : i32 to index
          %swap3A_1062 = arith.constant 64 : index
          %swap3A_1063 = tpu.vector_load %arg11[%swap3A_1061, %swap3A_1062] {strides = array<i32>} : memref<128x128xf32, #tpu.memory_space<vmem>>, vector<1x16xf32>,
          %swap3A_1064 = vector.shape_cast %swap3A_1063 : vector<1x16xf32> to vector<16xf32>
          %swap3A_1065 = vector.shape_cast %mul3A_1060 : vector<16xf32> to vector<1x16xf32>
          tpu.vector_store %arg11[%swap3A_1061, %swap3A_1062], %swap3A_1065 {strides = array<i32>} : memref<128x128xf32, #tpu.memory_space<vmem>>, vector<1x16xf32>,
          %get3A_1066 = arith.index_cast %add3A_1015 : i32 to index
          %get3A_1067 = arith.constant 80 : index
          %get3A_1068 = tpu.vector_load %arg11[%get3A_1066, %get3A_1067] {strides = array<i32>} : memref<128x128xf32, #tpu.memory_space<vmem>>, vector<1x16xf32>,
          %get3A_1069 = vector.shape_cast %get3A_1068 : vector<1x16xf32> to vector<16xf32>
          %mul3A_1070 = arith.mulf %get3A_1069, %gather3A_1011 : vector<16xf32>
          %swap3A_1071 = arith.index_cast %add3A_1015 : i32 to index
          %swap3A_1072 = arith.constant 80 : index
          %swap3A_1073 = tpu.vector_load %arg11[%swap3A_1071, %swap3A_1072] {strides = array<i32>} : memref<128x128xf32, #tpu.memory_space<vmem>>, vector<1x16xf32>,
          %swap3A_1074 = vector.shape_cast %swap3A_1073 : vector<1x16xf32> to vector<16xf32>
          %swap3A_1075 = vector.shape_cast %mul3A_1070 : vector<16xf32> to vector<1x16xf32>
          tpu.vector_store %arg11[%swap3A_1071, %swap3A_1072], %swap3A_1075 {strides = array<i32>} : memref<128x128xf32, #tpu.memory_space<vmem>>, vector<1x16xf32>,
          %get3A_1076 = arith.index_cast %add3A_1015 : i32 to index
          %get3A_1077 = arith.constant 96 : index
          %get3A_1078 = tpu.vector_load %arg11[%get3A_1076, %get3A_1077] {strides = array<i32>} : memref<128x128xf32, #tpu.memory_space<vmem>>, vector<1x16xf32>,
          %get3A_1079 = vector.shape_cast %get3A_1078 : vector<1x16xf32> to vector<16xf32>
          %mul3A_1080 = arith.mulf %get3A_1079, %gather3A_1011 : vector<16xf32>
          %swap3A_1081 = arith.index_cast %add3A_1015 : i32 to index
          %swap3A_1082 = arith.constant 96 : index
          %swap3A_1083 = tpu.vector_load %arg11[%swap3A_1081, %swap3A_1082] {strides = array<i32>} : memref<128x128xf32, #tpu.memory_space<vmem>>, vector<1x16xf32>,
          %swap3A_1084 = vector.shape_cast %swap3A_1083 : vector<1x16xf32> to vector<16xf32>
          %swap3A_1085 = vector.shape_cast %mul3A_1080 : vector<16xf32> to vector<1x16xf32>
          tpu.vector_store %arg11[%swap3A_1081, %swap3A_1082], %swap3A_1085 {strides = array<i32>} : memref<128x128xf32, #tpu.memory_space<vmem>>, vector<1x16xf32>,
          %get3A_1086 = arith.index_cast %add3A_1015 : i32 to index
          %get3A_1087 = arith.constant 112 : index
          %get3A_1088 = tpu.vector_load %arg11[%get3A_1086, %get3A_1087] {strides = array<i32>} : memref<128x128xf32, #tpu.memory_space<vmem>>, vector<1x16xf32>,
          %get3A_1089 = vector.shape_cast %get3A_1088 : vector<1x16xf32> to vector<16xf32>
          %mul3A_1090 = arith.mulf %get3A_1089, %gather3A_1011 : vector<16xf32>
          %swap3A_1091 = arith.index_cast %add3A_1015 : i32 to index
          %swap3A_1092 = arith.constant 112 : index
          %swap3A_1093 = tpu.vector_load %arg11[%swap3A_1091, %swap3A_1092] {strides = array<i32>} : memref<128x128xf32, #tpu.memory_space<vmem>>, vector<1x16xf32>,
          %swap3A_1094 = vector.shape_cast %swap3A_1093 : vector<1x16xf32> to vector<16xf32>
          %swap3A_1095 = vector.shape_cast %mul3A_1090 : vector<16xf32> to vector<1x16xf32>
          tpu.vector_store %arg11[%swap3A_1091, %swap3A_1092], %swap3A_1095 {strides = array<i32>} : memref<128x128xf32, #tpu.memory_space<vmem>>, vector<1x16xf32>,
          %broadcast_in_dim3A_1096 = arith.constant 10 : i32
          %broadcast_in_dim3A_1097 = vector.broadcast %broadcast_in_dim3A_1096 : i32 to vector<16xi32>
          %lt3A_1098 = arith.constant 0 : i32
          %lt3A_1099 = vector.broadcast %lt3A_1098 : i32 to vector<16xi32>
          %lt3A_1100 = arith.cmpi slt, %broadcast_in_dim3A_1097, %lt3A_1099 : vector<16xi32>
          %add3A_1101 = arith.constant 16 : i32
          %add3A_1102 = vector.broadcast %add3A_1101 : i32 to vector<16xi32>
          %add3A_1103 = arith.addi %broadcast_in_dim3A_1097, %add3A_1102 : vector<16xi32>
          %select_n3A_1104 = arith.select %lt3A_1100, %add3A_1103, %broadcast_in_dim3A_1097 : vector<16xi1>, vector<16xi32>
          %broadcast_in_dim3A_1105 = vector.shape_cast %select_n3A_1104 : vector<16xi32> to vector<16x1xi32>
          %gather3A_1106 = vector.shape_cast %broadcast_in_dim3A_1105 : vector<16x1xi32> to vector<16xi32>
          %gather3A_1107 = tpu.dynamic_gather %get3A_138[%gather3A_1106] in [0] : vector<16xf32>, vector<16xi32> -> vector<16xf32>
          %mul3A_1108 = arith.constant 16 : i32
          %mul3A_1109 = arith.muli %scan3A_132, %mul3A_1108 : i32
          %add3A_1110 = arith.constant 10 : i32
          %add3A_1111 = arith.addi %mul3A_1109, %add3A_1110 : i32
          %get3A_1112 = arith.index_cast %add3A_1111 : i32 to index
          %get3A_1113 = arith.constant 0 : index
          %get3A_1114 = tpu.vector_load %arg11[%get3A_1112, %get3A_1113] {strides = array<i32>} : memref<128x128xf32, #tpu.memory_space<vmem>>, vector<1x16xf32>,
          %get3A_1115 = vector.shape_cast %get3A_1114 : vector<1x16xf32> to vector<16xf32>
          %mul3A_1116 = arith.mulf %get3A_1115, %gather3A_1107 : vector<16xf32>
          %swap3A_1117 = arith.index_cast %add3A_1111 : i32 to index
          %swap3A_1118 = arith.constant 0 : index
          %swap3A_1119 = tpu.vector_load %arg11[%swap3A_1117, %swap3A_1118] {strides = array<i32>} : memref<128x128xf32, #tpu.memory_space<vmem>>, vector<1x16xf32>,
          %swap3A_1120 = vector.shape_cast %swap3A_1119 : vector<1x16xf32> to vector<16xf32>
          %swap3A_1121 = vector.shape_cast %mul3A_1116 : vector<16xf32> to vector<1x16xf32>
          tpu.vector_store %arg11[%swap3A_1117, %swap3A_1118], %swap3A_1121 {strides = array<i32>} : memref<128x128xf32, #tpu.memory_space<vmem>>, vector<1x16xf32>,
          %get3A_1122 = arith.index_cast %add3A_1111 : i32 to index
          %get3A_1123 = arith.constant 16 : index
          %get3A_1124 = tpu.vector_load %arg11[%get3A_1122, %get3A_1123] {strides = array<i32>} : memref<128x128xf32, #tpu.memory_space<vmem>>, vector<1x16xf32>,
          %get3A_1125 = vector.shape_cast %get3A_1124 : vector<1x16xf32> to vector<16xf32>
          %mul3A_1126 = arith.mulf %get3A_1125, %gather3A_1107 : vector<16xf32>
          %swap3A_1127 = arith.index_cast %add3A_1111 : i32 to index
          %swap3A_1128 = arith.constant 16 : index
          %swap3A_1129 = tpu.vector_load %arg11[%swap3A_1127, %swap3A_1128] {strides = array<i32>} : memref<128x128xf32, #tpu.memory_space<vmem>>, vector<1x16xf32>,
          %swap3A_1130 = vector.shape_cast %swap3A_1129 : vector<1x16xf32> to vector<16xf32>
          %swap3A_1131 = vector.shape_cast %mul3A_1126 : vector<16xf32> to vector<1x16xf32>
          tpu.vector_store %arg11[%swap3A_1127, %swap3A_1128], %swap3A_1131 {strides = array<i32>} : memref<128x128xf32, #tpu.memory_space<vmem>>, vector<1x16xf32>,
          %get3A_1132 = arith.index_cast %add3A_1111 : i32 to index
          %get3A_1133 = arith.constant 32 : index
          %get3A_1134 = tpu.vector_load %arg11[%get3A_1132, %get3A_1133] {strides = array<i32>} : memref<128x128xf32, #tpu.memory_space<vmem>>, vector<1x16xf32>,
          %get3A_1135 = vector.shape_cast %get3A_1134 : vector<1x16xf32> to vector<16xf32>
          %mul3A_1136 = arith.mulf %get3A_1135, %gather3A_1107 : vector<16xf32>
          %swap3A_1137 = arith.index_cast %add3A_1111 : i32 to index
          %swap3A_1138 = arith.constant 32 : index
          %swap3A_1139 = tpu.vector_load %arg11[%swap3A_1137, %swap3A_1138] {strides = array<i32>} : memref<128x128xf32, #tpu.memory_space<vmem>>, vector<1x16xf32>,
          %swap3A_1140 = vector.shape_cast %swap3A_1139 : vector<1x16xf32> to vector<16xf32>
          %swap3A_1141 = vector.shape_cast %mul3A_1136 : vector<16xf32> to vector<1x16xf32>
          tpu.vector_store %arg11[%swap3A_1137, %swap3A_1138], %swap3A_1141 {strides = array<i32>} : memref<128x128xf32, #tpu.memory_space<vmem>>, vector<1x16xf32>,
          %get3A_1142 = arith.index_cast %add3A_1111 : i32 to index
          %get3A_1143 = arith.constant 48 : index
          %get3A_1144 = tpu.vector_load %arg11[%get3A_1142, %get3A_1143] {strides = array<i32>} : memref<128x128xf32, #tpu.memory_space<vmem>>, vector<1x16xf32>,
          %get3A_1145 = vector.shape_cast %get3A_1144 : vector<1x16xf32> to vector<16xf32>
          %mul3A_1146 = arith.mulf %get3A_1145, %gather3A_1107 : vector<16xf32>
          %swap3A_1147 = arith.index_cast %add3A_1111 : i32 to index
          %swap3A_1148 = arith.constant 48 : index
          %swap3A_1149 = tpu.vector_load %arg11[%swap3A_1147, %swap3A_1148] {strides = array<i32>} : memref<128x128xf32, #tpu.memory_space<vmem>>, vector<1x16xf32>,
          %swap3A_1150 = vector.shape_cast %swap3A_1149 : vector<1x16xf32> to vector<16xf32>
          %swap3A_1151 = vector.shape_cast %mul3A_1146 : vector<16xf32> to vector<1x16xf32>
          tpu.vector_store %arg11[%swap3A_1147, %swap3A_1148], %swap3A_1151 {strides = array<i32>} : memref<128x128xf32, #tpu.memory_space<vmem>>, vector<1x16xf32>,
          %get3A_1152 = arith.index_cast %add3A_1111 : i32 to index
          %get3A_1153 = arith.constant 64 : index
          %get3A_1154 = tpu.vector_load %arg11[%get3A_1152, %get3A_1153] {strides = array<i32>} : memref<128x128xf32, #tpu.memory_space<vmem>>, vector<1x16xf32>,
          %get3A_1155 = vector.shape_cast %get3A_1154 : vector<1x16xf32> to vector<16xf32>
          %mul3A_1156 = arith.mulf %get3A_1155, %gather3A_1107 : vector<16xf32>
          %swap3A_1157 = arith.index_cast %add3A_1111 : i32 to index
          %swap3A_1158 = arith.constant 64 : index
          %swap3A_1159 = tpu.vector_load %arg11[%swap3A_1157, %swap3A_1158] {strides = array<i32>} : memref<128x128xf32, #tpu.memory_space<vmem>>, vector<1x16xf32>,
          %swap3A_1160 = vector.shape_cast %swap3A_1159 : vector<1x16xf32> to vector<16xf32>
          %swap3A_1161 = vector.shape_cast %mul3A_1156 : vector<16xf32> to vector<1x16xf32>
          tpu.vector_store %arg11[%swap3A_1157, %swap3A_1158], %swap3A_1161 {strides = array<i32>} : memref<128x128xf32, #tpu.memory_space<vmem>>, vector<1x16xf32>,
          %get3A_1162 = arith.index_cast %add3A_1111 : i32 to index
          %get3A_1163 = arith.constant 80 : index
          %get3A_1164 = tpu.vector_load %arg11[%get3A_1162, %get3A_1163] {strides = array<i32>} : memref<128x128xf32, #tpu.memory_space<vmem>>, vector<1x16xf32>,
          %get3A_1165 = vector.shape_cast %get3A_1164 : vector<1x16xf32> to vector<16xf32>
          %mul3A_1166 = arith.mulf %get3A_1165, %gather3A_1107 : vector<16xf32>
          %swap3A_1167 = arith.index_cast %add3A_1111 : i32 to index
          %swap3A_1168 = arith.constant 80 : index
          %swap3A_1169 = tpu.vector_load %arg11[%swap3A_1167, %swap3A_1168] {strides = array<i32>} : memref<128x128xf32, #tpu.memory_space<vmem>>, vector<1x16xf32>,
          %swap3A_1170 = vector.shape_cast %swap3A_1169 : vector<1x16xf32> to vector<16xf32>
          %swap3A_1171 = vector.shape_cast %mul3A_1166 : vector<16xf32> to vector<1x16xf32>
          tpu.vector_store %arg11[%swap3A_1167, %swap3A_1168], %swap3A_1171 {strides = array<i32>} : memref<128x128xf32, #tpu.memory_space<vmem>>, vector<1x16xf32>,
          %get3A_1172 = arith.index_cast %add3A_1111 : i32 to index
          %get3A_1173 = arith.constant 96 : index
          %get3A_1174 = tpu.vector_load %arg11[%get3A_1172, %get3A_1173] {strides = array<i32>} : memref<128x128xf32, #tpu.memory_space<vmem>>, vector<1x16xf32>,
          %get3A_1175 = vector.shape_cast %get3A_1174 : vector<1x16xf32> to vector<16xf32>
          %mul3A_1176 = arith.mulf %get3A_1175, %gather3A_1107 : vector<16xf32>
          %swap3A_1177 = arith.index_cast %add3A_1111 : i32 to index
          %swap3A_1178 = arith.constant 96 : index
          %swap3A_1179 = tpu.vector_load %arg11[%swap3A_1177, %swap3A_1178] {strides = array<i32>} : memref<128x128xf32, #tpu.memory_space<vmem>>, vector<1x16xf32>,
          %swap3A_1180 = vector.shape_cast %swap3A_1179 : vector<1x16xf32> to vector<16xf32>
          %swap3A_1181 = vector.shape_cast %mul3A_1176 : vector<16xf32> to vector<1x16xf32>
          tpu.vector_store %arg11[%swap3A_1177, %swap3A_1178], %swap3A_1181 {strides = array<i32>} : memref<128x128xf32, #tpu.memory_space<vmem>>, vector<1x16xf32>,
          %get3A_1182 = arith.index_cast %add3A_1111 : i32 to index
          %get3A_1183 = arith.constant 112 : index
          %get3A_1184 = tpu.vector_load %arg11[%get3A_1182, %get3A_1183] {strides = array<i32>} : memref<128x128xf32, #tpu.memory_space<vmem>>, vector<1x16xf32>,
          %get3A_1185 = vector.shape_cast %get3A_1184 : vector<1x16xf32> to vector<16xf32>
          %mul3A_1186 = arith.mulf %get3A_1185, %gather3A_1107 : vector<16xf32>
          %swap3A_1187 = arith.index_cast %add3A_1111 : i32 to index
          %swap3A_1188 = arith.constant 112 : index
          %swap3A_1189 = tpu.vector_load %arg11[%swap3A_1187, %swap3A_1188] {strides = array<i32>} : memref<128x128xf32, #tpu.memory_space<vmem>>, vector<1x16xf32>,
          %swap3A_1190 = vector.shape_cast %swap3A_1189 : vector<1x16xf32> to vector<16xf32>
          %swap3A_1191 = vector.shape_cast %mul3A_1186 : vector<16xf32> to vector<1x16xf32>
          tpu.vector_store %arg11[%swap3A_1187, %swap3A_1188], %swap3A_1191 {strides = array<i32>} : memref<128x128xf32, #tpu.memory_space<vmem>>, vector<1x16xf32>,
          %broadcast_in_dim3A_1192 = arith.constant 11 : i32
          %broadcast_in_dim3A_1193 = vector.broadcast %broadcast_in_dim3A_1192 : i32 to vector<16xi32>
          %lt3A_1194 = arith.constant 0 : i32
          %lt3A_1195 = vector.broadcast %lt3A_1194 : i32 to vector<16xi32>
          %lt3A_1196 = arith.cmpi slt, %broadcast_in_dim3A_1193, %lt3A_1195 : vector<16xi32>
          %add3A_1197 = arith.constant 16 : i32
          %add3A_1198 = vector.broadcast %add3A_1197 : i32 to vector<16xi32>
          %add3A_1199 = arith.addi %broadcast_in_dim3A_1193, %add3A_1198 : vector<16xi32>
          %select_n3A_1200 = arith.select %lt3A_1196, %add3A_1199, %broadcast_in_dim3A_1193 : vector<16xi1>, vector<16xi32>
          %broadcast_in_dim3A_1201 = vector.shape_cast %select_n3A_1200 : vector<16xi32> to vector<16x1xi32>
          %gather3A_1202 = vector.shape_cast %broadcast_in_dim3A_1201 : vector<16x1xi32> to vector<16xi32>
          %gather3A_1203 = tpu.dynamic_gather %get3A_138[%gather3A_1202] in [0] : vector<16xf32>, vector<16xi32> -> vector<16xf32>
          %mul3A_1204 = arith.constant 16 : i32
          %mul3A_1205 = arith.muli %scan3A_132, %mul3A_1204 : i32
          %add3A_1206 = arith.constant 11 : i32
          %add3A_1207 = arith.addi %mul3A_1205, %add3A_1206 : i32
          %get3A_1208 = arith.index_cast %add3A_1207 : i32 to index
          %get3A_1209 = arith.constant 0 : index
          %get3A_1210 = tpu.vector_load %arg11[%get3A_1208, %get3A_1209] {strides = array<i32>} : memref<128x128xf32, #tpu.memory_space<vmem>>, vector<1x16xf32>,
          %get3A_1211 = vector.shape_cast %get3A_1210 : vector<1x16xf32> to vector<16xf32>
          %mul3A_1212 = arith.mulf %get3A_1211, %gather3A_1203 : vector<16xf32>
          %swap3A_1213 = arith.index_cast %add3A_1207 : i32 to index
          %swap3A_1214 = arith.constant 0 : index
          %swap3A_1215 = tpu.vector_load %arg11[%swap3A_1213, %swap3A_1214] {strides = array<i32>} : memref<128x128xf32, #tpu.memory_space<vmem>>, vector<1x16xf32>,
          %swap3A_1216 = vector.shape_cast %swap3A_1215 : vector<1x16xf32> to vector<16xf32>
          %swap3A_1217 = vector.shape_cast %mul3A_1212 : vector<16xf32> to vector<1x16xf32>
          tpu.vector_store %arg11[%swap3A_1213, %swap3A_1214], %swap3A_1217 {strides = array<i32>} : memref<128x128xf32, #tpu.memory_space<vmem>>, vector<1x16xf32>,
          %get3A_1218 = arith.index_cast %add3A_1207 : i32 to index
          %get3A_1219 = arith.constant 16 : index
          %get3A_1220 = tpu.vector_load %arg11[%get3A_1218, %get3A_1219] {strides = array<i32>} : memref<128x128xf32, #tpu.memory_space<vmem>>, vector<1x16xf32>,
          %get3A_1221 = vector.shape_cast %get3A_1220 : vector<1x16xf32> to vector<16xf32>
          %mul3A_1222 = arith.mulf %get3A_1221, %gather3A_1203 : vector<16xf32>
          %swap3A_1223 = arith.index_cast %add3A_1207 : i32 to index
          %swap3A_1224 = arith.constant 16 : index
          %swap3A_1225 = tpu.vector_load %arg11[%swap3A_1223, %swap3A_1224] {strides = array<i32>} : memref<128x128xf32, #tpu.memory_space<vmem>>, vector<1x16xf32>,
          %swap3A_1226 = vector.shape_cast %swap3A_1225 : vector<1x16xf32> to vector<16xf32>
          %swap3A_1227 = vector.shape_cast %mul3A_1222 : vector<16xf32> to vector<1x16xf32>
          tpu.vector_store %arg11[%swap3A_1223, %swap3A_1224], %swap3A_1227 {strides = array<i32>} : memref<128x128xf32, #tpu.memory_space<vmem>>, vector<1x16xf32>,
          %get3A_1228 = arith.index_cast %add3A_1207 : i32 to index
          %get3A_1229 = arith.constant 32 : index
          %get3A_1230 = tpu.vector_load %arg11[%get3A_1228, %get3A_1229] {strides = array<i32>} : memref<128x128xf32, #tpu.memory_space<vmem>>, vector<1x16xf32>,
          %get3A_1231 = vector.shape_cast %get3A_1230 : vector<1x16xf32> to vector<16xf32>
          %mul3A_1232 = arith.mulf %get3A_1231, %gather3A_1203 : vector<16xf32>
          %swap3A_1233 = arith.index_cast %add3A_1207 : i32 to index
          %swap3A_1234 = arith.constant 32 : index
          %swap3A_1235 = tpu.vector_load %arg11[%swap3A_1233, %swap3A_1234] {strides = array<i32>} : memref<128x128xf32, #tpu.memory_space<vmem>>, vector<1x16xf32>,
          %swap3A_1236 = vector.shape_cast %swap3A_1235 : vector<1x16xf32> to vector<16xf32>
          %swap3A_1237 = vector.shape_cast %mul3A_1232 : vector<16xf32> to vector<1x16xf32>
          tpu.vector_store %arg11[%swap3A_1233, %swap3A_1234], %swap3A_1237 {strides = array<i32>} : memref<128x128xf32, #tpu.memory_space<vmem>>, vector<1x16xf32>,
          %get3A_1238 = arith.index_cast %add3A_1207 : i32 to index
          %get3A_1239 = arith.constant 48 : index
          %get3A_1240 = tpu.vector_load %arg11[%get3A_1238, %get3A_1239] {strides = array<i32>} : memref<128x128xf32, #tpu.memory_space<vmem>>, vector<1x16xf32>,
          %get3A_1241 = vector.shape_cast %get3A_1240 : vector<1x16xf32> to vector<16xf32>
          %mul3A_1242 = arith.mulf %get3A_1241, %gather3A_1203 : vector<16xf32>
          %swap3A_1243 = arith.index_cast %add3A_1207 : i32 to index
          %swap3A_1244 = arith.constant 48 : index
          %swap3A_1245 = tpu.vector_load %arg11[%swap3A_1243, %swap3A_1244] {strides = array<i32>} : memref<128x128xf32, #tpu.memory_space<vmem>>, vector<1x16xf32>,
          %swap3A_1246 = vector.shape_cast %swap3A_1245 : vector<1x16xf32> to vector<16xf32>
          %swap3A_1247 = vector.shape_cast %mul3A_1242 : vector<16xf32> to vector<1x16xf32>
          tpu.vector_store %arg11[%swap3A_1243, %swap3A_1244], %swap3A_1247 {strides = array<i32>} : memref<128x128xf32, #tpu.memory_space<vmem>>, vector<1x16xf32>,
          %get3A_1248 = arith.index_cast %add3A_1207 : i32 to index
          %get3A_1249 = arith.constant 64 : index
          %get3A_1250 = tpu.vector_load %arg11[%get3A_1248, %get3A_1249] {strides = array<i32>} : memref<128x128xf32, #tpu.memory_space<vmem>>, vector<1x16xf32>,
          %get3A_1251 = vector.shape_cast %get3A_1250 : vector<1x16xf32> to vector<16xf32>
          %mul3A_1252 = arith.mulf %get3A_1251, %gather3A_1203 : vector<16xf32>
          %swap3A_1253 = arith.index_cast %add3A_1207 : i32 to index
          %swap3A_1254 = arith.constant 64 : index
          %swap3A_1255 = tpu.vector_load %arg11[%swap3A_1253, %swap3A_1254] {strides = array<i32>} : memref<128x128xf32, #tpu.memory_space<vmem>>, vector<1x16xf32>,
          %swap3A_1256 = vector.shape_cast %swap3A_1255 : vector<1x16xf32> to vector<16xf32>
          %swap3A_1257 = vector.shape_cast %mul3A_1252 : vector<16xf32> to vector<1x16xf32>
          tpu.vector_store %arg11[%swap3A_1253, %swap3A_1254], %swap3A_1257 {strides = array<i32>} : memref<128x128xf32, #tpu.memory_space<vmem>>, vector<1x16xf32>,
          %get3A_1258 = arith.index_cast %add3A_1207 : i32 to index
          %get3A_1259 = arith.constant 80 : index
          %get3A_1260 = tpu.vector_load %arg11[%get3A_1258, %get3A_1259] {strides = array<i32>} : memref<128x128xf32, #tpu.memory_space<vmem>>, vector<1x16xf32>,
          %get3A_1261 = vector.shape_cast %get3A_1260 : vector<1x16xf32> to vector<16xf32>
          %mul3A_1262 = arith.mulf %get3A_1261, %gather3A_1203 : vector<16xf32>
          %swap3A_1263 = arith.index_cast %add3A_1207 : i32 to index
          %swap3A_1264 = arith.constant 80 : index
          %swap3A_1265 = tpu.vector_load %arg11[%swap3A_1263, %swap3A_1264] {strides = array<i32>} : memref<128x128xf32, #tpu.memory_space<vmem>>, vector<1x16xf32>,
          %swap3A_1266 = vector.shape_cast %swap3A_1265 : vector<1x16xf32> to vector<16xf32>
          %swap3A_1267 = vector.shape_cast %mul3A_1262 : vector<16xf32> to vector<1x16xf32>
          tpu.vector_store %arg11[%swap3A_1263, %swap3A_1264], %swap3A_1267 {strides = array<i32>} : memref<128x128xf32, #tpu.memory_space<vmem>>, vector<1x16xf32>,
          %get3A_1268 = arith.index_cast %add3A_1207 : i32 to index
          %get3A_1269 = arith.constant 96 : index
          %get3A_1270 = tpu.vector_load %arg11[%get3A_1268, %get3A_1269] {strides = array<i32>} : memref<128x128xf32, #tpu.memory_space<vmem>>, vector<1x16xf32>,
          %get3A_1271 = vector.shape_cast %get3A_1270 : vector<1x16xf32> to vector<16xf32>
          %mul3A_1272 = arith.mulf %get3A_1271, %gather3A_1203 : vector<16xf32>
          %swap3A_1273 = arith.index_cast %add3A_1207 : i32 to index
          %swap3A_1274 = arith.constant 96 : index
          %swap3A_1275 = tpu.vector_load %arg11[%swap3A_1273, %swap3A_1274] {strides = array<i32>} : memref<128x128xf32, #tpu.memory_space<vmem>>, vector<1x16xf32>,
          %swap3A_1276 = vector.shape_cast %swap3A_1275 : vector<1x16xf32> to vector<16xf32>
          %swap3A_1277 = vector.shape_cast %mul3A_1272 : vector<16xf32> to vector<1x16xf32>
          tpu.vector_store %arg11[%swap3A_1273, %swap3A_1274], %swap3A_1277 {strides = array<i32>} : memref<128x128xf32, #tpu.memory_space<vmem>>, vector<1x16xf32>,
          %get3A_1278 = arith.index_cast %add3A_1207 : i32 to index
          %get3A_1279 = arith.constant 112 : index
          %get3A_1280 = tpu.vector_load %arg11[%get3A_1278, %get3A_1279] {strides = array<i32>} : memref<128x128xf32, #tpu.memory_space<vmem>>, vector<1x16xf32>,
          %get3A_1281 = vector.shape_cast %get3A_1280 : vector<1x16xf32> to vector<16xf32>
          %mul3A_1282 = arith.mulf %get3A_1281, %gather3A_1203 : vector<16xf32>
          %swap3A_1283 = arith.index_cast %add3A_1207 : i32 to index
          %swap3A_1284 = arith.constant 112 : index
          %swap3A_1285 = tpu.vector_load %arg11[%swap3A_1283, %swap3A_1284] {strides = array<i32>} : memref<128x128xf32, #tpu.memory_space<vmem>>, vector<1x16xf32>,
          %swap3A_1286 = vector.shape_cast %swap3A_1285 : vector<1x16xf32> to vector<16xf32>
          %swap3A_1287 = vector.shape_cast %mul3A_1282 : vector<16xf32> to vector<1x16xf32>
          tpu.vector_store %arg11[%swap3A_1283, %swap3A_1284], %swap3A_1287 {strides = array<i32>} : memref<128x128xf32, #tpu.memory_space<vmem>>, vector<1x16xf32>,
          %broadcast_in_dim3A_1288 = arith.constant 12 : i32
          %broadcast_in_dim3A_1289 = vector.broadcast %broadcast_in_dim3A_1288 : i32 to vector<16xi32>
          %lt3A_1290 = arith.constant 0 : i32
          %lt3A_1291 = vector.broadcast %lt3A_1290 : i32 to vector<16xi32>
          %lt3A_1292 = arith.cmpi slt, %broadcast_in_dim3A_1289, %lt3A_1291 : vector<16xi32>
          %add3A_1293 = arith.constant 16 : i32
          %add3A_1294 = vector.broadcast %add3A_1293 : i32 to vector<16xi32>
          %add3A_1295 = arith.addi %broadcast_in_dim3A_1289, %add3A_1294 : vector<16xi32>
          %select_n3A_1296 = arith.select %lt3A_1292, %add3A_1295, %broadcast_in_dim3A_1289 : vector<16xi1>, vector<16xi32>
          %broadcast_in_dim3A_1297 = vector.shape_cast %select_n3A_1296 : vector<16xi32> to vector<16x1xi32>
          %gather3A_1298 = vector.shape_cast %broadcast_in_dim3A_1297 : vector<16x1xi32> to vector<16xi32>
          %gather3A_1299 = tpu.dynamic_gather %get3A_138[%gather3A_1298] in [0] : vector<16xf32>, vector<16xi32> -> vector<16xf32>
          %mul3A_1300 = arith.constant 16 : i32
          %mul3A_1301 = arith.muli %scan3A_132, %mul3A_1300 : i32
          %add3A_1302 = arith.constant 12 : i32
          %add3A_1303 = arith.addi %mul3A_1301, %add3A_1302 : i32
          %get3A_1304 = arith.index_cast %add3A_1303 : i32 to index
          %get3A_1305 = arith.constant 0 : index
          %get3A_1306 = tpu.vector_load %arg11[%get3A_1304, %get3A_1305] {strides = array<i32>} : memref<128x128xf32, #tpu.memory_space<vmem>>, vector<1x16xf32>,
          %get3A_1307 = vector.shape_cast %get3A_1306 : vector<1x16xf32> to vector<16xf32>
          %mul3A_1308 = arith.mulf %get3A_1307, %gather3A_1299 : vector<16xf32>
          %swap3A_1309 = arith.index_cast %add3A_1303 : i32 to index
          %swap3A_1310 = arith.constant 0 : index
          %swap3A_1311 = tpu.vector_load %arg11[%swap3A_1309, %swap3A_1310] {strides = array<i32>} : memref<128x128xf32, #tpu.memory_space<vmem>>, vector<1x16xf32>,
          %swap3A_1312 = vector.shape_cast %swap3A_1311 : vector<1x16xf32> to vector<16xf32>
          %swap3A_1313 = vector.shape_cast %mul3A_1308 : vector<16xf32> to vector<1x16xf32>
          tpu.vector_store %arg11[%swap3A_1309, %swap3A_1310], %swap3A_1313 {strides = array<i32>} : memref<128x128xf32, #tpu.memory_space<vmem>>, vector<1x16xf32>,
          %get3A_1314 = arith.index_cast %add3A_1303 : i32 to index
          %get3A_1315 = arith.constant 16 : index
          %get3A_1316 = tpu.vector_load %arg11[%get3A_1314, %get3A_1315] {strides = array<i32>} : memref<128x128xf32, #tpu.memory_space<vmem>>, vector<1x16xf32>,
          %get3A_1317 = vector.shape_cast %get3A_1316 : vector<1x16xf32> to vector<16xf32>
          %mul3A_1318 = arith.mulf %get3A_1317, %gather3A_1299 : vector<16xf32>
          %swap3A_1319 = arith.index_cast %add3A_1303 : i32 to index
          %swap3A_1320 = arith.constant 16 : index
          %swap3A_1321 = tpu.vector_load %arg11[%swap3A_1319, %swap3A_1320] {strides = array<i32>} : memref<128x128xf32, #tpu.memory_space<vmem>>, vector<1x16xf32>,
          %swap3A_1322 = vector.shape_cast %swap3A_1321 : vector<1x16xf32> to vector<16xf32>
          %swap3A_1323 = vector.shape_cast %mul3A_1318 : vector<16xf32> to vector<1x16xf32>
          tpu.vector_store %arg11[%swap3A_1319, %swap3A_1320], %swap3A_1323 {strides = array<i32>} : memref<128x128xf32, #tpu.memory_space<vmem>>, vector<1x16xf32>,
          %get3A_1324 = arith.index_cast %add3A_1303 : i32 to index
          %get3A_1325 = arith.constant 32 : index
          %get3A_1326 = tpu.vector_load %arg11[%get3A_1324, %get3A_1325] {strides = array<i32>} : memref<128x128xf32, #tpu.memory_space<vmem>>, vector<1x16xf32>,
          %get3A_1327 = vector.shape_cast %get3A_1326 : vector<1x16xf32> to vector<16xf32>
          %mul3A_1328 = arith.mulf %get3A_1327, %gather3A_1299 : vector<16xf32>
          %swap3A_1329 = arith.index_cast %add3A_1303 : i32 to index
          %swap3A_1330 = arith.constant 32 : index
          %swap3A_1331 = tpu.vector_load %arg11[%swap3A_1329, %swap3A_1330] {strides = array<i32>} : memref<128x128xf32, #tpu.memory_space<vmem>>, vector<1x16xf32>,
          %swap3A_1332 = vector.shape_cast %swap3A_1331 : vector<1x16xf32> to vector<16xf32>
          %swap3A_1333 = vector.shape_cast %mul3A_1328 : vector<16xf32> to vector<1x16xf32>
          tpu.vector_store %arg11[%swap3A_1329, %swap3A_1330], %swap3A_1333 {strides = array<i32>} : memref<128x128xf32, #tpu.memory_space<vmem>>, vector<1x16xf32>,
          %get3A_1334 = arith.index_cast %add3A_1303 : i32 to index
          %get3A_1335 = arith.constant 48 : index
          %get3A_1336 = tpu.vector_load %arg11[%get3A_1334, %get3A_1335] {strides = array<i32>} : memref<128x128xf32, #tpu.memory_space<vmem>>, vector<1x16xf32>,
          %get3A_1337 = vector.shape_cast %get3A_1336 : vector<1x16xf32> to vector<16xf32>
          %mul3A_1338 = arith.mulf %get3A_1337, %gather3A_1299 : vector<16xf32>
          %swap3A_1339 = arith.index_cast %add3A_1303 : i32 to index
          %swap3A_1340 = arith.constant 48 : index
          %swap3A_1341 = tpu.vector_load %arg11[%swap3A_1339, %swap3A_1340] {strides = array<i32>} : memref<128x128xf32, #tpu.memory_space<vmem>>, vector<1x16xf32>,
          %swap3A_1342 = vector.shape_cast %swap3A_1341 : vector<1x16xf32> to vector<16xf32>
          %swap3A_1343 = vector.shape_cast %mul3A_1338 : vector<16xf32> to vector<1x16xf32>
          tpu.vector_store %arg11[%swap3A_1339, %swap3A_1340], %swap3A_1343 {strides = array<i32>} : memref<128x128xf32, #tpu.memory_space<vmem>>, vector<1x16xf32>,
          %get3A_1344 = arith.index_cast %add3A_1303 : i32 to index
          %get3A_1345 = arith.constant 64 : index
          %get3A_1346 = tpu.vector_load %arg11[%get3A_1344, %get3A_1345] {strides = array<i32>} : memref<128x128xf32, #tpu.memory_space<vmem>>, vector<1x16xf32>,
          %get3A_1347 = vector.shape_cast %get3A_1346 : vector<1x16xf32> to vector<16xf32>
          %mul3A_1348 = arith.mulf %get3A_1347, %gather3A_1299 : vector<16xf32>
          %swap3A_1349 = arith.index_cast %add3A_1303 : i32 to index
          %swap3A_1350 = arith.constant 64 : index
          %swap3A_1351 = tpu.vector_load %arg11[%swap3A_1349, %swap3A_1350] {strides = array<i32>} : memref<128x128xf32, #tpu.memory_space<vmem>>, vector<1x16xf32>,
          %swap3A_1352 = vector.shape_cast %swap3A_1351 : vector<1x16xf32> to vector<16xf32>
          %swap3A_1353 = vector.shape_cast %mul3A_1348 : vector<16xf32> to vector<1x16xf32>
          tpu.vector_store %arg11[%swap3A_1349, %swap3A_1350], %swap3A_1353 {strides = array<i32>} : memref<128x128xf32, #tpu.memory_space<vmem>>, vector<1x16xf32>,
          %get3A_1354 = arith.index_cast %add3A_1303 : i32 to index
          %get3A_1355 = arith.constant 80 : index
          %get3A_1356 = tpu.vector_load %arg11[%get3A_1354, %get3A_1355] {strides = array<i32>} : memref<128x128xf32, #tpu.memory_space<vmem>>, vector<1x16xf32>,
          %get3A_1357 = vector.shape_cast %get3A_1356 : vector<1x16xf32> to vector<16xf32>
          %mul3A_1358 = arith.mulf %get3A_1357, %gather3A_1299 : vector<16xf32>
          %swap3A_1359 = arith.index_cast %add3A_1303 : i32 to index
          %swap3A_1360 = arith.constant 80 : index
          %swap3A_1361 = tpu.vector_load %arg11[%swap3A_1359, %swap3A_1360] {strides = array<i32>} : memref<128x128xf32, #tpu.memory_space<vmem>>, vector<1x16xf32>,
          %swap3A_1362 = vector.shape_cast %swap3A_1361 : vector<1x16xf32> to vector<16xf32>
          %swap3A_1363 = vector.shape_cast %mul3A_1358 : vector<16xf32> to vector<1x16xf32>
          tpu.vector_store %arg11[%swap3A_1359, %swap3A_1360], %swap3A_1363 {strides = array<i32>} : memref<128x128xf32, #tpu.memory_space<vmem>>, vector<1x16xf32>,
          %get3A_1364 = arith.index_cast %add3A_1303 : i32 to index
          %get3A_1365 = arith.constant 96 : index
          %get3A_1366 = tpu.vector_load %arg11[%get3A_1364, %get3A_1365] {strides = array<i32>} : memref<128x128xf32, #tpu.memory_space<vmem>>, vector<1x16xf32>,
          %get3A_1367 = vector.shape_cast %get3A_1366 : vector<1x16xf32> to vector<16xf32>
          %mul3A_1368 = arith.mulf %get3A_1367, %gather3A_1299 : vector<16xf32>
          %swap3A_1369 = arith.index_cast %add3A_1303 : i32 to index
          %swap3A_1370 = arith.constant 96 : index
          %swap3A_1371 = tpu.vector_load %arg11[%swap3A_1369, %swap3A_1370] {strides = array<i32>} : memref<128x128xf32, #tpu.memory_space<vmem>>, vector<1x16xf32>,
          %swap3A_1372 = vector.shape_cast %swap3A_1371 : vector<1x16xf32> to vector<16xf32>
          %swap3A_1373 = vector.shape_cast %mul3A_1368 : vector<16xf32> to vector<1x16xf32>
          tpu.vector_store %arg11[%swap3A_1369, %swap3A_1370], %swap3A_1373 {strides = array<i32>} : memref<128x128xf32, #tpu.memory_space<vmem>>, vector<1x16xf32>,
          %get3A_1374 = arith.index_cast %add3A_1303 : i32 to index
          %get3A_1375 = arith.constant 112 : index
          %get3A_1376 = tpu.vector_load %arg11[%get3A_1374, %get3A_1375] {strides = array<i32>} : memref<128x128xf32, #tpu.memory_space<vmem>>, vector<1x16xf32>,
          %get3A_1377 = vector.shape_cast %get3A_1376 : vector<1x16xf32> to vector<16xf32>
          %mul3A_1378 = arith.mulf %get3A_1377, %gather3A_1299 : vector<16xf32>
          %swap3A_1379 = arith.index_cast %add3A_1303 : i32 to index
          %swap3A_1380 = arith.constant 112 : index
          %swap3A_1381 = tpu.vector_load %arg11[%swap3A_1379, %swap3A_1380] {strides = array<i32>} : memref<128x128xf32, #tpu.memory_space<vmem>>, vector<1x16xf32>,
          %swap3A_1382 = vector.shape_cast %swap3A_1381 : vector<1x16xf32> to vector<16xf32>
          %swap3A_1383 = vector.shape_cast %mul3A_1378 : vector<16xf32> to vector<1x16xf32>
          tpu.vector_store %arg11[%swap3A_1379, %swap3A_1380], %swap3A_1383 {strides = array<i32>} : memref<128x128xf32, #tpu.memory_space<vmem>>, vector<1x16xf32>,
          %broadcast_in_dim3A_1384 = arith.constant 13 : i32
          %broadcast_in_dim3A_1385 = vector.broadcast %broadcast_in_dim3A_1384 : i32 to vector<16xi32>
          %lt3A_1386 = arith.constant 0 : i32
          %lt3A_1387 = vector.broadcast %lt3A_1386 : i32 to vector<16xi32>
          %lt3A_1388 = arith.cmpi slt, %broadcast_in_dim3A_1385, %lt3A_1387 : vector<16xi32>
          %add3A_1389 = arith.constant 16 : i32
          %add3A_1390 = vector.broadcast %add3A_1389 : i32 to vector<16xi32>
          %add3A_1391 = arith.addi %broadcast_in_dim3A_1385, %add3A_1390 : vector<16xi32>
          %select_n3A_1392 = arith.select %lt3A_1388, %add3A_1391, %broadcast_in_dim3A_1385 : vector<16xi1>, vector<16xi32>
          %broadcast_in_dim3A_1393 = vector.shape_cast %select_n3A_1392 : vector<16xi32> to vector<16x1xi32>
          %gather3A_1394 = vector.shape_cast %broadcast_in_dim3A_1393 : vector<16x1xi32> to vector<16xi32>
          %gather3A_1395 = tpu.dynamic_gather %get3A_138[%gather3A_1394] in [0] : vector<16xf32>, vector<16xi32> -> vector<16xf32>
          %mul3A_1396 = arith.constant 16 : i32
          %mul3A_1397 = arith.muli %scan3A_132, %mul3A_1396 : i32
          %add3A_1398 = arith.constant 13 : i32
          %add3A_1399 = arith.addi %mul3A_1397, %add3A_1398 : i32
          %get3A_1400 = arith.index_cast %add3A_1399 : i32 to index
          %get3A_1401 = arith.constant 0 : index
          %get3A_1402 = tpu.vector_load %arg11[%get3A_1400, %get3A_1401] {strides = array<i32>} : memref<128x128xf32, #tpu.memory_space<vmem>>, vector<1x16xf32>,
          %get3A_1403 = vector.shape_cast %get3A_1402 : vector<1x16xf32> to vector<16xf32>
          %mul3A_1404 = arith.mulf %get3A_1403, %gather3A_1395 : vector<16xf32>
          %swap3A_1405 = arith.index_cast %add3A_1399 : i32 to index
          %swap3A_1406 = arith.constant 0 : index
          %swap3A_1407 = tpu.vector_load %arg11[%swap3A_1405, %swap3A_1406] {strides = array<i32>} : memref<128x128xf32, #tpu.memory_space<vmem>>, vector<1x16xf32>,
          %swap3A_1408 = vector.shape_cast %swap3A_1407 : vector<1x16xf32> to vector<16xf32>
          %swap3A_1409 = vector.shape_cast %mul3A_1404 : vector<16xf32> to vector<1x16xf32>
          tpu.vector_store %arg11[%swap3A_1405, %swap3A_1406], %swap3A_1409 {strides = array<i32>} : memref<128x128xf32, #tpu.memory_space<vmem>>, vector<1x16xf32>,
          %get3A_1410 = arith.index_cast %add3A_1399 : i32 to index
          %get3A_1411 = arith.constant 16 : index
          %get3A_1412 = tpu.vector_load %arg11[%get3A_1410, %get3A_1411] {strides = array<i32>} : memref<128x128xf32, #tpu.memory_space<vmem>>, vector<1x16xf32>,
          %get3A_1413 = vector.shape_cast %get3A_1412 : vector<1x16xf32> to vector<16xf32>
          %mul3A_1414 = arith.mulf %get3A_1413, %gather3A_1395 : vector<16xf32>
          %swap3A_1415 = arith.index_cast %add3A_1399 : i32 to index
          %swap3A_1416 = arith.constant 16 : index
          %swap3A_1417 = tpu.vector_load %arg11[%swap3A_1415, %swap3A_1416] {strides = array<i32>} : memref<128x128xf32, #tpu.memory_space<vmem>>, vector<1x16xf32>,
          %swap3A_1418 = vector.shape_cast %swap3A_1417 : vector<1x16xf32> to vector<16xf32>
          %swap3A_1419 = vector.shape_cast %mul3A_1414 : vector<16xf32> to vector<1x16xf32>
          tpu.vector_store %arg11[%swap3A_1415, %swap3A_1416], %swap3A_1419 {strides = array<i32>} : memref<128x128xf32, #tpu.memory_space<vmem>>, vector<1x16xf32>,
          %get3A_1420 = arith.index_cast %add3A_1399 : i32 to index
          %get3A_1421 = arith.constant 32 : index
          %get3A_1422 = tpu.vector_load %arg11[%get3A_1420, %get3A_1421] {strides = array<i32>} : memref<128x128xf32, #tpu.memory_space<vmem>>, vector<1x16xf32>,
          %get3A_1423 = vector.shape_cast %get3A_1422 : vector<1x16xf32> to vector<16xf32>
          %mul3A_1424 = arith.mulf %get3A_1423, %gather3A_1395 : vector<16xf32>
          %swap3A_1425 = arith.index_cast %add3A_1399 : i32 to index
          %swap3A_1426 = arith.constant 32 : index
          %swap3A_1427 = tpu.vector_load %arg11[%swap3A_1425, %swap3A_1426] {strides = array<i32>} : memref<128x128xf32, #tpu.memory_space<vmem>>, vector<1x16xf32>,
          %swap3A_1428 = vector.shape_cast %swap3A_1427 : vector<1x16xf32> to vector<16xf32>
          %swap3A_1429 = vector.shape_cast %mul3A_1424 : vector<16xf32> to vector<1x16xf32>
          tpu.vector_store %arg11[%swap3A_1425, %swap3A_1426], %swap3A_1429 {strides = array<i32>} : memref<128x128xf32, #tpu.memory_space<vmem>>, vector<1x16xf32>,
          %get3A_1430 = arith.index_cast %add3A_1399 : i32 to index
          %get3A_1431 = arith.constant 48 : index
          %get3A_1432 = tpu.vector_load %arg11[%get3A_1430, %get3A_1431] {strides = array<i32>} : memref<128x128xf32, #tpu.memory_space<vmem>>, vector<1x16xf32>,
          %get3A_1433 = vector.shape_cast %get3A_1432 : vector<1x16xf32> to vector<16xf32>
          %mul3A_1434 = arith.mulf %get3A_1433, %gather3A_1395 : vector<16xf32>
          %swap3A_1435 = arith.index_cast %add3A_1399 : i32 to index
          %swap3A_1436 = arith.constant 48 : index
          %swap3A_1437 = tpu.vector_load %arg11[%swap3A_1435, %swap3A_1436] {strides = array<i32>} : memref<128x128xf32, #tpu.memory_space<vmem>>, vector<1x16xf32>,
          %swap3A_1438 = vector.shape_cast %swap3A_1437 : vector<1x16xf32> to vector<16xf32>
          %swap3A_1439 = vector.shape_cast %mul3A_1434 : vector<16xf32> to vector<1x16xf32>
          tpu.vector_store %arg11[%swap3A_1435, %swap3A_1436], %swap3A_1439 {strides = array<i32>} : memref<128x128xf32, #tpu.memory_space<vmem>>, vector<1x16xf32>,
          %get3A_1440 = arith.index_cast %add3A_1399 : i32 to index
          %get3A_1441 = arith.constant 64 : index
          %get3A_1442 = tpu.vector_load %arg11[%get3A_1440, %get3A_1441] {strides = array<i32>} : memref<128x128xf32, #tpu.memory_space<vmem>>, vector<1x16xf32>,
          %get3A_1443 = vector.shape_cast %get3A_1442 : vector<1x16xf32> to vector<16xf32>
          %mul3A_1444 = arith.mulf %get3A_1443, %gather3A_1395 : vector<16xf32>
          %swap3A_1445 = arith.index_cast %add3A_1399 : i32 to index
          %swap3A_1446 = arith.constant 64 : index
          %swap3A_1447 = tpu.vector_load %arg11[%swap3A_1445, %swap3A_1446] {strides = array<i32>} : memref<128x128xf32, #tpu.memory_space<vmem>>, vector<1x16xf32>,
          %swap3A_1448 = vector.shape_cast %swap3A_1447 : vector<1x16xf32> to vector<16xf32>
          %swap3A_1449 = vector.shape_cast %mul3A_1444 : vector<16xf32> to vector<1x16xf32>
          tpu.vector_store %arg11[%swap3A_1445, %swap3A_1446], %swap3A_1449 {strides = array<i32>} : memref<128x128xf32, #tpu.memory_space<vmem>>, vector<1x16xf32>,
          %get3A_1450 = arith.index_cast %add3A_1399 : i32 to index
          %get3A_1451 = arith.constant 80 : index
          %get3A_1452 = tpu.vector_load %arg11[%get3A_1450, %get3A_1451] {strides = array<i32>} : memref<128x128xf32, #tpu.memory_space<vmem>>, vector<1x16xf32>,
          %get3A_1453 = vector.shape_cast %get3A_1452 : vector<1x16xf32> to vector<16xf32>
          %mul3A_1454 = arith.mulf %get3A_1453, %gather3A_1395 : vector<16xf32>
          %swap3A_1455 = arith.index_cast %add3A_1399 : i32 to index
          %swap3A_1456 = arith.constant 80 : index
          %swap3A_1457 = tpu.vector_load %arg11[%swap3A_1455, %swap3A_1456] {strides = array<i32>} : memref<128x128xf32, #tpu.memory_space<vmem>>, vector<1x16xf32>,
          %swap3A_1458 = vector.shape_cast %swap3A_1457 : vector<1x16xf32> to vector<16xf32>
          %swap3A_1459 = vector.shape_cast %mul3A_1454 : vector<16xf32> to vector<1x16xf32>
          tpu.vector_store %arg11[%swap3A_1455, %swap3A_1456], %swap3A_1459 {strides = array<i32>} : memref<128x128xf32, #tpu.memory_space<vmem>>, vector<1x16xf32>,
          %get3A_1460 = arith.index_cast %add3A_1399 : i32 to index
          %get3A_1461 = arith.constant 96 : index
          %get3A_1462 = tpu.vector_load %arg11[%get3A_1460, %get3A_1461] {strides = array<i32>} : memref<128x128xf32, #tpu.memory_space<vmem>>, vector<1x16xf32>,
          %get3A_1463 = vector.shape_cast %get3A_1462 : vector<1x16xf32> to vector<16xf32>
          %mul3A_1464 = arith.mulf %get3A_1463, %gather3A_1395 : vector<16xf32>
          %swap3A_1465 = arith.index_cast %add3A_1399 : i32 to index
          %swap3A_1466 = arith.constant 96 : index
          %swap3A_1467 = tpu.vector_load %arg11[%swap3A_1465, %swap3A_1466] {strides = array<i32>} : memref<128x128xf32, #tpu.memory_space<vmem>>, vector<1x16xf32>,
          %swap3A_1468 = vector.shape_cast %swap3A_1467 : vector<1x16xf32> to vector<16xf32>
          %swap3A_1469 = vector.shape_cast %mul3A_1464 : vector<16xf32> to vector<1x16xf32>
          tpu.vector_store %arg11[%swap3A_1465, %swap3A_1466], %swap3A_1469 {strides = array<i32>} : memref<128x128xf32, #tpu.memory_space<vmem>>, vector<1x16xf32>,
          %get3A_1470 = arith.index_cast %add3A_1399 : i32 to index
          %get3A_1471 = arith.constant 112 : index
          %get3A_1472 = tpu.vector_load %arg11[%get3A_1470, %get3A_1471] {strides = array<i32>} : memref<128x128xf32, #tpu.memory_space<vmem>>, vector<1x16xf32>,
          %get3A_1473 = vector.shape_cast %get3A_1472 : vector<1x16xf32> to vector<16xf32>
          %mul3A_1474 = arith.mulf %get3A_1473, %gather3A_1395 : vector<16xf32>
          %swap3A_1475 = arith.index_cast %add3A_1399 : i32 to index
          %swap3A_1476 = arith.constant 112 : index
          %swap3A_1477 = tpu.vector_load %arg11[%swap3A_1475, %swap3A_1476] {strides = array<i32>} : memref<128x128xf32, #tpu.memory_space<vmem>>, vector<1x16xf32>,
          %swap3A_1478 = vector.shape_cast %swap3A_1477 : vector<1x16xf32> to vector<16xf32>
          %swap3A_1479 = vector.shape_cast %mul3A_1474 : vector<16xf32> to vector<1x16xf32>
          tpu.vector_store %arg11[%swap3A_1475, %swap3A_1476], %swap3A_1479 {strides = array<i32>} : memref<128x128xf32, #tpu.memory_space<vmem>>, vector<1x16xf32>,
          %broadcast_in_dim3A_1480 = arith.constant 14 : i32
          %broadcast_in_dim3A_1481 = vector.broadcast %broadcast_in_dim3A_1480 : i32 to vector<16xi32>
          %lt3A_1482 = arith.constant 0 : i32
          %lt3A_1483 = vector.broadcast %lt3A_1482 : i32 to vector<16xi32>
          %lt3A_1484 = arith.cmpi slt, %broadcast_in_dim3A_1481, %lt3A_1483 : vector<16xi32>
          %add3A_1485 = arith.constant 16 : i32
          %add3A_1486 = vector.broadcast %add3A_1485 : i32 to vector<16xi32>
          %add3A_1487 = arith.addi %broadcast_in_dim3A_1481, %add3A_1486 : vector<16xi32>
          %select_n3A_1488 = arith.select %lt3A_1484, %add3A_1487, %broadcast_in_dim3A_1481 : vector<16xi1>, vector<16xi32>
          %broadcast_in_dim3A_1489 = vector.shape_cast %select_n3A_1488 : vector<16xi32> to vector<16x1xi32>
          %gather3A_1490 = vector.shape_cast %broadcast_in_dim3A_1489 : vector<16x1xi32> to vector<16xi32>
          %gather3A_1491 = tpu.dynamic_gather %get3A_138[%gather3A_1490] in [0] : vector<16xf32>, vector<16xi32> -> vector<16xf32>
          %mul3A_1492 = arith.constant 16 : i32
          %mul3A_1493 = arith.muli %scan3A_132, %mul3A_1492 : i32
          %add3A_1494 = arith.constant 14 : i32
          %add3A_1495 = arith.addi %mul3A_1493, %add3A_1494 : i32
          %get3A_1496 = arith.index_cast %add3A_1495 : i32 to index
          %get3A_1497 = arith.constant 0 : index
          %get3A_1498 = tpu.vector_load %arg11[%get3A_1496, %get3A_1497] {strides = array<i32>} : memref<128x128xf32, #tpu.memory_space<vmem>>, vector<1x16xf32>,
          %get3A_1499 = vector.shape_cast %get3A_1498 : vector<1x16xf32> to vector<16xf32>
          %mul3A_1500 = arith.mulf %get3A_1499, %gather3A_1491 : vector<16xf32>
          %swap3A_1501 = arith.index_cast %add3A_1495 : i32 to index
          %swap3A_1502 = arith.constant 0 : index
          %swap3A_1503 = tpu.vector_load %arg11[%swap3A_1501, %swap3A_1502] {strides = array<i32>} : memref<128x128xf32, #tpu.memory_space<vmem>>, vector<1x16xf32>,
          %swap3A_1504 = vector.shape_cast %swap3A_1503 : vector<1x16xf32> to vector<16xf32>
          %swap3A_1505 = vector.shape_cast %mul3A_1500 : vector<16xf32> to vector<1x16xf32>
          tpu.vector_store %arg11[%swap3A_1501, %swap3A_1502], %swap3A_1505 {strides = array<i32>} : memref<128x128xf32, #tpu.memory_space<vmem>>, vector<1x16xf32>,
          %get3A_1506 = arith.index_cast %add3A_1495 : i32 to index
          %get3A_1507 = arith.constant 16 : index
          %get3A_1508 = tpu.vector_load %arg11[%get3A_1506, %get3A_1507] {strides = array<i32>} : memref<128x128xf32, #tpu.memory_space<vmem>>, vector<1x16xf32>,
          %get3A_1509 = vector.shape_cast %get3A_1508 : vector<1x16xf32> to vector<16xf32>
          %mul3A_1510 = arith.mulf %get3A_1509, %gather3A_1491 : vector<16xf32>
          %swap3A_1511 = arith.index_cast %add3A_1495 : i32 to index
          %swap3A_1512 = arith.constant 16 : index
          %swap3A_1513 = tpu.vector_load %arg11[%swap3A_1511, %swap3A_1512] {strides = array<i32>} : memref<128x128xf32, #tpu.memory_space<vmem>>, vector<1x16xf32>,
          %swap3A_1514 = vector.shape_cast %swap3A_1513 : vector<1x16xf32> to vector<16xf32>
          %swap3A_1515 = vector.shape_cast %mul3A_1510 : vector<16xf32> to vector<1x16xf32>
          tpu.vector_store %arg11[%swap3A_1511, %swap3A_1512], %swap3A_1515 {strides = array<i32>} : memref<128x128xf32, #tpu.memory_space<vmem>>, vector<1x16xf32>,
          %get3A_1516 = arith.index_cast %add3A_1495 : i32 to index
          %get3A_1517 = arith.constant 32 : index
          %get3A_1518 = tpu.vector_load %arg11[%get3A_1516, %get3A_1517] {strides = array<i32>} : memref<128x128xf32, #tpu.memory_space<vmem>>, vector<1x16xf32>,
          %get3A_1519 = vector.shape_cast %get3A_1518 : vector<1x16xf32> to vector<16xf32>
          %mul3A_1520 = arith.mulf %get3A_1519, %gather3A_1491 : vector<16xf32>
          %swap3A_1521 = arith.index_cast %add3A_1495 : i32 to index
          %swap3A_1522 = arith.constant 32 : index
          %swap3A_1523 = tpu.vector_load %arg11[%swap3A_1521, %swap3A_1522] {strides = array<i32>} : memref<128x128xf32, #tpu.memory_space<vmem>>, vector<1x16xf32>,
          %swap3A_1524 = vector.shape_cast %swap3A_1523 : vector<1x16xf32> to vector<16xf32>
          %swap3A_1525 = vector.shape_cast %mul3A_1520 : vector<16xf32> to vector<1x16xf32>
          tpu.vector_store %arg11[%swap3A_1521, %swap3A_1522], %swap3A_1525 {strides = array<i32>} : memref<128x128xf32, #tpu.memory_space<vmem>>, vector<1x16xf32>,
          %get3A_1526 = arith.index_cast %add3A_1495 : i32 to index
          %get3A_1527 = arith.constant 48 : index
          %get3A_1528 = tpu.vector_load %arg11[%get3A_1526, %get3A_1527] {strides = array<i32>} : memref<128x128xf32, #tpu.memory_space<vmem>>, vector<1x16xf32>,
          %get3A_1529 = vector.shape_cast %get3A_1528 : vector<1x16xf32> to vector<16xf32>
          %mul3A_1530 = arith.mulf %get3A_1529, %gather3A_1491 : vector<16xf32>
          %swap3A_1531 = arith.index_cast %add3A_1495 : i32 to index
          %swap3A_1532 = arith.constant 48 : index
          %swap3A_1533 = tpu.vector_load %arg11[%swap3A_1531, %swap3A_1532] {strides = array<i32>} : memref<128x128xf32, #tpu.memory_space<vmem>>, vector<1x16xf32>,
          %swap3A_1534 = vector.shape_cast %swap3A_1533 : vector<1x16xf32> to vector<16xf32>
          %swap3A_1535 = vector.shape_cast %mul3A_1530 : vector<16xf32> to vector<1x16xf32>
          tpu.vector_store %arg11[%swap3A_1531, %swap3A_1532], %swap3A_1535 {strides = array<i32>} : memref<128x128xf32, #tpu.memory_space<vmem>>, vector<1x16xf32>,
          %get3A_1536 = arith.index_cast %add3A_1495 : i32 to index
          %get3A_1537 = arith.constant 64 : index
          %get3A_1538 = tpu.vector_load %arg11[%get3A_1536, %get3A_1537] {strides = array<i32>} : memref<128x128xf32, #tpu.memory_space<vmem>>, vector<1x16xf32>,
          %get3A_1539 = vector.shape_cast %get3A_1538 : vector<1x16xf32> to vector<16xf32>
          %mul3A_1540 = arith.mulf %get3A_1539, %gather3A_1491 : vector<16xf32>
          %swap3A_1541 = arith.index_cast %add3A_1495 : i32 to index
          %swap3A_1542 = arith.constant 64 : index
          %swap3A_1543 = tpu.vector_load %arg11[%swap3A_1541, %swap3A_1542] {strides = array<i32>} : memref<128x128xf32, #tpu.memory_space<vmem>>, vector<1x16xf32>,
          %swap3A_1544 = vector.shape_cast %swap3A_1543 : vector<1x16xf32> to vector<16xf32>
          %swap3A_1545 = vector.shape_cast %mul3A_1540 : vector<16xf32> to vector<1x16xf32>
          tpu.vector_store %arg11[%swap3A_1541, %swap3A_1542], %swap3A_1545 {strides = array<i32>} : memref<128x128xf32, #tpu.memory_space<vmem>>, vector<1x16xf32>,
          %get3A_1546 = arith.index_cast %add3A_1495 : i32 to index
          %get3A_1547 = arith.constant 80 : index
          %get3A_1548 = tpu.vector_load %arg11[%get3A_1546, %get3A_1547] {strides = array<i32>} : memref<128x128xf32, #tpu.memory_space<vmem>>, vector<1x16xf32>,
          %get3A_1549 = vector.shape_cast %get3A_1548 : vector<1x16xf32> to vector<16xf32>
          %mul3A_1550 = arith.mulf %get3A_1549, %gather3A_1491 : vector<16xf32>
          %swap3A_1551 = arith.index_cast %add3A_1495 : i32 to index
          %swap3A_1552 = arith.constant 80 : index
          %swap3A_1553 = tpu.vector_load %arg11[%swap3A_1551, %swap3A_1552] {strides = array<i32>} : memref<128x128xf32, #tpu.memory_space<vmem>>, vector<1x16xf32>,
          %swap3A_1554 = vector.shape_cast %swap3A_1553 : vector<1x16xf32> to vector<16xf32>
          %swap3A_1555 = vector.shape_cast %mul3A_1550 : vector<16xf32> to vector<1x16xf32>
          tpu.vector_store %arg11[%swap3A_1551, %swap3A_1552], %swap3A_1555 {strides = array<i32>} : memref<128x128xf32, #tpu.memory_space<vmem>>, vector<1x16xf32>,
          %get3A_1556 = arith.index_cast %add3A_1495 : i32 to index
          %get3A_1557 = arith.constant 96 : index
          %get3A_1558 = tpu.vector_load %arg11[%get3A_1556, %get3A_1557] {strides = array<i32>} : memref<128x128xf32, #tpu.memory_space<vmem>>, vector<1x16xf32>,
          %get3A_1559 = vector.shape_cast %get3A_1558 : vector<1x16xf32> to vector<16xf32>
          %mul3A_1560 = arith.mulf %get3A_1559, %gather3A_1491 : vector<16xf32>
          %swap3A_1561 = arith.index_cast %add3A_1495 : i32 to index
          %swap3A_1562 = arith.constant 96 : index
          %swap3A_1563 = tpu.vector_load %arg11[%swap3A_1561, %swap3A_1562] {strides = array<i32>} : memref<128x128xf32, #tpu.memory_space<vmem>>, vector<1x16xf32>,
          %swap3A_1564 = vector.shape_cast %swap3A_1563 : vector<1x16xf32> to vector<16xf32>
          %swap3A_1565 = vector.shape_cast %mul3A_1560 : vector<16xf32> to vector<1x16xf32>
          tpu.vector_store %arg11[%swap3A_1561, %swap3A_1562], %swap3A_1565 {strides = array<i32>} : memref<128x128xf32, #tpu.memory_space<vmem>>, vector<1x16xf32>,
          %get3A_1566 = arith.index_cast %add3A_1495 : i32 to index
          %get3A_1567 = arith.constant 112 : index
          %get3A_1568 = tpu.vector_load %arg11[%get3A_1566, %get3A_1567] {strides = array<i32>} : memref<128x128xf32, #tpu.memory_space<vmem>>, vector<1x16xf32>,
          %get3A_1569 = vector.shape_cast %get3A_1568 : vector<1x16xf32> to vector<16xf32>
          %mul3A_1570 = arith.mulf %get3A_1569, %gather3A_1491 : vector<16xf32>
          %swap3A_1571 = arith.index_cast %add3A_1495 : i32 to index
          %swap3A_1572 = arith.constant 112 : index
          %swap3A_1573 = tpu.vector_load %arg11[%swap3A_1571, %swap3A_1572] {strides = array<i32>} : memref<128x128xf32, #tpu.memory_space<vmem>>, vector<1x16xf32>,
          %swap3A_1574 = vector.shape_cast %swap3A_1573 : vector<1x16xf32> to vector<16xf32>
          %swap3A_1575 = vector.shape_cast %mul3A_1570 : vector<16xf32> to vector<1x16xf32>
          tpu.vector_store %arg11[%swap3A_1571, %swap3A_1572], %swap3A_1575 {strides = array<i32>} : memref<128x128xf32, #tpu.memory_space<vmem>>, vector<1x16xf32>,
          %broadcast_in_dim3A_1576 = arith.constant 15 : i32
          %broadcast_in_dim3A_1577 = vector.broadcast %broadcast_in_dim3A_1576 : i32 to vector<16xi32>
          %lt3A_1578 = arith.constant 0 : i32
          %lt3A_1579 = vector.broadcast %lt3A_1578 : i32 to vector<16xi32>
          %lt3A_1580 = arith.cmpi slt, %broadcast_in_dim3A_1577, %lt3A_1579 : vector<16xi32>
          %add3A_1581 = arith.constant 16 : i32
          %add3A_1582 = vector.broadcast %add3A_1581 : i32 to vector<16xi32>
          %add3A_1583 = arith.addi %broadcast_in_dim3A_1577, %add3A_1582 : vector<16xi32>
          %select_n3A_1584 = arith.select %lt3A_1580, %add3A_1583, %broadcast_in_dim3A_1577 : vector<16xi1>, vector<16xi32>
          %broadcast_in_dim3A_1585 = vector.shape_cast %select_n3A_1584 : vector<16xi32> to vector<16x1xi32>
          %gather3A_1586 = vector.shape_cast %broadcast_in_dim3A_1585 : vector<16x1xi32> to vector<16xi32>
          %gather3A_1587 = tpu.dynamic_gather %get3A_138[%gather3A_1586] in [0] : vector<16xf32>, vector<16xi32> -> vector<16xf32>
          %mul3A_1588 = arith.constant 16 : i32
          %mul3A_1589 = arith.muli %scan3A_132, %mul3A_1588 : i32
          %add3A_1590 = arith.constant 15 : i32
          %add3A_1591 = arith.addi %mul3A_1589, %add3A_1590 : i32
          %get3A_1592 = arith.index_cast %add3A_1591 : i32 to index
          %get3A_1593 = arith.constant 0 : index
          %get3A_1594 = tpu.vector_load %arg11[%get3A_1592, %get3A_1593] {strides = array<i32>} : memref<128x128xf32, #tpu.memory_space<vmem>>, vector<1x16xf32>,
          %get3A_1595 = vector.shape_cast %get3A_1594 : vector<1x16xf32> to vector<16xf32>
          %mul3A_1596 = arith.mulf %get3A_1595, %gather3A_1587 : vector<16xf32>
          %swap3A_1597 = arith.index_cast %add3A_1591 : i32 to index
          %swap3A_1598 = arith.constant 0 : index
          %swap3A_1599 = tpu.vector_load %arg11[%swap3A_1597, %swap3A_1598] {strides = array<i32>} : memref<128x128xf32, #tpu.memory_space<vmem>>, vector<1x16xf32>,
          %swap3A_1600 = vector.shape_cast %swap3A_1599 : vector<1x16xf32> to vector<16xf32>
          %swap3A_1601 = vector.shape_cast %mul3A_1596 : vector<16xf32> to vector<1x16xf32>
          tpu.vector_store %arg11[%swap3A_1597, %swap3A_1598], %swap3A_1601 {strides = array<i32>} : memref<128x128xf32, #tpu.memory_space<vmem>>, vector<1x16xf32>,
          %get3A_1602 = arith.index_cast %add3A_1591 : i32 to index
          %get3A_1603 = arith.constant 16 : index
          %get3A_1604 = tpu.vector_load %arg11[%get3A_1602, %get3A_1603] {strides = array<i32>} : memref<128x128xf32, #tpu.memory_space<vmem>>, vector<1x16xf32>,
          %get3A_1605 = vector.shape_cast %get3A_1604 : vector<1x16xf32> to vector<16xf32>
          %mul3A_1606 = arith.mulf %get3A_1605, %gather3A_1587 : vector<16xf32>
          %swap3A_1607 = arith.index_cast %add3A_1591 : i32 to index
          %swap3A_1608 = arith.constant 16 : index
          %swap3A_1609 = tpu.vector_load %arg11[%swap3A_1607, %swap3A_1608] {strides = array<i32>} : memref<128x128xf32, #tpu.memory_space<vmem>>, vector<1x16xf32>,
          %swap3A_1610 = vector.shape_cast %swap3A_1609 : vector<1x16xf32> to vector<16xf32>
          %swap3A_1611 = vector.shape_cast %mul3A_1606 : vector<16xf32> to vector<1x16xf32>
          tpu.vector_store %arg11[%swap3A_1607, %swap3A_1608], %swap3A_1611 {strides = array<i32>} : memref<128x128xf32, #tpu.memory_space<vmem>>, vector<1x16xf32>,
          %get3A_1612 = arith.index_cast %add3A_1591 : i32 to index
          %get3A_1613 = arith.constant 32 : index
          %get3A_1614 = tpu.vector_load %arg11[%get3A_1612, %get3A_1613] {strides = array<i32>} : memref<128x128xf32, #tpu.memory_space<vmem>>, vector<1x16xf32>,
          %get3A_1615 = vector.shape_cast %get3A_1614 : vector<1x16xf32> to vector<16xf32>
          %mul3A_1616 = arith.mulf %get3A_1615, %gather3A_1587 : vector<16xf32>
          %swap3A_1617 = arith.index_cast %add3A_1591 : i32 to index
          %swap3A_1618 = arith.constant 32 : index
          %swap3A_1619 = tpu.vector_load %arg11[%swap3A_1617, %swap3A_1618] {strides = array<i32>} : memref<128x128xf32, #tpu.memory_space<vmem>>, vector<1x16xf32>,
          %swap3A_1620 = vector.shape_cast %swap3A_1619 : vector<1x16xf32> to vector<16xf32>
          %swap3A_1621 = vector.shape_cast %mul3A_1616 : vector<16xf32> to vector<1x16xf32>
          tpu.vector_store %arg11[%swap3A_1617, %swap3A_1618], %swap3A_1621 {strides = array<i32>} : memref<128x128xf32, #tpu.memory_space<vmem>>, vector<1x16xf32>,
          %get3A_1622 = arith.index_cast %add3A_1591 : i32 to index
          %get3A_1623 = arith.constant 48 : index
          %get3A_1624 = tpu.vector_load %arg11[%get3A_1622, %get3A_1623] {strides = array<i32>} : memref<128x128xf32, #tpu.memory_space<vmem>>, vector<1x16xf32>,
          %get3A_1625 = vector.shape_cast %get3A_1624 : vector<1x16xf32> to vector<16xf32>
          %mul3A_1626 = arith.mulf %get3A_1625, %gather3A_1587 : vector<16xf32>
          %swap3A_1627 = arith.index_cast %add3A_1591 : i32 to index
          %swap3A_1628 = arith.constant 48 : index
          %swap3A_1629 = tpu.vector_load %arg11[%swap3A_1627, %swap3A_1628] {strides = array<i32>} : memref<128x128xf32, #tpu.memory_space<vmem>>, vector<1x16xf32>,
          %swap3A_1630 = vector.shape_cast %swap3A_1629 : vector<1x16xf32> to vector<16xf32>
          %swap3A_1631 = vector.shape_cast %mul3A_1626 : vector<16xf32> to vector<1x16xf32>
          tpu.vector_store %arg11[%swap3A_1627, %swap3A_1628], %swap3A_1631 {strides = array<i32>} : memref<128x128xf32, #tpu.memory_space<vmem>>, vector<1x16xf32>,
          %get3A_1632 = arith.index_cast %add3A_1591 : i32 to index
          %get3A_1633 = arith.constant 64 : index
          %get3A_1634 = tpu.vector_load %arg11[%get3A_1632, %get3A_1633] {strides = array<i32>} : memref<128x128xf32, #tpu.memory_space<vmem>>, vector<1x16xf32>,
          %get3A_1635 = vector.shape_cast %get3A_1634 : vector<1x16xf32> to vector<16xf32>
          %mul3A_1636 = arith.mulf %get3A_1635, %gather3A_1587 : vector<16xf32>
          %swap3A_1637 = arith.index_cast %add3A_1591 : i32 to index
          %swap3A_1638 = arith.constant 64 : index
          %swap3A_1639 = tpu.vector_load %arg11[%swap3A_1637, %swap3A_1638] {strides = array<i32>} : memref<128x128xf32, #tpu.memory_space<vmem>>, vector<1x16xf32>,
          %swap3A_1640 = vector.shape_cast %swap3A_1639 : vector<1x16xf32> to vector<16xf32>
          %swap3A_1641 = vector.shape_cast %mul3A_1636 : vector<16xf32> to vector<1x16xf32>
          tpu.vector_store %arg11[%swap3A_1637, %swap3A_1638], %swap3A_1641 {strides = array<i32>} : memref<128x128xf32, #tpu.memory_space<vmem>>, vector<1x16xf32>,
          %get3A_1642 = arith.index_cast %add3A_1591 : i32 to index
          %get3A_1643 = arith.constant 80 : index
          %get3A_1644 = tpu.vector_load %arg11[%get3A_1642, %get3A_1643] {strides = array<i32>} : memref<128x128xf32, #tpu.memory_space<vmem>>, vector<1x16xf32>,
          %get3A_1645 = vector.shape_cast %get3A_1644 : vector<1x16xf32> to vector<16xf32>
          %mul3A_1646 = arith.mulf %get3A_1645, %gather3A_1587 : vector<16xf32>
          %swap3A_1647 = arith.index_cast %add3A_1591 : i32 to index
          %swap3A_1648 = arith.constant 80 : index
          %swap3A_1649 = tpu.vector_load %arg11[%swap3A_1647, %swap3A_1648] {strides = array<i32>} : memref<128x128xf32, #tpu.memory_space<vmem>>, vector<1x16xf32>,
          %swap3A_1650 = vector.shape_cast %swap3A_1649 : vector<1x16xf32> to vector<16xf32>
          %swap3A_1651 = vector.shape_cast %mul3A_1646 : vector<16xf32> to vector<1x16xf32>
          tpu.vector_store %arg11[%swap3A_1647, %swap3A_1648], %swap3A_1651 {strides = array<i32>} : memref<128x128xf32, #tpu.memory_space<vmem>>, vector<1x16xf32>,
          %get3A_1652 = arith.index_cast %add3A_1591 : i32 to index
          %get3A_1653 = arith.constant 96 : index
          %get3A_1654 = tpu.vector_load %arg11[%get3A_1652, %get3A_1653] {strides = array<i32>} : memref<128x128xf32, #tpu.memory_space<vmem>>, vector<1x16xf32>,
          %get3A_1655 = vector.shape_cast %get3A_1654 : vector<1x16xf32> to vector<16xf32>
          %mul3A_1656 = arith.mulf %get3A_1655, %gather3A_1587 : vector<16xf32>
          %swap3A_1657 = arith.index_cast %add3A_1591 : i32 to index
          %swap3A_1658 = arith.constant 96 : index
          %swap3A_1659 = tpu.vector_load %arg11[%swap3A_1657, %swap3A_1658] {strides = array<i32>} : memref<128x128xf32, #tpu.memory_space<vmem>>, vector<1x16xf32>,
          %swap3A_1660 = vector.shape_cast %swap3A_1659 : vector<1x16xf32> to vector<16xf32>
          %swap3A_1661 = vector.shape_cast %mul3A_1656 : vector<16xf32> to vector<1x16xf32>
          tpu.vector_store %arg11[%swap3A_1657, %swap3A_1658], %swap3A_1661 {strides = array<i32>} : memref<128x128xf32, #tpu.memory_space<vmem>>, vector<1x16xf32>,
          %get3A_1662 = arith.index_cast %add3A_1591 : i32 to index
          %get3A_1663 = arith.constant 112 : index
          %get3A_1664 = tpu.vector_load %arg11[%get3A_1662, %get3A_1663] {strides = array<i32>} : memref<128x128xf32, #tpu.memory_space<vmem>>, vector<1x16xf32>,
          %get3A_1665 = vector.shape_cast %get3A_1664 : vector<1x16xf32> to vector<16xf32>
          %mul3A_1666 = arith.mulf %get3A_1665, %gather3A_1587 : vector<16xf32>
          %swap3A_1667 = arith.index_cast %add3A_1591 : i32 to index
          %swap3A_1668 = arith.constant 112 : index
          %swap3A_1669 = tpu.vector_load %arg11[%swap3A_1667, %swap3A_1668] {strides = array<i32>} : memref<128x128xf32, #tpu.memory_space<vmem>>, vector<1x16xf32>,
          %swap3A_1670 = vector.shape_cast %swap3A_1669 : vector<1x16xf32> to vector<16xf32>
          %swap3A_1671 = vector.shape_cast %mul3A_1666 : vector<16xf32> to vector<1x16xf32>
          tpu.vector_store %arg11[%swap3A_1667, %swap3A_1668], %swap3A_1671 {strides = array<i32>} : memref<128x128xf32, #tpu.memory_space<vmem>>, vector<1x16xf32>,
          %scan3A_1672 = arith.constant 0 : i32
          scf.yield %scan3A_1672 : i32
        }
        %scan3A_113 = arith.constant 8 : i32
        %dma_wait3A_114 = arith.constant 0 : i32
        %dma_wait3A_115 = arith.constant 0 : i32
        %dma_wait3A_116 = tpu.memref_slice %arg8[%dma_wait3A_114, %dma_wait3A_115] : memref<32x128xi32, #tpu.memory_space<vmem>> -> memref<1x128xi32, #tpu.memory_space<vmem>>
        %dma_wait3A_117 = tpu.memref_squeeze %dma_wait3A_116 : memref<1x128xi32, #tpu.memory_space<vmem>> -> memref<128xi32, #tpu.memory_space<vmem>>
        %dma_wait3A_118 = arith.constant 0 : i32
        %dma_wait3A_119 = arith.constant 0 : i32
        %dma_wait3A_120 = tpu.memref_slice %arg12[%dma_wait3A_118, %dma_wait3A_119] : memref<10000x128xf32, #tpu.memory_space<vmem_shared>> -> memref<10000x128xf32, #tpu.memory_space<vmem_shared>>
        tpu.wait_indirect_dma semaphore(%arg15 : memref<!tpu.dma_semaphore, #tpu.memory_space<semaphore_mem>>) src(%arg10 : memref<128x128xf32, #tpu.memory_space<vmem>>) dst(%dma_wait3A_120 : memref<10000x128xf32, #tpu.memory_space<vmem_shared>>)
        %lt3A = arith.constant 15 : i32
        %lt3A_121 = arith.cmpi slt, %scan3A_62, %lt3A : i32
        %convert_element_type3A_122 = arith.extui %lt3A_121 : i1 to i32
        %cond3A_123 = arith.constant 0 : i32
        %cond3A_124 = arith.cmpi ne, %convert_element_type3A_122, %cond3A_123 : i32
        scf.if %cond3A_124 {
          %add3A_132 = arith.constant 2 : i32
          %add3A_133 = arith.addi %mul3A_65, %add3A_132 : i32
          %dma_start3A_134 = arith.constant 0 : i32
          %dma_start3A_135 = tpu.memref_slice %arg7[%add3A_133, %dma_start3A_134] : memref<32x128xi32, #tpu.memory_space<vmem>> -> memref<1x128xi32, #tpu.memory_space<vmem>>
          %dma_start3A_136 = tpu.memref_squeeze %dma_start3A_135 : memref<1x128xi32, #tpu.memory_space<vmem>> -> memref<128xi32, #tpu.memory_space<vmem>>
          %dma_start3A_137 = arith.constant 0 : i32
          %dma_start3A_138 = arith.constant 0 : i32
          %dma_start3A_139 = tpu.memref_slice %arg2[%dma_start3A_137, %dma_start3A_138] : memref<10000x128xf32, #tpu.memory_space<hbm>> -> memref<10000x128xf32, #tpu.memory_space<hbm>>
          tpu.enqueue_indirect_dma source(%dma_start3A_139 : memref<10000x128xf32, #tpu.memory_space<hbm>>) target(%arg10 : memref<128x128xf32, #tpu.memory_space<vmem>>) offsets(%dma_start3A_136 : memref<128xi32, #tpu.memory_space<vmem>>) semaphore(%arg13 : memref<!tpu.dma_semaphore, #tpu.memory_space<semaphore_mem>>)
        } else {
        }
        %dma_start3A_125 = arith.constant 0 : i32
        %dma_start3A_126 = tpu.memref_slice %arg8[%add3A_69, %dma_start3A_125] : memref<32x128xi32, #tpu.memory_space<vmem>> -> memref<1x128xi32, #tpu.memory_space<vmem>>
        %dma_start3A_127 = tpu.memref_squeeze %dma_start3A_126 : memref<1x128xi32, #tpu.memory_space<vmem>> -> memref<128xi32, #tpu.memory_space<vmem>>
        %dma_start3A_128 = arith.constant 0 : i32
        %dma_start3A_129 = arith.constant 0 : i32
        %dma_start3A_130 = tpu.memref_slice %arg12[%dma_start3A_128, %dma_start3A_129] : memref<10000x128xf32, #tpu.memory_space<vmem_shared>> -> memref<10000x128xf32, #tpu.memory_space<vmem_shared>>
        tpu.enqueue_indirect_dma source(%arg11 : memref<128x128xf32, #tpu.memory_space<vmem>>) target(%dma_start3A_130 : memref<10000x128xf32, #tpu.memory_space<vmem_shared>>) offsets(%dma_start3A_127 : memref<128xi32, #tpu.memory_space<vmem>>) semaphore(%arg16 : memref<!tpu.dma_semaphore, #tpu.memory_space<semaphore_mem>>) {add = true}
        %scan3A_131 = arith.constant 0 : i32
        scf.yield %scan3A_131 : i32
      }
      %scan3A_54 = arith.constant 16 : i32
      %dma_wait3A = arith.constant 0 : i32
      %dma_wait3A_55 = arith.constant 0 : i32
      %dma_wait3A_56 = tpu.memref_slice %arg8[%dma_wait3A, %dma_wait3A_55] : memref<32x128xi32, #tpu.memory_space<vmem>> -> memref<1x128xi32, #tpu.memory_space<vmem>>
      %dma_wait3A_57 = tpu.memref_squeeze %dma_wait3A_56 : memref<1x128xi32, #tpu.memory_space<vmem>> -> memref<128xi32, #tpu.memory_space<vmem>>
      %dma_wait3A_58 = arith.constant 0 : i32
      %dma_wait3A_59 = arith.constant 0 : i32
      %dma_wait3A_60 = tpu.memref_slice %arg12[%dma_wait3A_58, %dma_wait3A_59] : memref<10000x128xf32, #tpu.memory_space<vmem_shared>> -> memref<10000x128xf32, #tpu.memory_space<vmem_shared>>
      tpu.wait_indirect_dma semaphore(%arg16 : memref<!tpu.dma_semaphore, #tpu.memory_space<semaphore_mem>>) src(%arg11 : memref<128x128xf32, #tpu.memory_space<vmem>>) dst(%dma_wait3A_60 : memref<10000x128xf32, #tpu.memory_space<vmem_shared>>)
      %scan3A_61 = arith.constant 0 : i32
      scf.yield %scan3A_61 : i32
    }
    %scan3A_30 = arith.constant 5 : i32
    %barrier3A_31 = arith.constant 0 : index
    tpu.barrier barrier_id(%barrier3A_31)
    "tpu.region"() ({
      %run_scoped3A = tpu.sem_alloc : memref<!tpu.dma_semaphore, #tpu.memory_space<semaphore_mem>>
      %dma_start3A = arith.constant 0 : i32
      %dma_start3A_37 = tpu.memref_slice %arg6[%arg0, %mul3A_11, %dma_start3A] : memref<2x10000x128xf32, #tpu.memory_space<hbm>> -> memref<1x624x128xf32, #tpu.memory_space<hbm>>
      %dma_start3A_38 = tpu.memref_squeeze %dma_start3A_37 : memref<1x624x128xf32, #tpu.memory_space<hbm>> -> memref<624x128xf32, #tpu.memory_space<hbm>>
      %dma_start3A_39 = arith.constant 0 : i32
      %dma_start3A_40 = tpu.memref_slice %arg12[%mul3A_11, %dma_start3A_39] : memref<10000x128xf32, #tpu.memory_space<vmem_shared>> -> memref<624x128xf32, #tpu.memory_space<vmem_shared>>
      tpu.enqueue_dma source(%dma_start3A_40 : memref<624x128xf32, #tpu.memory_space<vmem_shared>>) target(%dma_start3A_38 : memref<624x128xf32, #tpu.memory_space<hbm>>) target_semaphore(%run_scoped3A : memref<!tpu.dma_semaphore, #tpu.memory_space<semaphore_mem>>)
      %dma_wait3A = arith.constant 0 : i32
      %dma_wait3A_41 = tpu.memref_slice %arg6[%arg0, %mul3A_11, %dma_wait3A] : memref<2x10000x128xf32, #tpu.memory_space<hbm>> -> memref<1x624x128xf32, #tpu.memory_space<hbm>>
      %dma_wait3A_42 = tpu.memref_squeeze %dma_wait3A_41 : memref<1x624x128xf32, #tpu.memory_space<hbm>> -> memref<624x128xf32, #tpu.memory_space<hbm>>
      %dma_wait3A_43 = arith.constant 0 : i32
      %dma_wait3A_44 = tpu.memref_slice %arg12[%mul3A_11, %dma_wait3A_43] : memref<10000x128xf32, #tpu.memory_space<vmem_shared>> -> memref<624x128xf32, #tpu.memory_space<vmem_shared>>
      tpu.wait_dma2 semaphore(%run_scoped3A : memref<!tpu.dma_semaphore, #tpu.memory_space<semaphore_mem>>) src(%dma_wait3A_44 : memref<624x128xf32, #tpu.memory_space<vmem_shared>>) dst(%dma_wait3A_42 : memref<624x128xf32, #tpu.memory_space<hbm>>)
      tpu.yield
    }) : () -> ()
    %eq3A_32 = arith.constant 15 : i32
    %eq3A_33 = arith.cmpi eq, %arg1, %eq3A_32 : i32
    %convert_element_type3A_34 = arith.extui %eq3A_33 : i1 to i32
    %cond3A_35 = arith.constant 0 : i32
    %cond3A_36 = arith.cmpi ne, %convert_element_type3A_34, %cond3A_35 : i32
    scf.if %cond3A_36 {
      "tpu.region"() ({
        %run_scoped3A = tpu.sem_alloc : memref<!tpu.dma_semaphore, #tpu.memory_space<semaphore_mem>>
        %dma_start3A = arith.constant 9984 : i32
        %dma_start3A_37 = arith.constant 0 : i32
        %dma_start3A_38 = tpu.memref_slice %arg6[%arg0, %dma_start3A, %dma_start3A_37] : memref<2x10000x128xf32, #tpu.memory_space<hbm>> -> memref<1x16x128xf32, #tpu.memory_space<hbm>>
        %dma_start3A_39 = tpu.memref_squeeze %dma_start3A_38 : memref<1x16x128xf32, #tpu.memory_space<hbm>> -> memref<16x128xf32, #tpu.memory_space<hbm>>
        %dma_start3A_40 = arith.constant 9984 : i32
        %dma_start3A_41 = arith.constant 0 : i32
        %dma_start3A_42 = tpu.memref_slice %arg12[%dma_start3A_40, %dma_start3A_41] : memref<10000x128xf32, #tpu.memory_space<vmem_shared>> -> memref<16x128xf32, #tpu.memory_space<vmem_shared>>
        tpu.enqueue_dma source(%dma_start3A_42 : memref<16x128xf32, #tpu.memory_space<vmem_shared>>) target(%dma_start3A_39 : memref<16x128xf32, #tpu.memory_space<hbm>>) target_semaphore(%run_scoped3A : memref<!tpu.dma_semaphore, #tpu.memory_space<semaphore_mem>>)
        %dma_wait3A = arith.constant 9984 : i32
        %dma_wait3A_43 = arith.constant 0 : i32
        %dma_wait3A_44 = tpu.memref_slice %arg6[%arg0, %dma_wait3A, %dma_wait3A_43] : memref<2x10000x128xf32, #tpu.memory_space<hbm>> -> memref<1x16x128xf32, #tpu.memory_space<hbm>>
        %dma_wait3A_45 = tpu.memref_squeeze %dma_wait3A_44 : memref<1x16x128xf32, #tpu.memory_space<hbm>> -> memref<16x128xf32, #tpu.memory_space<hbm>>
        %dma_wait3A_46 = arith.constant 9984 : i32
        %dma_wait3A_47 = arith.constant 0 : i32
        %dma_wait3A_48 = tpu.memref_slice %arg12[%dma_wait3A_46, %dma_wait3A_47] : memref<10000x128xf32, #tpu.memory_space<vmem_shared>> -> memref<16x128xf32, #tpu.memory_space<vmem_shared>>
        tpu.wait_dma2 semaphore(%run_scoped3A : memref<!tpu.dma_semaphore, #tpu.memory_space<semaphore_mem>>) src(%dma_wait3A_48 : memref<16x128xf32, #tpu.memory_space<vmem_shared>>) dst(%dma_wait3A_45 : memref<16x128xf32, #tpu.memory_space<hbm>>)
        tpu.yield
      }) : () -> ()
    } else {
    }
    return
  }
}

module attributes {stable_mosaic.version = 14 : i64} {
  func.func @_mm_body(%arg0: i32, %arg1: memref<2x2000x128xf32, #tpu.memory_space<vmem>>, %arg2: memref<256x128xf32, #tpu.memory_space<vmem>>, %arg3: memref<2000x128xf32, #tpu.memory_space<vmem>>) attributes {dimension_semantics = [#tpu.dimension_semantics<arbitrary>], iteration_bounds = array<i64: 5>, scalar_prefetch = 0 : i64, scratch_operands = 0 : i64, tpu.core_type = #tpu.core_type<tc>, window_params = [{transform_indices = @transform_0, window_bounds = array<i64: 2, 2000, 128>}, {pipeline_mode = #tpu.pipeline_mode<synchronous>, transform_indices = @transform_1, window_bounds = array<i64: 256, 128>}, {transform_indices = @transform_2, window_bounds = array<i64: 2000, 128>}]} {
    %get3A = arith.constant 0 : index
    %get3A_0 = arith.constant 0 : index
    %get3A_1 = arith.constant 0 : index
    %get3A_2 = vector.load %arg1[%get3A, %get3A_0, %get3A_1] : memref<2x2000x128xf32, #tpu.memory_space<vmem>>, vector<1x2000x128xf32>
    %get3A_3 = vector.shape_cast %get3A_2 : vector<1x2000x128xf32> to vector<2000x128xf32>
    %get3A_4 = arith.constant 0 : index
    %get3A_5 = arith.constant 0 : index
    %get3A_6 = vector.load %arg2[%get3A_4, %get3A_5] : memref<256x128xf32, #tpu.memory_space<vmem>>, vector<128x128xf32>
    %dot_general3A = arith.constant dense<0.000000e+00> : vector<2000x128xf32>
    %dot_general3A_7 = tpu.matmul %get3A_3, %get3A_6, %dot_general3A {dimension_numbers = #tpu.dot_dimension_numbers<[1], [0], [0], [1], [0, 0, 1, 1], [], []>, transpose_lhs_hint = false} : vector<2000x128xf32>, vector<128x128xf32>, vector<2000x128xf32> -> vector<2000x128xf32>
    %get3A_8 = arith.constant 1 : index
    %get3A_9 = arith.constant 0 : index
    %get3A_10 = arith.constant 0 : index
    %get3A_11 = vector.load %arg1[%get3A_8, %get3A_9, %get3A_10] : memref<2x2000x128xf32, #tpu.memory_space<vmem>>, vector<1x2000x128xf32>
    %get3A_12 = vector.shape_cast %get3A_11 : vector<1x2000x128xf32> to vector<2000x128xf32>
    %get3A_13 = arith.constant 128 : index
    %get3A_14 = arith.constant 0 : index
    %get3A_15 = vector.load %arg2[%get3A_13, %get3A_14] : memref<256x128xf32, #tpu.memory_space<vmem>>, vector<128x128xf32>
    %dot_general3A_16 = arith.constant dense<0.000000e+00> : vector<2000x128xf32>
    %dot_general3A_17 = tpu.matmul %get3A_12, %get3A_15, %dot_general3A_16 {dimension_numbers = #tpu.dot_dimension_numbers<[1], [0], [0], [1], [0, 0, 1, 1], [], []>, transpose_lhs_hint = false} : vector<2000x128xf32>, vector<128x128xf32>, vector<2000x128xf32> -> vector<2000x128xf32>
    %add3A = arith.addf %dot_general3A_7, %dot_general3A_17 : vector<2000x128xf32>
    %max3A = arith.constant 0.000000e+00 : f32
    %max3A_18 = vector.broadcast %max3A : f32 to vector<2000x128xf32>
    %max3A_19 = arith.maximumf %add3A, %max3A_18 : vector<2000x128xf32>
    %swap3A = arith.constant 0 : index
    %swap3A_20 = arith.constant 0 : index
    %swap3A_21 = vector.load %arg3[%swap3A, %swap3A_20] : memref<2000x128xf32, #tpu.memory_space<vmem>>, vector<2000x128xf32>
    tpu.vector_store %arg3[%swap3A, %swap3A_20], %max3A_19 {strides = array<i32>} : memref<2000x128xf32, #tpu.memory_space<vmem>>, vector<2000x128xf32>,
    return
  }
  func.func @transform_0(%arg0: i32) -> (i32, i32, i32) {
    %c0_i32 = arith.constant 0 : i32
    %c0_i32_0 = arith.constant 0 : i32
    %c0_i32_1 = arith.constant 0 : i32
    return %c0_i32, %arg0, %c0_i32_0 : i32, i32, i32
  }
  func.func @transform_1(%arg0: i32) -> (i32, i32) {
    %c0_i32 = arith.constant 0 : i32
    %c0_i32_0 = arith.constant 0 : i32
    %c0_i32_1 = arith.constant 0 : i32
    return %c0_i32, %c0_i32_0 : i32, i32
  }
  func.func @transform_2(%arg0: i32) -> (i32, i32) {
    %c0_i32 = arith.constant 0 : i32
    %c0_i32_0 = arith.constant 0 : i32
    return %arg0, %c0_i32 : i32, i32
  }
}

</mosaic_0001>

<sc_bundles>
// kernel: kernel.4.cloned.1.call-start
scs
__scs_entry_jumppad:
0x0: {  	(pc) =	sbr.rel $0x88, $3  }
0x1: {  	(tag) =	ssettag $0x0;
	lr =	simm.s32 $0x1  }
0x2: {  	[smem:$0x3F9D] =	sst lr;
	_ =	strace $0xD0000000  }
0x3: {  	_ = 	snop  }
0x4: {  	_ = 	snop  }
0x5: {  	_ = 	snop  }
0x6: {  	_ = 	snop  }
0x7: {  	_ = 	snop  }
__scs_overlays_trampoline_lowered:
0x8: {  	[smem:$0x3FAC] =	sst s0  }
0x9: {  	[smem:$0x3FAD] =	sst s1  }
0xa: {  	[smem:$0x3FAE] =	sst s2  }
0xb: {  	[smem:$0x3FAF] =	sst s3  }
0xc: {  	[smem:$0x3FB0] =	sst s4  }
0xd: {  	[smem:$0x3FB1] =	sst s5  }
0xe: {  	[smem:$0x3FB2] =	sst s6  }
0xf: {  	[smem:$0x3FB3] =	sst s7  }
0x10: {  	[smem:$0x3FB4] =	sst s8  }
0x11: {  	[smem:$0x3FB5] =	sst s9;
	s0 =	simm.s32 @!p0 $0x0  }
0x12: {  	s1 =	sld [smem:$0x3F9B];
	s0 =	simm.s32 @p0 $0x1  }
0x13: {  	[smem:$0x3FB6] =	sst s0;
	s0 =	simm.s32 @!p1 $0x0  }
0x14: {  	s2 =	sld [smem:$0x3F9A];
	s0 =	simm.s32 @p1 $0x1  }
0x15: {  	[smem:$0x3FB7] =	sst s0;
	s0 =	simm.s32 @!p2 $0x0  }
0x16: {  	s3 =	sld [smem:$0x3FDB];
	s0 =	simm.s32 @p2 $0x1  }
0x17: {  	s4 =	simm.s32 $0x1BF5;
	[smem:$0x3FB9] =	sst s0  }
0x18: {  	s0 =	sld [smem:$0x3F9C];
	_ =	swait.ge [sflag:s4], $0x0  }
0x19: {  	s7 =	sld [smem:$0x3F9D]  }
0x1a: {  	s8 =	sadd.s32 $0xFFFFE003, lr  }
0x1b: {  	s9 =	sadd.s32 $0xFFFFFEF7, lr;
	s5 =	simm.s32 $0xFFFFFFFF;
	p2 =	slt.u32 s8, $0xFFFFF086  }
0x1c: {  	p1 =	slt.u32 s9, $0xF7A;
	s5 =	simm.s32 @!p2 $0x0  }
0x1d: {  	s5 =	simm.s32 @p1 $0x1;
	p0 =	seq.s32 s7, s2  }
0x1e: {  	s7 =	smul.u32 @!p0 $0xF7A, s2;
	p2 =	seq.s32 @!p0 s5, $0x0  }
0x1f: {  	s9 =	smul.u32 $0xF7A, s1;
	s8 =	simm.s32 @!p0 $0x1BF5;
	p2 =	por !p2, p0  }
0x20: {  	[sflag:s8] =	ssyncset.s32 @!p0 $0xFFFFF086;
	s6 =	sadd.s32 @!p0 s3, s7;
	s7 =	simm.s32 @!p0 $0x108  }
0x21: {  	s3 =	sadd.s32 s3, s9;
	s6 =	sadd.s32 @!p0 $0x88, s6;
	s7 =	simm.s32 @p2 $0x1082  }
0x22: {  	[simem:s7], [sflag:s8] =	dma.local @!p0 [hbm:s6], $0xF7A  }
0x23: {  	s9 =	sor.u32 $0xD0000000, s2;
	s6 =	simm.s32 $0x108;
	_ =	swait.ge @!p0 [sflag:s8], $0x0  }
0x24: {  	s3 =	sadd.s32 $0x88, s3;
	s6 =	simm.s32 @!p1 $0x1082;
	[sflag:s4] =	ssyncset.s32 $0xFFFFF086  }
0x25: {  	[simem:s6], [sflag:s4] =	dma.local [hbm:s3], $0xF7A  }
0x26: {  	[smem:$0x3F9D] =	sst s1;
	(tag) =	ssettag s2;
	_ =	strace s9  }
0x27: {  	s1 =	sld [smem:$0x3FAD]  }
0x28: {  	s2 =	sld [smem:$0x3FAE]  }
0x29: {  	s4 =	sld [smem:$0x3FB0]  }
0x2a: {  	p0 =	seq.s32 s5, $0x0;
	s5 =	sld [smem:$0x3FB1]  }
0x2b: {  	s6 =	sld [smem:$0x3FB2]  }
0x2c: {  	s7 =	sld [smem:$0x3FB3]  }
0x2d: {  	s3 =	simm.s32 $0x108;
	s8 =	sld [smem:$0x3FB4]  }
0x2e: {  	s3 =	simm.s32 @!p0 $0x1082;
	s9 =	sld [smem:$0x3FB5]  }
0x2f: {  	lr =	sadd.s32 s0, s3;
	s0 =	sld [smem:$0x3FAC]  }
0x30: {  	s3 =	sld [smem:$0x3FAF]  }
0x31: {  	[smem:$0x3FB8] =	sst s10  }
0x32: {  	s10 =	sld [smem:$0x3FB6];
	_ =	sdelay $0x3  }
0x33: {  	p0 =	seq.s32 s10, $0x1;
	s10 =	sld [smem:$0x3FB8];
	_ =	sdelay $0x3  }
0x34: {  	[smem:$0x3FB8] =	sst s10  }
0x35: {  	s10 =	sld [smem:$0x3FB7];
	_ =	sdelay $0x3  }
0x36: {  	p1 =	seq.s32 s10, $0x1;
	s10 =	sld [smem:$0x3FB8];
	_ =	sdelay $0x3  }
0x37: {  	[smem:$0x3FB8] =	sst s10  }
0x38: {  	s10 =	sld [smem:$0x3FB9]  }
0x39: {  	_ = 	snop;
	(pc) =	sbr.ind lr, $3  }
0x3a: {  	_ = 	snop  }
0x3b: {  	_ = 	snop  }
0x3c: {  	p2 =	seq.s32 s10, $0x1;
	s10 =	sld [smem:$0x3FB8]  }
0x3d: {  	_ =	shalt  }
0x3e: {  	_ =	shalt  }
0x3f: {  	_ =	shalt  }
0x40: {  	_ =	shalt  }
0x41: {  	_ =	shalt  }
0x42: {  	_ =	shalt  }
0x43: {  	_ =	shalt  }
0x44: {  	_ =	shalt  }
0x45: {  	_ =	shalt  }
0x46: {  	_ =	shalt  }
0x47: {  	_ =	shalt  }
0x48: {  	_ =	shalt  }
0x49: {  	_ =	shalt  }
0x4a: {  	_ =	shalt  }
0x4b: {  	_ =	shalt  }
0x4c: {  	_ =	shalt  }
0x4d: {  	_ =	shalt  }
0x4e: {  	_ =	shalt  }
0x4f: {  	_ =	shalt  }
0x50: {  	_ =	shalt  }
0x51: {  	_ =	shalt  }
0x52: {  	_ =	shalt  }
0x53: {  	_ =	shalt  }
0x54: {  	_ =	shalt  }
0x55: {  	_ =	shalt  }
0x56: {  	_ =	shalt  }
0x57: {  	_ =	shalt  }
0x58: {  	_ =	shalt  }
0x59: {  	_ =	shalt  }
0x5a: {  	_ =	shalt  }
0x5b: {  	_ =	shalt  }
0x5c: {  	_ =	shalt  }
0x5d: {  	_ =	shalt  }
0x5e: {  	_ =	shalt  }
0x5f: {  	_ =	shalt  }
0x60: {  	_ =	shalt  }
0x61: {  	_ =	shalt  }
0x62: {  	_ =	shalt  }
0x63: {  	_ =	shalt  }
0x64: {  	_ =	shalt  }
0x65: {  	_ =	shalt  }
0x66: {  	_ =	shalt  }
0x67: {  	_ =	shalt  }
0x68: {  	_ =	shalt  }
0x69: {  	_ =	shalt  }
0x6a: {  	_ =	shalt  }
0x6b: {  	_ =	shalt  }
0x6c: {  	_ =	shalt  }
0x6d: {  	_ =	shalt  }
0x6e: {  	_ =	shalt  }
0x6f: {  	_ =	shalt  }
0x70: {  	_ =	shalt  }
0x71: {  	_ =	shalt  }
0x72: {  	_ =	shalt  }
0x73: {  	_ =	shalt  }
0x74: {  	_ =	shalt  }
0x75: {  	_ =	shalt  }
0x76: {  	_ =	shalt  }
0x77: {  	_ =	shalt  }
0x78: {  	_ =	shalt  }
0x79: {  	_ =	shalt  }
0x7a: {  	_ =	shalt  }
0x7b: {  	_ =	shalt  }
0x7c: {  	_ =	shalt  }
0x7d: {  	_ =	shalt  }
0x7e: {  	_ =	shalt  }
0x7f: {  	_ =	shalt  }
0x80: {  	_ =	shalt  }
0x81: {  	_ =	shalt  }
0x82: {  	_ =	shalt  }
0x83: {  	_ =	shalt  }
0x84: {  	_ =	shalt  }
0x85: {  	_ =	shalt  }
0x86: {  	_ =	shalt  }
0x87: {  	_ =	shalt  }
.Lfunc_end0:
.L_simem_size_0:
called_computation_lowered:
.L_overlay_start_0:
0x88: {  	s2 =	sld [smem:$0x3FD9]  }
0x89: {  	s3 =	sld [smem:$0x3FFE];
	_ =	sdelay $0x1  }
0x8a: {  	s1 =	srdreg.scid  }
0x8b: {  	s0 =	sand.u32 $0x1, s1  }
0x8c: {  	s17 =	sshll.u32 s0, $0xA;
	s2 =	sadd.s32 s3, s2  }
0x8d: {  	s2 =	sadd.s32 s2, s17  }
0x8e: {  	[smem:$0x3FC4] =	sst s2  }
0x8f: {  	_ = 	snop  }
0x90: {  	s2 =	sld [smem:$0x3FC9]  }
0x91: {  	s18 =	sld [smem:$0x3FD0];
	(tm) =	ssettm $0x1  }
0x92: {  	s4 =	sld [smem:$0x3FFB];
	_ =	sdelay $0x3  }
0x93: {  	_ =	strace s4  }
0x94: {  	s4 =	sld [smem:$0x3FFC];
	_ =	sdelay $0x3  }
0x95: {  	_ =	strace s4  }
0x96: {  	s4 =	sld [smem:$0x3FFD];
	_ =	sdelay $0x3  }
0x97: {  	_ =	strace s4  }
0x98: {  	_ =	strace $0x8FFFFFFF  }
0x99: {  	s19 =	sld [smem:$0x3FDB];
	_ =	sdelay $0x1  }
0x9a: {  	s5 =	simm.s32 $_scs_section_size  }
0x9b: {  	s6 =	simm.s32 $_size__tile_overlayer_lowered;
	s7 =	simm.s32 $_tile_overlayer_lowered  }
0x9c: {  	s22 =	simm.s32 $0x1BFF;
	s21 =	sshll.u32 s7, $0x1;
	s4 =	sadd.s32 s5, s19  }
0x9d: {  	s8 =	simm.s32 $0x0;
	s20 =	sshll.u32 s6, $0x1;
	s6 =	sadd.s32 s21, s4  }
0x9e: {  	[timem:s8], [sflag:s22] =	dma.local [hbm:s6], s20  }
0x9f: {  	_ =	swait.ge [sflag:s22], s20  }
0xa0: {  	s5 =	ssub.s32 $0x0, s20;
	[sflag:s22] =	ssyncset.done $0x0  }
0xa1: {  	[sflag:s22] =	ssyncadd.s32 s5;
	_ =	sdelay $0x1  }
0xa2: {  	s23 =	simm.s32 $0x1B8B  }
0xa3: {  	_ =	swait.ge [sflag:s23], $0x1  }
0xa4: {  	[sflag:s23] =	ssyncset.done $0x0  }
0xa5: {  	s25 =	simm.s32 $0x1B8E;
	s24 =	sld [smem:$0x3FFE];
	[sflag:s23] =	ssyncadd.s32 $0xFFFFFFFF  }
0xa6: {  	s26 =	simm.s32 $execute0_lowered;
	[smem:$0x3FD2] =	sst s25  }
0xa7: {  	s6 =	sshll.u32 s26, $0x1;
	_ =	strace $0x80000046;
	[dreg:$0x1] =	wrdreg $0xFFFFFFFF  }
0xa8: {  	s28 =	simm.s32 $_size_execute0_lowered;
	s4 =	sadd.s32 s4, s6;
	[dreg:$0x0] =	wrdreg $0x0  }
0xa9: {  	s6 =	sshll.u32 s28, $0x1;
	[dreg:$0x2] =	wrdreg s4  }
0xaa: {  	[dreg:$0x3] =	wrdreg s6  }
0xab: {  	[dreg:$0x4] =	wrdreg $0xC0  }
0xac: {  	_ =	task [dreg:s8], $0x5FFFF  }
0xad: {  	[dreg:$0x1] =	wrdreg $0xFFFFFFFF  }
0xae: {  	[dreg:$0x0] =	wrdreg $0x60  }
0xaf: {  	[dreg:$0x2] =	wrdreg s2  }
0xb0: {  	[dreg:$0x3] =	wrdreg s18  }
0xb1: {  	[dreg:$0x4] =	wrdreg s24  }
0xb2: {  	[dreg:$0x5] =	wrdreg $0xB0000  }
0xb3: {  	[dreg:$0x6] =	wrdreg $0x9  }
0xb4: {  	_ =	task.clear_ibuf [dreg:s8], $0x7FFFF;
	_ =	strace $0x90000046  }
0xb5: {  	s29 =	simm.s32 $0x9;
	_ =	strace $0x80000048  }
0xb6: {  	_ =	swait.ge [sflag:s29], $0x1  }
0xb7: {  	[sflag:s29] =	ssyncadd.s32 $0xFFFFFFFF  }
0xb8: {  	_ =	strace $0x90000048  }
0xb9: {  	_ =	sfence  }
0xba: {  	s30 =	sld [smem:$0x0];
	_ =	sdelay $0x2  }
0xbb: {  	s31 =	sshll.u32 s1, $0xD;
	s1 =	sshrl.u32 s1, $0x2  }
0xbc: {  	s3 =	sand.u32 $0x4000, s31;
	s1 =	sadd.s32 s1, s30  }
0xbd: {  	s0 =	sor.u32 s3, s0;
	s1 =	sshll.u32 s1, $0x11  }
0xbe: {  	s0 =	sor.u32 s1, s0  }
0xbf: {  	s0 =	sadd.s32 $0x8F2B, s0  }
0xc0: {  	[sflag:s0] =	ssyncadd.remote.s32 $0x1  }
0xc1: {  	_ =	sfence.sel $0xFFFF  }
0xc2: {  	[dreg:$0x0] =	wrdreg $0xFFFFFFFF;
	(pc) =	sbr.abs _section_cstart, $3  }
0xc3: {  	[dreg:$0x1] =	wrdreg $0xFFFFFFFF  }
0xc4: {  	_ =	task.clear_ibuf [dreg:s8], $0x2FFFF;
	_ =	strace $0x9FFFFFFF  }
0xc5: {  	(tm) =	ssettm $0x7FFFFFFF  }
tec
execute0_lowered:
.L_overlay_start_1:
0x0: {  	(tag) =	ssettag $0x1  }
0x1: {  	s1 =	rddreg [dreg:$0x0]  }
0x2: {  	s2 =	rddreg [dreg:$0x1]  }
0x3: {  	s0 =	rddreg [dreg:$0x2]  }
0x4: {  	s3 =	rddreg [dreg:$0x3]  }
0x5: {  	s4 =	simm.s32 $0x0;
	s5 =	srdreg.scid;
	s18 =	stileid.u32  }
0x6: {  	s19 =	simm.s32 $0x5;
	s20 =	simm.s32 $0x1000;
	s21 =	simm.s32 $0x2000  }
0x7: {  	s22 =	simm.s32 $0x80;
	s23 =	simm.s32 $0x7000;
	s24 =	simm.s32 $0x1  }
0x8: {  	s25 =	simm.s32 $0x2;
	s28 =	simm.s32 $0x4;
	s29 =	simm.s32 $0x0  }
0x9: {  	[smem:$0x7FF] =	sst s4;
	s5 =	sand.u32 $0x1, s5;
	s10 =	smul.u32 $0x4E000, s18  }
0xa: {  	s6 =	sadd.s32 $0x15000, s0;
	s7 =	sadd.s32 $0x1000, s0;
	s12 =	smul.u32 $0xA0, s18  }
0xb: {  	s0 =	sadd.s32 $0x29000, s0;
	s26 =	smul.u32 $0x13800, s18;
	s13 =	sadd.s32 $0x138000, s3  }
0xc: {  	p0 =	sne.s32 s18, $0xF;
	s8 =	smul.u32 $0xA00, s5;
	s9 =	ssub.s32 $0x2, s5  }
0xd: {  	s18 =	simm.s32 $0x3000;
	s5 =	smul.u32 $0x138800, s5;
	s11 =	sshrl.u32 s9, $0x1  }
0xe: {  	_ =	strace $0x80000047;
	s10 =	sshrl.u32 s10, $0x2;
	s9 =	ssub.s32 s9, s11  }
0xf: {  	v0 =	vimm.f32 $0.0e+00;
	v1 =	vimm.s32 $0x0;
	s14 =	sadd.s32 s12, s8;
	s8 =	sadd.s32 s10, s3;
	s10 =	sadd.s32 s26, s5  }
.Ltmp0:
0x10: {  	v2 =	vimm.s32 $0x1;
	v3 =	vimm.s32 $0x2;
	v4 =	vimm.s32 $0x3;
	s5 =	sshrl.u32 s5, $0x3;
	s26 =	simm.s32 $0x3;
	(pc) =	sbr.rel .LBB2_1-.Ltmp0, $4  }
0x11: {  	v5 =	vimm.s32 $0x4;
	v6 =	vimm.s32 $0x5;
	v7 =	vimm.s32 $0x6;
	s30 =	sadd.s32 $0x4000, s8;
	s31 =	sadd.s32 $0x8000, s8;
	s11 =	sadd.s32 $0xC000, s8  }
0x12: {  	v8 =	vimm.s32 $0x7;
	v9 =	vimm.s32 $0x8;
	v10 =	vimm.s32 $0x9;
	s12 =	sadd.s32 $0x10000, s8;
	s10 =	sshrl.u32 s10, $0x3;
	s5 =	sadd.s32 s0, s5  }
0x13: {  	v11 =	vimm.s32 $0xA;
	v12 =	vimm.s32 $0xB;
	v13 =	vimm.s32 $0xC;
	s14 =	sshll.u32 s14, $0x4;
	s17 =	smax.u32 s9, $0x1;
	[dreg:$0x5] =	wrdreg s30  }
0x14: {  	v14 =	vimm.s32 $0xD;
	v15 =	vimm.s32 $0xE;
	v16 =	vimm.s32 $0xF;
	[dreg:$0x6] =	wrdreg s31;
	s15 =	sadd.s32 s0, s10;
	s16 =	sadd.s32 $0x27000, s5  }
.LBB2_12:
0x15: {  	s0 =	stileid.u32  }
0x16: {  	s0 =	sshll.u32 s0, $0x6  }
0x17: {  	[bflag:$0x0] =	sbarrier.arrive $0xFFFF;
	s5 =	sshrl.u32 s8, $0x3;
	s0 =	sor.u32 $0x1C05, s0  }
0x18: {  	[hbm:s15], [sflag:s0] =	dma.local [spmem:s5], $0x2700  }
0x19: {  	_ =	swait.ge [sflag:s19], $0x2700  }
0x1a: {  	s4 =	sadd.s32 $0x1, s4;
	[sflag:s19] =	ssyncset.done $0x0  }
0x1b: {  	p1 =	sne.s32 s4, s17;
	s5 =	sshrl.u32 @!p0 s13, $0x3;
	[sflag:s19] =	ssyncadd.s32 $0xFFFFD900  }
0x1c: {  	[hbm:s16], [sflag:s0] =	dma.local @!p0 [spmem:s5], $0x100  }
.Ltmp1:
0x1d: {  	_ = 	snop;
	(pc) =	sbr.rel @!p1 .LBB2_13-.Ltmp1, $4  }
0x1e: {  	s0 =	simm.s32 @!p0 $0x5  }
0x1f: {  	_ =	swait.ge @!p0 [sflag:s0], $0x100  }
0x20: {  	[sflag:s0] =	ssyncset.done @!p0 $0x0  }
0x21: {  	[sflag:s0] =	ssyncadd.s32 @!p0 $0xFFFFFF00  }
.LBB2_1:
0x22: {  	s0 =	simm.s32 $0x0;
	s5 =	simm.s32 $0x200  }
.LBB2_2:
0x23: {  	p1 =	sne.s32 s5, $0xFE00;
	[tilespmem:s0+$0x3070] =	vst v0  }
0x24: {  	[tilespmem:s0+$0x3000] =	vst v0  }
0x25: {  	[tilespmem:s0+$0x3010] =	vst v0  }
.Ltmp2:
0x26: {  	[tilespmem:s0+$0x3020] =	vst v0;
	(pc) =	sbr.rel @p1 .LBB2_2-.Ltmp2, $4  }
0x27: {  	[tilespmem:s0+$0x3030] =	vst v0  }
0x28: {  	[tilespmem:s0+$0x3040] =	vst v0  }
0x29: {  	[tilespmem:s0+$0x3050] =	vst v0  }
0x2a: {  	[tilespmem:s0+$0x3060] =	vst v0;
	s0 =	sshra.s32 s5, $0x2;
	s5 =	sadd.s32 $0x200, s5  }
0x2b: {  	[tilespmem:s0+$0x3070] =	vst v0  }
0x2c: {  	[tilespmem:s0+$0x3000] =	vst v0  }
0x2d: {  	[tilespmem:s0+$0x3010] =	vst v0  }
0x2e: {  	[tilespmem:s0+$0x3020] =	vst v0  }
0x2f: {  	[tilespmem:s0+$0x3030] =	vst v0  }
0x30: {  	[tilespmem:s0+$0x3040] =	vst v0  }
0x31: {  	[tilespmem:s0+$0x3050] =	vst v0  }
0x32: {  	[tilespmem:s0+$0x3060] =	vst v0  }
0x33: {  	[spmem:s8] =	stream.linear.scatter [tilespmem:s18], [sflag:$0x5], $0x4000, $0x38;
	[tilespmem:$0x1E880] =	vst v63  }
0x34: {  	_ =	swait.ge [sflag:s19], $0x4000  }
0x35: {  	[sflag:s19] =	ssyncset.done $0x0  }
0x36: {  	s10 =	rddreg [dreg:$0x5];
	[sflag:s19] =	ssyncadd.s32 $0xFFFFC000  }
0x37: {  	[spmem:s10] =	stream.linear.scatter [tilespmem:s18], [sflag:$0x5], $0x4000, $0x38;
	[tilespmem:$0x1E880] =	vst v63  }
0x38: {  	_ =	swait.ge [sflag:s19], $0x4000  }
0x39: {  	[sflag:s19] =	ssyncset.done $0x0  }
0x3a: {  	s31 =	rddreg [dreg:$0x6];
	[sflag:s19] =	ssyncadd.s32 $0xFFFFC000  }
0x3b: {  	[spmem:s31] =	stream.linear.scatter [tilespmem:s18], [sflag:$0x5], $0x4000, $0x38;
	[tilespmem:$0x1E880] =	vst v63  }
0x3c: {  	_ =	swait.ge [sflag:s19], $0x4000  }
0x3d: {  	[sflag:s19] =	ssyncset.done $0x0  }
0x3e: {  	[sflag:s19] =	ssyncadd.s32 $0xFFFFC000  }
0x3f: {  	[spmem:s11] =	stream.linear.scatter [tilespmem:s18], [sflag:$0x5], $0x4000, $0x38;
	[tilespmem:$0x1E880] =	vst v63  }
0x40: {  	_ =	swait.ge [sflag:s19], $0x4000  }
0x41: {  	[sflag:s19] =	ssyncset.done $0x0  }
0x42: {  	[sflag:s19] =	ssyncadd.s32 $0xFFFFC000  }
0x43: {  	[spmem:s12] =	stream.linear.scatter [tilespmem:s18], [sflag:$0x5], $0x3800, $0x38;
	[tilespmem:$0x1E880] =	vst v63  }
0x44: {  	_ =	swait.ge [sflag:s19], $0x3800  }
0x45: {  	[sflag:s19] =	ssyncset.done $0x0  }
0x46: {  	s0 =	simm.s32 @!p0 $0x3000;
	[sflag:s19] =	ssyncadd.s32 $0xFFFFC800  }
0x47: {  	[spmem:s13] =	stream.linear.scatter @!p0 [tilespmem:s0], [sflag:$0x5], $0x800, $0x38;
	[tilespmem:$0x1E880] =	vst v63  }
0x48: {  	s0 =	simm.s32 @!p0 $0x5  }
.Ltmp3:
0x49: {  	_ =	swait.ge @!p0 [sflag:s0], $0x800;
	(pc) =	sbr.rel .LBB2_4-.Ltmp3, $4  }
0x4a: {  	[sflag:s0] =	ssyncset.done @!p0 $0x0  }
0x4b: {  	[sflag:s0] =	ssyncadd.s32 @!p0 $0xFFFFF800  }
0x4c: {  	[bflag:$0x0] =	sbarrier.arrive $0xFFFF  }
0x4d: {  	s30 =	simm.s32 $0x0  }
.LBB2_11:
0x4e: {  	s30 =	sadd.s32 $0x1, s30  }
0x4f: {  	p1 =	sne.s32 s30, $0x5  }
.Ltmp4:
0x50: {  	_ = 	snop;
	(pc) =	sbr.rel @!p1 .LBB2_12-.Ltmp4, $4  }
0x51: {  	[spmem:s3] =	stream.indirect.scatter.add.f32 [tilespmem:s23], [sflag:$0x4], $0x80, s0, s22, $0xb8;
	[tilespmem:$0x1E880] =	vst v63  }
0x52: {  	_ =	swait.ge [sflag:s28], $0x4000  }
0x53: {  	[sflag:s28] =	ssyncset.done $0x0  }
0x54: {  	[sflag:s28] =	ssyncadd.s32 $0xFFFFC000  }
.LBB2_4:
0x55: {  	s0 =	sshll.u32 s30, $0x9  }
0x56: {  	s0 =	sadd.s32 s14, s0  }
0x57: {  	s5 =	sadd.s32 s6, s0  }
0x58: {  	[tilespmem:s29], [sflag:$0x5] =	stream.linear.gather [hbm4b:s5+s29], $0x1000, $0x38;
	[tilespmem:$0x1E880] =	vst v63  }
0x59: {  	_ =	swait.ge [sflag:s19], $0x1000  }
0x5a: {  	[sflag:s19] =	ssyncset.done $0x0  }
0x5b: {  	s10 =	sadd.s32 s2, s0;
	[sflag:s19] =	ssyncadd.s32 $0xFFFFF000  }
0x5c: {  	[tilespmem:s20], [sflag:$0x5] =	stream.linear.gather [hbm4b:s10+s29], $0x1000, $0x38;
	[tilespmem:$0x1E880] =	vst v63  }
0x5d: {  	_ =	swait.ge [sflag:s19], $0x1000  }
0x5e: {  	[sflag:s19] =	ssyncset.done $0x0  }
0x5f: {  	s0 =	sadd.s32 s7, s0;
	[sflag:s19] =	ssyncadd.s32 $0xFFFFF000  }
0x60: {  	[tilespmem:s21], [sflag:$0x5] =	stream.linear.gather [hbm4b:s0+s29], $0x1000, $0x38;
	[tilespmem:$0x1E880] =	vst v63  }
0x61: {  	_ =	swait.ge [sflag:s19], $0x1000  }
0x62: {  	[sflag:s19] =	ssyncset.done $0x0  }
0x63: {  	s31 =	simm.s32 $0x0;
	[sflag:s19] =	ssyncadd.s32 $0xFFFFF000  }
0x64: {  	[tilespmem:s18], [sflag:$0x1] =	stream.indirect.gather [hbm4b:s1+s22], $0x80, s29, s22, $0xb8;
	[tilespmem:$0x1E880] =	vst v63  }
.LBB2_5:
0x65: {  	p1 =	seq.s32 s31, $0x0  }
0x66: {  	s0 =	simm.s32 @!p1 $0x4  }
0x67: {  	_ =	swait.ge @!p1 [sflag:s0], $0x4000  }
0x68: {  	s5 =	sshll.u32 s31, $0x8;
	s10 =	sshll.u32 s31, $0xA;
	[sflag:s0] =	ssyncset.done @!p1 $0x0  }
0x69: {  	[sflag:s0] =	ssyncadd.s32 @!p1 $0xFFFFC000;
	s0 =	sor.u32 $0x80, s5;
	s5 =	sshrl.u32 s10, $0x2  }
0x6a: {  	[tilespmem:s23], [sflag:$0x2] =	stream.indirect.gather [hbm4b:s1+s22], $0x80, s0, s22, $0xb8;
	[tilespmem:$0x1E880] =	vst v63  }
0x6b: {  	s10 =	sadd.s32 $0x2000, s5  }
0x6c: {  	_ =	swait.ge [sflag:s24], $0x4000;
	v17 =	vmov s10  }
0x6d: {  	[sflag:s24] =	ssyncset.done $0x0  }
0x6e: {  	s9 =	simm.s32 $0x0;
	[sflag:s24] =	ssyncadd.s32 $0xFFFFC000  }
.LBB2_6:
0x6f: {  	s10 =	sshll.u32 s9, $0x4  }
0x70: {  	s10 =	sand.u32 $0x3FFFFFF0, s10  }
0x71: {  	v18 =	vld.idx.msk [tilespmem:v17+s10+$0x0 ss:$0x1], $0xffff;
	s10 =	sshll.u32 s9, $0xB  }
0x72: {  	s10 =	sand.u32 $0x3FFFF800, s10  }
0x73: {  	v19 =	vld [tilespmem:s10+$0x3000]  }
0x74: {  	v20 =	vld [tilespmem:s10+$0x3010]  }
0x75: {  	v21 =	vld [tilespmem:s10+$0x3020]  }
0x76: {  	v23 =	vld [tilespmem:s10+$0x3030];
	v22 =	vperm.xlane v18, v1  }
0x77: {  	v24 =	vld [tilespmem:s10+$0x3040]  }
0x78: {  	v25 =	vld [tilespmem:s10+$0x3050];
	v19 =	vmul.f32 v19, v22  }
0x79: {  	v26 =	vld [tilespmem:s10+$0x3060];
	v20 =	vmul.f32 v20, v22  }
0x7a: {  	v43 =	vld [tilespmem:s10+$0x3070];
	[tilespmem:s10+$0x3000] =	vst v19;
	v19 =	vmul.f32 v21, v22  }
0x7b: {  	v45 =	vld [tilespmem:s10+$0x3080];
	v44 =	vmul.f32 v23, v22;
	[tilespmem:s10+$0x3010] =	vst v20  }
0x7c: {  	v46 =	vld [tilespmem:s10+$0x3090];
	[tilespmem:s10+$0x3020] =	vst v19;
	v19 =	vmul.f32 v24, v22  }
0x7d: {  	v48 =	vld [tilespmem:s10+$0x30A0];
	v47 =	vmul.f32 v25, v22;
	[tilespmem:s10+$0x3030] =	vst v44  }
0x7e: {  	v27 =	vld [tilespmem:s10+$0x30B0];
	v49 =	vperm.xlane v18, v2;
	[tilespmem:s10+$0x3040] =	vst v19;
	v19 =	vmul.f32 v26, v22  }
0x7f: {  	v51 =	vld [tilespmem:s10+$0x30C0];
	v50 =	vmul.f32 v43, v22;
	[tilespmem:s10+$0x3050] =	vst v47  }
0x80: {  	v52 =	vld [tilespmem:s10+$0x30D0];
	[tilespmem:s10+$0x3060] =	vst v19;
	v19 =	vmul.f32 v45, v49  }
0x81: {  	v54 =	vld [tilespmem:s10+$0x30E0];
	v53 =	vmul.f32 v46, v49;
	[tilespmem:s10+$0x3070] =	vst v50  }
0x82: {  	v55 =	vld [tilespmem:s10+$0x30F0];
	[tilespmem:s10+$0x3080] =	vst v19;
	v19 =	vmul.f32 v48, v49  }
0x83: {  	v57 =	vld [tilespmem:s10+$0x3100];
	v56 =	vmul.f32 v27, v49;
	[tilespmem:s10+$0x3090] =	vst v53  }
0x84: {  	v58 =	vld [tilespmem:s10+$0x3110];
	[tilespmem:s10+$0x30A0] =	vst v19;
	v19 =	vmul.f32 v51, v49  }
0x85: {  	v60 =	vld [tilespmem:s10+$0x3120];
	v59 =	vmul.f32 v52, v49;
	[tilespmem:s10+$0x30B0] =	vst v56  }
0x86: {  	v62 =	vld [tilespmem:s10+$0x3130];
	v61 =	vperm.xlane v18, v3;
	[tilespmem:s10+$0x30C0] =	vst v19;
	v19 =	vmul.f32 v54, v49  }
0x87: {  	v28 =	vld [tilespmem:s10+$0x3140];
	v63 =	vmul.f32 v55, v49;
	[tilespmem:s10+$0x30D0] =	vst v59  }
0x88: {  	v29 =	vld [tilespmem:s10+$0x3150];
	[tilespmem:s10+$0x30E0] =	vst v19;
	v19 =	vmul.f32 v57, v61  }
0x89: {  	v31 =	vld [tilespmem:s10+$0x3160];
	v30 =	vmul.f32 v58, v61;
	[tilespmem:s10+$0x30F0] =	vst v63  }
0x8a: {  	v32 =	vld [tilespmem:s10+$0x3170];
	[tilespmem:s10+$0x3100] =	vst v19;
	v19 =	vmul.f32 v60, v61  }
0x8b: {  	v34 =	vld [tilespmem:s10+$0x3180];
	v33 =	vmul.f32 v62, v61;
	[tilespmem:s10+$0x3110] =	vst v30  }
0x8c: {  	v35 =	vld [tilespmem:s10+$0x3190];
	[tilespmem:s10+$0x3120] =	vst v19;
	v19 =	vmul.f32 v28, v61  }
0x8d: {  	v37 =	vld [tilespmem:s10+$0x31A0];
	v36 =	vmul.f32 v29, v61;
	[tilespmem:s10+$0x3130] =	vst v33  }
0x8e: {  	v39 =	vld [tilespmem:s10+$0x31B0];
	v38 =	vperm.xlane v18, v4;
	[tilespmem:s10+$0x3140] =	vst v19;
	v19 =	vmul.f32 v31, v61  }
0x8f: {  	v41 =	vld [tilespmem:s10+$0x31C0];
	v40 =	vmul.f32 v32, v61;
	[tilespmem:s10+$0x3150] =	vst v36  }
0x90: {  	v45 =	vld [tilespmem:s10+$0x31F0];
	[tilespmem:s10+$0x3160] =	vst v19;
	v19 =	vmul.f32 v34, v38  }
0x91: {  	v43 =	vmul.f32 v35, v38;
	[tilespmem:s10+$0x3170] =	vst v40;
	v44 =	vld [tilespmem:s10+$0x31E0]  }
0x92: {  	v42 =	vld [tilespmem:s10+$0x31D0];
	[tilespmem:s10+$0x3180] =	vst v19;
	v19 =	vmul.f32 v37, v38  }
0x93: {  	v46 =	vmul.f32 v39, v38;
	[tilespmem:s10+$0x3190] =	vst v43;
	v47 =	vld [tilespmem:s10+$0x3200]  }
0x94: {  	v52 =	vld [tilespmem:s10+$0x3230];
	[tilespmem:s10+$0x31A0] =	vst v19;
	v19 =	vmul.f32 v41, v38  }
0x95: {  	[tilespmem:s10+$0x31B0] =	vst v46;
	v50 =	vld [tilespmem:s10+$0x3220];
	v53 =	vmul.f32 v45, v38  }
0x96: {  	v55 =	vld [tilespmem:s10+$0x3250];
	v51 =	vperm.xlane v18, v5;
	[tilespmem:s10+$0x31C0] =	vst v19;
	v19 =	vmul.f32 v44, v38  }
0x97: {  	v49 =	vmul.f32 v42, v38;
	v54 =	vld [tilespmem:s10+$0x3240];
	[tilespmem:s10+$0x31F0] =	vst v53  }
0x98: {  	v58 =	vld [tilespmem:s10+$0x3270];
	[tilespmem:s10+$0x31E0] =	vst v19;
	v19 =	vmul.f32 v47, v51  }
0x99: {  	v59 =	vmul.f32 v52, v51;
	[tilespmem:s10+$0x31D0] =	vst v49;
	v57 =	vld [tilespmem:s10+$0x3260]  }
0x9a: {  	v48 =	vld [tilespmem:s10+$0x3210];
	[tilespmem:s10+$0x3200] =	vst v19;
	v19 =	vmul.f32 v50, v51  }
0x9b: {  	v62 =	vmul.f32 v55, v51;
	[tilespmem:s10+$0x3230] =	vst v59;
	v60 =	vld [tilespmem:s10+$0x3280]  }
0x9c: {  	v40 =	vld [tilespmem:s10+$0x3310];
	[tilespmem:s10+$0x3220] =	vst v19;
	v19 =	vmul.f32 v54, v51  }
0x9d: {  	v63 =	vld [tilespmem:s10+$0x32A0];
	v32 =	vmul.f32 v58, v51;
	[tilespmem:s10+$0x3250] =	vst v62  }
0x9e: {  	v30 =	vperm.xlane v18, v6;
	v61 =	vld [tilespmem:s10+$0x3290];
	[tilespmem:s10+$0x3240] =	vst v19;
	v19 =	vmul.f32 v57, v51  }
0x9f: {  	v33 =	vld [tilespmem:s10+$0x32C0];
	v43 =	vperm.xlane v18, v7;
	v56 =	vmul.f32 v48, v51;
	[tilespmem:s10+$0x3270] =	vst v32  }
0xa0: {  	v53 =	vld [tilespmem:s10+$0x3390];
	[tilespmem:s10+$0x3260] =	vst v19;
	v19 =	vmul.f32 v60, v30  }
0xa1: {  	v36 =	vld [tilespmem:s10+$0x32E0];
	v48 =	vmul.f32 v40, v43;
	[tilespmem:s10+$0x3210] =	vst v56  }
0xa2: {  	v31 =	vld [tilespmem:s10+$0x32B0];
	[tilespmem:s10+$0x3280] =	vst v19;
	v19 =	vmul.f32 v63, v30  }
0xa3: {  	v39 =	vld [tilespmem:s10+$0x3300];
	[tilespmem:s10+$0x3310] =	vst v48;
	v56 =	vperm.xlane v18, v8;
	v35 =	vmul.f32 v61, v30  }
0xa4: {  	v34 =	vld [tilespmem:s10+$0x32D0];
	[tilespmem:s10+$0x32A0] =	vst v19;
	v19 =	vmul.f32 v33, v30  }
0xa5: {  	v42 =	vld [tilespmem:s10+$0x3320];
	v61 =	vmul.f32 v53, v56;
	[tilespmem:s10+$0x3290] =	vst v35  }
0xa6: {  	v37 =	vld [tilespmem:s10+$0x32F0];
	[tilespmem:s10+$0x32C0] =	vst v19;
	v19 =	vmul.f32 v36, v30  }
0xa7: {  	v46 =	vld [tilespmem:s10+$0x3340];
	[tilespmem:s10+$0x3390] =	vst v61;
	v38 =	vmul.f32 v31, v30  }
0xa8: {  	v47 =	vld [tilespmem:s10+$0x3350];
	[tilespmem:s10+$0x32E0] =	vst v19;
	v19 =	vmul.f32 v39, v43  }
0xa9: {  	v49 =	vld [tilespmem:s10+$0x3360];
	v41 =	vmul.f32 v34, v30;
	[tilespmem:s10+$0x32B0] =	vst v38  }
0xaa: {  	v38 =	vld [tilespmem:s10+$0x3450];
	[tilespmem:s10+$0x3300] =	vst v19;
	v19 =	vmul.f32 v42, v43  }
0xab: {  	v52 =	vld [tilespmem:s10+$0x3380];
	[tilespmem:s10+$0x32D0] =	vst v41;
	v45 =	vmul.f32 v37, v30  }
0xac: {  	v44 =	vld [tilespmem:s10+$0x3330];
	[tilespmem:s10+$0x3320] =	vst v19;
	v19 =	vmul.f32 v46, v43  }
0xad: {  	v55 =	vld [tilespmem:s10+$0x33A0];
	v34 =	vperm.xlane v18, v9;
	[tilespmem:s10+$0x32F0] =	vst v45;
	v54 =	vmul.f32 v47, v43  }
0xae: {  	v50 =	vld [tilespmem:s10+$0x3370];
	[tilespmem:s10+$0x3340] =	vst v19;
	v19 =	vmul.f32 v49, v43  }
0xaf: {  	v59 =	vld [tilespmem:s10+$0x33C0];
	v45 =	vmul.f32 v38, v34;
	[tilespmem:s10+$0x3350] =	vst v54  }
0xb0: {  	v57 =	vld [tilespmem:s10+$0x33B0];
	[tilespmem:s10+$0x3360] =	vst v19;
	v19 =	vmul.f32 v52, v56  }
0xb1: {  	v62 =	vld [tilespmem:s10+$0x33E0];
	v51 =	vmul.f32 v44, v43;
	[tilespmem:s10+$0x3450] =	vst v45  }
0xb2: {  	v60 =	vld [tilespmem:s10+$0x33D0];
	[tilespmem:s10+$0x3380] =	vst v19;
	v19 =	vmul.f32 v55, v56  }
0xb3: {  	v58 =	vmul.f32 v50, v43;
	[tilespmem:s10+$0x3330] =	vst v51;
	v30 =	vld [tilespmem:s10+$0x3400]  }
0xb4: {  	v51 =	vld [tilespmem:s10+$0x34D0];
	[tilespmem:s10+$0x33A0] =	vst v19;
	v19 =	vmul.f32 v59, v56  }
0xb5: {  	[tilespmem:s10+$0x3370] =	vst v58;
	v29 =	vmul.f32 v57, v56;
	v33 =	vld [tilespmem:s10+$0x3420]  }
0xb6: {  	v63 =	vld [tilespmem:s10+$0x33F0];
	[tilespmem:s10+$0x33C0] =	vst v19;
	v19 =	vmul.f32 v62, v56  }
0xb7: {  	v37 =	vld [tilespmem:s10+$0x3440];
	v47 =	vperm.xlane v18, v10;
	[tilespmem:s10+$0x33B0] =	vst v29;
	v32 =	vmul.f32 v60, v56  }
0xb8: {  	v61 =	vld [tilespmem:s10+$0x3530];
	[tilespmem:s10+$0x33E0] =	vst v19;
	v19 =	vmul.f32 v30, v34  }
0xb9: {  	v40 =	vld [tilespmem:s10+$0x3460];
	v58 =	vmul.f32 v51, v47;
	[tilespmem:s10+$0x33D0] =	vst v32  }
0xba: {  	v31 =	vld [tilespmem:s10+$0x3410];
	[tilespmem:s10+$0x3400] =	vst v19;
	v19 =	vmul.f32 v33, v34  }
0xbb: {  	v60 =	vperm.xlane v18, v11;
	v36 =	vmul.f32 v63, v56;
	[tilespmem:s10+$0x34D0] =	vst v58;
	v43 =	vld [tilespmem:s10+$0x3480]  }
0xbc: {  	v57 =	vld [tilespmem:s10+$0x3510];
	[tilespmem:s10+$0x3420] =	vst v19;
	v19 =	vmul.f32 v37, v34  }
0xbd: {  	v32 =	vmul.f32 v61, v60;
	[tilespmem:s10+$0x33F0] =	vst v36;
	v46 =	vld [tilespmem:s10+$0x34A0]  }
0xbe: {  	v35 =	vld [tilespmem:s10+$0x3430];
	[tilespmem:s10+$0x3440] =	vst v19;
	v19 =	vmul.f32 v40, v34  }
0xbf: {  	v50 =	vld [tilespmem:s10+$0x34C0];
	v39 =	vmul.f32 v31, v34;
	[tilespmem:s10+$0x3530] =	vst v32  }
0xc0: {  	v28 =	vld [tilespmem:s10+$0x3550];
	[tilespmem:s10+$0x3460] =	vst v19;
	v19 =	vmul.f32 v43, v47  }
0xc1: {  	v53 =	vld [tilespmem:s10+$0x34E0];
	v29 =	vmul.f32 v57, v60;
	[tilespmem:s10+$0x3410] =	vst v39  }
0xc2: {  	v31 =	vld [tilespmem:s10+$0x3570];
	[tilespmem:s10+$0x3480] =	vst v19;
	v19 =	vmul.f32 v46, v47  }
0xc3: {  	v42 =	vmul.f32 v35, v34;
	[tilespmem:s10+$0x3510] =	vst v29;
	v56 =	vld [tilespmem:s10+$0x3500]  }
0xc4: {  	v41 =	vld [tilespmem:s10+$0x3470];
	[tilespmem:s10+$0x34A0] =	vst v19;
	v19 =	vmul.f32 v50, v47  }
0xc5: {  	v35 =	vmul.f32 v28, v60;
	[tilespmem:s10+$0x3430] =	vst v42;
	v59 =	vld [tilespmem:s10+$0x3520]  }
0xc6: {  	v44 =	vld [tilespmem:s10+$0x3490];
	[tilespmem:s10+$0x34C0] =	vst v19;
	v19 =	vmul.f32 v53, v47  }
0xc7: {  	v63 =	vld [tilespmem:s10+$0x3540];
	[tilespmem:s10+$0x3550] =	vst v35;
	v39 =	vmul.f32 v31, v60  }
0xc8: {  	v48 =	vld [tilespmem:s10+$0x34B0];
	[tilespmem:s10+$0x34E0] =	vst v19;
	v19 =	vmul.f32 v56, v60  }
0xc9: {  	v49 =	vmul.f32 v41, v34;
	[tilespmem:s10+$0x3570] =	vst v39;
	v30 =	vld [tilespmem:s10+$0x3560]  }
0xca: {  	v54 =	vld [tilespmem:s10+$0x34F0];
	[tilespmem:s10+$0x3500] =	vst v19;
	v19 =	vmul.f32 v59, v60  }
0xcb: {  	[tilespmem:s10+$0x3470] =	vst v49;
	v52 =	vmul.f32 v44, v47;
	v33 =	vld [tilespmem:s10+$0x3580]  }
0xcc: {  	v38 =	vld [tilespmem:s10+$0x35B0];
	[tilespmem:s10+$0x3520] =	vst v19;
	v19 =	vmul.f32 v63, v60  }
0xcd: {  	v36 =	vld [tilespmem:s10+$0x35A0];
	[tilespmem:s10+$0x3490] =	vst v52;
	v55 =	vmul.f32 v48, v47  }
0xce: {  	v41 =	vld [tilespmem:s10+$0x35D0];
	v37 =	vperm.xlane v18, v12;
	[tilespmem:s10+$0x3540] =	vst v19;
	v19 =	vmul.f32 v30, v60  }
0xcf: {  	[tilespmem:s10+$0x34B0] =	vst v55;
	v62 =	vmul.f32 v54, v47;
	v40 =	vld [tilespmem:s10+$0x35C0]  }
0xd0: {  	v44 =	vld [tilespmem:s10+$0x35F0];
	[tilespmem:s10+$0x3560] =	vst v19;
	v19 =	vmul.f32 v33, v37  }
0xd1: {  	[tilespmem:s10+$0x34F0] =	vst v62;
	v45 =	vmul.f32 v38, v37;
	v43 =	vld [tilespmem:s10+$0x35E0]  }
0xd2: {  	v34 =	vld [tilespmem:s10+$0x3590];
	[tilespmem:s10+$0x3580] =	vst v19;
	v19 =	vmul.f32 v36, v37  }
0xd3: {  	v48 =	vmul.f32 v41, v37;
	[tilespmem:s10+$0x35B0] =	vst v45;
	v46 =	vld [tilespmem:s10+$0x3600]  }
0xd4: {  	v51 =	vld [tilespmem:s10+$0x3630];
	[tilespmem:s10+$0x35A0] =	vst v19;
	v19 =	vmul.f32 v40, v37  }
0xd5: {  	v49 =	vld [tilespmem:s10+$0x3620];
	v52 =	vmul.f32 v44, v37;
	[tilespmem:s10+$0x35D0] =	vst v48  }
0xd6: {  	v54 =	vld [tilespmem:s10+$0x3650];
	v50 =	vperm.xlane v18, v13;
	[tilespmem:s10+$0x35C0] =	vst v19;
	v19 =	vmul.f32 v43, v37  }
0xd7: {  	[tilespmem:s10+$0x35F0] =	vst v52;
	v42 =	vmul.f32 v34, v37;
	v53 =	vld [tilespmem:s10+$0x3640]  }
0xd8: {  	v57 =	vld [tilespmem:s10+$0x3670];
	[tilespmem:s10+$0x35E0] =	vst v19;
	v19 =	vmul.f32 v46, v50  }
0xd9: {  	[tilespmem:s10+$0x3590] =	vst v42;
	v58 =	vmul.f32 v51, v50;
	v56 =	vld [tilespmem:s10+$0x3660]  }
0xda: {  	v47 =	vld [tilespmem:s10+$0x3610];
	[tilespmem:s10+$0x3600] =	vst v19;
	v19 =	vmul.f32 v49, v50  }
0xdb: {  	v61 =	vmul.f32 v54, v50;
	[tilespmem:s10+$0x3630] =	vst v58;
	v59 =	vld [tilespmem:s10+$0x3680]  }
0xdc: {  	v39 =	vld [tilespmem:s10+$0x3710];
	[tilespmem:s10+$0x3620] =	vst v19;
	v19 =	vmul.f32 v53, v50  }
0xdd: {  	v62 =	vld [tilespmem:s10+$0x36A0];
	v31 =	vmul.f32 v57, v50;
	[tilespmem:s10+$0x3650] =	vst v61  }
0xde: {  	v63 =	vperm.xlane v18, v14;
	v60 =	vld [tilespmem:s10+$0x3690];
	[tilespmem:s10+$0x3640] =	vst v19;
	v19 =	vmul.f32 v56, v50  }
0xdf: {  	v32 =	vld [tilespmem:s10+$0x36C0];
	v42 =	vperm.xlane v18, v15;
	[tilespmem:s10+$0x3670] =	vst v31;
	v55 =	vmul.f32 v47, v50  }
0xe0: {  	v33 =	vld [tilespmem:s10+$0x36D0];
	[tilespmem:s10+$0x3660] =	vst v19;
	v19 =	vmul.f32 v59, v63  }
0xe1: {  	v35 =	vld [tilespmem:s10+$0x36E0];
	v47 =	vmul.f32 v39, v42;
	[tilespmem:s10+$0x3610] =	vst v55  }
0xe2: {  	v30 =	vld [tilespmem:s10+$0x36B0];
	[tilespmem:s10+$0x3680] =	vst v19;
	v19 =	vmul.f32 v62, v63  }
0xe3: {  	v38 =	vld [tilespmem:s10+$0x3700];
	[tilespmem:s10+$0x3710] =	vst v47;
	v34 =	vmul.f32 v60, v63  }
0xe4: {  	v36 =	vld [tilespmem:s10+$0x36F0];
	[tilespmem:s10+$0x36A0] =	vst v19;
	v19 =	vmul.f32 v32, v63  }
0xe5: {  	v41 =	vld [tilespmem:s10+$0x3720];
	[tilespmem:s10+$0x3690] =	vst v34;
	v40 =	vmul.f32 v33, v63  }
0xe6: {  	v46 =	vld [tilespmem:s10+$0x3750];
	[tilespmem:s10+$0x36C0] =	vst v19;
	v19 =	vmul.f32 v35, v63  }
0xe7: {  	v45 =	vld [tilespmem:s10+$0x3740];
	v37 =	vmul.f32 v30, v63;
	[tilespmem:s10+$0x36D0] =	vst v40  }
0xe8: {  	v43 =	vld [tilespmem:s10+$0x3730];
	[tilespmem:s10+$0x36E0] =	vst v19;
	v19 =	vmul.f32 v38, v42  }
0xe9: {  	v48 =	vld [tilespmem:s10+$0x3760];
	v44 =	vmul.f32 v36, v63;
	[tilespmem:s10+$0x36B0] =	vst v37  }
0xea: {  	v49 =	vld [tilespmem:s10+$0x3770];
	[tilespmem:s10+$0x3700] =	vst v19;
	v19 =	vmul.f32 v41, v42  }
0xeb: {  	v51 =	vld [tilespmem:s10+$0x3780];
	[tilespmem:s10+$0x36F0] =	vst v44;
	v53 =	vmul.f32 v46, v42  }
0xec: {  	v52 =	vld [tilespmem:s10+$0x3790];
	[tilespmem:s10+$0x3720] =	vst v19;
	v19 =	vmul.f32 v45, v42  }
0xed: {  	v54 =	vld [tilespmem:s10+$0x37A0];
	v50 =	vmul.f32 v43, v42;
	[tilespmem:s10+$0x3750] =	vst v53  }
0xee: {  	v18 =	vperm.xlane v18, v16;
	v55 =	vld [tilespmem:s10+$0x37B0];
	[tilespmem:s10+$0x3740] =	vst v19;
	v19 =	vmul.f32 v48, v42  }
0xef: {  	v57 =	vld [tilespmem:s10+$0x37C0];
	v56 =	vmul.f32 v49, v42;
	[tilespmem:s10+$0x3730] =	vst v50  }
0xf0: {  	v58 =	vld [tilespmem:s10+$0x37D0];
	[tilespmem:s10+$0x3760] =	vst v19;
	v19 =	vmul.f32 v51, v18  }
0xf1: {  	v60 =	vld [tilespmem:s10+$0x37E0];
	v59 =	vmul.f32 v52, v18;
	[tilespmem:s10+$0x3770] =	vst v56  }
0xf2: {  	v61 =	vld [tilespmem:s10+$0x37F0];
	[tilespmem:s10+$0x3780] =	vst v19;
	v19 =	vmul.f32 v54, v18  }
0xf3: {  	[tilespmem:s10+$0x3790] =	vst v59;
	v62 =	vmul.f32 v55, v18  }
0xf4: {  	p1 =	sne.s32 s9, $0x7;
	[tilespmem:s10+$0x37A0] =	vst v19;
	v19 =	vmul.f32 v57, v18  }
.Ltmp5:
0xf5: {  	[tilespmem:s10+$0x37B0] =	vst v62;
	v63 =	vmul.f32 v58, v18;
	(pc) =	sbr.rel @p1 .LBB2_6-.Ltmp5, $4  }
0xf6: {  	[tilespmem:s10+$0x37C0] =	vst v19;
	v19 =	vmul.f32 v60, v18  }
0xf7: {  	[tilespmem:s10+$0x37D0] =	vst v63;
	v18 =	vmul.f32 v61, v18  }
0xf8: {  	[tilespmem:s10+$0x37E0] =	vst v19  }
0xf9: {  	s9 =	sadd.s32 $0x1, s9;
	[tilespmem:s10+$0x37F0] =	vst v18  }
0xfa: {  	s9 =	sadd.s32 $0x1000, s5;
	s10 =	sadd.s32 $0x2000, s0  }
0xfb: {  	[spmem:s3] =	stream.indirect.scatter.add.f32 [tilespmem:s18], [sflag:$0x3], $0x80, s9, s22, $0xb8;
	[tilespmem:$0x1E880] =	vst v63  }
0xfc: {  	v17 =	vmov s10;
	_ =	swait.ge [sflag:s25], $0x4000  }
0xfd: {  	[sflag:s25] =	ssyncset.done $0x0  }
0xfe: {  	s9 =	simm.s32 $0x0;
	[sflag:s25] =	ssyncadd.s32 $0xFFFFC000  }
.LBB2_8:
0xff: {  	s10 =	sshll.u32 s9, $0x4  }
0x100: {  	s10 =	sand.u32 $0x3FFFFFF0, s10  }
0x101: {  	v18 =	vld.idx.msk [tilespmem:v17+s10+$0x0 ss:$0x1], $0xffff;
	s10 =	sshll.u32 s9, $0xB  }
0x102: {  	s10 =	sand.u32 $0x3FFFF800, s10  }
0x103: {  	v19 =	vld [tilespmem:s10+$0x7000]  }
0x104: {  	v20 =	vld [tilespmem:s10+$0x7010]  }
0x105: {  	v21 =	vld [tilespmem:s10+$0x7020]  }
0x106: {  	v23 =	vld [tilespmem:s10+$0x7030];
	v22 =	vperm.xlane v18, v1  }
0x107: {  	v24 =	vld [tilespmem:s10+$0x7040]  }
0x108: {  	v25 =	vld [tilespmem:s10+$0x7050];
	v19 =	vmul.f32 v19, v22  }
0x109: {  	v26 =	vld [tilespmem:s10+$0x7060];
	v20 =	vmul.f32 v20, v22  }
0x10a: {  	v43 =	vld [tilespmem:s10+$0x7070];
	[tilespmem:s10+$0x7000] =	vst v19;
	v19 =	vmul.f32 v21, v22  }
0x10b: {  	v45 =	vld [tilespmem:s10+$0x7080];
	v44 =	vmul.f32 v23, v22;
	[tilespmem:s10+$0x7010] =	vst v20  }
0x10c: {  	v46 =	vld [tilespmem:s10+$0x7090];
	[tilespmem:s10+$0x7020] =	vst v19;
	v19 =	vmul.f32 v24, v22  }
0x10d: {  	v48 =	vld [tilespmem:s10+$0x70A0];
	v47 =	vmul.f32 v25, v22;
	[tilespmem:s10+$0x7030] =	vst v44  }
0x10e: {  	v27 =	vld [tilespmem:s10+$0x70B0];
	v49 =	vperm.xlane v18, v2;
	[tilespmem:s10+$0x7040] =	vst v19;
	v19 =	vmul.f32 v26, v22  }
0x10f: {  	v51 =	vld [tilespmem:s10+$0x70C0];
	v50 =	vmul.f32 v43, v22;
	[tilespmem:s10+$0x7050] =	vst v47  }
0x110: {  	v52 =	vld [tilespmem:s10+$0x70D0];
	[tilespmem:s10+$0x7060] =	vst v19;
	v19 =	vmul.f32 v45, v49  }
0x111: {  	v54 =	vld [tilespmem:s10+$0x70E0];
	v53 =	vmul.f32 v46, v49;
	[tilespmem:s10+$0x7070] =	vst v50  }
0x112: {  	v55 =	vld [tilespmem:s10+$0x70F0];
	[tilespmem:s10+$0x7080] =	vst v19;
	v19 =	vmul.f32 v48, v49  }
0x113: {  	v57 =	vld [tilespmem:s10+$0x7100];
	v56 =	vmul.f32 v27, v49;
	[tilespmem:s10+$0x7090] =	vst v53  }
0x114: {  	v58 =	vld [tilespmem:s10+$0x7110];
	[tilespmem:s10+$0x70A0] =	vst v19;
	v19 =	vmul.f32 v51, v49  }
0x115: {  	v60 =	vld [tilespmem:s10+$0x7120];
	v59 =	vmul.f32 v52, v49;
	[tilespmem:s10+$0x70B0] =	vst v56  }
0x116: {  	v62 =	vld [tilespmem:s10+$0x7130];
	v61 =	vperm.xlane v18, v3;
	[tilespmem:s10+$0x70C0] =	vst v19;
	v19 =	vmul.f32 v54, v49  }
0x117: {  	v28 =	vld [tilespmem:s10+$0x7140];
	v63 =	vmul.f32 v55, v49;
	[tilespmem:s10+$0x70D0] =	vst v59  }
0x118: {  	v29 =	vld [tilespmem:s10+$0x7150];
	[tilespmem:s10+$0x70E0] =	vst v19;
	v19 =	vmul.f32 v57, v61  }
0x119: {  	v31 =	vld [tilespmem:s10+$0x7160];
	v30 =	vmul.f32 v58, v61;
	[tilespmem:s10+$0x70F0] =	vst v63  }
0x11a: {  	v32 =	vld [tilespmem:s10+$0x7170];
	[tilespmem:s10+$0x7100] =	vst v19;
	v19 =	vmul.f32 v60, v61  }
0x11b: {  	v34 =	vld [tilespmem:s10+$0x7180];
	v33 =	vmul.f32 v62, v61;
	[tilespmem:s10+$0x7110] =	vst v30  }
0x11c: {  	v35 =	vld [tilespmem:s10+$0x7190];
	[tilespmem:s10+$0x7120] =	vst v19;
	v19 =	vmul.f32 v28, v61  }
0x11d: {  	v37 =	vld [tilespmem:s10+$0x71A0];
	v36 =	vmul.f32 v29, v61;
	[tilespmem:s10+$0x7130] =	vst v33  }
0x11e: {  	v39 =	vld [tilespmem:s10+$0x71B0];
	v38 =	vperm.xlane v18, v4;
	[tilespmem:s10+$0x7140] =	vst v19;
	v19 =	vmul.f32 v31, v61  }
0x11f: {  	v41 =	vld [tilespmem:s10+$0x71C0];
	v40 =	vmul.f32 v32, v61;
	[tilespmem:s10+$0x7150] =	vst v36  }
0x120: {  	v45 =	vld [tilespmem:s10+$0x71F0];
	[tilespmem:s10+$0x7160] =	vst v19;
	v19 =	vmul.f32 v34, v38  }
0x121: {  	v43 =	vmul.f32 v35, v38;
	[tilespmem:s10+$0x7170] =	vst v40;
	v44 =	vld [tilespmem:s10+$0x71E0]  }
0x122: {  	v42 =	vld [tilespmem:s10+$0x71D0];
	[tilespmem:s10+$0x7180] =	vst v19;
	v19 =	vmul.f32 v37, v38  }
0x123: {  	v46 =	vmul.f32 v39, v38;
	[tilespmem:s10+$0x7190] =	vst v43;
	v47 =	vld [tilespmem:s10+$0x7200]  }
0x124: {  	v52 =	vld [tilespmem:s10+$0x7230];
	[tilespmem:s10+$0x71A0] =	vst v19;
	v19 =	vmul.f32 v41, v38  }
0x125: {  	[tilespmem:s10+$0x71B0] =	vst v46;
	v50 =	vld [tilespmem:s10+$0x7220];
	v53 =	vmul.f32 v45, v38  }
0x126: {  	v55 =	vld [tilespmem:s10+$0x7250];
	v51 =	vperm.xlane v18, v5;
	[tilespmem:s10+$0x71C0] =	vst v19;
	v19 =	vmul.f32 v44, v38  }
0x127: {  	v49 =	vmul.f32 v42, v38;
	v54 =	vld [tilespmem:s10+$0x7240];
	[tilespmem:s10+$0x71F0] =	vst v53  }
0x128: {  	v58 =	vld [tilespmem:s10+$0x7270];
	[tilespmem:s10+$0x71E0] =	vst v19;
	v19 =	vmul.f32 v47, v51  }
0x129: {  	v59 =	vmul.f32 v52, v51;
	[tilespmem:s10+$0x71D0] =	vst v49;
	v57 =	vld [tilespmem:s10+$0x7260]  }
0x12a: {  	v48 =	vld [tilespmem:s10+$0x7210];
	[tilespmem:s10+$0x7200] =	vst v19;
	v19 =	vmul.f32 v50, v51  }
0x12b: {  	v62 =	vmul.f32 v55, v51;
	[tilespmem:s10+$0x7230] =	vst v59;
	v60 =	vld [tilespmem:s10+$0x7280]  }
0x12c: {  	v40 =	vld [tilespmem:s10+$0x7310];
	[tilespmem:s10+$0x7220] =	vst v19;
	v19 =	vmul.f32 v54, v51  }
0x12d: {  	v63 =	vld [tilespmem:s10+$0x72A0];
	v32 =	vmul.f32 v58, v51;
	[tilespmem:s10+$0x7250] =	vst v62  }
0x12e: {  	v30 =	vperm.xlane v18, v6;
	v61 =	vld [tilespmem:s10+$0x7290];
	[tilespmem:s10+$0x7240] =	vst v19;
	v19 =	vmul.f32 v57, v51  }
0x12f: {  	v33 =	vld [tilespmem:s10+$0x72C0];
	v43 =	vperm.xlane v18, v7;
	v56 =	vmul.f32 v48, v51;
	[tilespmem:s10+$0x7270] =	vst v32  }
0x130: {  	v53 =	vld [tilespmem:s10+$0x7390];
	[tilespmem:s10+$0x7260] =	vst v19;
	v19 =	vmul.f32 v60, v30  }
0x131: {  	v36 =	vld [tilespmem:s10+$0x72E0];
	v48 =	vmul.f32 v40, v43;
	[tilespmem:s10+$0x7210] =	vst v56  }
0x132: {  	v31 =	vld [tilespmem:s10+$0x72B0];
	[tilespmem:s10+$0x7280] =	vst v19;
	v19 =	vmul.f32 v63, v30  }
0x133: {  	v39 =	vld [tilespmem:s10+$0x7300];
	[tilespmem:s10+$0x7310] =	vst v48;
	v56 =	vperm.xlane v18, v8;
	v35 =	vmul.f32 v61, v30  }
0x134: {  	v34 =	vld [tilespmem:s10+$0x72D0];
	[tilespmem:s10+$0x72A0] =	vst v19;
	v19 =	vmul.f32 v33, v30  }
0x135: {  	v42 =	vld [tilespmem:s10+$0x7320];
	v61 =	vmul.f32 v53, v56;
	[tilespmem:s10+$0x7290] =	vst v35  }
0x136: {  	v37 =	vld [tilespmem:s10+$0x72F0];
	[tilespmem:s10+$0x72C0] =	vst v19;
	v19 =	vmul.f32 v36, v30  }
0x137: {  	v46 =	vld [tilespmem:s10+$0x7340];
	[tilespmem:s10+$0x7390] =	vst v61;
	v38 =	vmul.f32 v31, v30  }
0x138: {  	v47 =	vld [tilespmem:s10+$0x7350];
	[tilespmem:s10+$0x72E0] =	vst v19;
	v19 =	vmul.f32 v39, v43  }
0x139: {  	v49 =	vld [tilespmem:s10+$0x7360];
	v41 =	vmul.f32 v34, v30;
	[tilespmem:s10+$0x72B0] =	vst v38  }
0x13a: {  	v38 =	vld [tilespmem:s10+$0x7450];
	[tilespmem:s10+$0x7300] =	vst v19;
	v19 =	vmul.f32 v42, v43  }
0x13b: {  	v52 =	vld [tilespmem:s10+$0x7380];
	[tilespmem:s10+$0x72D0] =	vst v41;
	v45 =	vmul.f32 v37, v30  }
0x13c: {  	v44 =	vld [tilespmem:s10+$0x7330];
	[tilespmem:s10+$0x7320] =	vst v19;
	v19 =	vmul.f32 v46, v43  }
0x13d: {  	v55 =	vld [tilespmem:s10+$0x73A0];
	v34 =	vperm.xlane v18, v9;
	[tilespmem:s10+$0x72F0] =	vst v45;
	v54 =	vmul.f32 v47, v43  }
0x13e: {  	v50 =	vld [tilespmem:s10+$0x7370];
	[tilespmem:s10+$0x7340] =	vst v19;
	v19 =	vmul.f32 v49, v43  }
0x13f: {  	v59 =	vld [tilespmem:s10+$0x73C0];
	v45 =	vmul.f32 v38, v34;
	[tilespmem:s10+$0x7350] =	vst v54  }
0x140: {  	v57 =	vld [tilespmem:s10+$0x73B0];
	[tilespmem:s10+$0x7360] =	vst v19;
	v19 =	vmul.f32 v52, v56  }
0x141: {  	v62 =	vld [tilespmem:s10+$0x73E0];
	v51 =	vmul.f32 v44, v43;
	[tilespmem:s10+$0x7450] =	vst v45  }
0x142: {  	v60 =	vld [tilespmem:s10+$0x73D0];
	[tilespmem:s10+$0x7380] =	vst v19;
	v19 =	vmul.f32 v55, v56  }
0x143: {  	v58 =	vmul.f32 v50, v43;
	[tilespmem:s10+$0x7330] =	vst v51;
	v30 =	vld [tilespmem:s10+$0x7400]  }
0x144: {  	v51 =	vld [tilespmem:s10+$0x74D0];
	[tilespmem:s10+$0x73A0] =	vst v19;
	v19 =	vmul.f32 v59, v56  }
0x145: {  	[tilespmem:s10+$0x7370] =	vst v58;
	v29 =	vmul.f32 v57, v56;
	v33 =	vld [tilespmem:s10+$0x7420]  }
0x146: {  	v63 =	vld [tilespmem:s10+$0x73F0];
	[tilespmem:s10+$0x73C0] =	vst v19;
	v19 =	vmul.f32 v62, v56  }
0x147: {  	v37 =	vld [tilespmem:s10+$0x7440];
	v47 =	vperm.xlane v18, v10;
	[tilespmem:s10+$0x73B0] =	vst v29;
	v32 =	vmul.f32 v60, v56  }
0x148: {  	v61 =	vld [tilespmem:s10+$0x7530];
	[tilespmem:s10+$0x73E0] =	vst v19;
	v19 =	vmul.f32 v30, v34  }
0x149: {  	v40 =	vld [tilespmem:s10+$0x7460];
	v58 =	vmul.f32 v51, v47;
	[tilespmem:s10+$0x73D0] =	vst v32  }
0x14a: {  	v31 =	vld [tilespmem:s10+$0x7410];
	[tilespmem:s10+$0x7400] =	vst v19;
	v19 =	vmul.f32 v33, v34  }
0x14b: {  	v60 =	vperm.xlane v18, v11;
	v36 =	vmul.f32 v63, v56;
	[tilespmem:s10+$0x74D0] =	vst v58;
	v43 =	vld [tilespmem:s10+$0x7480]  }
0x14c: {  	v57 =	vld [tilespmem:s10+$0x7510];
	[tilespmem:s10+$0x7420] =	vst v19;
	v19 =	vmul.f32 v37, v34  }
0x14d: {  	v32 =	vmul.f32 v61, v60;
	[tilespmem:s10+$0x73F0] =	vst v36;
	v46 =	vld [tilespmem:s10+$0x74A0]  }
0x14e: {  	v35 =	vld [tilespmem:s10+$0x7430];
	[tilespmem:s10+$0x7440] =	vst v19;
	v19 =	vmul.f32 v40, v34  }
0x14f: {  	v50 =	vld [tilespmem:s10+$0x74C0];
	v39 =	vmul.f32 v31, v34;
	[tilespmem:s10+$0x7530] =	vst v32  }
0x150: {  	v28 =	vld [tilespmem:s10+$0x7550];
	[tilespmem:s10+$0x7460] =	vst v19;
	v19 =	vmul.f32 v43, v47  }
0x151: {  	v53 =	vld [tilespmem:s10+$0x74E0];
	v29 =	vmul.f32 v57, v60;
	[tilespmem:s10+$0x7410] =	vst v39  }
0x152: {  	v31 =	vld [tilespmem:s10+$0x7570];
	[tilespmem:s10+$0x7480] =	vst v19;
	v19 =	vmul.f32 v46, v47  }
0x153: {  	v42 =	vmul.f32 v35, v34;
	[tilespmem:s10+$0x7510] =	vst v29;
	v56 =	vld [tilespmem:s10+$0x7500]  }
0x154: {  	v41 =	vld [tilespmem:s10+$0x7470];
	[tilespmem:s10+$0x74A0] =	vst v19;
	v19 =	vmul.f32 v50, v47  }
0x155: {  	v35 =	vmul.f32 v28, v60;
	[tilespmem:s10+$0x7430] =	vst v42;
	v59 =	vld [tilespmem:s10+$0x7520]  }
0x156: {  	v44 =	vld [tilespmem:s10+$0x7490];
	[tilespmem:s10+$0x74C0] =	vst v19;
	v19 =	vmul.f32 v53, v47  }
0x157: {  	v63 =	vld [tilespmem:s10+$0x7540];
	[tilespmem:s10+$0x7550] =	vst v35;
	v39 =	vmul.f32 v31, v60  }
0x158: {  	v48 =	vld [tilespmem:s10+$0x74B0];
	[tilespmem:s10+$0x74E0] =	vst v19;
	v19 =	vmul.f32 v56, v60  }
0x159: {  	v49 =	vmul.f32 v41, v34;
	[tilespmem:s10+$0x7570] =	vst v39;
	v30 =	vld [tilespmem:s10+$0x7560]  }
0x15a: {  	v54 =	vld [tilespmem:s10+$0x74F0];
	[tilespmem:s10+$0x7500] =	vst v19;
	v19 =	vmul.f32 v59, v60  }
0x15b: {  	[tilespmem:s10+$0x7470] =	vst v49;
	v52 =	vmul.f32 v44, v47;
	v33 =	vld [tilespmem:s10+$0x7580]  }
0x15c: {  	v38 =	vld [tilespmem:s10+$0x75B0];
	[tilespmem:s10+$0x7520] =	vst v19;
	v19 =	vmul.f32 v63, v60  }
0x15d: {  	v36 =	vld [tilespmem:s10+$0x75A0];
	[tilespmem:s10+$0x7490] =	vst v52;
	v55 =	vmul.f32 v48, v47  }
0x15e: {  	v41 =	vld [tilespmem:s10+$0x75D0];
	v37 =	vperm.xlane v18, v12;
	[tilespmem:s10+$0x7540] =	vst v19;
	v19 =	vmul.f32 v30, v60  }
0x15f: {  	[tilespmem:s10+$0x74B0] =	vst v55;
	v62 =	vmul.f32 v54, v47;
	v40 =	vld [tilespmem:s10+$0x75C0]  }
0x160: {  	v44 =	vld [tilespmem:s10+$0x75F0];
	[tilespmem:s10+$0x7560] =	vst v19;
	v19 =	vmul.f32 v33, v37  }
0x161: {  	[tilespmem:s10+$0x74F0] =	vst v62;
	v45 =	vmul.f32 v38, v37;
	v43 =	vld [tilespmem:s10+$0x75E0]  }
0x162: {  	v34 =	vld [tilespmem:s10+$0x7590];
	[tilespmem:s10+$0x7580] =	vst v19;
	v19 =	vmul.f32 v36, v37  }
0x163: {  	v48 =	vmul.f32 v41, v37;
	[tilespmem:s10+$0x75B0] =	vst v45;
	v46 =	vld [tilespmem:s10+$0x7600]  }
0x164: {  	v51 =	vld [tilespmem:s10+$0x7630];
	[tilespmem:s10+$0x75A0] =	vst v19;
	v19 =	vmul.f32 v40, v37  }
0x165: {  	v49 =	vld [tilespmem:s10+$0x7620];
	v52 =	vmul.f32 v44, v37;
	[tilespmem:s10+$0x75D0] =	vst v48  }
0x166: {  	v54 =	vld [tilespmem:s10+$0x7650];
	v50 =	vperm.xlane v18, v13;
	[tilespmem:s10+$0x75C0] =	vst v19;
	v19 =	vmul.f32 v43, v37  }
0x167: {  	[tilespmem:s10+$0x75F0] =	vst v52;
	v42 =	vmul.f32 v34, v37;
	v53 =	vld [tilespmem:s10+$0x7640]  }
0x168: {  	v57 =	vld [tilespmem:s10+$0x7670];
	[tilespmem:s10+$0x75E0] =	vst v19;
	v19 =	vmul.f32 v46, v50  }
0x169: {  	[tilespmem:s10+$0x7590] =	vst v42;
	v58 =	vmul.f32 v51, v50;
	v56 =	vld [tilespmem:s10+$0x7660]  }
0x16a: {  	v47 =	vld [tilespmem:s10+$0x7610];
	[tilespmem:s10+$0x7600] =	vst v19;
	v19 =	vmul.f32 v49, v50  }
0x16b: {  	v61 =	vmul.f32 v54, v50;
	[tilespmem:s10+$0x7630] =	vst v58;
	v59 =	vld [tilespmem:s10+$0x7680]  }
0x16c: {  	v39 =	vld [tilespmem:s10+$0x7710];
	[tilespmem:s10+$0x7620] =	vst v19;
	v19 =	vmul.f32 v53, v50  }
0x16d: {  	v62 =	vld [tilespmem:s10+$0x76A0];
	v31 =	vmul.f32 v57, v50;
	[tilespmem:s10+$0x7650] =	vst v61  }
0x16e: {  	v63 =	vperm.xlane v18, v14;
	v60 =	vld [tilespmem:s10+$0x7690];
	[tilespmem:s10+$0x7640] =	vst v19;
	v19 =	vmul.f32 v56, v50  }
0x16f: {  	v32 =	vld [tilespmem:s10+$0x76C0];
	v42 =	vperm.xlane v18, v15;
	[tilespmem:s10+$0x7670] =	vst v31;
	v55 =	vmul.f32 v47, v50  }
0x170: {  	v33 =	vld [tilespmem:s10+$0x76D0];
	[tilespmem:s10+$0x7660] =	vst v19;
	v19 =	vmul.f32 v59, v63  }
0x171: {  	v35 =	vld [tilespmem:s10+$0x76E0];
	v47 =	vmul.f32 v39, v42;
	[tilespmem:s10+$0x7610] =	vst v55  }
0x172: {  	v30 =	vld [tilespmem:s10+$0x76B0];
	[tilespmem:s10+$0x7680] =	vst v19;
	v19 =	vmul.f32 v62, v63  }
0x173: {  	v38 =	vld [tilespmem:s10+$0x7700];
	[tilespmem:s10+$0x7710] =	vst v47;
	v34 =	vmul.f32 v60, v63  }
0x174: {  	v36 =	vld [tilespmem:s10+$0x76F0];
	[tilespmem:s10+$0x76A0] =	vst v19;
	v19 =	vmul.f32 v32, v63  }
0x175: {  	v41 =	vld [tilespmem:s10+$0x7720];
	[tilespmem:s10+$0x7690] =	vst v34;
	v40 =	vmul.f32 v33, v63  }
0x176: {  	v46 =	vld [tilespmem:s10+$0x7750];
	[tilespmem:s10+$0x76C0] =	vst v19;
	v19 =	vmul.f32 v35, v63  }
0x177: {  	v45 =	vld [tilespmem:s10+$0x7740];
	v37 =	vmul.f32 v30, v63;
	[tilespmem:s10+$0x76D0] =	vst v40  }
0x178: {  	v43 =	vld [tilespmem:s10+$0x7730];
	[tilespmem:s10+$0x76E0] =	vst v19;
	v19 =	vmul.f32 v38, v42  }
0x179: {  	v48 =	vld [tilespmem:s10+$0x7760];
	v44 =	vmul.f32 v36, v63;
	[tilespmem:s10+$0x76B0] =	vst v37  }
0x17a: {  	v49 =	vld [tilespmem:s10+$0x7770];
	[tilespmem:s10+$0x7700] =	vst v19;
	v19 =	vmul.f32 v41, v42  }
0x17b: {  	v51 =	vld [tilespmem:s10+$0x7780];
	[tilespmem:s10+$0x76F0] =	vst v44;
	v53 =	vmul.f32 v46, v42  }
0x17c: {  	v52 =	vld [tilespmem:s10+$0x7790];
	[tilespmem:s10+$0x7720] =	vst v19;
	v19 =	vmul.f32 v45, v42  }
0x17d: {  	v54 =	vld [tilespmem:s10+$0x77A0];
	v50 =	vmul.f32 v43, v42;
	[tilespmem:s10+$0x7750] =	vst v53  }
0x17e: {  	v18 =	vperm.xlane v18, v16;
	v55 =	vld [tilespmem:s10+$0x77B0];
	[tilespmem:s10+$0x7740] =	vst v19;
	v19 =	vmul.f32 v48, v42  }
0x17f: {  	v57 =	vld [tilespmem:s10+$0x77C0];
	v56 =	vmul.f32 v49, v42;
	[tilespmem:s10+$0x7730] =	vst v50  }
0x180: {  	v58 =	vld [tilespmem:s10+$0x77D0];
	[tilespmem:s10+$0x7760] =	vst v19;
	v19 =	vmul.f32 v51, v18  }
0x181: {  	v60 =	vld [tilespmem:s10+$0x77E0];
	v59 =	vmul.f32 v52, v18;
	[tilespmem:s10+$0x7770] =	vst v56  }
0x182: {  	v61 =	vld [tilespmem:s10+$0x77F0];
	[tilespmem:s10+$0x7780] =	vst v19;
	v19 =	vmul.f32 v54, v18  }
0x183: {  	[tilespmem:s10+$0x7790] =	vst v59;
	v62 =	vmul.f32 v55, v18  }
0x184: {  	p1 =	sne.s32 s9, $0x7;
	[tilespmem:s10+$0x77A0] =	vst v19;
	v19 =	vmul.f32 v57, v18  }
.Ltmp6:
0x185: {  	[tilespmem:s10+$0x77B0] =	vst v62;
	v63 =	vmul.f32 v58, v18;
	(pc) =	sbr.rel @p1 .LBB2_8-.Ltmp6, $4  }
0x186: {  	[tilespmem:s10+$0x77C0] =	vst v19;
	v19 =	vmul.f32 v60, v18  }
0x187: {  	[tilespmem:s10+$0x77D0] =	vst v63;
	v18 =	vmul.f32 v61, v18  }
0x188: {  	[tilespmem:s10+$0x77E0] =	vst v19  }
0x189: {  	s9 =	sadd.s32 $0x1, s9;
	[tilespmem:s10+$0x77F0] =	vst v18  }
0x18a: {  	p1 =	seq.s32 s31, $0xF  }
.Ltmp7:
0x18b: {  	_ = 	snop;
	(pc) =	sbr.rel @p1 .LBB2_11-.Ltmp7, $4  }
0x18c: {  	_ = 	snop  }
0x18d: {  	_ =	swait.ge [sflag:s26], $0x4000  }
0x18e: {  	[sflag:s26] =	ssyncset.done $0x0  }
0x18f: {  	s0 =	sadd.s32 $0x1000, s0;
	[sflag:s26] =	ssyncadd.s32 $0xFFFFC000  }
.Ltmp8:
0x190: {  	(pc) =	sbr.rel .LBB2_5-.Ltmp8, $4  }
0x191: {  	s5 =	sadd.s32 $0x100, s5  }
0x192: {  	[tilespmem:s18], [sflag:$0x1] =	stream.indirect.gather [hbm4b:s1+s22], $0x80, s5, s22, $0xb8;
	[tilespmem:$0x1E880] =	vst v63  }
0x193: {  	s31 =	sadd.s32 $0x1, s31  }
0x194: {  	[spmem:s3] =	stream.indirect.scatter.add.f32 [tilespmem:s23], [sflag:$0x4], $0x80, s0, s22, $0xb8;
	[tilespmem:$0x1E880] =	vst v63  }
.LBB2_13:
0x195: {  	_ =	sfence.sel $0x180000  }
0x196: {  	[bflag:$0x0] =	sbarrier.arrive $0xFFFF  }
0x197: {  	_ =	strace $0x90000047  }
0x198: {  	s0 =	stileid.u32;
	[bflag:$0x2] =	sbarrier.arrive $0xFFFF  }
0x199: {  	p0 =	sne.s32 s0, $0x0;
	s0 =	rddreg [dreg:$0x4]  }
0x19a: {  	s0 =	sadd.s32 @!p0 $0x100000, s0  }
0x19b: {  	[sflag:s0] =	ssyncadd.tile.s32 @!p0 $0x1;
	_ =	shalt  }
.Lfunc_end2:
_tile_overlayer_lowered:
.L_overlay_start_2:
0x19c: {  	(tag) =	ssettag $0x2  }
0x19d: {  	s0 =	rddreg [dreg:$0x0];
	s2 =	stileid.u32  }
0x19e: {  	s1 =	rddreg [dreg:$0x1];
	p0 =	sne.s32 s2, $0x0  }
0x19f: {  	s3 =	rddreg [dreg:$0x2];
	[bflag:$0x3] =	sbarrier.arrive $0xFFFF;
	s2 =	simm.s32 @!p0 $0x1C05  }
0x1a0: {  	[timem:s3], [sflag:s2] =	dma.local @!p0 [hbm:s0], s1  }
0x1a1: {  	s0 =	simm.s32 @!p0 $0x5  }
0x1a2: {  	_ =	swait.ge @!p0 [sflag:s0], s1  }
0x1a3: {  	s1 =	ssub.s32 @!p0 $0x0, s1;
	[sflag:s0] =	ssyncset.done @!p0 $0x0  }
0x1a4: {  	[sflag:s0] =	ssyncadd.s32 @!p0 s1  }
0x1a5: {  	[bflag:$0x3] =	sbarrier.arrive $0xFFFF  }
0x1a6: {  	_ =	shalt  }

</sc_bundles>
